<compile_context>
chip_gen: v7x
topology: tpu7x:2x2x1
jax: 0.10.2.dev20260603
libtpu: 0.0.44.dev20260713+nightly
codegen_flags: <defaults>
</compile_context>

<pallas_src>
import dataclasses
import functools

import jax
import jax.numpy as jnp
from jax import lax
from jax.experimental import pallas as pl
from jax.experimental.pallas import tpu as pltpu
from jax.experimental.pallas import tpu_sc as plsc

N = 10000
E = 320000
D = 128
NT = 2
K1 = 2
KEIG = 128
HID = 512
OUT = 64

NC = 2
NS = 16
NW = NC * NS
B = 128
NWIN = 80
EPW = B * NWIN
E_PAD = EPW * NW
CHUNKS = 4
CW = 64
ROWS_A = 640
ROWS_B = N - (NS - 1) * ROWS_A

_f32 = jnp.float32



def _a0_body(ev_ref, x_ref, o_ref):
    @pl.when(pl.program_id(0) == 0)
    def _():
        o_ref[...] = jnp.zeros_like(o_ref)
    o_ref[...] += lax.dot_general(
        ev_ref[...], x_ref[...], (((0,), (0,)), ((), ())),
        preferred_element_type=_f32)


def _a1_body(ev_ref, xs_ref, t_ref, evals_ref, o0, o1, o2, o3):
    coef = jnp.exp(-jnp.abs(t_ref[...])[:, None] * evals_ref[...][None, :])
    outs = (o0, o1, o2, o3)
    for ti in range(NT):
        xdt = jnp.dot(ev_ref[...], xs_ref[...] * coef[ti][:, None],
                      preferred_element_type=_f32)
        outs[2 * ti][...] = xdt[:, :CW]
        outs[2 * ti + 1][...] = xdt[:, CW:]


def _diffuse(x, evecs, t, evals):
    nb = 10
    bn = N // nb
    xs = pl.pallas_call(
        _a0_body,
        grid=(nb,),
        in_specs=[pl.BlockSpec((bn, KEIG), lambda i: (i, 0)),
                  pl.BlockSpec((bn, D), lambda i: (i, 0))],
        out_specs=pl.BlockSpec((KEIG, D), lambda i: (0, 0)),
        out_shape=jax.ShapeDtypeStruct((KEIG, D), _f32),
    )(evecs, x)
    xd_chunks = pl.pallas_call(
        _a1_body,
        grid=(nb,),
        in_specs=[pl.BlockSpec((bn, KEIG), lambda i: (i, 0)),
                  pl.BlockSpec((KEIG, D), lambda i: (0, 0)),
                  pl.BlockSpec((NT,), lambda i: (0,)),
                  pl.BlockSpec((KEIG,), lambda i: (0,))],
        out_specs=[pl.BlockSpec((bn, CW), lambda i: (i, 0))] * CHUNKS,
        out_shape=[jax.ShapeDtypeStruct((N, CW), _f32)] * CHUNKS,
    )(evecs, xs, t, evals)
    return xd_chunks



def _sc_compiler_params():
    cp = pltpu.CompilerParams()
    if "needs_layout_passes" in pltpu.CompilerParams.__dataclass_fields__:
        cp = dataclasses.replace(cp, needs_layout_passes=False)
    if "use_tc_tiling_on_sc" in pltpu.CompilerParams.__dataclass_fields__:
        cp = dataclasses.replace(cp, use_tc_tiling_on_sc=False)
    return cp


def _sc_mesh():
    return plsc.VectorSubcoreMesh(core_axis_name="c", subcore_axis_name="s",
                                  num_cores=NC, num_subcores=NS)


def _sc_conv_body(xd0, xd1, xd2, xd3, edata, onesb_h, zrows, zdeg,
                  p_out, deg_out,
                  ed_a, ed_b, onesb, rows_a, rows_b, s01_v,
                  acc, accd, sem_ea, sem_eb, sem_ga, sem_gb, sem_s):
    cid = lax.axis_index("c")
    sid = lax.axis_index("s")
    wid = cid * NS + sid
    xd_refs = (xd0, xd1, xd2, xd3)

    pltpu.sync_copy(onesb_h, onesb)

    def start_ed(w, ed, sem):
        pltpu.async_copy(edata.at[wid, w], ed, sem)

    def wait_ed(ed, sem):
        pltpu.make_async_copy(edata.at[wid, 0], ed, sem).wait()

    def per_tile_rows(f):
        @pl.when(sid < NS - 1)
        def _():
            f(sid * ROWS_A, ROWS_A)

        @pl.when(sid == NS - 1)
        def _():
            f((NS - 1) * ROWS_A, ROWS_B)

    for chunk in range(CHUNKS):
        def zero_accs(off, size):
            pltpu.sync_copy(zrows.at[pl.ds(0, size)], acc.at[pl.ds(off, size)])
            if chunk == 0:
                pltpu.sync_copy(zdeg.at[pl.ds(0, size)],
                                accd.at[pl.ds(off, size)])
        per_tile_rows(zero_accs)
        plsc.subcore_barrier()

        xd_c = xd_refs[chunk]

        def start_gather(ed, rows, sem):
            pltpu.async_copy(xd_c.at[ed.at[0]], rows, sem)

        def wait_gather(rows, sem):
            pltpu.make_async_copy(xd_c.at[ed_a.at[0]], rows, sem).wait()

        def compute_and_scatter(ed, rows):
            if chunk == 0:
                cpd = pltpu.async_copy(onesb, accd.at[ed.at[1]], sem_s,
                                       add=True)

            @plsc.parallel_loop(0, B, unroll=4)
            def _(e):
                e_splat = jnp.full((16,), e, jnp.int32)
                w0s = plsc.bitcast(
                    plsc.load_gather(ed, [jnp.full((16,), 2, jnp.int32),
                                          e_splat]), _f32)
                w1s = plsc.bitcast(
                    plsc.load_gather(ed, [jnp.full((16,), 3, jnp.int32),
                                          e_splat]), _f32)
                for c in range(CW // 16):
                    seg = rows[e, pl.ds(c * 16, 16)]
                    s01_v[e, pl.ds(c * 16, 16)] = seg * w0s
                    s01_v[e, pl.ds(CW + c * 16, 16)] = seg * w1s

            if chunk == 0:
                cpd.wait()
            pltpu.sync_copy(s01_v, acc.at[ed.at[1]], add=True)

        start_ed(0, ed_a, sem_ea)
        wait_ed(ed_a, sem_ea)
        start_gather(ed_a, rows_a, sem_ga)
        start_ed(1, ed_b, sem_eb)

        @pl.loop(0, NWIN, step=2)
        def _(w):
            wait_ed(ed_b, sem_eb)
            start_gather(ed_b, rows_b, sem_gb)
            wait_gather(rows_a, sem_ga)
            compute_and_scatter(ed_a, rows_a)

            @pl.when(w + 2 < NWIN)
            def _():
                start_ed(w + 2, ed_a, sem_ea)
            wait_gather(rows_b, sem_gb)
            compute_and_scatter(ed_b, rows_b)

            @pl.when(w + 2 < NWIN)
            def _():
                wait_ed(ed_a, sem_ea)
                start_gather(ed_a, rows_a, sem_ga)

            @pl.when(w + 3 < NWIN)
            def _():
                start_ed(w + 3, ed_b, sem_eb)

        plsc.subcore_barrier()

        def write_out(off, size):
            seg_base = (cid * CHUNKS + chunk) * N
            pltpu.sync_copy(acc.at[pl.ds(off, size)],
                            p_out.at[pl.ds(seg_base + off, size)])
            if chunk == 0:
                pltpu.sync_copy(accd.at[pl.ds(off, size)],
                                deg_out.at[pl.ds(cid * N + off, size)])
        per_tile_rows(write_out)
        plsc.subcore_barrier()


def _sc_conv(xd_chunks, edata, onesb_h, zrows, zdeg):
    kern = pl.kernel(
        _sc_conv_body,
        out_type=[jax.ShapeDtypeStruct((NC * CHUNKS * N, K1 * CW), _f32),
                  jax.ShapeDtypeStruct((NC * N, 1), _f32)],
        mesh=_sc_mesh(),
        scratch_types=[
            pltpu.VMEM((4, B), jnp.int32),
            pltpu.VMEM((4, B), jnp.int32),
            pltpu.VMEM((B, 1), _f32),
            pltpu.VMEM((B, CW), _f32),
            pltpu.VMEM((B, CW), _f32),
            pltpu.VMEM((B, K1 * CW), _f32),
            pltpu.VMEM_SHARED((N, K1 * CW), _f32),
            pltpu.VMEM_SHARED((N, 1), _f32),
            pltpu.SemaphoreType.DMA,
            pltpu.SemaphoreType.DMA,
            pltpu.SemaphoreType.DMA,
            pltpu.SemaphoreType.DMA,
            pltpu.SemaphoreType.DMA,
        ],
        compiler_params=_sc_compiler_params(),
    )
    return kern(*xd_chunks, edata, onesb_h, zrows, zdeg)



def _c_body(p_ref, deg0_ref, deg1_ref, degc_ref, w1_ref, b1_ref, w2_ref,
            b2_ref, o_ref):
    deg = jnp.maximum(deg0_ref[0, 0] + deg1_ref[0, 0] - degc_ref[0, 0], 1.0)
    parts = []
    for j in range(K1):
        for c in range(CHUNKS):
            cols = pl.ds(j * CW, CW)
            parts.append(p_ref[0 * CHUNKS + c, :, cols]
                         + p_ref[1 * CHUNKS + c, :, cols])
    h = jnp.concatenate(parts, axis=1) / deg[:, None]
    z = jnp.maximum(h @ w1_ref[...] + b1_ref[...][None, :], 0.0)
    o = z @ w2_ref[...] + b2_ref[...][None, :]
    nrm = jnp.sqrt(jnp.sum(o * o, axis=1, keepdims=True))
    o_ref[...] = o / jnp.maximum(nrm, 1e-12)


def _mlp_head(p16, deg, degc, W1, b1, W2, b2):
    nb = 10
    bn = N // nb
    deg0 = deg[:N, 0].reshape(nb, 1, bn)
    deg1 = deg[N:, 0].reshape(nb, 1, bn)
    degc = degc.reshape(nb, 1, bn)
    return pl.pallas_call(
        _c_body,
        grid=(nb,),
        in_specs=[pl.BlockSpec((NC * CHUNKS, bn, K1 * CW), lambda i: (0, i, 0)),
                  pl.BlockSpec((1, 1, bn), lambda i: (i, 0, 0)),
                  pl.BlockSpec((1, 1, bn), lambda i: (i, 0, 0)),
                  pl.BlockSpec((1, 1, bn), lambda i: (i, 0, 0)),
                  pl.BlockSpec((K1 * NT * D, HID), lambda i: (0, 0)),
                  pl.BlockSpec((HID,), lambda i: (0,)),
                  pl.BlockSpec((HID, OUT), lambda i: (0, 0)),
                  pl.BlockSpec((OUT,), lambda i: (0,))],
        out_specs=pl.BlockSpec((bn, OUT), lambda i: (i, 0)),
        out_shape=jax.ShapeDtypeStruct((N, OUT), _f32),
    )(p16, deg0, deg1, degc, W1, b1, W2, b2)



def kernel(x, edge_index, evals, evecs, t, kernel_w, W1, b1, W2, b2):
    xd_chunks = _diffuse(x, evecs, t, evals)

    pad = E_PAD - E
    fill_idx = (jnp.arange(pad, dtype=jnp.int32) % N)
    srcp = jnp.concatenate([edge_index[0].astype(jnp.int32),
                            fill_idx]).reshape(NW, NWIN, B)
    dstp = jnp.concatenate([edge_index[1].astype(jnp.int32),
                            fill_idx]).reshape(NW, NWIN, B)
    zpad = jnp.zeros((pad,), _f32)
    w0b = lax.bitcast_convert_type(
        jnp.concatenate([kernel_w[0], zpad]), jnp.int32).reshape(NW, NWIN, B)
    w1b = lax.bitcast_convert_type(
        jnp.concatenate([kernel_w[1], zpad]), jnp.int32).reshape(NW, NWIN, B)
    edata = jnp.stack([srcp, dstp, w0b, w1b], axis=2)
    onesb_h = jnp.ones((B, 1), _f32)
    zrows = jnp.zeros((ROWS_A, K1 * CW), _f32)
    zdeg = jnp.zeros((ROWS_A, 1), _f32)
    degc = (jnp.arange(N) < pad).astype(_f32)

    p_out, deg = _sc_conv(xd_chunks, edata, onesb_h, zrows, zdeg)
    p16 = p_out.reshape(NC * CHUNKS, N, K1 * CW)
    return _mlp_head(p16, deg, degc, W1, b1, W2, b2)

# --- scband reference (transcript-rebuilt; emitter-appended) ---
"""Pipeline reference for scband-net-5901285065253 (READ-ONLY COPY).

The authoritative reference and input builder live on the scoring server;
editing this copy changes nothing except your own understanding.
"""

import jax, jax.numpy as jnp
import numpy as np

N = 10000      # nodes
E = 320000     # edges
D = 128        # input feature dim
NT = 2         # n_scales (diffusion scales)
K1 = 2         # number of anisotropic kernels (order/gauge dims)
KEIG = 128     # Laplacian eigenpairs
HID = 512      # MLP hidden
OUT = 64       # MLP out_channels


def setup_inputs(seed: int = 0) -> dict:
    key = jax.random.key(seed)
    ks = jax.random.split(key, 10)
    x = jax.random.normal(ks[0], (N, D), dtype=jnp.float32)
    edge_index = jax.random.randint(ks[1], (2, E), 0, N, dtype=jnp.int32)
    # precomputed Laplacian eigendecomposition (compute_laplacian(data, k_eig=128))
    evecs = (jax.random.normal(ks[2], (N, KEIG), dtype=jnp.float32) / np.sqrt(N)).astype(jnp.float32)
    evals = jnp.sort(jax.random.uniform(ks[3], (KEIG,), dtype=jnp.float32) * 2.0)
    # learnable diffusion times, init = linspace(0, large_scale, n_scales)
    t = jnp.linspace(0.0, 1.0, NT).astype(jnp.float32)
    # anisotropic kernel values per edge (one set per kernel direction, from DD(data, gauge))
    kernel_w = jax.random.normal(ks[4], (K1, E), dtype=jnp.float32) * 0.1
    # MLP params: in_channels = D * NT * K1
    cin = D * NT * K1
    W1 = jax.random.normal(ks[5], (cin, HID), dtype=jnp.float32) / np.sqrt(cin)
    b1 = jnp.zeros((HID,), dtype=jnp.float32)
    W2 = jax.random.normal(ks[6], (HID, OUT), dtype=jnp.float32) / np.sqrt(HID)
    b2 = jnp.zeros((OUT,), dtype=jnp.float32)
    return {"x": x, "edge_index": edge_index, "evals": evals, "evecs": evecs,
            "t": t, "kernel_w": kernel_w, "W1": W1, "b1": b1, "W2": W2, "b2": b2}


def reference(x, edge_index, evals, evecs, t, kernel_w, W1, b1, W2, b2):
    # 1) Spectral diffusion at NT learnable scales: x_t = evecs @ diag(exp(-t*evals)) @ evecs^T @ x
    xs = evecs.T @ x                                        # [KEIG, D]
    coef = jnp.exp(-jnp.abs(t)[:, None] * evals[None, :])   # [NT, KEIG]
    xd = jnp.einsum('nk,tk,kd->tnd', evecs, coef, xs)       # [NT, N, D]
    xd = jnp.transpose(xd, (1, 0, 2)).reshape(N, NT * D)    # [N, NT*D]

    # 2) Anisotropic conv (depth=1): gather source features along edges, weight by
    #    directional kernel values, scatter-add to target nodes, degree-normalize.
    src = edge_index[0]
    dst = edge_index[1]
    deg = jax.ops.segment_sum(jnp.ones((E,), dtype=jnp.float32), dst, num_segments=N)
    deg = jnp.clip(deg, 1.0)[:, None]
    feats = []
    for j in range(K1):
        msg = xd[src] * kernel_w[j][:, None]                # gather [E, NT*D]
        agg = jax.ops.segment_sum(msg, dst, num_segments=N) / deg
        feats.append(agg)
    h = jnp.concatenate(feats, axis=-1)                     # [N, K1*NT*D]

    # 3) MLP (2 linear layers, ReLU)
    h = jax.nn.relu(h @ W1 + b1)
    out = h @ W2 + b2

    # 4) vec_norm: L2 normalize rows
    out = out / jnp.clip(jnp.linalg.norm(out, axis=-1, keepdims=True), 1e-12)
    return out

if __name__ == "__main__":
    import jax
    _d = setup_inputs()
    print(jax.jit(kernel)(*tuple(_d.values())))

</pallas_src>

<mosaic_0001>
#map = affine_map<(d0, d1) -> (0, 0)>
#map1 = affine_map<(d0, d1) -> (0, 0, 0, 0)>
module attributes {stable_mosaic.version = 14 : i64} {
  func.func @_sc_conv_body(%arg0: i32, %arg1: i32, %arg2: memref<10000x64xf32, #tpu.memory_space<hbm>>, %arg3: memref<10000x64xf32, #tpu.memory_space<hbm>>, %arg4: memref<10000x64xf32, #tpu.memory_space<hbm>>, %arg5: memref<10000x64xf32, #tpu.memory_space<hbm>>, %arg6: memref<32x80x4x128xi32, #tpu.memory_space<hbm>>, %arg7: memref<128x1xf32, #tpu.memory_space<hbm>>, %arg8: memref<640x128xf32, #tpu.memory_space<hbm>>, %arg9: memref<640x1xf32, #tpu.memory_space<hbm>>, %arg10: memref<80000x128xf32, #tpu.memory_space<hbm>>, %arg11: memref<20000x1xf32, #tpu.memory_space<hbm>>, %arg12: memref<4x128xi32, #tpu.memory_space<vmem>>, %arg13: memref<4x128xi32, #tpu.memory_space<vmem>>, %arg14: memref<128x1xf32, #tpu.memory_space<vmem>>, %arg15: memref<128x64xf32, #tpu.memory_space<vmem>>, %arg16: memref<128x64xf32, #tpu.memory_space<vmem>>, %arg17: memref<128x128xf32, #tpu.memory_space<vmem>>, %arg18: memref<10000x128xf32, #tpu.memory_space<vmem_shared>>, %arg19: memref<10000x1xf32, #tpu.memory_space<vmem_shared>>, %arg20: memref<!tpu.dma_semaphore, #tpu.memory_space<semaphore_mem>>, %arg21: memref<!tpu.dma_semaphore, #tpu.memory_space<semaphore_mem>>, %arg22: memref<!tpu.dma_semaphore, #tpu.memory_space<semaphore_mem>>, %arg23: memref<!tpu.dma_semaphore, #tpu.memory_space<semaphore_mem>>, %arg24: memref<!tpu.dma_semaphore, #tpu.memory_space<semaphore_mem>>) attributes {dimension_semantics = [#tpu.dimension_semantics<core_parallel>, #tpu.dimension_semantics<subcore_parallel>], iteration_bounds = array<i64: 2, 16>, scalar_prefetch = 0 : i64, scratch_operands = 13 : i64, tpu.core_type = #tpu.core_type<sc_vector_subcore>, window_params = [{transform_indices = #map}, {transform_indices = #map}, {transform_indices = #map}, {transform_indices = #map}, {transform_indices = #map1}, {transform_indices = #map}, {transform_indices = #map}, {transform_indices = #map}, {transform_indices = #map}, {transform_indices = #map}]} {
    %mul3A = arith.constant 16 : i32
    %mul3A_0 = arith.muli %arg0, %mul3A : i32
    %add3A = arith.addi %mul3A_0, %arg1 : i32
    "tpu.region"() ({
      %run_scoped3A = tpu.sem_alloc : memref<!tpu.dma_semaphore, #tpu.memory_space<semaphore_mem>>
      tpu.enqueue_dma source(%arg7 : memref<128x1xf32, #tpu.memory_space<hbm>>) target(%arg14 : memref<128x1xf32, #tpu.memory_space<vmem>>) target_semaphore(%run_scoped3A : memref<!tpu.dma_semaphore, #tpu.memory_space<semaphore_mem>>)
      tpu.wait_dma2 semaphore(%run_scoped3A : memref<!tpu.dma_semaphore, #tpu.memory_space<semaphore_mem>>) src(%arg7 : memref<128x1xf32, #tpu.memory_space<hbm>>) dst(%arg14 : memref<128x1xf32, #tpu.memory_space<vmem>>)
      tpu.yield
    }) : () -> ()
    %lt3A = arith.constant 15 : i32
    %lt3A_1 = arith.cmpi slt, %arg1, %lt3A : i32
    %convert_element_type3A = arith.extui %lt3A_1 : i1 to i32
    %cond3A = arith.constant 0 : i32
    %cond3A_2 = arith.cmpi ne, %convert_element_type3A, %cond3A : i32
    scf.if %cond3A_2 {
      %mul3A_241 = arith.constant 640 : i32
      %mul3A_242 = arith.muli %arg1, %mul3A_241 : i32
      "tpu.region"() ({
        %run_scoped3A = tpu.sem_alloc : memref<!tpu.dma_semaphore, #tpu.memory_space<semaphore_mem>>
        %dma_start3A_243 = arith.constant 0 : i32
        %dma_start3A_244 = tpu.memref_slice %arg18[%mul3A_242, %dma_start3A_243] : memref<10000x128xf32, #tpu.memory_space<vmem_shared>> -> memref<640x128xf32, #tpu.memory_space<vmem_shared>>
        %dma_start3A_245 = arith.constant 0 : i32
        %dma_start3A_246 = arith.constant 0 : i32
        %dma_start3A_247 = tpu.memref_slice %arg8[%dma_start3A_245, %dma_start3A_246] : memref<640x128xf32, #tpu.memory_space<hbm>> -> memref<640x128xf32, #tpu.memory_space<hbm>>
        tpu.enqueue_dma source(%dma_start3A_247 : memref<640x128xf32, #tpu.memory_space<hbm>>) target(%dma_start3A_244 : memref<640x128xf32, #tpu.memory_space<vmem_shared>>) target_semaphore(%run_scoped3A : memref<!tpu.dma_semaphore, #tpu.memory_space<semaphore_mem>>)
        %dma_wait3A_248 = arith.constant 0 : i32
        %dma_wait3A_249 = tpu.memref_slice %arg18[%mul3A_242, %dma_wait3A_248] : memref<10000x128xf32, #tpu.memory_space<vmem_shared>> -> memref<640x128xf32, #tpu.memory_space<vmem_shared>>
        %dma_wait3A_250 = arith.constant 0 : i32
        %dma_wait3A_251 = arith.constant 0 : i32
        %dma_wait3A_252 = tpu.memref_slice %arg8[%dma_wait3A_250, %dma_wait3A_251] : memref<640x128xf32, #tpu.memory_space<hbm>> -> memref<640x128xf32, #tpu.memory_space<hbm>>
        tpu.wait_dma2 semaphore(%run_scoped3A : memref<!tpu.dma_semaphore, #tpu.memory_space<semaphore_mem>>) src(%dma_wait3A_252 : memref<640x128xf32, #tpu.memory_space<hbm>>) dst(%dma_wait3A_249 : memref<640x128xf32, #tpu.memory_space<vmem_shared>>)
        tpu.yield
      }) : () -> ()
      "tpu.region"() ({
        %run_scoped3A = tpu.sem_alloc : memref<!tpu.dma_semaphore, #tpu.memory_space<semaphore_mem>>
        %dma_start3A_243 = arith.constant 0 : i32
        %dma_start3A_244 = tpu.memref_slice %arg19[%mul3A_242, %dma_start3A_243] : memref<10000x1xf32, #tpu.memory_space<vmem_shared>> -> memref<640x1xf32, #tpu.memory_space<vmem_shared>>
        %dma_start3A_245 = arith.constant 0 : i32
        %dma_start3A_246 = arith.constant 0 : i32
        %dma_start3A_247 = tpu.memref_slice %arg9[%dma_start3A_245, %dma_start3A_246] : memref<640x1xf32, #tpu.memory_space<hbm>> -> memref<640x1xf32, #tpu.memory_space<hbm>>
        tpu.enqueue_dma source(%dma_start3A_247 : memref<640x1xf32, #tpu.memory_space<hbm>>) target(%dma_start3A_244 : memref<640x1xf32, #tpu.memory_space<vmem_shared>>) target_semaphore(%run_scoped3A : memref<!tpu.dma_semaphore, #tpu.memory_space<semaphore_mem>>)
        %dma_wait3A_248 = arith.constant 0 : i32
        %dma_wait3A_249 = tpu.memref_slice %arg19[%mul3A_242, %dma_wait3A_248] : memref<10000x1xf32, #tpu.memory_space<vmem_shared>> -> memref<640x1xf32, #tpu.memory_space<vmem_shared>>
        %dma_wait3A_250 = arith.constant 0 : i32
        %dma_wait3A_251 = arith.constant 0 : i32
        %dma_wait3A_252 = tpu.memref_slice %arg9[%dma_wait3A_250, %dma_wait3A_251] : memref<640x1xf32, #tpu.memory_space<hbm>> -> memref<640x1xf32, #tpu.memory_space<hbm>>
        tpu.wait_dma2 semaphore(%run_scoped3A : memref<!tpu.dma_semaphore, #tpu.memory_space<semaphore_mem>>) src(%dma_wait3A_252 : memref<640x1xf32, #tpu.memory_space<hbm>>) dst(%dma_wait3A_249 : memref<640x1xf32, #tpu.memory_space<vmem_shared>>)
        tpu.yield
      }) : () -> ()
    } else {
    }
    %eq3A = arith.constant 15 : i32
    %eq3A_3 = arith.cmpi eq, %arg1, %eq3A : i32
    %convert_element_type3A_4 = arith.extui %eq3A_3 : i1 to i32
    %cond3A_5 = arith.constant 0 : i32
    %cond3A_6 = arith.cmpi ne, %convert_element_type3A_4, %cond3A_5 : i32
    scf.if %cond3A_6 {
      "tpu.region"() ({
        %run_scoped3A = tpu.sem_alloc : memref<!tpu.dma_semaphore, #tpu.memory_space<semaphore_mem>>
        %dma_start3A_241 = arith.constant 9600 : i32
        %dma_start3A_242 = arith.constant 0 : i32
        %dma_start3A_243 = tpu.memref_slice %arg18[%dma_start3A_241, %dma_start3A_242] : memref<10000x128xf32, #tpu.memory_space<vmem_shared>> -> memref<400x128xf32, #tpu.memory_space<vmem_shared>>
        %dma_start3A_244 = arith.constant 0 : i32
        %dma_start3A_245 = arith.constant 0 : i32
        %dma_start3A_246 = tpu.memref_slice %arg8[%dma_start3A_244, %dma_start3A_245] : memref<640x128xf32, #tpu.memory_space<hbm>> -> memref<400x128xf32, #tpu.memory_space<hbm>>
        tpu.enqueue_dma source(%dma_start3A_246 : memref<400x128xf32, #tpu.memory_space<hbm>>) target(%dma_start3A_243 : memref<400x128xf32, #tpu.memory_space<vmem_shared>>) target_semaphore(%run_scoped3A : memref<!tpu.dma_semaphore, #tpu.memory_space<semaphore_mem>>)
        %dma_wait3A_247 = arith.constant 9600 : i32
        %dma_wait3A_248 = arith.constant 0 : i32
        %dma_wait3A_249 = tpu.memref_slice %arg18[%dma_wait3A_247, %dma_wait3A_248] : memref<10000x128xf32, #tpu.memory_space<vmem_shared>> -> memref<400x128xf32, #tpu.memory_space<vmem_shared>>
        %dma_wait3A_250 = arith.constant 0 : i32
        %dma_wait3A_251 = arith.constant 0 : i32
        %dma_wait3A_252 = tpu.memref_slice %arg8[%dma_wait3A_250, %dma_wait3A_251] : memref<640x128xf32, #tpu.memory_space<hbm>> -> memref<400x128xf32, #tpu.memory_space<hbm>>
        tpu.wait_dma2 semaphore(%run_scoped3A : memref<!tpu.dma_semaphore, #tpu.memory_space<semaphore_mem>>) src(%dma_wait3A_252 : memref<400x128xf32, #tpu.memory_space<hbm>>) dst(%dma_wait3A_249 : memref<400x128xf32, #tpu.memory_space<vmem_shared>>)
        tpu.yield
      }) : () -> ()
      "tpu.region"() ({
        %run_scoped3A = tpu.sem_alloc : memref<!tpu.dma_semaphore, #tpu.memory_space<semaphore_mem>>
        %dma_start3A_241 = arith.constant 9600 : i32
        %dma_start3A_242 = arith.constant 0 : i32
        %dma_start3A_243 = tpu.memref_slice %arg19[%dma_start3A_241, %dma_start3A_242] : memref<10000x1xf32, #tpu.memory_space<vmem_shared>> -> memref<400x1xf32, #tpu.memory_space<vmem_shared>>
        %dma_start3A_244 = arith.constant 0 : i32
        %dma_start3A_245 = arith.constant 0 : i32
        %dma_start3A_246 = tpu.memref_slice %arg9[%dma_start3A_244, %dma_start3A_245] : memref<640x1xf32, #tpu.memory_space<hbm>> -> memref<400x1xf32, #tpu.memory_space<hbm>>
        tpu.enqueue_dma source(%dma_start3A_246 : memref<400x1xf32, #tpu.memory_space<hbm>>) target(%dma_start3A_243 : memref<400x1xf32, #tpu.memory_space<vmem_shared>>) target_semaphore(%run_scoped3A : memref<!tpu.dma_semaphore, #tpu.memory_space<semaphore_mem>>)
        %dma_wait3A_247 = arith.constant 9600 : i32
        %dma_wait3A_248 = arith.constant 0 : i32
        %dma_wait3A_249 = tpu.memref_slice %arg19[%dma_wait3A_247, %dma_wait3A_248] : memref<10000x1xf32, #tpu.memory_space<vmem_shared>> -> memref<400x1xf32, #tpu.memory_space<vmem_shared>>
        %dma_wait3A_250 = arith.constant 0 : i32
        %dma_wait3A_251 = arith.constant 0 : i32
        %dma_wait3A_252 = tpu.memref_slice %arg9[%dma_wait3A_250, %dma_wait3A_251] : memref<640x1xf32, #tpu.memory_space<hbm>> -> memref<400x1xf32, #tpu.memory_space<hbm>>
        tpu.wait_dma2 semaphore(%run_scoped3A : memref<!tpu.dma_semaphore, #tpu.memory_space<semaphore_mem>>) src(%dma_wait3A_252 : memref<400x1xf32, #tpu.memory_space<hbm>>) dst(%dma_wait3A_249 : memref<400x1xf32, #tpu.memory_space<vmem_shared>>)
        tpu.yield
      }) : () -> ()
    } else {
    }
    %barrier3A = arith.constant 0 : index
    tpu.barrier barrier_id(%barrier3A)
    %dma_start3A = arith.constant 0 : i32
    %dma_start3A_7 = arith.constant 0 : i32
    %dma_start3A_8 = arith.constant 0 : i32
    %dma_start3A_9 = tpu.memref_slice %arg6[%add3A, %dma_start3A, %dma_start3A_7, %dma_start3A_8] : memref<32x80x4x128xi32, #tpu.memory_space<hbm>> -> memref<1x1x4x128xi32, #tpu.memory_space<hbm>>
    %dma_start3A_10 = tpu.memref_squeeze %dma_start3A_9 : memref<1x1x4x128xi32, #tpu.memory_space<hbm>> -> memref<4x128xi32, #tpu.memory_space<hbm>>
    %dma_start3A_11 = arith.constant 0 : i32
    %dma_start3A_12 = arith.constant 0 : i32
    %dma_start3A_13 = tpu.memref_slice %arg6[%add3A, %dma_start3A, %dma_start3A_11, %dma_start3A_12] : memref<32x80x4x128xi32, #tpu.memory_space<hbm>> -> memref<1x1x4x128xi32, #tpu.memory_space<hbm>>
    %dma_start3A_14 = tpu.memref_squeeze %dma_start3A_13 : memref<1x1x4x128xi32, #tpu.memory_space<hbm>> -> memref<4x128xi32, #tpu.memory_space<hbm>>
    tpu.enqueue_dma source(%dma_start3A_14 : memref<4x128xi32, #tpu.memory_space<hbm>>) target(%arg12 : memref<4x128xi32, #tpu.memory_space<vmem>>) target_semaphore(%arg20 : memref<!tpu.dma_semaphore, #tpu.memory_space<semaphore_mem>>)
    %dma_wait3A = arith.constant 0 : i32
    %dma_wait3A_15 = arith.constant 0 : i32
    %dma_wait3A_16 = arith.constant 0 : i32
    %dma_wait3A_17 = tpu.memref_slice %arg6[%add3A, %dma_wait3A, %dma_wait3A_15, %dma_wait3A_16] : memref<32x80x4x128xi32, #tpu.memory_space<hbm>> -> memref<1x1x4x128xi32, #tpu.memory_space<hbm>>
    %dma_wait3A_18 = tpu.memref_squeeze %dma_wait3A_17 : memref<1x1x4x128xi32, #tpu.memory_space<hbm>> -> memref<4x128xi32, #tpu.memory_space<hbm>>
    %dma_wait3A_19 = arith.constant 0 : i32
    %dma_wait3A_20 = arith.constant 0 : i32
    %dma_wait3A_21 = tpu.memref_slice %arg6[%add3A, %dma_wait3A, %dma_wait3A_19, %dma_wait3A_20] : memref<32x80x4x128xi32, #tpu.memory_space<hbm>> -> memref<1x1x4x128xi32, #tpu.memory_space<hbm>>
    %dma_wait3A_22 = tpu.memref_squeeze %dma_wait3A_21 : memref<1x1x4x128xi32, #tpu.memory_space<hbm>> -> memref<4x128xi32, #tpu.memory_space<hbm>>
    tpu.wait_dma2 semaphore(%arg20 : memref<!tpu.dma_semaphore, #tpu.memory_space<semaphore_mem>>) src(%dma_wait3A_22 : memref<4x128xi32, #tpu.memory_space<hbm>>) dst(%arg12 : memref<4x128xi32, #tpu.memory_space<vmem>>)
    %dma_start3A_23 = arith.constant 0 : i32
    %dma_start3A_24 = arith.constant 0 : i32
    %dma_start3A_25 = tpu.memref_slice %arg12[%dma_start3A_23, %dma_start3A_24] : memref<4x128xi32, #tpu.memory_space<vmem>> -> memref<1x128xi32, #tpu.memory_space<vmem>>
    %dma_start3A_26 = tpu.memref_squeeze %dma_start3A_25 : memref<1x128xi32, #tpu.memory_space<vmem>> -> memref<128xi32, #tpu.memory_space<vmem>>
    %dma_start3A_27 = arith.constant 0 : i32
    %dma_start3A_28 = arith.constant 0 : i32
    %dma_start3A_29 = tpu.memref_slice %arg2[%dma_start3A_27, %dma_start3A_28] : memref<10000x64xf32, #tpu.memory_space<hbm>> -> memref<10000x64xf32, #tpu.memory_space<hbm>>
    tpu.enqueue_indirect_dma source(%dma_start3A_29 : memref<10000x64xf32, #tpu.memory_space<hbm>>) target(%arg15 : memref<128x64xf32, #tpu.memory_space<vmem>>) offsets(%dma_start3A_26 : memref<128xi32, #tpu.memory_space<vmem>>) semaphore(%arg22 : memref<!tpu.dma_semaphore, #tpu.memory_space<semaphore_mem>>)
    %dma_start3A_30 = arith.constant 1 : i32
    %dma_start3A_31 = arith.constant 0 : i32
    %dma_start3A_32 = arith.constant 0 : i32
    %dma_start3A_33 = tpu.memref_slice %arg6[%add3A, %dma_start3A_30, %dma_start3A_31, %dma_start3A_32] : memref<32x80x4x128xi32, #tpu.memory_space<hbm>> -> memref<1x1x4x128xi32, #tpu.memory_space<hbm>>
    %dma_start3A_34 = tpu.memref_squeeze %dma_start3A_33 : memref<1x1x4x128xi32, #tpu.memory_space<hbm>> -> memref<4x128xi32, #tpu.memory_space<hbm>>
    %dma_start3A_35 = arith.constant 0 : i32
    %dma_start3A_36 = arith.constant 0 : i32
    %dma_start3A_37 = tpu.memref_slice %arg6[%add3A, %dma_start3A_30, %dma_start3A_35, %dma_start3A_36] : memref<32x80x4x128xi32, #tpu.memory_space<hbm>> -> memref<1x1x4x128xi32, #tpu.memory_space<hbm>>
    %dma_start3A_38 = tpu.memref_squeeze %dma_start3A_37 : memref<1x1x4x128xi32, #tpu.memory_space<hbm>> -> memref<4x128xi32, #tpu.memory_space<hbm>>
    tpu.enqueue_dma source(%dma_start3A_38 : memref<4x128xi32, #tpu.memory_space<hbm>>) target(%arg13 : memref<4x128xi32, #tpu.memory_space<vmem>>) target_semaphore(%arg21 : memref<!tpu.dma_semaphore, #tpu.memory_space<semaphore_mem>>)
    %scan3A = arith.constant 0 : i32
    %scan3A_39 = arith.constant 40 : i32
    %scan3A_40 = arith.addi %scan3A, %scan3A_39 : i32
    %scan3A_41 = arith.constant 1 : i32
    scf.for %scan3A_241 = %scan3A to %scan3A_40 step %scan3A_41  : i32 {
      %mul3A_242 = arith.constant 2 : i32
      %mul3A_243 = arith.muli %scan3A_241, %mul3A_242 : i32
      %add3A_244 = arith.constant 0 : i32
      %add3A_245 = arith.addi %add3A_244, %mul3A_243 : i32
      %dma_wait3A_246 = arith.constant 0 : i32
      %dma_wait3A_247 = arith.constant 0 : i32
      %dma_wait3A_248 = arith.constant 0 : i32
      %dma_wait3A_249 = tpu.memref_slice %arg6[%add3A, %dma_wait3A_246, %dma_wait3A_247, %dma_wait3A_248] : memref<32x80x4x128xi32, #tpu.memory_space<hbm>> -> memref<1x1x4x128xi32, #tpu.memory_space<hbm>>
      %dma_wait3A_250 = tpu.memref_squeeze %dma_wait3A_249 : memref<1x1x4x128xi32, #tpu.memory_space<hbm>> -> memref<4x128xi32, #tpu.memory_space<hbm>>
      %dma_wait3A_251 = arith.constant 0 : i32
      %dma_wait3A_252 = arith.constant 0 : i32
      %dma_wait3A_253 = tpu.memref_slice %arg6[%add3A, %dma_wait3A_246, %dma_wait3A_251, %dma_wait3A_252] : memref<32x80x4x128xi32, #tpu.memory_space<hbm>> -> memref<1x1x4x128xi32, #tpu.memory_space<hbm>>
      %dma_wait3A_254 = tpu.memref_squeeze %dma_wait3A_253 : memref<1x1x4x128xi32, #tpu.memory_space<hbm>> -> memref<4x128xi32, #tpu.memory_space<hbm>>
      tpu.wait_dma2 semaphore(%arg21 : memref<!tpu.dma_semaphore, #tpu.memory_space<semaphore_mem>>) src(%dma_wait3A_254 : memref<4x128xi32, #tpu.memory_space<hbm>>) dst(%arg13 : memref<4x128xi32, #tpu.memory_space<vmem>>)
      %dma_start3A_255 = arith.constant 0 : i32
      %dma_start3A_256 = arith.constant 0 : i32
      %dma_start3A_257 = tpu.memref_slice %arg13[%dma_start3A_255, %dma_start3A_256] : memref<4x128xi32, #tpu.memory_space<vmem>> -> memref<1x128xi32, #tpu.memory_space<vmem>>
      %dma_start3A_258 = tpu.memref_squeeze %dma_start3A_257 : memref<1x128xi32, #tpu.memory_space<vmem>> -> memref<128xi32, #tpu.memory_space<vmem>>
      %dma_start3A_259 = arith.constant 0 : i32
      %dma_start3A_260 = arith.constant 0 : i32
      %dma_start3A_261 = tpu.memref_slice %arg2[%dma_start3A_259, %dma_start3A_260] : memref<10000x64xf32, #tpu.memory_space<hbm>> -> memref<10000x64xf32, #tpu.memory_space<hbm>>
      tpu.enqueue_indirect_dma source(%dma_start3A_261 : memref<10000x64xf32, #tpu.memory_space<hbm>>) target(%arg16 : memref<128x64xf32, #tpu.memory_space<vmem>>) offsets(%dma_start3A_258 : memref<128xi32, #tpu.memory_space<vmem>>) semaphore(%arg23 : memref<!tpu.dma_semaphore, #tpu.memory_space<semaphore_mem>>)
      %dma_wait3A_262 = arith.constant 0 : i32
      %dma_wait3A_263 = arith.constant 0 : i32
      %dma_wait3A_264 = tpu.memref_slice %arg12[%dma_wait3A_262, %dma_wait3A_263] : memref<4x128xi32, #tpu.memory_space<vmem>> -> memref<1x128xi32, #tpu.memory_space<vmem>>
      %dma_wait3A_265 = tpu.memref_squeeze %dma_wait3A_264 : memref<1x128xi32, #tpu.memory_space<vmem>> -> memref<128xi32, #tpu.memory_space<vmem>>
      %dma_wait3A_266 = arith.constant 0 : i32
      %dma_wait3A_267 = arith.constant 0 : i32
      %dma_wait3A_268 = tpu.memref_slice %arg2[%dma_wait3A_266, %dma_wait3A_267] : memref<10000x64xf32, #tpu.memory_space<hbm>> -> memref<10000x64xf32, #tpu.memory_space<hbm>>
      tpu.wait_indirect_dma semaphore(%arg22 : memref<!tpu.dma_semaphore, #tpu.memory_space<semaphore_mem>>) src(%dma_wait3A_268 : memref<10000x64xf32, #tpu.memory_space<hbm>>) dst(%arg15 : memref<128x64xf32, #tpu.memory_space<vmem>>)
      %dma_start3A_269 = arith.constant 1 : i32
      %dma_start3A_270 = arith.constant 0 : i32
      %dma_start3A_271 = tpu.memref_slice %arg12[%dma_start3A_269, %dma_start3A_270] : memref<4x128xi32, #tpu.memory_space<vmem>> -> memref<1x128xi32, #tpu.memory_space<vmem>>
      %dma_start3A_272 = tpu.memref_squeeze %dma_start3A_271 : memref<1x128xi32, #tpu.memory_space<vmem>> -> memref<128xi32, #tpu.memory_space<vmem>>
      %dma_start3A_273 = arith.constant 0 : i32
      %dma_start3A_274 = arith.constant 0 : i32
      %dma_start3A_275 = tpu.memref_slice %arg19[%dma_start3A_273, %dma_start3A_274] : memref<10000x1xf32, #tpu.memory_space<vmem_shared>> -> memref<10000x1xf32, #tpu.memory_space<vmem_shared>>
      tpu.enqueue_indirect_dma source(%arg14 : memref<128x1xf32, #tpu.memory_space<vmem>>) target(%dma_start3A_275 : memref<10000x1xf32, #tpu.memory_space<vmem_shared>>) offsets(%dma_start3A_272 : memref<128xi32, #tpu.memory_space<vmem>>) semaphore(%arg24 : memref<!tpu.dma_semaphore, #tpu.memory_space<semaphore_mem>>) {add = true}
      %parallel_loop3A = arith.constant 0 : i32
      %parallel_loop3A_276 = arith.constant 128 : i32
      %parallel_loop3A_277 = arith.constant 1 : i32
      scf.for %parallel_loop3A_331 = %parallel_loop3A to %parallel_loop3A_276 step %parallel_loop3A_277  : i32 {
        %parallel_loop3A_332 = vector.broadcast %parallel_loop3A_331 : i32 to vector<16xi32>
        %parallel_loop3A_333 = arith.constant 2 : i32
        %parallel_loop3A_334 = vector.broadcast %parallel_loop3A_333 : i32 to vector<16xi32>
        %parallel_loop3A_335 = tpu.vector_load_idx %arg12[%parallel_loop3A_334, %parallel_loop3A_332] : memref<4x128xi32, #tpu.memory_space<vmem>>[vector<16xi32>, vector<16xi32>], vector<16xi32>,
        %parallel_loop3A_336 = vector.bitcast %parallel_loop3A_335 : vector<16xi32> to vector<16xf32>
        %parallel_loop3A_337 = arith.constant 3 : i32
        %parallel_loop3A_338 = vector.broadcast %parallel_loop3A_337 : i32 to vector<16xi32>
        %parallel_loop3A_339 = tpu.vector_load_idx %arg12[%parallel_loop3A_338, %parallel_loop3A_332] : memref<4x128xi32, #tpu.memory_space<vmem>>[vector<16xi32>, vector<16xi32>], vector<16xi32>,
        %parallel_loop3A_340 = vector.bitcast %parallel_loop3A_339 : vector<16xi32> to vector<16xf32>
        %parallel_loop3A_341 = arith.index_cast %parallel_loop3A_331 : i32 to index
        %parallel_loop3A_342 = arith.constant 0 : index
        %parallel_loop3A_343 = tpu.vector_load %arg15[%parallel_loop3A_341, %parallel_loop3A_342] {strides = array<i32>} : memref<128x64xf32, #tpu.memory_space<vmem>>, vector<16xf32>,
        %parallel_loop3A_344 = arith.mulf %parallel_loop3A_343, %parallel_loop3A_336 : vector<16xf32>
        %parallel_loop3A_345 = arith.index_cast %parallel_loop3A_331 : i32 to index
        %parallel_loop3A_346 = arith.constant 0 : index
        %parallel_loop3A_347 = tpu.vector_load %arg17[%parallel_loop3A_345, %parallel_loop3A_346] {strides = array<i32>} : memref<128x128xf32, #tpu.memory_space<vmem>>, vector<16xf32>,
        tpu.vector_store %arg17[%parallel_loop3A_345, %parallel_loop3A_346], %parallel_loop3A_344 {strides = array<i32>} : memref<128x128xf32, #tpu.memory_space<vmem>>, vector<16xf32>,
        %parallel_loop3A_348 = arith.mulf %parallel_loop3A_343, %parallel_loop3A_340 : vector<16xf32>
        %parallel_loop3A_349 = arith.index_cast %parallel_loop3A_331 : i32 to index
        %parallel_loop3A_350 = arith.constant 64 : index
        %parallel_loop3A_351 = tpu.vector_load %arg17[%parallel_loop3A_349, %parallel_loop3A_350] {strides = array<i32>} : memref<128x128xf32, #tpu.memory_space<vmem>>, vector<16xf32>,
        tpu.vector_store %arg17[%parallel_loop3A_349, %parallel_loop3A_350], %parallel_loop3A_348 {strides = array<i32>} : memref<128x128xf32, #tpu.memory_space<vmem>>, vector<16xf32>,
        %parallel_loop3A_352 = arith.index_cast %parallel_loop3A_331 : i32 to index
        %parallel_loop3A_353 = arith.constant 16 : index
        %parallel_loop3A_354 = tpu.vector_load %arg15[%parallel_loop3A_352, %parallel_loop3A_353] {strides = array<i32>} : memref<128x64xf32, #tpu.memory_space<vmem>>, vector<16xf32>,
        %parallel_loop3A_355 = arith.mulf %parallel_loop3A_354, %parallel_loop3A_336 : vector<16xf32>
        %parallel_loop3A_356 = arith.index_cast %parallel_loop3A_331 : i32 to index
        %parallel_loop3A_357 = arith.constant 16 : index
        %parallel_loop3A_358 = tpu.vector_load %arg17[%parallel_loop3A_356, %parallel_loop3A_357] {strides = array<i32>} : memref<128x128xf32, #tpu.memory_space<vmem>>, vector<16xf32>,
        tpu.vector_store %arg17[%parallel_loop3A_356, %parallel_loop3A_357], %parallel_loop3A_355 {strides = array<i32>} : memref<128x128xf32, #tpu.memory_space<vmem>>, vector<16xf32>,
        %parallel_loop3A_359 = arith.mulf %parallel_loop3A_354, %parallel_loop3A_340 : vector<16xf32>
        %parallel_loop3A_360 = arith.index_cast %parallel_loop3A_331 : i32 to index
        %parallel_loop3A_361 = arith.constant 80 : index
        %parallel_loop3A_362 = tpu.vector_load %arg17[%parallel_loop3A_360, %parallel_loop3A_361] {strides = array<i32>} : memref<128x128xf32, #tpu.memory_space<vmem>>, vector<16xf32>,
        tpu.vector_store %arg17[%parallel_loop3A_360, %parallel_loop3A_361], %parallel_loop3A_359 {strides = array<i32>} : memref<128x128xf32, #tpu.memory_space<vmem>>, vector<16xf32>,
        %parallel_loop3A_363 = arith.index_cast %parallel_loop3A_331 : i32 to index
        %parallel_loop3A_364 = arith.constant 32 : index
        %parallel_loop3A_365 = tpu.vector_load %arg15[%parallel_loop3A_363, %parallel_loop3A_364] {strides = array<i32>} : memref<128x64xf32, #tpu.memory_space<vmem>>, vector<16xf32>,
        %parallel_loop3A_366 = arith.mulf %parallel_loop3A_365, %parallel_loop3A_336 : vector<16xf32>
        %parallel_loop3A_367 = arith.index_cast %parallel_loop3A_331 : i32 to index
        %parallel_loop3A_368 = arith.constant 32 : index
        %parallel_loop3A_369 = tpu.vector_load %arg17[%parallel_loop3A_367, %parallel_loop3A_368] {strides = array<i32>} : memref<128x128xf32, #tpu.memory_space<vmem>>, vector<16xf32>,
        tpu.vector_store %arg17[%parallel_loop3A_367, %parallel_loop3A_368], %parallel_loop3A_366 {strides = array<i32>} : memref<128x128xf32, #tpu.memory_space<vmem>>, vector<16xf32>,
        %parallel_loop3A_370 = arith.mulf %parallel_loop3A_365, %parallel_loop3A_340 : vector<16xf32>
        %parallel_loop3A_371 = arith.index_cast %parallel_loop3A_331 : i32 to index
        %parallel_loop3A_372 = arith.constant 96 : index
        %parallel_loop3A_373 = tpu.vector_load %arg17[%parallel_loop3A_371, %parallel_loop3A_372] {strides = array<i32>} : memref<128x128xf32, #tpu.memory_space<vmem>>, vector<16xf32>,
        tpu.vector_store %arg17[%parallel_loop3A_371, %parallel_loop3A_372], %parallel_loop3A_370 {strides = array<i32>} : memref<128x128xf32, #tpu.memory_space<vmem>>, vector<16xf32>,
        %parallel_loop3A_374 = arith.index_cast %parallel_loop3A_331 : i32 to index
        %parallel_loop3A_375 = arith.constant 48 : index
        %parallel_loop3A_376 = tpu.vector_load %arg15[%parallel_loop3A_374, %parallel_loop3A_375] {strides = array<i32>} : memref<128x64xf32, #tpu.memory_space<vmem>>, vector<16xf32>,
        %parallel_loop3A_377 = arith.mulf %parallel_loop3A_376, %parallel_loop3A_336 : vector<16xf32>
        %parallel_loop3A_378 = arith.index_cast %parallel_loop3A_331 : i32 to index
        %parallel_loop3A_379 = arith.constant 48 : index
        %parallel_loop3A_380 = tpu.vector_load %arg17[%parallel_loop3A_378, %parallel_loop3A_379] {strides = array<i32>} : memref<128x128xf32, #tpu.memory_space<vmem>>, vector<16xf32>,
        tpu.vector_store %arg17[%parallel_loop3A_378, %parallel_loop3A_379], %parallel_loop3A_377 {strides = array<i32>} : memref<128x128xf32, #tpu.memory_space<vmem>>, vector<16xf32>,
        %parallel_loop3A_381 = arith.mulf %parallel_loop3A_376, %parallel_loop3A_340 : vector<16xf32>
        %parallel_loop3A_382 = arith.index_cast %parallel_loop3A_331 : i32 to index
        %parallel_loop3A_383 = arith.constant 112 : index
        %parallel_loop3A_384 = tpu.vector_load %arg17[%parallel_loop3A_382, %parallel_loop3A_383] {strides = array<i32>} : memref<128x128xf32, #tpu.memory_space<vmem>>, vector<16xf32>,
        tpu.vector_store %arg17[%parallel_loop3A_382, %parallel_loop3A_383], %parallel_loop3A_381 {strides = array<i32>} : memref<128x128xf32, #tpu.memory_space<vmem>>, vector<16xf32>,
      } {sc.loop_unroll_factor = 4 : i64, sc.parallel_access}
      %dma_wait3A_278 = arith.constant 1 : i32
      %dma_wait3A_279 = arith.constant 0 : i32
      %dma_wait3A_280 = tpu.memref_slice %arg12[%dma_wait3A_278, %dma_wait3A_279] : memref<4x128xi32, #tpu.memory_space<vmem>> -> memref<1x128xi32, #tpu.memory_space<vmem>>
      %dma_wait3A_281 = tpu.memref_squeeze %dma_wait3A_280 : memref<1x128xi32, #tpu.memory_space<vmem>> -> memref<128xi32, #tpu.memory_space<vmem>>
      %dma_wait3A_282 = arith.constant 0 : i32
      %dma_wait3A_283 = arith.constant 0 : i32
      %dma_wait3A_284 = tpu.memref_slice %arg19[%dma_wait3A_282, %dma_wait3A_283] : memref<10000x1xf32, #tpu.memory_space<vmem_shared>> -> memref<10000x1xf32, #tpu.memory_space<vmem_shared>>
      tpu.wait_indirect_dma semaphore(%arg24 : memref<!tpu.dma_semaphore, #tpu.memory_space<semaphore_mem>>) src(%arg14 : memref<128x1xf32, #tpu.memory_space<vmem>>) dst(%dma_wait3A_284 : memref<10000x1xf32, #tpu.memory_space<vmem_shared>>)
      %run_scoped3A = arith.constant 1 : i32
      "tpu.region"() ({
        %run_scoped3A_331 = tpu.sem_alloc : memref<!tpu.dma_semaphore, #tpu.memory_space<semaphore_mem>>
        %dma_start3A_332 = arith.constant 0 : i32
        %dma_start3A_333 = tpu.memref_slice %arg12[%run_scoped3A, %dma_start3A_332] : memref<4x128xi32, #tpu.memory_space<vmem>> -> memref<1x128xi32, #tpu.memory_space<vmem>>
        %dma_start3A_334 = tpu.memref_squeeze %dma_start3A_333 : memref<1x128xi32, #tpu.memory_space<vmem>> -> memref<128xi32, #tpu.memory_space<vmem>>
        %dma_start3A_335 = arith.constant 0 : i32
        %dma_start3A_336 = arith.constant 0 : i32
        %dma_start3A_337 = tpu.memref_slice %arg18[%dma_start3A_335, %dma_start3A_336] : memref<10000x128xf32, #tpu.memory_space<vmem_shared>> -> memref<10000x128xf32, #tpu.memory_space<vmem_shared>>
        tpu.enqueue_indirect_dma source(%arg17 : memref<128x128xf32, #tpu.memory_space<vmem>>) target(%dma_start3A_337 : memref<10000x128xf32, #tpu.memory_space<vmem_shared>>) offsets(%dma_start3A_334 : memref<128xi32, #tpu.memory_space<vmem>>) semaphore(%run_scoped3A_331 : memref<!tpu.dma_semaphore, #tpu.memory_space<semaphore_mem>>) {add = true}
        %dma_wait3A_338 = arith.constant 0 : i32
        %dma_wait3A_339 = tpu.memref_slice %arg12[%run_scoped3A, %dma_wait3A_338] : memref<4x128xi32, #tpu.memory_space<vmem>> -> memref<1x128xi32, #tpu.memory_space<vmem>>
        %dma_wait3A_340 = tpu.memref_squeeze %dma_wait3A_339 : memref<1x128xi32, #tpu.memory_space<vmem>> -> memref<128xi32, #tpu.memory_space<vmem>>
        %dma_wait3A_341 = arith.constant 0 : i32
        %dma_wait3A_342 = arith.constant 0 : i32
        %dma_wait3A_343 = tpu.memref_slice %arg18[%dma_wait3A_341, %dma_wait3A_342] : memref<10000x128xf32, #tpu.memory_space<vmem_shared>> -> memref<10000x128xf32, #tpu.memory_space<vmem_shared>>
        tpu.wait_indirect_dma semaphore(%run_scoped3A_331 : memref<!tpu.dma_semaphore, #tpu.memory_space<semaphore_mem>>) src(%arg17 : memref<128x128xf32, #tpu.memory_space<vmem>>) dst(%dma_wait3A_343 : memref<10000x128xf32, #tpu.memory_space<vmem_shared>>)
        tpu.yield
      }) : () -> ()
      %add3A_285 = arith.constant 2 : i32
      %add3A_286 = arith.addi %add3A_245, %add3A_285 : i32
      %lt3A_287 = arith.constant 80 : i32
      %lt3A_288 = arith.cmpi slt, %add3A_286, %lt3A_287 : i32
      %convert_element_type3A_289 = arith.extui %lt3A_288 : i1 to i32
      %cond3A_290 = arith.constant 0 : i32
      %cond3A_291 = arith.cmpi ne, %convert_element_type3A_289, %cond3A_290 : i32
      scf.if %cond3A_291 {
        %add3A_331 = arith.constant 2 : i32
        %add3A_332 = arith.addi %add3A_245, %add3A_331 : i32
        %dma_start3A_333 = arith.constant 0 : i32
        %dma_start3A_334 = arith.constant 0 : i32
        %dma_start3A_335 = tpu.memref_slice %arg6[%add3A, %add3A_332, %dma_start3A_333, %dma_start3A_334] : memref<32x80x4x128xi32, #tpu.memory_space<hbm>> -> memref<1x1x4x128xi32, #tpu.memory_space<hbm>>
        %dma_start3A_336 = tpu.memref_squeeze %dma_start3A_335 : memref<1x1x4x128xi32, #tpu.memory_space<hbm>> -> memref<4x128xi32, #tpu.memory_space<hbm>>
        %dma_start3A_337 = arith.constant 0 : i32
        %dma_start3A_338 = arith.constant 0 : i32
        %dma_start3A_339 = tpu.memref_slice %arg6[%add3A, %add3A_332, %dma_start3A_337, %dma_start3A_338] : memref<32x80x4x128xi32, #tpu.memory_space<hbm>> -> memref<1x1x4x128xi32, #tpu.memory_space<hbm>>
        %dma_start3A_340 = tpu.memref_squeeze %dma_start3A_339 : memref<1x1x4x128xi32, #tpu.memory_space<hbm>> -> memref<4x128xi32, #tpu.memory_space<hbm>>
        tpu.enqueue_dma source(%dma_start3A_340 : memref<4x128xi32, #tpu.memory_space<hbm>>) target(%arg12 : memref<4x128xi32, #tpu.memory_space<vmem>>) target_semaphore(%arg20 : memref<!tpu.dma_semaphore, #tpu.memory_space<semaphore_mem>>)
      } else {
      }
      %dma_wait3A_292 = arith.constant 0 : i32
      %dma_wait3A_293 = arith.constant 0 : i32
      %dma_wait3A_294 = tpu.memref_slice %arg12[%dma_wait3A_292, %dma_wait3A_293] : memref<4x128xi32, #tpu.memory_space<vmem>> -> memref<1x128xi32, #tpu.memory_space<vmem>>
      %dma_wait3A_295 = tpu.memref_squeeze %dma_wait3A_294 : memref<1x128xi32, #tpu.memory_space<vmem>> -> memref<128xi32, #tpu.memory_space<vmem>>
      %dma_wait3A_296 = arith.constant 0 : i32
      %dma_wait3A_297 = arith.constant 0 : i32
      %dma_wait3A_298 = tpu.memref_slice %arg2[%dma_wait3A_296, %dma_wait3A_297] : memref<10000x64xf32, #tpu.memory_space<hbm>> -> memref<10000x64xf32, #tpu.memory_space<hbm>>
      tpu.wait_indirect_dma semaphore(%arg23 : memref<!tpu.dma_semaphore, #tpu.memory_space<semaphore_mem>>) src(%dma_wait3A_298 : memref<10000x64xf32, #tpu.memory_space<hbm>>) dst(%arg16 : memref<128x64xf32, #tpu.memory_space<vmem>>)
      %dma_start3A_299 = arith.constant 1 : i32
      %dma_start3A_300 = arith.constant 0 : i32
      %dma_start3A_301 = tpu.memref_slice %arg13[%dma_start3A_299, %dma_start3A_300] : memref<4x128xi32, #tpu.memory_space<vmem>> -> memref<1x128xi32, #tpu.memory_space<vmem>>
      %dma_start3A_302 = tpu.memref_squeeze %dma_start3A_301 : memref<1x128xi32, #tpu.memory_space<vmem>> -> memref<128xi32, #tpu.memory_space<vmem>>
      %dma_start3A_303 = arith.constant 0 : i32
      %dma_start3A_304 = arith.constant 0 : i32
      %dma_start3A_305 = tpu.memref_slice %arg19[%dma_start3A_303, %dma_start3A_304] : memref<10000x1xf32, #tpu.memory_space<vmem_shared>> -> memref<10000x1xf32, #tpu.memory_space<vmem_shared>>
      tpu.enqueue_indirect_dma source(%arg14 : memref<128x1xf32, #tpu.memory_space<vmem>>) target(%dma_start3A_305 : memref<10000x1xf32, #tpu.memory_space<vmem_shared>>) offsets(%dma_start3A_302 : memref<128xi32, #tpu.memory_space<vmem>>) semaphore(%arg24 : memref<!tpu.dma_semaphore, #tpu.memory_space<semaphore_mem>>) {add = true}
      %parallel_loop3A_306 = arith.constant 0 : i32
      %parallel_loop3A_307 = arith.constant 128 : i32
      %parallel_loop3A_308 = arith.constant 1 : i32
      scf.for %parallel_loop3A_331 = %parallel_loop3A_306 to %parallel_loop3A_307 step %parallel_loop3A_308  : i32 {
        %parallel_loop3A_332 = vector.broadcast %parallel_loop3A_331 : i32 to vector<16xi32>
        %parallel_loop3A_333 = arith.constant 2 : i32
        %parallel_loop3A_334 = vector.broadcast %parallel_loop3A_333 : i32 to vector<16xi32>
        %parallel_loop3A_335 = tpu.vector_load_idx %arg13[%parallel_loop3A_334, %parallel_loop3A_332] : memref<4x128xi32, #tpu.memory_space<vmem>>[vector<16xi32>, vector<16xi32>], vector<16xi32>,
        %parallel_loop3A_336 = vector.bitcast %parallel_loop3A_335 : vector<16xi32> to vector<16xf32>
        %parallel_loop3A_337 = arith.constant 3 : i32
        %parallel_loop3A_338 = vector.broadcast %parallel_loop3A_337 : i32 to vector<16xi32>
        %parallel_loop3A_339 = tpu.vector_load_idx %arg13[%parallel_loop3A_338, %parallel_loop3A_332] : memref<4x128xi32, #tpu.memory_space<vmem>>[vector<16xi32>, vector<16xi32>], vector<16xi32>,
        %parallel_loop3A_340 = vector.bitcast %parallel_loop3A_339 : vector<16xi32> to vector<16xf32>
        %parallel_loop3A_341 = arith.index_cast %parallel_loop3A_331 : i32 to index
        %parallel_loop3A_342 = arith.constant 0 : index
        %parallel_loop3A_343 = tpu.vector_load %arg16[%parallel_loop3A_341, %parallel_loop3A_342] {strides = array<i32>} : memref<128x64xf32, #tpu.memory_space<vmem>>, vector<16xf32>,
        %parallel_loop3A_344 = arith.mulf %parallel_loop3A_343, %parallel_loop3A_336 : vector<16xf32>
        %parallel_loop3A_345 = arith.index_cast %parallel_loop3A_331 : i32 to index
        %parallel_loop3A_346 = arith.constant 0 : index
        %parallel_loop3A_347 = tpu.vector_load %arg17[%parallel_loop3A_345, %parallel_loop3A_346] {strides = array<i32>} : memref<128x128xf32, #tpu.memory_space<vmem>>, vector<16xf32>,
        tpu.vector_store %arg17[%parallel_loop3A_345, %parallel_loop3A_346], %parallel_loop3A_344 {strides = array<i32>} : memref<128x128xf32, #tpu.memory_space<vmem>>, vector<16xf32>,
        %parallel_loop3A_348 = arith.mulf %parallel_loop3A_343, %parallel_loop3A_340 : vector<16xf32>
        %parallel_loop3A_349 = arith.index_cast %parallel_loop3A_331 : i32 to index
        %parallel_loop3A_350 = arith.constant 64 : index
        %parallel_loop3A_351 = tpu.vector_load %arg17[%parallel_loop3A_349, %parallel_loop3A_350] {strides = array<i32>} : memref<128x128xf32, #tpu.memory_space<vmem>>, vector<16xf32>,
        tpu.vector_store %arg17[%parallel_loop3A_349, %parallel_loop3A_350], %parallel_loop3A_348 {strides = array<i32>} : memref<128x128xf32, #tpu.memory_space<vmem>>, vector<16xf32>,
        %parallel_loop3A_352 = arith.index_cast %parallel_loop3A_331 : i32 to index
        %parallel_loop3A_353 = arith.constant 16 : index
        %parallel_loop3A_354 = tpu.vector_load %arg16[%parallel_loop3A_352, %parallel_loop3A_353] {strides = array<i32>} : memref<128x64xf32, #tpu.memory_space<vmem>>, vector<16xf32>,
        %parallel_loop3A_355 = arith.mulf %parallel_loop3A_354, %parallel_loop3A_336 : vector<16xf32>
        %parallel_loop3A_356 = arith.index_cast %parallel_loop3A_331 : i32 to index
        %parallel_loop3A_357 = arith.constant 16 : index
        %parallel_loop3A_358 = tpu.vector_load %arg17[%parallel_loop3A_356, %parallel_loop3A_357] {strides = array<i32>} : memref<128x128xf32, #tpu.memory_space<vmem>>, vector<16xf32>,
        tpu.vector_store %arg17[%parallel_loop3A_356, %parallel_loop3A_357], %parallel_loop3A_355 {strides = array<i32>} : memref<128x128xf32, #tpu.memory_space<vmem>>, vector<16xf32>,
        %parallel_loop3A_359 = arith.mulf %parallel_loop3A_354, %parallel_loop3A_340 : vector<16xf32>
        %parallel_loop3A_360 = arith.index_cast %parallel_loop3A_331 : i32 to index
        %parallel_loop3A_361 = arith.constant 80 : index
        %parallel_loop3A_362 = tpu.vector_load %arg17[%parallel_loop3A_360, %parallel_loop3A_361] {strides = array<i32>} : memref<128x128xf32, #tpu.memory_space<vmem>>, vector<16xf32>,
        tpu.vector_store %arg17[%parallel_loop3A_360, %parallel_loop3A_361], %parallel_loop3A_359 {strides = array<i32>} : memref<128x128xf32, #tpu.memory_space<vmem>>, vector<16xf32>,
        %parallel_loop3A_363 = arith.index_cast %parallel_loop3A_331 : i32 to index
        %parallel_loop3A_364 = arith.constant 32 : index
        %parallel_loop3A_365 = tpu.vector_load %arg16[%parallel_loop3A_363, %parallel_loop3A_364] {strides = array<i32>} : memref<128x64xf32, #tpu.memory_space<vmem>>, vector<16xf32>,
        %parallel_loop3A_366 = arith.mulf %parallel_loop3A_365, %parallel_loop3A_336 : vector<16xf32>
        %parallel_loop3A_367 = arith.index_cast %parallel_loop3A_331 : i32 to index
        %parallel_loop3A_368 = arith.constant 32 : index
        %parallel_loop3A_369 = tpu.vector_load %arg17[%parallel_loop3A_367, %parallel_loop3A_368] {strides = array<i32>} : memref<128x128xf32, #tpu.memory_space<vmem>>, vector<16xf32>,
        tpu.vector_store %arg17[%parallel_loop3A_367, %parallel_loop3A_368], %parallel_loop3A_366 {strides = array<i32>} : memref<128x128xf32, #tpu.memory_space<vmem>>, vector<16xf32>,
        %parallel_loop3A_370 = arith.mulf %parallel_loop3A_365, %parallel_loop3A_340 : vector<16xf32>
        %parallel_loop3A_371 = arith.index_cast %parallel_loop3A_331 : i32 to index
        %parallel_loop3A_372 = arith.constant 96 : index
        %parallel_loop3A_373 = tpu.vector_load %arg17[%parallel_loop3A_371, %parallel_loop3A_372] {strides = array<i32>} : memref<128x128xf32, #tpu.memory_space<vmem>>, vector<16xf32>,
        tpu.vector_store %arg17[%parallel_loop3A_371, %parallel_loop3A_372], %parallel_loop3A_370 {strides = array<i32>} : memref<128x128xf32, #tpu.memory_space<vmem>>, vector<16xf32>,
        %parallel_loop3A_374 = arith.index_cast %parallel_loop3A_331 : i32 to index
        %parallel_loop3A_375 = arith.constant 48 : index
        %parallel_loop3A_376 = tpu.vector_load %arg16[%parallel_loop3A_374, %parallel_loop3A_375] {strides = array<i32>} : memref<128x64xf32, #tpu.memory_space<vmem>>, vector<16xf32>,
        %parallel_loop3A_377 = arith.mulf %parallel_loop3A_376, %parallel_loop3A_336 : vector<16xf32>
        %parallel_loop3A_378 = arith.index_cast %parallel_loop3A_331 : i32 to index
        %parallel_loop3A_379 = arith.constant 48 : index
        %parallel_loop3A_380 = tpu.vector_load %arg17[%parallel_loop3A_378, %parallel_loop3A_379] {strides = array<i32>} : memref<128x128xf32, #tpu.memory_space<vmem>>, vector<16xf32>,
        tpu.vector_store %arg17[%parallel_loop3A_378, %parallel_loop3A_379], %parallel_loop3A_377 {strides = array<i32>} : memref<128x128xf32, #tpu.memory_space<vmem>>, vector<16xf32>,
        %parallel_loop3A_381 = arith.mulf %parallel_loop3A_376, %parallel_loop3A_340 : vector<16xf32>
        %parallel_loop3A_382 = arith.index_cast %parallel_loop3A_331 : i32 to index
        %parallel_loop3A_383 = arith.constant 112 : index
        %parallel_loop3A_384 = tpu.vector_load %arg17[%parallel_loop3A_382, %parallel_loop3A_383] {strides = array<i32>} : memref<128x128xf32, #tpu.memory_space<vmem>>, vector<16xf32>,
        tpu.vector_store %arg17[%parallel_loop3A_382, %parallel_loop3A_383], %parallel_loop3A_381 {strides = array<i32>} : memref<128x128xf32, #tpu.memory_space<vmem>>, vector<16xf32>,
      } {sc.loop_unroll_factor = 4 : i64, sc.parallel_access}
      %dma_wait3A_309 = arith.constant 1 : i32
      %dma_wait3A_310 = arith.constant 0 : i32
      %dma_wait3A_311 = tpu.memref_slice %arg13[%dma_wait3A_309, %dma_wait3A_310] : memref<4x128xi32, #tpu.memory_space<vmem>> -> memref<1x128xi32, #tpu.memory_space<vmem>>
      %dma_wait3A_312 = tpu.memref_squeeze %dma_wait3A_311 : memref<1x128xi32, #tpu.memory_space<vmem>> -> memref<128xi32, #tpu.memory_space<vmem>>
      %dma_wait3A_313 = arith.constant 0 : i32
      %dma_wait3A_314 = arith.constant 0 : i32
      %dma_wait3A_315 = tpu.memref_slice %arg19[%dma_wait3A_313, %dma_wait3A_314] : memref<10000x1xf32, #tpu.memory_space<vmem_shared>> -> memref<10000x1xf32, #tpu.memory_space<vmem_shared>>
      tpu.wait_indirect_dma semaphore(%arg24 : memref<!tpu.dma_semaphore, #tpu.memory_space<semaphore_mem>>) src(%arg14 : memref<128x1xf32, #tpu.memory_space<vmem>>) dst(%dma_wait3A_315 : memref<10000x1xf32, #tpu.memory_space<vmem_shared>>)
      %run_scoped3A_316 = arith.constant 1 : i32
      "tpu.region"() ({
        %run_scoped3A_331 = tpu.sem_alloc : memref<!tpu.dma_semaphore, #tpu.memory_space<semaphore_mem>>
        %dma_start3A_332 = arith.constant 0 : i32
        %dma_start3A_333 = tpu.memref_slice %arg13[%run_scoped3A_316, %dma_start3A_332] : memref<4x128xi32, #tpu.memory_space<vmem>> -> memref<1x128xi32, #tpu.memory_space<vmem>>
        %dma_start3A_334 = tpu.memref_squeeze %dma_start3A_333 : memref<1x128xi32, #tpu.memory_space<vmem>> -> memref<128xi32, #tpu.memory_space<vmem>>
        %dma_start3A_335 = arith.constant 0 : i32
        %dma_start3A_336 = arith.constant 0 : i32
        %dma_start3A_337 = tpu.memref_slice %arg18[%dma_start3A_335, %dma_start3A_336] : memref<10000x128xf32, #tpu.memory_space<vmem_shared>> -> memref<10000x128xf32, #tpu.memory_space<vmem_shared>>
        tpu.enqueue_indirect_dma source(%arg17 : memref<128x128xf32, #tpu.memory_space<vmem>>) target(%dma_start3A_337 : memref<10000x128xf32, #tpu.memory_space<vmem_shared>>) offsets(%dma_start3A_334 : memref<128xi32, #tpu.memory_space<vmem>>) semaphore(%run_scoped3A_331 : memref<!tpu.dma_semaphore, #tpu.memory_space<semaphore_mem>>) {add = true}
        %dma_wait3A_338 = arith.constant 0 : i32
        %dma_wait3A_339 = tpu.memref_slice %arg13[%run_scoped3A_316, %dma_wait3A_338] : memref<4x128xi32, #tpu.memory_space<vmem>> -> memref<1x128xi32, #tpu.memory_space<vmem>>
        %dma_wait3A_340 = tpu.memref_squeeze %dma_wait3A_339 : memref<1x128xi32, #tpu.memory_space<vmem>> -> memref<128xi32, #tpu.memory_space<vmem>>
        %dma_wait3A_341 = arith.constant 0 : i32
        %dma_wait3A_342 = arith.constant 0 : i32
        %dma_wait3A_343 = tpu.memref_slice %arg18[%dma_wait3A_341, %dma_wait3A_342] : memref<10000x128xf32, #tpu.memory_space<vmem_shared>> -> memref<10000x128xf32, #tpu.memory_space<vmem_shared>>
        tpu.wait_indirect_dma semaphore(%run_scoped3A_331 : memref<!tpu.dma_semaphore, #tpu.memory_space<semaphore_mem>>) src(%arg17 : memref<128x128xf32, #tpu.memory_space<vmem>>) dst(%dma_wait3A_343 : memref<10000x128xf32, #tpu.memory_space<vmem_shared>>)
        tpu.yield
      }) : () -> ()
      %add3A_317 = arith.constant 2 : i32
      %add3A_318 = arith.addi %add3A_245, %add3A_317 : i32
      %lt3A_319 = arith.constant 80 : i32
      %lt3A_320 = arith.cmpi slt, %add3A_318, %lt3A_319 : i32
      %convert_element_type3A_321 = arith.extui %lt3A_320 : i1 to i32
      %cond3A_322 = arith.constant 0 : i32
      %cond3A_323 = arith.cmpi ne, %convert_element_type3A_321, %cond3A_322 : i32
      scf.if %cond3A_323 {
        %dma_wait3A_331 = arith.constant 0 : i32
        %dma_wait3A_332 = arith.constant 0 : i32
        %dma_wait3A_333 = arith.constant 0 : i32
        %dma_wait3A_334 = tpu.memref_slice %arg6[%add3A, %dma_wait3A_331, %dma_wait3A_332, %dma_wait3A_333] : memref<32x80x4x128xi32, #tpu.memory_space<hbm>> -> memref<1x1x4x128xi32, #tpu.memory_space<hbm>>
        %dma_wait3A_335 = tpu.memref_squeeze %dma_wait3A_334 : memref<1x1x4x128xi32, #tpu.memory_space<hbm>> -> memref<4x128xi32, #tpu.memory_space<hbm>>
        %dma_wait3A_336 = arith.constant 0 : i32
        %dma_wait3A_337 = arith.constant 0 : i32
        %dma_wait3A_338 = tpu.memref_slice %arg6[%add3A, %dma_wait3A_331, %dma_wait3A_336, %dma_wait3A_337] : memref<32x80x4x128xi32, #tpu.memory_space<hbm>> -> memref<1x1x4x128xi32, #tpu.memory_space<hbm>>
        %dma_wait3A_339 = tpu.memref_squeeze %dma_wait3A_338 : memref<1x1x4x128xi32, #tpu.memory_space<hbm>> -> memref<4x128xi32, #tpu.memory_space<hbm>>
        tpu.wait_dma2 semaphore(%arg20 : memref<!tpu.dma_semaphore, #tpu.memory_space<semaphore_mem>>) src(%dma_wait3A_339 : memref<4x128xi32, #tpu.memory_space<hbm>>) dst(%arg12 : memref<4x128xi32, #tpu.memory_space<vmem>>)
        %dma_start3A_340 = arith.constant 0 : i32
        %dma_start3A_341 = arith.constant 0 : i32
        %dma_start3A_342 = tpu.memref_slice %arg12[%dma_start3A_340, %dma_start3A_341] : memref<4x128xi32, #tpu.memory_space<vmem>> -> memref<1x128xi32, #tpu.memory_space<vmem>>
        %dma_start3A_343 = tpu.memref_squeeze %dma_start3A_342 : memref<1x128xi32, #tpu.memory_space<vmem>> -> memref<128xi32, #tpu.memory_space<vmem>>
        %dma_start3A_344 = arith.constant 0 : i32
        %dma_start3A_345 = arith.constant 0 : i32
        %dma_start3A_346 = tpu.memref_slice %arg2[%dma_start3A_344, %dma_start3A_345] : memref<10000x64xf32, #tpu.memory_space<hbm>> -> memref<10000x64xf32, #tpu.memory_space<hbm>>
        tpu.enqueue_indirect_dma source(%dma_start3A_346 : memref<10000x64xf32, #tpu.memory_space<hbm>>) target(%arg15 : memref<128x64xf32, #tpu.memory_space<vmem>>) offsets(%dma_start3A_343 : memref<128xi32, #tpu.memory_space<vmem>>) semaphore(%arg22 : memref<!tpu.dma_semaphore, #tpu.memory_space<semaphore_mem>>)
      } else {
      }
      %add3A_324 = arith.constant 3 : i32
      %add3A_325 = arith.addi %add3A_245, %add3A_324 : i32
      %lt3A_326 = arith.constant 80 : i32
      %lt3A_327 = arith.cmpi slt, %add3A_325, %lt3A_326 : i32
      %convert_element_type3A_328 = arith.extui %lt3A_327 : i1 to i32
      %cond3A_329 = arith.constant 0 : i32
      %cond3A_330 = arith.cmpi ne, %convert_element_type3A_328, %cond3A_329 : i32
      scf.if %cond3A_330 {
        %add3A_331 = arith.constant 3 : i32
        %add3A_332 = arith.addi %add3A_245, %add3A_331 : i32
        %dma_start3A_333 = arith.constant 0 : i32
        %dma_start3A_334 = arith.constant 0 : i32
        %dma_start3A_335 = tpu.memref_slice %arg6[%add3A, %add3A_332, %dma_start3A_333, %dma_start3A_334] : memref<32x80x4x128xi32, #tpu.memory_space<hbm>> -> memref<1x1x4x128xi32, #tpu.memory_space<hbm>>
        %dma_start3A_336 = tpu.memref_squeeze %dma_start3A_335 : memref<1x1x4x128xi32, #tpu.memory_space<hbm>> -> memref<4x128xi32, #tpu.memory_space<hbm>>
        %dma_start3A_337 = arith.constant 0 : i32
        %dma_start3A_338 = arith.constant 0 : i32
        %dma_start3A_339 = tpu.memref_slice %arg6[%add3A, %add3A_332, %dma_start3A_337, %dma_start3A_338] : memref<32x80x4x128xi32, #tpu.memory_space<hbm>> -> memref<1x1x4x128xi32, #tpu.memory_space<hbm>>
        %dma_start3A_340 = tpu.memref_squeeze %dma_start3A_339 : memref<1x1x4x128xi32, #tpu.memory_space<hbm>> -> memref<4x128xi32, #tpu.memory_space<hbm>>
        tpu.enqueue_dma source(%dma_start3A_340 : memref<4x128xi32, #tpu.memory_space<hbm>>) target(%arg13 : memref<4x128xi32, #tpu.memory_space<vmem>>) target_semaphore(%arg21 : memref<!tpu.dma_semaphore, #tpu.memory_space<semaphore_mem>>)
      } else {
      }
    }
    %scan3A_42 = arith.constant 40 : i32
    %barrier3A_43 = arith.constant 0 : index
    tpu.barrier barrier_id(%barrier3A_43)
    %lt3A_44 = arith.constant 15 : i32
    %lt3A_45 = arith.cmpi slt, %arg1, %lt3A_44 : i32
    %convert_element_type3A_46 = arith.extui %lt3A_45 : i1 to i32
    %cond3A_47 = arith.constant 0 : i32
    %cond3A_48 = arith.cmpi ne, %convert_element_type3A_46, %cond3A_47 : i32
    scf.if %cond3A_48 {
      %mul3A_241 = arith.constant 640 : i32
      %mul3A_242 = arith.muli %arg1, %mul3A_241 : i32
      %mul3A_243 = arith.constant 4 : i32
      %mul3A_244 = arith.muli %arg0, %mul3A_243 : i32
      %add3A_245 = arith.constant 0 : i32
      %add3A_246 = arith.addi %mul3A_244, %add3A_245 : i32
      %mul3A_247 = arith.constant 10000 : i32
      %mul3A_248 = arith.muli %add3A_246, %mul3A_247 : i32
      %add3A_249 = arith.addi %mul3A_248, %mul3A_242 : i32
      "tpu.region"() ({
        %run_scoped3A = tpu.sem_alloc : memref<!tpu.dma_semaphore, #tpu.memory_space<semaphore_mem>>
        %dma_start3A_253 = arith.constant 0 : i32
        %dma_start3A_254 = tpu.memref_slice %arg10[%add3A_249, %dma_start3A_253] : memref<80000x128xf32, #tpu.memory_space<hbm>> -> memref<640x128xf32, #tpu.memory_space<hbm>>
        %dma_start3A_255 = arith.constant 0 : i32
        %dma_start3A_256 = tpu.memref_slice %arg18[%mul3A_242, %dma_start3A_255] : memref<10000x128xf32, #tpu.memory_space<vmem_shared>> -> memref<640x128xf32, #tpu.memory_space<vmem_shared>>
        tpu.enqueue_dma source(%dma_start3A_256 : memref<640x128xf32, #tpu.memory_space<vmem_shared>>) target(%dma_start3A_254 : memref<640x128xf32, #tpu.memory_space<hbm>>) target_semaphore(%run_scoped3A : memref<!tpu.dma_semaphore, #tpu.memory_space<semaphore_mem>>)
        %dma_wait3A_257 = arith.constant 0 : i32
        %dma_wait3A_258 = tpu.memref_slice %arg10[%add3A_249, %dma_wait3A_257] : memref<80000x128xf32, #tpu.memory_space<hbm>> -> memref<640x128xf32, #tpu.memory_space<hbm>>
        %dma_wait3A_259 = arith.constant 0 : i32
        %dma_wait3A_260 = tpu.memref_slice %arg18[%mul3A_242, %dma_wait3A_259] : memref<10000x128xf32, #tpu.memory_space<vmem_shared>> -> memref<640x128xf32, #tpu.memory_space<vmem_shared>>
        tpu.wait_dma2 semaphore(%run_scoped3A : memref<!tpu.dma_semaphore, #tpu.memory_space<semaphore_mem>>) src(%dma_wait3A_260 : memref<640x128xf32, #tpu.memory_space<vmem_shared>>) dst(%dma_wait3A_258 : memref<640x128xf32, #tpu.memory_space<hbm>>)
        tpu.yield
      }) : () -> ()
      %mul3A_250 = arith.constant 10000 : i32
      %mul3A_251 = arith.muli %arg0, %mul3A_250 : i32
      %add3A_252 = arith.addi %mul3A_251, %mul3A_242 : i32
      "tpu.region"() ({
        %run_scoped3A = tpu.sem_alloc : memref<!tpu.dma_semaphore, #tpu.memory_space<semaphore_mem>>
        %dma_start3A_253 = arith.constant 0 : i32
        %dma_start3A_254 = tpu.memref_slice %arg11[%add3A_252, %dma_start3A_253] : memref<20000x1xf32, #tpu.memory_space<hbm>> -> memref<640x1xf32, #tpu.memory_space<hbm>>
        %dma_start3A_255 = arith.constant 0 : i32
        %dma_start3A_256 = tpu.memref_slice %arg19[%mul3A_242, %dma_start3A_255] : memref<10000x1xf32, #tpu.memory_space<vmem_shared>> -> memref<640x1xf32, #tpu.memory_space<vmem_shared>>
        tpu.enqueue_dma source(%dma_start3A_256 : memref<640x1xf32, #tpu.memory_space<vmem_shared>>) target(%dma_start3A_254 : memref<640x1xf32, #tpu.memory_space<hbm>>) target_semaphore(%run_scoped3A : memref<!tpu.dma_semaphore, #tpu.memory_space<semaphore_mem>>)
        %dma_wait3A_257 = arith.constant 0 : i32
        %dma_wait3A_258 = tpu.memref_slice %arg11[%add3A_252, %dma_wait3A_257] : memref<20000x1xf32, #tpu.memory_space<hbm>> -> memref<640x1xf32, #tpu.memory_space<hbm>>
        %dma_wait3A_259 = arith.constant 0 : i32
        %dma_wait3A_260 = tpu.memref_slice %arg19[%mul3A_242, %dma_wait3A_259] : memref<10000x1xf32, #tpu.memory_space<vmem_shared>> -> memref<640x1xf32, #tpu.memory_space<vmem_shared>>
        tpu.wait_dma2 semaphore(%run_scoped3A : memref<!tpu.dma_semaphore, #tpu.memory_space<semaphore_mem>>) src(%dma_wait3A_260 : memref<640x1xf32, #tpu.memory_space<vmem_shared>>) dst(%dma_wait3A_258 : memref<640x1xf32, #tpu.memory_space<hbm>>)
        tpu.yield
      }) : () -> ()
    } else {
    }
    %eq3A_49 = arith.constant 15 : i32
    %eq3A_50 = arith.cmpi eq, %arg1, %eq3A_49 : i32
    %convert_element_type3A_51 = arith.extui %eq3A_50 : i1 to i32
    %cond3A_52 = arith.constant 0 : i32
    %cond3A_53 = arith.cmpi ne, %convert_element_type3A_51, %cond3A_52 : i32
    scf.if %cond3A_53 {
      %mul3A_241 = arith.constant 4 : i32
      %mul3A_242 = arith.muli %arg0, %mul3A_241 : i32
      %add3A_243 = arith.constant 0 : i32
      %add3A_244 = arith.addi %mul3A_242, %add3A_243 : i32
      %mul3A_245 = arith.constant 10000 : i32
      %mul3A_246 = arith.muli %add3A_244, %mul3A_245 : i32
      %add3A_247 = arith.constant 9600 : i32
      %add3A_248 = arith.addi %mul3A_246, %add3A_247 : i32
      "tpu.region"() ({
        %run_scoped3A = tpu.sem_alloc : memref<!tpu.dma_semaphore, #tpu.memory_space<semaphore_mem>>
        %dma_start3A_253 = arith.constant 0 : i32
        %dma_start3A_254 = tpu.memref_slice %arg10[%add3A_248, %dma_start3A_253] : memref<80000x128xf32, #tpu.memory_space<hbm>> -> memref<400x128xf32, #tpu.memory_space<hbm>>
        %dma_start3A_255 = arith.constant 9600 : i32
        %dma_start3A_256 = arith.constant 0 : i32
        %dma_start3A_257 = tpu.memref_slice %arg18[%dma_start3A_255, %dma_start3A_256] : memref<10000x128xf32, #tpu.memory_space<vmem_shared>> -> memref<400x128xf32, #tpu.memory_space<vmem_shared>>
        tpu.enqueue_dma source(%dma_start3A_257 : memref<400x128xf32, #tpu.memory_space<vmem_shared>>) target(%dma_start3A_254 : memref<400x128xf32, #tpu.memory_space<hbm>>) target_semaphore(%run_scoped3A : memref<!tpu.dma_semaphore, #tpu.memory_space<semaphore_mem>>)
        %dma_wait3A_258 = arith.constant 0 : i32
        %dma_wait3A_259 = tpu.memref_slice %arg10[%add3A_248, %dma_wait3A_258] : memref<80000x128xf32, #tpu.memory_space<hbm>> -> memref<400x128xf32, #tpu.memory_space<hbm>>
        %dma_wait3A_260 = arith.constant 9600 : i32
        %dma_wait3A_261 = arith.constant 0 : i32
        %dma_wait3A_262 = tpu.memref_slice %arg18[%dma_wait3A_260, %dma_wait3A_261] : memref<10000x128xf32, #tpu.memory_space<vmem_shared>> -> memref<400x128xf32, #tpu.memory_space<vmem_shared>>
        tpu.wait_dma2 semaphore(%run_scoped3A : memref<!tpu.dma_semaphore, #tpu.memory_space<semaphore_mem>>) src(%dma_wait3A_262 : memref<400x128xf32, #tpu.memory_space<vmem_shared>>) dst(%dma_wait3A_259 : memref<400x128xf32, #tpu.memory_space<hbm>>)
        tpu.yield
      }) : () -> ()
      %mul3A_249 = arith.constant 10000 : i32
      %mul3A_250 = arith.muli %arg0, %mul3A_249 : i32
      %add3A_251 = arith.constant 9600 : i32
      %add3A_252 = arith.addi %mul3A_250, %add3A_251 : i32
      "tpu.region"() ({
        %run_scoped3A = tpu.sem_alloc : memref<!tpu.dma_semaphore, #tpu.memory_space<semaphore_mem>>
        %dma_start3A_253 = arith.constant 0 : i32
        %dma_start3A_254 = tpu.memref_slice %arg11[%add3A_252, %dma_start3A_253] : memref<20000x1xf32, #tpu.memory_space<hbm>> -> memref<400x1xf32, #tpu.memory_space<hbm>>
        %dma_start3A_255 = arith.constant 9600 : i32
        %dma_start3A_256 = arith.constant 0 : i32
        %dma_start3A_257 = tpu.memref_slice %arg19[%dma_start3A_255, %dma_start3A_256] : memref<10000x1xf32, #tpu.memory_space<vmem_shared>> -> memref<400x1xf32, #tpu.memory_space<vmem_shared>>
        tpu.enqueue_dma source(%dma_start3A_257 : memref<400x1xf32, #tpu.memory_space<vmem_shared>>) target(%dma_start3A_254 : memref<400x1xf32, #tpu.memory_space<hbm>>) target_semaphore(%run_scoped3A : memref<!tpu.dma_semaphore, #tpu.memory_space<semaphore_mem>>)
        %dma_wait3A_258 = arith.constant 0 : i32
        %dma_wait3A_259 = tpu.memref_slice %arg11[%add3A_252, %dma_wait3A_258] : memref<20000x1xf32, #tpu.memory_space<hbm>> -> memref<400x1xf32, #tpu.memory_space<hbm>>
        %dma_wait3A_260 = arith.constant 9600 : i32
        %dma_wait3A_261 = arith.constant 0 : i32
        %dma_wait3A_262 = tpu.memref_slice %arg19[%dma_wait3A_260, %dma_wait3A_261] : memref<10000x1xf32, #tpu.memory_space<vmem_shared>> -> memref<400x1xf32, #tpu.memory_space<vmem_shared>>
        tpu.wait_dma2 semaphore(%run_scoped3A : memref<!tpu.dma_semaphore, #tpu.memory_space<semaphore_mem>>) src(%dma_wait3A_262 : memref<400x1xf32, #tpu.memory_space<vmem_shared>>) dst(%dma_wait3A_259 : memref<400x1xf32, #tpu.memory_space<hbm>>)
        tpu.yield
      }) : () -> ()
    } else {
    }
    %barrier3A_54 = arith.constant 0 : index
    tpu.barrier barrier_id(%barrier3A_54)
    %lt3A_55 = arith.constant 15 : i32
    %lt3A_56 = arith.cmpi slt, %arg1, %lt3A_55 : i32
    %convert_element_type3A_57 = arith.extui %lt3A_56 : i1 to i32
    %cond3A_58 = arith.constant 0 : i32
    %cond3A_59 = arith.cmpi ne, %convert_element_type3A_57, %cond3A_58 : i32
    scf.if %cond3A_59 {
      %mul3A_241 = arith.constant 640 : i32
      %mul3A_242 = arith.muli %arg1, %mul3A_241 : i32
      "tpu.region"() ({
        %run_scoped3A = tpu.sem_alloc : memref<!tpu.dma_semaphore, #tpu.memory_space<semaphore_mem>>
        %dma_start3A_243 = arith.constant 0 : i32
        %dma_start3A_244 = tpu.memref_slice %arg18[%mul3A_242, %dma_start3A_243] : memref<10000x128xf32, #tpu.memory_space<vmem_shared>> -> memref<640x128xf32, #tpu.memory_space<vmem_shared>>
        %dma_start3A_245 = arith.constant 0 : i32
        %dma_start3A_246 = arith.constant 0 : i32
        %dma_start3A_247 = tpu.memref_slice %arg8[%dma_start3A_245, %dma_start3A_246] : memref<640x128xf32, #tpu.memory_space<hbm>> -> memref<640x128xf32, #tpu.memory_space<hbm>>
        tpu.enqueue_dma source(%dma_start3A_247 : memref<640x128xf32, #tpu.memory_space<hbm>>) target(%dma_start3A_244 : memref<640x128xf32, #tpu.memory_space<vmem_shared>>) target_semaphore(%run_scoped3A : memref<!tpu.dma_semaphore, #tpu.memory_space<semaphore_mem>>)
        %dma_wait3A_248 = arith.constant 0 : i32
        %dma_wait3A_249 = tpu.memref_slice %arg18[%mul3A_242, %dma_wait3A_248] : memref<10000x128xf32, #tpu.memory_space<vmem_shared>> -> memref<640x128xf32, #tpu.memory_space<vmem_shared>>
        %dma_wait3A_250 = arith.constant 0 : i32
        %dma_wait3A_251 = arith.constant 0 : i32
        %dma_wait3A_252 = tpu.memref_slice %arg8[%dma_wait3A_250, %dma_wait3A_251] : memref<640x128xf32, #tpu.memory_space<hbm>> -> memref<640x128xf32, #tpu.memory_space<hbm>>
        tpu.wait_dma2 semaphore(%run_scoped3A : memref<!tpu.dma_semaphore, #tpu.memory_space<semaphore_mem>>) src(%dma_wait3A_252 : memref<640x128xf32, #tpu.memory_space<hbm>>) dst(%dma_wait3A_249 : memref<640x128xf32, #tpu.memory_space<vmem_shared>>)
        tpu.yield
      }) : () -> ()
    } else {
    }
    %eq3A_60 = arith.constant 15 : i32
    %eq3A_61 = arith.cmpi eq, %arg1, %eq3A_60 : i32
    %convert_element_type3A_62 = arith.extui %eq3A_61 : i1 to i32
    %cond3A_63 = arith.constant 0 : i32
    %cond3A_64 = arith.cmpi ne, %convert_element_type3A_62, %cond3A_63 : i32
    scf.if %cond3A_64 {
      "tpu.region"() ({
        %run_scoped3A = tpu.sem_alloc : memref<!tpu.dma_semaphore, #tpu.memory_space<semaphore_mem>>
        %dma_start3A_241 = arith.constant 9600 : i32
        %dma_start3A_242 = arith.constant 0 : i32
        %dma_start3A_243 = tpu.memref_slice %arg18[%dma_start3A_241, %dma_start3A_242] : memref<10000x128xf32, #tpu.memory_space<vmem_shared>> -> memref<400x128xf32, #tpu.memory_space<vmem_shared>>
        %dma_start3A_244 = arith.constant 0 : i32
        %dma_start3A_245 = arith.constant 0 : i32
        %dma_start3A_246 = tpu.memref_slice %arg8[%dma_start3A_244, %dma_start3A_245] : memref<640x128xf32, #tpu.memory_space<hbm>> -> memref<400x128xf32, #tpu.memory_space<hbm>>
        tpu.enqueue_dma source(%dma_start3A_246 : memref<400x128xf32, #tpu.memory_space<hbm>>) target(%dma_start3A_243 : memref<400x128xf32, #tpu.memory_space<vmem_shared>>) target_semaphore(%run_scoped3A : memref<!tpu.dma_semaphore, #tpu.memory_space<semaphore_mem>>)
        %dma_wait3A_247 = arith.constant 9600 : i32
        %dma_wait3A_248 = arith.constant 0 : i32
        %dma_wait3A_249 = tpu.memref_slice %arg18[%dma_wait3A_247, %dma_wait3A_248] : memref<10000x128xf32, #tpu.memory_space<vmem_shared>> -> memref<400x128xf32, #tpu.memory_space<vmem_shared>>
        %dma_wait3A_250 = arith.constant 0 : i32
        %dma_wait3A_251 = arith.constant 0 : i32
        %dma_wait3A_252 = tpu.memref_slice %arg8[%dma_wait3A_250, %dma_wait3A_251] : memref<640x128xf32, #tpu.memory_space<hbm>> -> memref<400x128xf32, #tpu.memory_space<hbm>>
        tpu.wait_dma2 semaphore(%run_scoped3A : memref<!tpu.dma_semaphore, #tpu.memory_space<semaphore_mem>>) src(%dma_wait3A_252 : memref<400x128xf32, #tpu.memory_space<hbm>>) dst(%dma_wait3A_249 : memref<400x128xf32, #tpu.memory_space<vmem_shared>>)
        tpu.yield
      }) : () -> ()
    } else {
    }
    %barrier3A_65 = arith.constant 0 : index
    tpu.barrier barrier_id(%barrier3A_65)
    %dma_start3A_66 = arith.constant 0 : i32
    %dma_start3A_67 = arith.constant 0 : i32
    %dma_start3A_68 = arith.constant 0 : i32
    %dma_start3A_69 = tpu.memref_slice %arg6[%add3A, %dma_start3A_66, %dma_start3A_67, %dma_start3A_68] : memref<32x80x4x128xi32, #tpu.memory_space<hbm>> -> memref<1x1x4x128xi32, #tpu.memory_space<hbm>>
    %dma_start3A_70 = tpu.memref_squeeze %dma_start3A_69 : memref<1x1x4x128xi32, #tpu.memory_space<hbm>> -> memref<4x128xi32, #tpu.memory_space<hbm>>
    %dma_start3A_71 = arith.constant 0 : i32
    %dma_start3A_72 = arith.constant 0 : i32
    %dma_start3A_73 = tpu.memref_slice %arg6[%add3A, %dma_start3A_66, %dma_start3A_71, %dma_start3A_72] : memref<32x80x4x128xi32, #tpu.memory_space<hbm>> -> memref<1x1x4x128xi32, #tpu.memory_space<hbm>>
    %dma_start3A_74 = tpu.memref_squeeze %dma_start3A_73 : memref<1x1x4x128xi32, #tpu.memory_space<hbm>> -> memref<4x128xi32, #tpu.memory_space<hbm>>
    tpu.enqueue_dma source(%dma_start3A_74 : memref<4x128xi32, #tpu.memory_space<hbm>>) target(%arg12 : memref<4x128xi32, #tpu.memory_space<vmem>>) target_semaphore(%arg20 : memref<!tpu.dma_semaphore, #tpu.memory_space<semaphore_mem>>)
    %dma_wait3A_75 = arith.constant 0 : i32
    %dma_wait3A_76 = arith.constant 0 : i32
    %dma_wait3A_77 = arith.constant 0 : i32
    %dma_wait3A_78 = tpu.memref_slice %arg6[%add3A, %dma_wait3A_75, %dma_wait3A_76, %dma_wait3A_77] : memref<32x80x4x128xi32, #tpu.memory_space<hbm>> -> memref<1x1x4x128xi32, #tpu.memory_space<hbm>>
    %dma_wait3A_79 = tpu.memref_squeeze %dma_wait3A_78 : memref<1x1x4x128xi32, #tpu.memory_space<hbm>> -> memref<4x128xi32, #tpu.memory_space<hbm>>
    %dma_wait3A_80 = arith.constant 0 : i32
    %dma_wait3A_81 = arith.constant 0 : i32
    %dma_wait3A_82 = tpu.memref_slice %arg6[%add3A, %dma_wait3A_75, %dma_wait3A_80, %dma_wait3A_81] : memref<32x80x4x128xi32, #tpu.memory_space<hbm>> -> memref<1x1x4x128xi32, #tpu.memory_space<hbm>>
    %dma_wait3A_83 = tpu.memref_squeeze %dma_wait3A_82 : memref<1x1x4x128xi32, #tpu.memory_space<hbm>> -> memref<4x128xi32, #tpu.memory_space<hbm>>
    tpu.wait_dma2 semaphore(%arg20 : memref<!tpu.dma_semaphore, #tpu.memory_space<semaphore_mem>>) src(%dma_wait3A_83 : memref<4x128xi32, #tpu.memory_space<hbm>>) dst(%arg12 : memref<4x128xi32, #tpu.memory_space<vmem>>)
    %dma_start3A_84 = arith.constant 0 : i32
    %dma_start3A_85 = arith.constant 0 : i32
    %dma_start3A_86 = tpu.memref_slice %arg12[%dma_start3A_84, %dma_start3A_85] : memref<4x128xi32, #tpu.memory_space<vmem>> -> memref<1x128xi32, #tpu.memory_space<vmem>>
    %dma_start3A_87 = tpu.memref_squeeze %dma_start3A_86 : memref<1x128xi32, #tpu.memory_space<vmem>> -> memref<128xi32, #tpu.memory_space<vmem>>
    %dma_start3A_88 = arith.constant 0 : i32
    %dma_start3A_89 = arith.constant 0 : i32
    %dma_start3A_90 = tpu.memref_slice %arg3[%dma_start3A_88, %dma_start3A_89] : memref<10000x64xf32, #tpu.memory_space<hbm>> -> memref<10000x64xf32, #tpu.memory_space<hbm>>
    tpu.enqueue_indirect_dma source(%dma_start3A_90 : memref<10000x64xf32, #tpu.memory_space<hbm>>) target(%arg15 : memref<128x64xf32, #tpu.memory_space<vmem>>) offsets(%dma_start3A_87 : memref<128xi32, #tpu.memory_space<vmem>>) semaphore(%arg22 : memref<!tpu.dma_semaphore, #tpu.memory_space<semaphore_mem>>)
    %dma_start3A_91 = arith.constant 1 : i32
    %dma_start3A_92 = arith.constant 0 : i32
    %dma_start3A_93 = arith.constant 0 : i32
    %dma_start3A_94 = tpu.memref_slice %arg6[%add3A, %dma_start3A_91, %dma_start3A_92, %dma_start3A_93] : memref<32x80x4x128xi32, #tpu.memory_space<hbm>> -> memref<1x1x4x128xi32, #tpu.memory_space<hbm>>
    %dma_start3A_95 = tpu.memref_squeeze %dma_start3A_94 : memref<1x1x4x128xi32, #tpu.memory_space<hbm>> -> memref<4x128xi32, #tpu.memory_space<hbm>>
    %dma_start3A_96 = arith.constant 0 : i32
    %dma_start3A_97 = arith.constant 0 : i32
    %dma_start3A_98 = tpu.memref_slice %arg6[%add3A, %dma_start3A_91, %dma_start3A_96, %dma_start3A_97] : memref<32x80x4x128xi32, #tpu.memory_space<hbm>> -> memref<1x1x4x128xi32, #tpu.memory_space<hbm>>
    %dma_start3A_99 = tpu.memref_squeeze %dma_start3A_98 : memref<1x1x4x128xi32, #tpu.memory_space<hbm>> -> memref<4x128xi32, #tpu.memory_space<hbm>>
    tpu.enqueue_dma source(%dma_start3A_99 : memref<4x128xi32, #tpu.memory_space<hbm>>) target(%arg13 : memref<4x128xi32, #tpu.memory_space<vmem>>) target_semaphore(%arg21 : memref<!tpu.dma_semaphore, #tpu.memory_space<semaphore_mem>>)
    %scan3A_100 = arith.constant 0 : i32
    %scan3A_101 = arith.constant 40 : i32
    %scan3A_102 = arith.addi %scan3A_100, %scan3A_101 : i32
    %scan3A_103 = arith.constant 1 : i32
    scf.for %scan3A_241 = %scan3A_100 to %scan3A_102 step %scan3A_103  : i32 {
      %mul3A_242 = arith.constant 2 : i32
      %mul3A_243 = arith.muli %scan3A_241, %mul3A_242 : i32
      %add3A_244 = arith.constant 0 : i32
      %add3A_245 = arith.addi %add3A_244, %mul3A_243 : i32
      %dma_wait3A_246 = arith.constant 0 : i32
      %dma_wait3A_247 = arith.constant 0 : i32
      %dma_wait3A_248 = arith.constant 0 : i32
      %dma_wait3A_249 = tpu.memref_slice %arg6[%add3A, %dma_wait3A_246, %dma_wait3A_247, %dma_wait3A_248] : memref<32x80x4x128xi32, #tpu.memory_space<hbm>> -> memref<1x1x4x128xi32, #tpu.memory_space<hbm>>
      %dma_wait3A_250 = tpu.memref_squeeze %dma_wait3A_249 : memref<1x1x4x128xi32, #tpu.memory_space<hbm>> -> memref<4x128xi32, #tpu.memory_space<hbm>>
      %dma_wait3A_251 = arith.constant 0 : i32
      %dma_wait3A_252 = arith.constant 0 : i32
      %dma_wait3A_253 = tpu.memref_slice %arg6[%add3A, %dma_wait3A_246, %dma_wait3A_251, %dma_wait3A_252] : memref<32x80x4x128xi32, #tpu.memory_space<hbm>> -> memref<1x1x4x128xi32, #tpu.memory_space<hbm>>
      %dma_wait3A_254 = tpu.memref_squeeze %dma_wait3A_253 : memref<1x1x4x128xi32, #tpu.memory_space<hbm>> -> memref<4x128xi32, #tpu.memory_space<hbm>>
      tpu.wait_dma2 semaphore(%arg21 : memref<!tpu.dma_semaphore, #tpu.memory_space<semaphore_mem>>) src(%dma_wait3A_254 : memref<4x128xi32, #tpu.memory_space<hbm>>) dst(%arg13 : memref<4x128xi32, #tpu.memory_space<vmem>>)
      %dma_start3A_255 = arith.constant 0 : i32
      %dma_start3A_256 = arith.constant 0 : i32
      %dma_start3A_257 = tpu.memref_slice %arg13[%dma_start3A_255, %dma_start3A_256] : memref<4x128xi32, #tpu.memory_space<vmem>> -> memref<1x128xi32, #tpu.memory_space<vmem>>
      %dma_start3A_258 = tpu.memref_squeeze %dma_start3A_257 : memref<1x128xi32, #tpu.memory_space<vmem>> -> memref<128xi32, #tpu.memory_space<vmem>>
      %dma_start3A_259 = arith.constant 0 : i32
      %dma_start3A_260 = arith.constant 0 : i32
      %dma_start3A_261 = tpu.memref_slice %arg3[%dma_start3A_259, %dma_start3A_260] : memref<10000x64xf32, #tpu.memory_space<hbm>> -> memref<10000x64xf32, #tpu.memory_space<hbm>>
      tpu.enqueue_indirect_dma source(%dma_start3A_261 : memref<10000x64xf32, #tpu.memory_space<hbm>>) target(%arg16 : memref<128x64xf32, #tpu.memory_space<vmem>>) offsets(%dma_start3A_258 : memref<128xi32, #tpu.memory_space<vmem>>) semaphore(%arg23 : memref<!tpu.dma_semaphore, #tpu.memory_space<semaphore_mem>>)
      %dma_wait3A_262 = arith.constant 0 : i32
      %dma_wait3A_263 = arith.constant 0 : i32
      %dma_wait3A_264 = tpu.memref_slice %arg12[%dma_wait3A_262, %dma_wait3A_263] : memref<4x128xi32, #tpu.memory_space<vmem>> -> memref<1x128xi32, #tpu.memory_space<vmem>>
      %dma_wait3A_265 = tpu.memref_squeeze %dma_wait3A_264 : memref<1x128xi32, #tpu.memory_space<vmem>> -> memref<128xi32, #tpu.memory_space<vmem>>
      %dma_wait3A_266 = arith.constant 0 : i32
      %dma_wait3A_267 = arith.constant 0 : i32
      %dma_wait3A_268 = tpu.memref_slice %arg3[%dma_wait3A_266, %dma_wait3A_267] : memref<10000x64xf32, #tpu.memory_space<hbm>> -> memref<10000x64xf32, #tpu.memory_space<hbm>>
      tpu.wait_indirect_dma semaphore(%arg22 : memref<!tpu.dma_semaphore, #tpu.memory_space<semaphore_mem>>) src(%dma_wait3A_268 : memref<10000x64xf32, #tpu.memory_space<hbm>>) dst(%arg15 : memref<128x64xf32, #tpu.memory_space<vmem>>)
      %parallel_loop3A = arith.constant 0 : i32
      %parallel_loop3A_269 = arith.constant 128 : i32
      %parallel_loop3A_270 = arith.constant 1 : i32
      scf.for %parallel_loop3A_303 = %parallel_loop3A to %parallel_loop3A_269 step %parallel_loop3A_270  : i32 {
        %parallel_loop3A_304 = vector.broadcast %parallel_loop3A_303 : i32 to vector<16xi32>
        %parallel_loop3A_305 = arith.constant 2 : i32
        %parallel_loop3A_306 = vector.broadcast %parallel_loop3A_305 : i32 to vector<16xi32>
        %parallel_loop3A_307 = tpu.vector_load_idx %arg12[%parallel_loop3A_306, %parallel_loop3A_304] : memref<4x128xi32, #tpu.memory_space<vmem>>[vector<16xi32>, vector<16xi32>], vector<16xi32>,
        %parallel_loop3A_308 = vector.bitcast %parallel_loop3A_307 : vector<16xi32> to vector<16xf32>
        %parallel_loop3A_309 = arith.constant 3 : i32
        %parallel_loop3A_310 = vector.broadcast %parallel_loop3A_309 : i32 to vector<16xi32>
        %parallel_loop3A_311 = tpu.vector_load_idx %arg12[%parallel_loop3A_310, %parallel_loop3A_304] : memref<4x128xi32, #tpu.memory_space<vmem>>[vector<16xi32>, vector<16xi32>], vector<16xi32>,
        %parallel_loop3A_312 = vector.bitcast %parallel_loop3A_311 : vector<16xi32> to vector<16xf32>
        %parallel_loop3A_313 = arith.index_cast %parallel_loop3A_303 : i32 to index
        %parallel_loop3A_314 = arith.constant 0 : index
        %parallel_loop3A_315 = tpu.vector_load %arg15[%parallel_loop3A_313, %parallel_loop3A_314] {strides = array<i32>} : memref<128x64xf32, #tpu.memory_space<vmem>>, vector<16xf32>,
        %parallel_loop3A_316 = arith.mulf %parallel_loop3A_315, %parallel_loop3A_308 : vector<16xf32>
        %parallel_loop3A_317 = arith.index_cast %parallel_loop3A_303 : i32 to index
        %parallel_loop3A_318 = arith.constant 0 : index
        %parallel_loop3A_319 = tpu.vector_load %arg17[%parallel_loop3A_317, %parallel_loop3A_318] {strides = array<i32>} : memref<128x128xf32, #tpu.memory_space<vmem>>, vector<16xf32>,
        tpu.vector_store %arg17[%parallel_loop3A_317, %parallel_loop3A_318], %parallel_loop3A_316 {strides = array<i32>} : memref<128x128xf32, #tpu.memory_space<vmem>>, vector<16xf32>,
        %parallel_loop3A_320 = arith.mulf %parallel_loop3A_315, %parallel_loop3A_312 : vector<16xf32>
        %parallel_loop3A_321 = arith.index_cast %parallel_loop3A_303 : i32 to index
        %parallel_loop3A_322 = arith.constant 64 : index
        %parallel_loop3A_323 = tpu.vector_load %arg17[%parallel_loop3A_321, %parallel_loop3A_322] {strides = array<i32>} : memref<128x128xf32, #tpu.memory_space<vmem>>, vector<16xf32>,
        tpu.vector_store %arg17[%parallel_loop3A_321, %parallel_loop3A_322], %parallel_loop3A_320 {strides = array<i32>} : memref<128x128xf32, #tpu.memory_space<vmem>>, vector<16xf32>,
        %parallel_loop3A_324 = arith.index_cast %parallel_loop3A_303 : i32 to index
        %parallel_loop3A_325 = arith.constant 16 : index
        %parallel_loop3A_326 = tpu.vector_load %arg15[%parallel_loop3A_324, %parallel_loop3A_325] {strides = array<i32>} : memref<128x64xf32, #tpu.memory_space<vmem>>, vector<16xf32>,
        %parallel_loop3A_327 = arith.mulf %parallel_loop3A_326, %parallel_loop3A_308 : vector<16xf32>
        %parallel_loop3A_328 = arith.index_cast %parallel_loop3A_303 : i32 to index
        %parallel_loop3A_329 = arith.constant 16 : index
        %parallel_loop3A_330 = tpu.vector_load %arg17[%parallel_loop3A_328, %parallel_loop3A_329] {strides = array<i32>} : memref<128x128xf32, #tpu.memory_space<vmem>>, vector<16xf32>,
        tpu.vector_store %arg17[%parallel_loop3A_328, %parallel_loop3A_329], %parallel_loop3A_327 {strides = array<i32>} : memref<128x128xf32, #tpu.memory_space<vmem>>, vector<16xf32>,
        %parallel_loop3A_331 = arith.mulf %parallel_loop3A_326, %parallel_loop3A_312 : vector<16xf32>
        %parallel_loop3A_332 = arith.index_cast %parallel_loop3A_303 : i32 to index
        %parallel_loop3A_333 = arith.constant 80 : index
        %parallel_loop3A_334 = tpu.vector_load %arg17[%parallel_loop3A_332, %parallel_loop3A_333] {strides = array<i32>} : memref<128x128xf32, #tpu.memory_space<vmem>>, vector<16xf32>,
        tpu.vector_store %arg17[%parallel_loop3A_332, %parallel_loop3A_333], %parallel_loop3A_331 {strides = array<i32>} : memref<128x128xf32, #tpu.memory_space<vmem>>, vector<16xf32>,
        %parallel_loop3A_335 = arith.index_cast %parallel_loop3A_303 : i32 to index
        %parallel_loop3A_336 = arith.constant 32 : index
        %parallel_loop3A_337 = tpu.vector_load %arg15[%parallel_loop3A_335, %parallel_loop3A_336] {strides = array<i32>} : memref<128x64xf32, #tpu.memory_space<vmem>>, vector<16xf32>,
        %parallel_loop3A_338 = arith.mulf %parallel_loop3A_337, %parallel_loop3A_308 : vector<16xf32>
        %parallel_loop3A_339 = arith.index_cast %parallel_loop3A_303 : i32 to index
        %parallel_loop3A_340 = arith.constant 32 : index
        %parallel_loop3A_341 = tpu.vector_load %arg17[%parallel_loop3A_339, %parallel_loop3A_340] {strides = array<i32>} : memref<128x128xf32, #tpu.memory_space<vmem>>, vector<16xf32>,
        tpu.vector_store %arg17[%parallel_loop3A_339, %parallel_loop3A_340], %parallel_loop3A_338 {strides = array<i32>} : memref<128x128xf32, #tpu.memory_space<vmem>>, vector<16xf32>,
        %parallel_loop3A_342 = arith.mulf %parallel_loop3A_337, %parallel_loop3A_312 : vector<16xf32>
        %parallel_loop3A_343 = arith.index_cast %parallel_loop3A_303 : i32 to index
        %parallel_loop3A_344 = arith.constant 96 : index
        %parallel_loop3A_345 = tpu.vector_load %arg17[%parallel_loop3A_343, %parallel_loop3A_344] {strides = array<i32>} : memref<128x128xf32, #tpu.memory_space<vmem>>, vector<16xf32>,
        tpu.vector_store %arg17[%parallel_loop3A_343, %parallel_loop3A_344], %parallel_loop3A_342 {strides = array<i32>} : memref<128x128xf32, #tpu.memory_space<vmem>>, vector<16xf32>,
        %parallel_loop3A_346 = arith.index_cast %parallel_loop3A_303 : i32 to index
        %parallel_loop3A_347 = arith.constant 48 : index
        %parallel_loop3A_348 = tpu.vector_load %arg15[%parallel_loop3A_346, %parallel_loop3A_347] {strides = array<i32>} : memref<128x64xf32, #tpu.memory_space<vmem>>, vector<16xf32>,
        %parallel_loop3A_349 = arith.mulf %parallel_loop3A_348, %parallel_loop3A_308 : vector<16xf32>
        %parallel_loop3A_350 = arith.index_cast %parallel_loop3A_303 : i32 to index
        %parallel_loop3A_351 = arith.constant 48 : index
        %parallel_loop3A_352 = tpu.vector_load %arg17[%parallel_loop3A_350, %parallel_loop3A_351] {strides = array<i32>} : memref<128x128xf32, #tpu.memory_space<vmem>>, vector<16xf32>,
        tpu.vector_store %arg17[%parallel_loop3A_350, %parallel_loop3A_351], %parallel_loop3A_349 {strides = array<i32>} : memref<128x128xf32, #tpu.memory_space<vmem>>, vector<16xf32>,
        %parallel_loop3A_353 = arith.mulf %parallel_loop3A_348, %parallel_loop3A_312 : vector<16xf32>
        %parallel_loop3A_354 = arith.index_cast %parallel_loop3A_303 : i32 to index
        %parallel_loop3A_355 = arith.constant 112 : index
        %parallel_loop3A_356 = tpu.vector_load %arg17[%parallel_loop3A_354, %parallel_loop3A_355] {strides = array<i32>} : memref<128x128xf32, #tpu.memory_space<vmem>>, vector<16xf32>,
        tpu.vector_store %arg17[%parallel_loop3A_354, %parallel_loop3A_355], %parallel_loop3A_353 {strides = array<i32>} : memref<128x128xf32, #tpu.memory_space<vmem>>, vector<16xf32>,
      } {sc.loop_unroll_factor = 4 : i64, sc.parallel_access}
      %run_scoped3A = arith.constant 1 : i32
      "tpu.region"() ({
        %run_scoped3A_303 = tpu.sem_alloc : memref<!tpu.dma_semaphore, #tpu.memory_space<semaphore_mem>>
        %dma_start3A_304 = arith.constant 0 : i32
        %dma_start3A_305 = tpu.memref_slice %arg12[%run_scoped3A, %dma_start3A_304] : memref<4x128xi32, #tpu.memory_space<vmem>> -> memref<1x128xi32, #tpu.memory_space<vmem>>
        %dma_start3A_306 = tpu.memref_squeeze %dma_start3A_305 : memref<1x128xi32, #tpu.memory_space<vmem>> -> memref<128xi32, #tpu.memory_space<vmem>>
        %dma_start3A_307 = arith.constant 0 : i32
        %dma_start3A_308 = arith.constant 0 : i32
        %dma_start3A_309 = tpu.memref_slice %arg18[%dma_start3A_307, %dma_start3A_308] : memref<10000x128xf32, #tpu.memory_space<vmem_shared>> -> memref<10000x128xf32, #tpu.memory_space<vmem_shared>>
        tpu.enqueue_indirect_dma source(%arg17 : memref<128x128xf32, #tpu.memory_space<vmem>>) target(%dma_start3A_309 : memref<10000x128xf32, #tpu.memory_space<vmem_shared>>) offsets(%dma_start3A_306 : memref<128xi32, #tpu.memory_space<vmem>>) semaphore(%run_scoped3A_303 : memref<!tpu.dma_semaphore, #tpu.memory_space<semaphore_mem>>) {add = true}
        %dma_wait3A_310 = arith.constant 0 : i32
        %dma_wait3A_311 = tpu.memref_slice %arg12[%run_scoped3A, %dma_wait3A_310] : memref<4x128xi32, #tpu.memory_space<vmem>> -> memref<1x128xi32, #tpu.memory_space<vmem>>
        %dma_wait3A_312 = tpu.memref_squeeze %dma_wait3A_311 : memref<1x128xi32, #tpu.memory_space<vmem>> -> memref<128xi32, #tpu.memory_space<vmem>>
        %dma_wait3A_313 = arith.constant 0 : i32
        %dma_wait3A_314 = arith.constant 0 : i32
        %dma_wait3A_315 = tpu.memref_slice %arg18[%dma_wait3A_313, %dma_wait3A_314] : memref<10000x128xf32, #tpu.memory_space<vmem_shared>> -> memref<10000x128xf32, #tpu.memory_space<vmem_shared>>
        tpu.wait_indirect_dma semaphore(%run_scoped3A_303 : memref<!tpu.dma_semaphore, #tpu.memory_space<semaphore_mem>>) src(%arg17 : memref<128x128xf32, #tpu.memory_space<vmem>>) dst(%dma_wait3A_315 : memref<10000x128xf32, #tpu.memory_space<vmem_shared>>)
        tpu.yield
      }) : () -> ()
      %add3A_271 = arith.constant 2 : i32
      %add3A_272 = arith.addi %add3A_245, %add3A_271 : i32
      %lt3A_273 = arith.constant 80 : i32
      %lt3A_274 = arith.cmpi slt, %add3A_272, %lt3A_273 : i32
      %convert_element_type3A_275 = arith.extui %lt3A_274 : i1 to i32
      %cond3A_276 = arith.constant 0 : i32
      %cond3A_277 = arith.cmpi ne, %convert_element_type3A_275, %cond3A_276 : i32
      scf.if %cond3A_277 {
        %add3A_303 = arith.constant 2 : i32
        %add3A_304 = arith.addi %add3A_245, %add3A_303 : i32
        %dma_start3A_305 = arith.constant 0 : i32
        %dma_start3A_306 = arith.constant 0 : i32
        %dma_start3A_307 = tpu.memref_slice %arg6[%add3A, %add3A_304, %dma_start3A_305, %dma_start3A_306] : memref<32x80x4x128xi32, #tpu.memory_space<hbm>> -> memref<1x1x4x128xi32, #tpu.memory_space<hbm>>
        %dma_start3A_308 = tpu.memref_squeeze %dma_start3A_307 : memref<1x1x4x128xi32, #tpu.memory_space<hbm>> -> memref<4x128xi32, #tpu.memory_space<hbm>>
        %dma_start3A_309 = arith.constant 0 : i32
        %dma_start3A_310 = arith.constant 0 : i32
        %dma_start3A_311 = tpu.memref_slice %arg6[%add3A, %add3A_304, %dma_start3A_309, %dma_start3A_310] : memref<32x80x4x128xi32, #tpu.memory_space<hbm>> -> memref<1x1x4x128xi32, #tpu.memory_space<hbm>>
        %dma_start3A_312 = tpu.memref_squeeze %dma_start3A_311 : memref<1x1x4x128xi32, #tpu.memory_space<hbm>> -> memref<4x128xi32, #tpu.memory_space<hbm>>
        tpu.enqueue_dma source(%dma_start3A_312 : memref<4x128xi32, #tpu.memory_space<hbm>>) target(%arg12 : memref<4x128xi32, #tpu.memory_space<vmem>>) target_semaphore(%arg20 : memref<!tpu.dma_semaphore, #tpu.memory_space<semaphore_mem>>)
      } else {
      }
      %dma_wait3A_278 = arith.constant 0 : i32
      %dma_wait3A_279 = arith.constant 0 : i32
      %dma_wait3A_280 = tpu.memref_slice %arg12[%dma_wait3A_278, %dma_wait3A_279] : memref<4x128xi32, #tpu.memory_space<vmem>> -> memref<1x128xi32, #tpu.memory_space<vmem>>
      %dma_wait3A_281 = tpu.memref_squeeze %dma_wait3A_280 : memref<1x128xi32, #tpu.memory_space<vmem>> -> memref<128xi32, #tpu.memory_space<vmem>>
      %dma_wait3A_282 = arith.constant 0 : i32
      %dma_wait3A_283 = arith.constant 0 : i32
      %dma_wait3A_284 = tpu.memref_slice %arg3[%dma_wait3A_282, %dma_wait3A_283] : memref<10000x64xf32, #tpu.memory_space<hbm>> -> memref<10000x64xf32, #tpu.memory_space<hbm>>
      tpu.wait_indirect_dma semaphore(%arg23 : memref<!tpu.dma_semaphore, #tpu.memory_space<semaphore_mem>>) src(%dma_wait3A_284 : memref<10000x64xf32, #tpu.memory_space<hbm>>) dst(%arg16 : memref<128x64xf32, #tpu.memory_space<vmem>>)
      %parallel_loop3A_285 = arith.constant 0 : i32
      %parallel_loop3A_286 = arith.constant 128 : i32
      %parallel_loop3A_287 = arith.constant 1 : i32
      scf.for %parallel_loop3A_303 = %parallel_loop3A_285 to %parallel_loop3A_286 step %parallel_loop3A_287  : i32 {
        %parallel_loop3A_304 = vector.broadcast %parallel_loop3A_303 : i32 to vector<16xi32>
        %parallel_loop3A_305 = arith.constant 2 : i32
        %parallel_loop3A_306 = vector.broadcast %parallel_loop3A_305 : i32 to vector<16xi32>
        %parallel_loop3A_307 = tpu.vector_load_idx %arg13[%parallel_loop3A_306, %parallel_loop3A_304] : memref<4x128xi32, #tpu.memory_space<vmem>>[vector<16xi32>, vector<16xi32>], vector<16xi32>,
        %parallel_loop3A_308 = vector.bitcast %parallel_loop3A_307 : vector<16xi32> to vector<16xf32>
        %parallel_loop3A_309 = arith.constant 3 : i32
        %parallel_loop3A_310 = vector.broadcast %parallel_loop3A_309 : i32 to vector<16xi32>
        %parallel_loop3A_311 = tpu.vector_load_idx %arg13[%parallel_loop3A_310, %parallel_loop3A_304] : memref<4x128xi32, #tpu.memory_space<vmem>>[vector<16xi32>, vector<16xi32>], vector<16xi32>,
        %parallel_loop3A_312 = vector.bitcast %parallel_loop3A_311 : vector<16xi32> to vector<16xf32>
        %parallel_loop3A_313 = arith.index_cast %parallel_loop3A_303 : i32 to index
        %parallel_loop3A_314 = arith.constant 0 : index
        %parallel_loop3A_315 = tpu.vector_load %arg16[%parallel_loop3A_313, %parallel_loop3A_314] {strides = array<i32>} : memref<128x64xf32, #tpu.memory_space<vmem>>, vector<16xf32>,
        %parallel_loop3A_316 = arith.mulf %parallel_loop3A_315, %parallel_loop3A_308 : vector<16xf32>
        %parallel_loop3A_317 = arith.index_cast %parallel_loop3A_303 : i32 to index
        %parallel_loop3A_318 = arith.constant 0 : index
        %parallel_loop3A_319 = tpu.vector_load %arg17[%parallel_loop3A_317, %parallel_loop3A_318] {strides = array<i32>} : memref<128x128xf32, #tpu.memory_space<vmem>>, vector<16xf32>,
        tpu.vector_store %arg17[%parallel_loop3A_317, %parallel_loop3A_318], %parallel_loop3A_316 {strides = array<i32>} : memref<128x128xf32, #tpu.memory_space<vmem>>, vector<16xf32>,
        %parallel_loop3A_320 = arith.mulf %parallel_loop3A_315, %parallel_loop3A_312 : vector<16xf32>
        %parallel_loop3A_321 = arith.index_cast %parallel_loop3A_303 : i32 to index
        %parallel_loop3A_322 = arith.constant 64 : index
        %parallel_loop3A_323 = tpu.vector_load %arg17[%parallel_loop3A_321, %parallel_loop3A_322] {strides = array<i32>} : memref<128x128xf32, #tpu.memory_space<vmem>>, vector<16xf32>,
        tpu.vector_store %arg17[%parallel_loop3A_321, %parallel_loop3A_322], %parallel_loop3A_320 {strides = array<i32>} : memref<128x128xf32, #tpu.memory_space<vmem>>, vector<16xf32>,
        %parallel_loop3A_324 = arith.index_cast %parallel_loop3A_303 : i32 to index
        %parallel_loop3A_325 = arith.constant 16 : index
        %parallel_loop3A_326 = tpu.vector_load %arg16[%parallel_loop3A_324, %parallel_loop3A_325] {strides = array<i32>} : memref<128x64xf32, #tpu.memory_space<vmem>>, vector<16xf32>,
        %parallel_loop3A_327 = arith.mulf %parallel_loop3A_326, %parallel_loop3A_308 : vector<16xf32>
        %parallel_loop3A_328 = arith.index_cast %parallel_loop3A_303 : i32 to index
        %parallel_loop3A_329 = arith.constant 16 : index
        %parallel_loop3A_330 = tpu.vector_load %arg17[%parallel_loop3A_328, %parallel_loop3A_329] {strides = array<i32>} : memref<128x128xf32, #tpu.memory_space<vmem>>, vector<16xf32>,
        tpu.vector_store %arg17[%parallel_loop3A_328, %parallel_loop3A_329], %parallel_loop3A_327 {strides = array<i32>} : memref<128x128xf32, #tpu.memory_space<vmem>>, vector<16xf32>,
        %parallel_loop3A_331 = arith.mulf %parallel_loop3A_326, %parallel_loop3A_312 : vector<16xf32>
        %parallel_loop3A_332 = arith.index_cast %parallel_loop3A_303 : i32 to index
        %parallel_loop3A_333 = arith.constant 80 : index
        %parallel_loop3A_334 = tpu.vector_load %arg17[%parallel_loop3A_332, %parallel_loop3A_333] {strides = array<i32>} : memref<128x128xf32, #tpu.memory_space<vmem>>, vector<16xf32>,
        tpu.vector_store %arg17[%parallel_loop3A_332, %parallel_loop3A_333], %parallel_loop3A_331 {strides = array<i32>} : memref<128x128xf32, #tpu.memory_space<vmem>>, vector<16xf32>,
        %parallel_loop3A_335 = arith.index_cast %parallel_loop3A_303 : i32 to index
        %parallel_loop3A_336 = arith.constant 32 : index
        %parallel_loop3A_337 = tpu.vector_load %arg16[%parallel_loop3A_335, %parallel_loop3A_336] {strides = array<i32>} : memref<128x64xf32, #tpu.memory_space<vmem>>, vector<16xf32>,
        %parallel_loop3A_338 = arith.mulf %parallel_loop3A_337, %parallel_loop3A_308 : vector<16xf32>
        %parallel_loop3A_339 = arith.index_cast %parallel_loop3A_303 : i32 to index
        %parallel_loop3A_340 = arith.constant 32 : index
        %parallel_loop3A_341 = tpu.vector_load %arg17[%parallel_loop3A_339, %parallel_loop3A_340] {strides = array<i32>} : memref<128x128xf32, #tpu.memory_space<vmem>>, vector<16xf32>,
        tpu.vector_store %arg17[%parallel_loop3A_339, %parallel_loop3A_340], %parallel_loop3A_338 {strides = array<i32>} : memref<128x128xf32, #tpu.memory_space<vmem>>, vector<16xf32>,
        %parallel_loop3A_342 = arith.mulf %parallel_loop3A_337, %parallel_loop3A_312 : vector<16xf32>
        %parallel_loop3A_343 = arith.index_cast %parallel_loop3A_303 : i32 to index
        %parallel_loop3A_344 = arith.constant 96 : index
        %parallel_loop3A_345 = tpu.vector_load %arg17[%parallel_loop3A_343, %parallel_loop3A_344] {strides = array<i32>} : memref<128x128xf32, #tpu.memory_space<vmem>>, vector<16xf32>,
        tpu.vector_store %arg17[%parallel_loop3A_343, %parallel_loop3A_344], %parallel_loop3A_342 {strides = array<i32>} : memref<128x128xf32, #tpu.memory_space<vmem>>, vector<16xf32>,
        %parallel_loop3A_346 = arith.index_cast %parallel_loop3A_303 : i32 to index
        %parallel_loop3A_347 = arith.constant 48 : index
        %parallel_loop3A_348 = tpu.vector_load %arg16[%parallel_loop3A_346, %parallel_loop3A_347] {strides = array<i32>} : memref<128x64xf32, #tpu.memory_space<vmem>>, vector<16xf32>,
        %parallel_loop3A_349 = arith.mulf %parallel_loop3A_348, %parallel_loop3A_308 : vector<16xf32>
        %parallel_loop3A_350 = arith.index_cast %parallel_loop3A_303 : i32 to index
        %parallel_loop3A_351 = arith.constant 48 : index
        %parallel_loop3A_352 = tpu.vector_load %arg17[%parallel_loop3A_350, %parallel_loop3A_351] {strides = array<i32>} : memref<128x128xf32, #tpu.memory_space<vmem>>, vector<16xf32>,
        tpu.vector_store %arg17[%parallel_loop3A_350, %parallel_loop3A_351], %parallel_loop3A_349 {strides = array<i32>} : memref<128x128xf32, #tpu.memory_space<vmem>>, vector<16xf32>,
        %parallel_loop3A_353 = arith.mulf %parallel_loop3A_348, %parallel_loop3A_312 : vector<16xf32>
        %parallel_loop3A_354 = arith.index_cast %parallel_loop3A_303 : i32 to index
        %parallel_loop3A_355 = arith.constant 112 : index
        %parallel_loop3A_356 = tpu.vector_load %arg17[%parallel_loop3A_354, %parallel_loop3A_355] {strides = array<i32>} : memref<128x128xf32, #tpu.memory_space<vmem>>, vector<16xf32>,
        tpu.vector_store %arg17[%parallel_loop3A_354, %parallel_loop3A_355], %parallel_loop3A_353 {strides = array<i32>} : memref<128x128xf32, #tpu.memory_space<vmem>>, vector<16xf32>,
      } {sc.loop_unroll_factor = 4 : i64, sc.parallel_access}
      %run_scoped3A_288 = arith.constant 1 : i32
      "tpu.region"() ({
        %run_scoped3A_303 = tpu.sem_alloc : memref<!tpu.dma_semaphore, #tpu.memory_space<semaphore_mem>>
        %dma_start3A_304 = arith.constant 0 : i32
        %dma_start3A_305 = tpu.memref_slice %arg13[%run_scoped3A_288, %dma_start3A_304] : memref<4x128xi32, #tpu.memory_space<vmem>> -> memref<1x128xi32, #tpu.memory_space<vmem>>
        %dma_start3A_306 = tpu.memref_squeeze %dma_start3A_305 : memref<1x128xi32, #tpu.memory_space<vmem>> -> memref<128xi32, #tpu.memory_space<vmem>>
        %dma_start3A_307 = arith.constant 0 : i32
        %dma_start3A_308 = arith.constant 0 : i32
        %dma_start3A_309 = tpu.memref_slice %arg18[%dma_start3A_307, %dma_start3A_308] : memref<10000x128xf32, #tpu.memory_space<vmem_shared>> -> memref<10000x128xf32, #tpu.memory_space<vmem_shared>>
        tpu.enqueue_indirect_dma source(%arg17 : memref<128x128xf32, #tpu.memory_space<vmem>>) target(%dma_start3A_309 : memref<10000x128xf32, #tpu.memory_space<vmem_shared>>) offsets(%dma_start3A_306 : memref<128xi32, #tpu.memory_space<vmem>>) semaphore(%run_scoped3A_303 : memref<!tpu.dma_semaphore, #tpu.memory_space<semaphore_mem>>) {add = true}
        %dma_wait3A_310 = arith.constant 0 : i32
        %dma_wait3A_311 = tpu.memref_slice %arg13[%run_scoped3A_288, %dma_wait3A_310] : memref<4x128xi32, #tpu.memory_space<vmem>> -> memref<1x128xi32, #tpu.memory_space<vmem>>
        %dma_wait3A_312 = tpu.memref_squeeze %dma_wait3A_311 : memref<1x128xi32, #tpu.memory_space<vmem>> -> memref<128xi32, #tpu.memory_space<vmem>>
        %dma_wait3A_313 = arith.constant 0 : i32
        %dma_wait3A_314 = arith.constant 0 : i32
        %dma_wait3A_315 = tpu.memref_slice %arg18[%dma_wait3A_313, %dma_wait3A_314] : memref<10000x128xf32, #tpu.memory_space<vmem_shared>> -> memref<10000x128xf32, #tpu.memory_space<vmem_shared>>
        tpu.wait_indirect_dma semaphore(%run_scoped3A_303 : memref<!tpu.dma_semaphore, #tpu.memory_space<semaphore_mem>>) src(%arg17 : memref<128x128xf32, #tpu.memory_space<vmem>>) dst(%dma_wait3A_315 : memref<10000x128xf32, #tpu.memory_space<vmem_shared>>)
        tpu.yield
      }) : () -> ()
      %add3A_289 = arith.constant 2 : i32
      %add3A_290 = arith.addi %add3A_245, %add3A_289 : i32
      %lt3A_291 = arith.constant 80 : i32
      %lt3A_292 = arith.cmpi slt, %add3A_290, %lt3A_291 : i32
      %convert_element_type3A_293 = arith.extui %lt3A_292 : i1 to i32
      %cond3A_294 = arith.constant 0 : i32
      %cond3A_295 = arith.cmpi ne, %convert_element_type3A_293, %cond3A_294 : i32
      scf.if %cond3A_295 {
        %dma_wait3A_303 = arith.constant 0 : i32
        %dma_wait3A_304 = arith.constant 0 : i32
        %dma_wait3A_305 = arith.constant 0 : i32
        %dma_wait3A_306 = tpu.memref_slice %arg6[%add3A, %dma_wait3A_303, %dma_wait3A_304, %dma_wait3A_305] : memref<32x80x4x128xi32, #tpu.memory_space<hbm>> -> memref<1x1x4x128xi32, #tpu.memory_space<hbm>>
        %dma_wait3A_307 = tpu.memref_squeeze %dma_wait3A_306 : memref<1x1x4x128xi32, #tpu.memory_space<hbm>> -> memref<4x128xi32, #tpu.memory_space<hbm>>
        %dma_wait3A_308 = arith.constant 0 : i32
        %dma_wait3A_309 = arith.constant 0 : i32
        %dma_wait3A_310 = tpu.memref_slice %arg6[%add3A, %dma_wait3A_303, %dma_wait3A_308, %dma_wait3A_309] : memref<32x80x4x128xi32, #tpu.memory_space<hbm>> -> memref<1x1x4x128xi32, #tpu.memory_space<hbm>>
        %dma_wait3A_311 = tpu.memref_squeeze %dma_wait3A_310 : memref<1x1x4x128xi32, #tpu.memory_space<hbm>> -> memref<4x128xi32, #tpu.memory_space<hbm>>
        tpu.wait_dma2 semaphore(%arg20 : memref<!tpu.dma_semaphore, #tpu.memory_space<semaphore_mem>>) src(%dma_wait3A_311 : memref<4x128xi32, #tpu.memory_space<hbm>>) dst(%arg12 : memref<4x128xi32, #tpu.memory_space<vmem>>)
        %dma_start3A_312 = arith.constant 0 : i32
        %dma_start3A_313 = arith.constant 0 : i32
        %dma_start3A_314 = tpu.memref_slice %arg12[%dma_start3A_312, %dma_start3A_313] : memref<4x128xi32, #tpu.memory_space<vmem>> -> memref<1x128xi32, #tpu.memory_space<vmem>>
        %dma_start3A_315 = tpu.memref_squeeze %dma_start3A_314 : memref<1x128xi32, #tpu.memory_space<vmem>> -> memref<128xi32, #tpu.memory_space<vmem>>
        %dma_start3A_316 = arith.constant 0 : i32
        %dma_start3A_317 = arith.constant 0 : i32
        %dma_start3A_318 = tpu.memref_slice %arg3[%dma_start3A_316, %dma_start3A_317] : memref<10000x64xf32, #tpu.memory_space<hbm>> -> memref<10000x64xf32, #tpu.memory_space<hbm>>
        tpu.enqueue_indirect_dma source(%dma_start3A_318 : memref<10000x64xf32, #tpu.memory_space<hbm>>) target(%arg15 : memref<128x64xf32, #tpu.memory_space<vmem>>) offsets(%dma_start3A_315 : memref<128xi32, #tpu.memory_space<vmem>>) semaphore(%arg22 : memref<!tpu.dma_semaphore, #tpu.memory_space<semaphore_mem>>)
      } else {
      }
      %add3A_296 = arith.constant 3 : i32
      %add3A_297 = arith.addi %add3A_245, %add3A_296 : i32
      %lt3A_298 = arith.constant 80 : i32
      %lt3A_299 = arith.cmpi slt, %add3A_297, %lt3A_298 : i32
      %convert_element_type3A_300 = arith.extui %lt3A_299 : i1 to i32
      %cond3A_301 = arith.constant 0 : i32
      %cond3A_302 = arith.cmpi ne, %convert_element_type3A_300, %cond3A_301 : i32
      scf.if %cond3A_302 {
        %add3A_303 = arith.constant 3 : i32
        %add3A_304 = arith.addi %add3A_245, %add3A_303 : i32
        %dma_start3A_305 = arith.constant 0 : i32
        %dma_start3A_306 = arith.constant 0 : i32
        %dma_start3A_307 = tpu.memref_slice %arg6[%add3A, %add3A_304, %dma_start3A_305, %dma_start3A_306] : memref<32x80x4x128xi32, #tpu.memory_space<hbm>> -> memref<1x1x4x128xi32, #tpu.memory_space<hbm>>
        %dma_start3A_308 = tpu.memref_squeeze %dma_start3A_307 : memref<1x1x4x128xi32, #tpu.memory_space<hbm>> -> memref<4x128xi32, #tpu.memory_space<hbm>>
        %dma_start3A_309 = arith.constant 0 : i32
        %dma_start3A_310 = arith.constant 0 : i32
        %dma_start3A_311 = tpu.memref_slice %arg6[%add3A, %add3A_304, %dma_start3A_309, %dma_start3A_310] : memref<32x80x4x128xi32, #tpu.memory_space<hbm>> -> memref<1x1x4x128xi32, #tpu.memory_space<hbm>>
        %dma_start3A_312 = tpu.memref_squeeze %dma_start3A_311 : memref<1x1x4x128xi32, #tpu.memory_space<hbm>> -> memref<4x128xi32, #tpu.memory_space<hbm>>
        tpu.enqueue_dma source(%dma_start3A_312 : memref<4x128xi32, #tpu.memory_space<hbm>>) target(%arg13 : memref<4x128xi32, #tpu.memory_space<vmem>>) target_semaphore(%arg21 : memref<!tpu.dma_semaphore, #tpu.memory_space<semaphore_mem>>)
      } else {
      }
    }
    %scan3A_104 = arith.constant 40 : i32
    %barrier3A_105 = arith.constant 0 : index
    tpu.barrier barrier_id(%barrier3A_105)
    %lt3A_106 = arith.constant 15 : i32
    %lt3A_107 = arith.cmpi slt, %arg1, %lt3A_106 : i32
    %convert_element_type3A_108 = arith.extui %lt3A_107 : i1 to i32
    %cond3A_109 = arith.constant 0 : i32
    %cond3A_110 = arith.cmpi ne, %convert_element_type3A_108, %cond3A_109 : i32
    scf.if %cond3A_110 {
      %mul3A_241 = arith.constant 640 : i32
      %mul3A_242 = arith.muli %arg1, %mul3A_241 : i32
      %mul3A_243 = arith.constant 4 : i32
      %mul3A_244 = arith.muli %arg0, %mul3A_243 : i32
      %add3A_245 = arith.constant 1 : i32
      %add3A_246 = arith.addi %mul3A_244, %add3A_245 : i32
      %mul3A_247 = arith.constant 10000 : i32
      %mul3A_248 = arith.muli %add3A_246, %mul3A_247 : i32
      %add3A_249 = arith.addi %mul3A_248, %mul3A_242 : i32
      "tpu.region"() ({
        %run_scoped3A = tpu.sem_alloc : memref<!tpu.dma_semaphore, #tpu.memory_space<semaphore_mem>>
        %dma_start3A_250 = arith.constant 0 : i32
        %dma_start3A_251 = tpu.memref_slice %arg10[%add3A_249, %dma_start3A_250] : memref<80000x128xf32, #tpu.memory_space<hbm>> -> memref<640x128xf32, #tpu.memory_space<hbm>>
        %dma_start3A_252 = arith.constant 0 : i32
        %dma_start3A_253 = tpu.memref_slice %arg18[%mul3A_242, %dma_start3A_252] : memref<10000x128xf32, #tpu.memory_space<vmem_shared>> -> memref<640x128xf32, #tpu.memory_space<vmem_shared>>
        tpu.enqueue_dma source(%dma_start3A_253 : memref<640x128xf32, #tpu.memory_space<vmem_shared>>) target(%dma_start3A_251 : memref<640x128xf32, #tpu.memory_space<hbm>>) target_semaphore(%run_scoped3A : memref<!tpu.dma_semaphore, #tpu.memory_space<semaphore_mem>>)
        %dma_wait3A_254 = arith.constant 0 : i32
        %dma_wait3A_255 = tpu.memref_slice %arg10[%add3A_249, %dma_wait3A_254] : memref<80000x128xf32, #tpu.memory_space<hbm>> -> memref<640x128xf32, #tpu.memory_space<hbm>>
        %dma_wait3A_256 = arith.constant 0 : i32
        %dma_wait3A_257 = tpu.memref_slice %arg18[%mul3A_242, %dma_wait3A_256] : memref<10000x128xf32, #tpu.memory_space<vmem_shared>> -> memref<640x128xf32, #tpu.memory_space<vmem_shared>>
        tpu.wait_dma2 semaphore(%run_scoped3A : memref<!tpu.dma_semaphore, #tpu.memory_space<semaphore_mem>>) src(%dma_wait3A_257 : memref<640x128xf32, #tpu.memory_space<vmem_shared>>) dst(%dma_wait3A_255 : memref<640x128xf32, #tpu.memory_space<hbm>>)
        tpu.yield
      }) : () -> ()
    } else {
    }
    %eq3A_111 = arith.constant 15 : i32
    %eq3A_112 = arith.cmpi eq, %arg1, %eq3A_111 : i32
    %convert_element_type3A_113 = arith.extui %eq3A_112 : i1 to i32
    %cond3A_114 = arith.constant 0 : i32
    %cond3A_115 = arith.cmpi ne, %convert_element_type3A_113, %cond3A_114 : i32
    scf.if %cond3A_115 {
      %mul3A_241 = arith.constant 4 : i32
      %mul3A_242 = arith.muli %arg0, %mul3A_241 : i32
      %add3A_243 = arith.constant 1 : i32
      %add3A_244 = arith.addi %mul3A_242, %add3A_243 : i32
      %mul3A_245 = arith.constant 10000 : i32
      %mul3A_246 = arith.muli %add3A_244, %mul3A_245 : i32
      %add3A_247 = arith.constant 9600 : i32
      %add3A_248 = arith.addi %mul3A_246, %add3A_247 : i32
      "tpu.region"() ({
        %run_scoped3A = tpu.sem_alloc : memref<!tpu.dma_semaphore, #tpu.memory_space<semaphore_mem>>
        %dma_start3A_249 = arith.constant 0 : i32
        %dma_start3A_250 = tpu.memref_slice %arg10[%add3A_248, %dma_start3A_249] : memref<80000x128xf32, #tpu.memory_space<hbm>> -> memref<400x128xf32, #tpu.memory_space<hbm>>
        %dma_start3A_251 = arith.constant 9600 : i32
        %dma_start3A_252 = arith.constant 0 : i32
        %dma_start3A_253 = tpu.memref_slice %arg18[%dma_start3A_251, %dma_start3A_252] : memref<10000x128xf32, #tpu.memory_space<vmem_shared>> -> memref<400x128xf32, #tpu.memory_space<vmem_shared>>
        tpu.enqueue_dma source(%dma_start3A_253 : memref<400x128xf32, #tpu.memory_space<vmem_shared>>) target(%dma_start3A_250 : memref<400x128xf32, #tpu.memory_space<hbm>>) target_semaphore(%run_scoped3A : memref<!tpu.dma_semaphore, #tpu.memory_space<semaphore_mem>>)
        %dma_wait3A_254 = arith.constant 0 : i32
        %dma_wait3A_255 = tpu.memref_slice %arg10[%add3A_248, %dma_wait3A_254] : memref<80000x128xf32, #tpu.memory_space<hbm>> -> memref<400x128xf32, #tpu.memory_space<hbm>>
        %dma_wait3A_256 = arith.constant 9600 : i32
        %dma_wait3A_257 = arith.constant 0 : i32
        %dma_wait3A_258 = tpu.memref_slice %arg18[%dma_wait3A_256, %dma_wait3A_257] : memref<10000x128xf32, #tpu.memory_space<vmem_shared>> -> memref<400x128xf32, #tpu.memory_space<vmem_shared>>
        tpu.wait_dma2 semaphore(%run_scoped3A : memref<!tpu.dma_semaphore, #tpu.memory_space<semaphore_mem>>) src(%dma_wait3A_258 : memref<400x128xf32, #tpu.memory_space<vmem_shared>>) dst(%dma_wait3A_255 : memref<400x128xf32, #tpu.memory_space<hbm>>)
        tpu.yield
      }) : () -> ()
    } else {
    }
    %barrier3A_116 = arith.constant 0 : index
    tpu.barrier barrier_id(%barrier3A_116)
    %lt3A_117 = arith.constant 15 : i32
    %lt3A_118 = arith.cmpi slt, %arg1, %lt3A_117 : i32
    %convert_element_type3A_119 = arith.extui %lt3A_118 : i1 to i32
    %cond3A_120 = arith.constant 0 : i32
    %cond3A_121 = arith.cmpi ne, %convert_element_type3A_119, %cond3A_120 : i32
    scf.if %cond3A_121 {
      %mul3A_241 = arith.constant 640 : i32
      %mul3A_242 = arith.muli %arg1, %mul3A_241 : i32
      "tpu.region"() ({
        %run_scoped3A = tpu.sem_alloc : memref<!tpu.dma_semaphore, #tpu.memory_space<semaphore_mem>>
        %dma_start3A_243 = arith.constant 0 : i32
        %dma_start3A_244 = tpu.memref_slice %arg18[%mul3A_242, %dma_start3A_243] : memref<10000x128xf32, #tpu.memory_space<vmem_shared>> -> memref<640x128xf32, #tpu.memory_space<vmem_shared>>
        %dma_start3A_245 = arith.constant 0 : i32
        %dma_start3A_246 = arith.constant 0 : i32
        %dma_start3A_247 = tpu.memref_slice %arg8[%dma_start3A_245, %dma_start3A_246] : memref<640x128xf32, #tpu.memory_space<hbm>> -> memref<640x128xf32, #tpu.memory_space<hbm>>
        tpu.enqueue_dma source(%dma_start3A_247 : memref<640x128xf32, #tpu.memory_space<hbm>>) target(%dma_start3A_244 : memref<640x128xf32, #tpu.memory_space<vmem_shared>>) target_semaphore(%run_scoped3A : memref<!tpu.dma_semaphore, #tpu.memory_space<semaphore_mem>>)
        %dma_wait3A_248 = arith.constant 0 : i32
        %dma_wait3A_249 = tpu.memref_slice %arg18[%mul3A_242, %dma_wait3A_248] : memref<10000x128xf32, #tpu.memory_space<vmem_shared>> -> memref<640x128xf32, #tpu.memory_space<vmem_shared>>
        %dma_wait3A_250 = arith.constant 0 : i32
        %dma_wait3A_251 = arith.constant 0 : i32
        %dma_wait3A_252 = tpu.memref_slice %arg8[%dma_wait3A_250, %dma_wait3A_251] : memref<640x128xf32, #tpu.memory_space<hbm>> -> memref<640x128xf32, #tpu.memory_space<hbm>>
        tpu.wait_dma2 semaphore(%run_scoped3A : memref<!tpu.dma_semaphore, #tpu.memory_space<semaphore_mem>>) src(%dma_wait3A_252 : memref<640x128xf32, #tpu.memory_space<hbm>>) dst(%dma_wait3A_249 : memref<640x128xf32, #tpu.memory_space<vmem_shared>>)
        tpu.yield
      }) : () -> ()
    } else {
    }
    %eq3A_122 = arith.constant 15 : i32
    %eq3A_123 = arith.cmpi eq, %arg1, %eq3A_122 : i32
    %convert_element_type3A_124 = arith.extui %eq3A_123 : i1 to i32
    %cond3A_125 = arith.constant 0 : i32
    %cond3A_126 = arith.cmpi ne, %convert_element_type3A_124, %cond3A_125 : i32
    scf.if %cond3A_126 {
      "tpu.region"() ({
        %run_scoped3A = tpu.sem_alloc : memref<!tpu.dma_semaphore, #tpu.memory_space<semaphore_mem>>
        %dma_start3A_241 = arith.constant 9600 : i32
        %dma_start3A_242 = arith.constant 0 : i32
        %dma_start3A_243 = tpu.memref_slice %arg18[%dma_start3A_241, %dma_start3A_242] : memref<10000x128xf32, #tpu.memory_space<vmem_shared>> -> memref<400x128xf32, #tpu.memory_space<vmem_shared>>
        %dma_start3A_244 = arith.constant 0 : i32
        %dma_start3A_245 = arith.constant 0 : i32
        %dma_start3A_246 = tpu.memref_slice %arg8[%dma_start3A_244, %dma_start3A_245] : memref<640x128xf32, #tpu.memory_space<hbm>> -> memref<400x128xf32, #tpu.memory_space<hbm>>
        tpu.enqueue_dma source(%dma_start3A_246 : memref<400x128xf32, #tpu.memory_space<hbm>>) target(%dma_start3A_243 : memref<400x128xf32, #tpu.memory_space<vmem_shared>>) target_semaphore(%run_scoped3A : memref<!tpu.dma_semaphore, #tpu.memory_space<semaphore_mem>>)
        %dma_wait3A_247 = arith.constant 9600 : i32
        %dma_wait3A_248 = arith.constant 0 : i32
        %dma_wait3A_249 = tpu.memref_slice %arg18[%dma_wait3A_247, %dma_wait3A_248] : memref<10000x128xf32, #tpu.memory_space<vmem_shared>> -> memref<400x128xf32, #tpu.memory_space<vmem_shared>>
        %dma_wait3A_250 = arith.constant 0 : i32
        %dma_wait3A_251 = arith.constant 0 : i32
        %dma_wait3A_252 = tpu.memref_slice %arg8[%dma_wait3A_250, %dma_wait3A_251] : memref<640x128xf32, #tpu.memory_space<hbm>> -> memref<400x128xf32, #tpu.memory_space<hbm>>
        tpu.wait_dma2 semaphore(%run_scoped3A : memref<!tpu.dma_semaphore, #tpu.memory_space<semaphore_mem>>) src(%dma_wait3A_252 : memref<400x128xf32, #tpu.memory_space<hbm>>) dst(%dma_wait3A_249 : memref<400x128xf32, #tpu.memory_space<vmem_shared>>)
        tpu.yield
      }) : () -> ()
    } else {
    }
    %barrier3A_127 = arith.constant 0 : index
    tpu.barrier barrier_id(%barrier3A_127)
    %dma_start3A_128 = arith.constant 0 : i32
    %dma_start3A_129 = arith.constant 0 : i32
    %dma_start3A_130 = arith.constant 0 : i32
    %dma_start3A_131 = tpu.memref_slice %arg6[%add3A, %dma_start3A_128, %dma_start3A_129, %dma_start3A_130] : memref<32x80x4x128xi32, #tpu.memory_space<hbm>> -> memref<1x1x4x128xi32, #tpu.memory_space<hbm>>
    %dma_start3A_132 = tpu.memref_squeeze %dma_start3A_131 : memref<1x1x4x128xi32, #tpu.memory_space<hbm>> -> memref<4x128xi32, #tpu.memory_space<hbm>>
    %dma_start3A_133 = arith.constant 0 : i32
    %dma_start3A_134 = arith.constant 0 : i32
    %dma_start3A_135 = tpu.memref_slice %arg6[%add3A, %dma_start3A_128, %dma_start3A_133, %dma_start3A_134] : memref<32x80x4x128xi32, #tpu.memory_space<hbm>> -> memref<1x1x4x128xi32, #tpu.memory_space<hbm>>
    %dma_start3A_136 = tpu.memref_squeeze %dma_start3A_135 : memref<1x1x4x128xi32, #tpu.memory_space<hbm>> -> memref<4x128xi32, #tpu.memory_space<hbm>>
    tpu.enqueue_dma source(%dma_start3A_136 : memref<4x128xi32, #tpu.memory_space<hbm>>) target(%arg12 : memref<4x128xi32, #tpu.memory_space<vmem>>) target_semaphore(%arg20 : memref<!tpu.dma_semaphore, #tpu.memory_space<semaphore_mem>>)
    %dma_wait3A_137 = arith.constant 0 : i32
    %dma_wait3A_138 = arith.constant 0 : i32
    %dma_wait3A_139 = arith.constant 0 : i32
    %dma_wait3A_140 = tpu.memref_slice %arg6[%add3A, %dma_wait3A_137, %dma_wait3A_138, %dma_wait3A_139] : memref<32x80x4x128xi32, #tpu.memory_space<hbm>> -> memref<1x1x4x128xi32, #tpu.memory_space<hbm>>
    %dma_wait3A_141 = tpu.memref_squeeze %dma_wait3A_140 : memref<1x1x4x128xi32, #tpu.memory_space<hbm>> -> memref<4x128xi32, #tpu.memory_space<hbm>>
    %dma_wait3A_142 = arith.constant 0 : i32
    %dma_wait3A_143 = arith.constant 0 : i32
    %dma_wait3A_144 = tpu.memref_slice %arg6[%add3A, %dma_wait3A_137, %dma_wait3A_142, %dma_wait3A_143] : memref<32x80x4x128xi32, #tpu.memory_space<hbm>> -> memref<1x1x4x128xi32, #tpu.memory_space<hbm>>
    %dma_wait3A_145 = tpu.memref_squeeze %dma_wait3A_144 : memref<1x1x4x128xi32, #tpu.memory_space<hbm>> -> memref<4x128xi32, #tpu.memory_space<hbm>>
    tpu.wait_dma2 semaphore(%arg20 : memref<!tpu.dma_semaphore, #tpu.memory_space<semaphore_mem>>) src(%dma_wait3A_145 : memref<4x128xi32, #tpu.memory_space<hbm>>) dst(%arg12 : memref<4x128xi32, #tpu.memory_space<vmem>>)
    %dma_start3A_146 = arith.constant 0 : i32
    %dma_start3A_147 = arith.constant 0 : i32
    %dma_start3A_148 = tpu.memref_slice %arg12[%dma_start3A_146, %dma_start3A_147] : memref<4x128xi32, #tpu.memory_space<vmem>> -> memref<1x128xi32, #tpu.memory_space<vmem>>
    %dma_start3A_149 = tpu.memref_squeeze %dma_start3A_148 : memref<1x128xi32, #tpu.memory_space<vmem>> -> memref<128xi32, #tpu.memory_space<vmem>>
    %dma_start3A_150 = arith.constant 0 : i32
    %dma_start3A_151 = arith.constant 0 : i32
    %dma_start3A_152 = tpu.memref_slice %arg4[%dma_start3A_150, %dma_start3A_151] : memref<10000x64xf32, #tpu.memory_space<hbm>> -> memref<10000x64xf32, #tpu.memory_space<hbm>>
    tpu.enqueue_indirect_dma source(%dma_start3A_152 : memref<10000x64xf32, #tpu.memory_space<hbm>>) target(%arg15 : memref<128x64xf32, #tpu.memory_space<vmem>>) offsets(%dma_start3A_149 : memref<128xi32, #tpu.memory_space<vmem>>) semaphore(%arg22 : memref<!tpu.dma_semaphore, #tpu.memory_space<semaphore_mem>>)
    %dma_start3A_153 = arith.constant 1 : i32
    %dma_start3A_154 = arith.constant 0 : i32
    %dma_start3A_155 = arith.constant 0 : i32
    %dma_start3A_156 = tpu.memref_slice %arg6[%add3A, %dma_start3A_153, %dma_start3A_154, %dma_start3A_155] : memref<32x80x4x128xi32, #tpu.memory_space<hbm>> -> memref<1x1x4x128xi32, #tpu.memory_space<hbm>>
    %dma_start3A_157 = tpu.memref_squeeze %dma_start3A_156 : memref<1x1x4x128xi32, #tpu.memory_space<hbm>> -> memref<4x128xi32, #tpu.memory_space<hbm>>
    %dma_start3A_158 = arith.constant 0 : i32
    %dma_start3A_159 = arith.constant 0 : i32
    %dma_start3A_160 = tpu.memref_slice %arg6[%add3A, %dma_start3A_153, %dma_start3A_158, %dma_start3A_159] : memref<32x80x4x128xi32, #tpu.memory_space<hbm>> -> memref<1x1x4x128xi32, #tpu.memory_space<hbm>>
    %dma_start3A_161 = tpu.memref_squeeze %dma_start3A_160 : memref<1x1x4x128xi32, #tpu.memory_space<hbm>> -> memref<4x128xi32, #tpu.memory_space<hbm>>
    tpu.enqueue_dma source(%dma_start3A_161 : memref<4x128xi32, #tpu.memory_space<hbm>>) target(%arg13 : memref<4x128xi32, #tpu.memory_space<vmem>>) target_semaphore(%arg21 : memref<!tpu.dma_semaphore, #tpu.memory_space<semaphore_mem>>)
    %scan3A_162 = arith.constant 0 : i32
    %scan3A_163 = arith.constant 40 : i32
    %scan3A_164 = arith.addi %scan3A_162, %scan3A_163 : i32
    %scan3A_165 = arith.constant 1 : i32
    scf.for %scan3A_241 = %scan3A_162 to %scan3A_164 step %scan3A_165  : i32 {
      %mul3A_242 = arith.constant 2 : i32
      %mul3A_243 = arith.muli %scan3A_241, %mul3A_242 : i32
      %add3A_244 = arith.constant 0 : i32
      %add3A_245 = arith.addi %add3A_244, %mul3A_243 : i32
      %dma_wait3A_246 = arith.constant 0 : i32
      %dma_wait3A_247 = arith.constant 0 : i32
      %dma_wait3A_248 = arith.constant 0 : i32
      %dma_wait3A_249 = tpu.memref_slice %arg6[%add3A, %dma_wait3A_246, %dma_wait3A_247, %dma_wait3A_248] : memref<32x80x4x128xi32, #tpu.memory_space<hbm>> -> memref<1x1x4x128xi32, #tpu.memory_space<hbm>>
      %dma_wait3A_250 = tpu.memref_squeeze %dma_wait3A_249 : memref<1x1x4x128xi32, #tpu.memory_space<hbm>> -> memref<4x128xi32, #tpu.memory_space<hbm>>
      %dma_wait3A_251 = arith.constant 0 : i32
      %dma_wait3A_252 = arith.constant 0 : i32
      %dma_wait3A_253 = tpu.memref_slice %arg6[%add3A, %dma_wait3A_246, %dma_wait3A_251, %dma_wait3A_252] : memref<32x80x4x128xi32, #tpu.memory_space<hbm>> -> memref<1x1x4x128xi32, #tpu.memory_space<hbm>>
      %dma_wait3A_254 = tpu.memref_squeeze %dma_wait3A_253 : memref<1x1x4x128xi32, #tpu.memory_space<hbm>> -> memref<4x128xi32, #tpu.memory_space<hbm>>
      tpu.wait_dma2 semaphore(%arg21 : memref<!tpu.dma_semaphore, #tpu.memory_space<semaphore_mem>>) src(%dma_wait3A_254 : memref<4x128xi32, #tpu.memory_space<hbm>>) dst(%arg13 : memref<4x128xi32, #tpu.memory_space<vmem>>)
      %dma_start3A_255 = arith.constant 0 : i32
      %dma_start3A_256 = arith.constant 0 : i32
      %dma_start3A_257 = tpu.memref_slice %arg13[%dma_start3A_255, %dma_start3A_256] : memref<4x128xi32, #tpu.memory_space<vmem>> -> memref<1x128xi32, #tpu.memory_space<vmem>>
      %dma_start3A_258 = tpu.memref_squeeze %dma_start3A_257 : memref<1x128xi32, #tpu.memory_space<vmem>> -> memref<128xi32, #tpu.memory_space<vmem>>
      %dma_start3A_259 = arith.constant 0 : i32
      %dma_start3A_260 = arith.constant 0 : i32
      %dma_start3A_261 = tpu.memref_slice %arg4[%dma_start3A_259, %dma_start3A_260] : memref<10000x64xf32, #tpu.memory_space<hbm>> -> memref<10000x64xf32, #tpu.memory_space<hbm>>
      tpu.enqueue_indirect_dma source(%dma_start3A_261 : memref<10000x64xf32, #tpu.memory_space<hbm>>) target(%arg16 : memref<128x64xf32, #tpu.memory_space<vmem>>) offsets(%dma_start3A_258 : memref<128xi32, #tpu.memory_space<vmem>>) semaphore(%arg23 : memref<!tpu.dma_semaphore, #tpu.memory_space<semaphore_mem>>)
      %dma_wait3A_262 = arith.constant 0 : i32
      %dma_wait3A_263 = arith.constant 0 : i32
      %dma_wait3A_264 = tpu.memref_slice %arg12[%dma_wait3A_262, %dma_wait3A_263] : memref<4x128xi32, #tpu.memory_space<vmem>> -> memref<1x128xi32, #tpu.memory_space<vmem>>
      %dma_wait3A_265 = tpu.memref_squeeze %dma_wait3A_264 : memref<1x128xi32, #tpu.memory_space<vmem>> -> memref<128xi32, #tpu.memory_space<vmem>>
      %dma_wait3A_266 = arith.constant 0 : i32
      %dma_wait3A_267 = arith.constant 0 : i32
      %dma_wait3A_268 = tpu.memref_slice %arg4[%dma_wait3A_266, %dma_wait3A_267] : memref<10000x64xf32, #tpu.memory_space<hbm>> -> memref<10000x64xf32, #tpu.memory_space<hbm>>
      tpu.wait_indirect_dma semaphore(%arg22 : memref<!tpu.dma_semaphore, #tpu.memory_space<semaphore_mem>>) src(%dma_wait3A_268 : memref<10000x64xf32, #tpu.memory_space<hbm>>) dst(%arg15 : memref<128x64xf32, #tpu.memory_space<vmem>>)
      %parallel_loop3A = arith.constant 0 : i32
      %parallel_loop3A_269 = arith.constant 128 : i32
      %parallel_loop3A_270 = arith.constant 1 : i32
      scf.for %parallel_loop3A_303 = %parallel_loop3A to %parallel_loop3A_269 step %parallel_loop3A_270  : i32 {
        %parallel_loop3A_304 = vector.broadcast %parallel_loop3A_303 : i32 to vector<16xi32>
        %parallel_loop3A_305 = arith.constant 2 : i32
        %parallel_loop3A_306 = vector.broadcast %parallel_loop3A_305 : i32 to vector<16xi32>
        %parallel_loop3A_307 = tpu.vector_load_idx %arg12[%parallel_loop3A_306, %parallel_loop3A_304] : memref<4x128xi32, #tpu.memory_space<vmem>>[vector<16xi32>, vector<16xi32>], vector<16xi32>,
        %parallel_loop3A_308 = vector.bitcast %parallel_loop3A_307 : vector<16xi32> to vector<16xf32>
        %parallel_loop3A_309 = arith.constant 3 : i32
        %parallel_loop3A_310 = vector.broadcast %parallel_loop3A_309 : i32 to vector<16xi32>
        %parallel_loop3A_311 = tpu.vector_load_idx %arg12[%parallel_loop3A_310, %parallel_loop3A_304] : memref<4x128xi32, #tpu.memory_space<vmem>>[vector<16xi32>, vector<16xi32>], vector<16xi32>,
        %parallel_loop3A_312 = vector.bitcast %parallel_loop3A_311 : vector<16xi32> to vector<16xf32>
        %parallel_loop3A_313 = arith.index_cast %parallel_loop3A_303 : i32 to index
        %parallel_loop3A_314 = arith.constant 0 : index
        %parallel_loop3A_315 = tpu.vector_load %arg15[%parallel_loop3A_313, %parallel_loop3A_314] {strides = array<i32>} : memref<128x64xf32, #tpu.memory_space<vmem>>, vector<16xf32>,
        %parallel_loop3A_316 = arith.mulf %parallel_loop3A_315, %parallel_loop3A_308 : vector<16xf32>
        %parallel_loop3A_317 = arith.index_cast %parallel_loop3A_303 : i32 to index
        %parallel_loop3A_318 = arith.constant 0 : index
        %parallel_loop3A_319 = tpu.vector_load %arg17[%parallel_loop3A_317, %parallel_loop3A_318] {strides = array<i32>} : memref<128x128xf32, #tpu.memory_space<vmem>>, vector<16xf32>,
        tpu.vector_store %arg17[%parallel_loop3A_317, %parallel_loop3A_318], %parallel_loop3A_316 {strides = array<i32>} : memref<128x128xf32, #tpu.memory_space<vmem>>, vector<16xf32>,
        %parallel_loop3A_320 = arith.mulf %parallel_loop3A_315, %parallel_loop3A_312 : vector<16xf32>
        %parallel_loop3A_321 = arith.index_cast %parallel_loop3A_303 : i32 to index
        %parallel_loop3A_322 = arith.constant 64 : index
        %parallel_loop3A_323 = tpu.vector_load %arg17[%parallel_loop3A_321, %parallel_loop3A_322] {strides = array<i32>} : memref<128x128xf32, #tpu.memory_space<vmem>>, vector<16xf32>,
        tpu.vector_store %arg17[%parallel_loop3A_321, %parallel_loop3A_322], %parallel_loop3A_320 {strides = array<i32>} : memref<128x128xf32, #tpu.memory_space<vmem>>, vector<16xf32>,
        %parallel_loop3A_324 = arith.index_cast %parallel_loop3A_303 : i32 to index
        %parallel_loop3A_325 = arith.constant 16 : index
        %parallel_loop3A_326 = tpu.vector_load %arg15[%parallel_loop3A_324, %parallel_loop3A_325] {strides = array<i32>} : memref<128x64xf32, #tpu.memory_space<vmem>>, vector<16xf32>,
        %parallel_loop3A_327 = arith.mulf %parallel_loop3A_326, %parallel_loop3A_308 : vector<16xf32>
        %parallel_loop3A_328 = arith.index_cast %parallel_loop3A_303 : i32 to index
        %parallel_loop3A_329 = arith.constant 16 : index
        %parallel_loop3A_330 = tpu.vector_load %arg17[%parallel_loop3A_328, %parallel_loop3A_329] {strides = array<i32>} : memref<128x128xf32, #tpu.memory_space<vmem>>, vector<16xf32>,
        tpu.vector_store %arg17[%parallel_loop3A_328, %parallel_loop3A_329], %parallel_loop3A_327 {strides = array<i32>} : memref<128x128xf32, #tpu.memory_space<vmem>>, vector<16xf32>,
        %parallel_loop3A_331 = arith.mulf %parallel_loop3A_326, %parallel_loop3A_312 : vector<16xf32>
        %parallel_loop3A_332 = arith.index_cast %parallel_loop3A_303 : i32 to index
        %parallel_loop3A_333 = arith.constant 80 : index
        %parallel_loop3A_334 = tpu.vector_load %arg17[%parallel_loop3A_332, %parallel_loop3A_333] {strides = array<i32>} : memref<128x128xf32, #tpu.memory_space<vmem>>, vector<16xf32>,
        tpu.vector_store %arg17[%parallel_loop3A_332, %parallel_loop3A_333], %parallel_loop3A_331 {strides = array<i32>} : memref<128x128xf32, #tpu.memory_space<vmem>>, vector<16xf32>,
        %parallel_loop3A_335 = arith.index_cast %parallel_loop3A_303 : i32 to index
        %parallel_loop3A_336 = arith.constant 32 : index
        %parallel_loop3A_337 = tpu.vector_load %arg15[%parallel_loop3A_335, %parallel_loop3A_336] {strides = array<i32>} : memref<128x64xf32, #tpu.memory_space<vmem>>, vector<16xf32>,
        %parallel_loop3A_338 = arith.mulf %parallel_loop3A_337, %parallel_loop3A_308 : vector<16xf32>
        %parallel_loop3A_339 = arith.index_cast %parallel_loop3A_303 : i32 to index
        %parallel_loop3A_340 = arith.constant 32 : index
        %parallel_loop3A_341 = tpu.vector_load %arg17[%parallel_loop3A_339, %parallel_loop3A_340] {strides = array<i32>} : memref<128x128xf32, #tpu.memory_space<vmem>>, vector<16xf32>,
        tpu.vector_store %arg17[%parallel_loop3A_339, %parallel_loop3A_340], %parallel_loop3A_338 {strides = array<i32>} : memref<128x128xf32, #tpu.memory_space<vmem>>, vector<16xf32>,
        %parallel_loop3A_342 = arith.mulf %parallel_loop3A_337, %parallel_loop3A_312 : vector<16xf32>
        %parallel_loop3A_343 = arith.index_cast %parallel_loop3A_303 : i32 to index
        %parallel_loop3A_344 = arith.constant 96 : index
        %parallel_loop3A_345 = tpu.vector_load %arg17[%parallel_loop3A_343, %parallel_loop3A_344] {strides = array<i32>} : memref<128x128xf32, #tpu.memory_space<vmem>>, vector<16xf32>,
        tpu.vector_store %arg17[%parallel_loop3A_343, %parallel_loop3A_344], %parallel_loop3A_342 {strides = array<i32>} : memref<128x128xf32, #tpu.memory_space<vmem>>, vector<16xf32>,
        %parallel_loop3A_346 = arith.index_cast %parallel_loop3A_303 : i32 to index
        %parallel_loop3A_347 = arith.constant 48 : index
        %parallel_loop3A_348 = tpu.vector_load %arg15[%parallel_loop3A_346, %parallel_loop3A_347] {strides = array<i32>} : memref<128x64xf32, #tpu.memory_space<vmem>>, vector<16xf32>,
        %parallel_loop3A_349 = arith.mulf %parallel_loop3A_348, %parallel_loop3A_308 : vector<16xf32>
        %parallel_loop3A_350 = arith.index_cast %parallel_loop3A_303 : i32 to index
        %parallel_loop3A_351 = arith.constant 48 : index
        %parallel_loop3A_352 = tpu.vector_load %arg17[%parallel_loop3A_350, %parallel_loop3A_351] {strides = array<i32>} : memref<128x128xf32, #tpu.memory_space<vmem>>, vector<16xf32>,
        tpu.vector_store %arg17[%parallel_loop3A_350, %parallel_loop3A_351], %parallel_loop3A_349 {strides = array<i32>} : memref<128x128xf32, #tpu.memory_space<vmem>>, vector<16xf32>,
        %parallel_loop3A_353 = arith.mulf %parallel_loop3A_348, %parallel_loop3A_312 : vector<16xf32>
        %parallel_loop3A_354 = arith.index_cast %parallel_loop3A_303 : i32 to index
        %parallel_loop3A_355 = arith.constant 112 : index
        %parallel_loop3A_356 = tpu.vector_load %arg17[%parallel_loop3A_354, %parallel_loop3A_355] {strides = array<i32>} : memref<128x128xf32, #tpu.memory_space<vmem>>, vector<16xf32>,
        tpu.vector_store %arg17[%parallel_loop3A_354, %parallel_loop3A_355], %parallel_loop3A_353 {strides = array<i32>} : memref<128x128xf32, #tpu.memory_space<vmem>>, vector<16xf32>,
      } {sc.loop_unroll_factor = 4 : i64, sc.parallel_access}
      %run_scoped3A = arith.constant 1 : i32
      "tpu.region"() ({
        %run_scoped3A_303 = tpu.sem_alloc : memref<!tpu.dma_semaphore, #tpu.memory_space<semaphore_mem>>
        %dma_start3A_304 = arith.constant 0 : i32
        %dma_start3A_305 = tpu.memref_slice %arg12[%run_scoped3A, %dma_start3A_304] : memref<4x128xi32, #tpu.memory_space<vmem>> -> memref<1x128xi32, #tpu.memory_space<vmem>>
        %dma_start3A_306 = tpu.memref_squeeze %dma_start3A_305 : memref<1x128xi32, #tpu.memory_space<vmem>> -> memref<128xi32, #tpu.memory_space<vmem>>
        %dma_start3A_307 = arith.constant 0 : i32
        %dma_start3A_308 = arith.constant 0 : i32
        %dma_start3A_309 = tpu.memref_slice %arg18[%dma_start3A_307, %dma_start3A_308] : memref<10000x128xf32, #tpu.memory_space<vmem_shared>> -> memref<10000x128xf32, #tpu.memory_space<vmem_shared>>
        tpu.enqueue_indirect_dma source(%arg17 : memref<128x128xf32, #tpu.memory_space<vmem>>) target(%dma_start3A_309 : memref<10000x128xf32, #tpu.memory_space<vmem_shared>>) offsets(%dma_start3A_306 : memref<128xi32, #tpu.memory_space<vmem>>) semaphore(%run_scoped3A_303 : memref<!tpu.dma_semaphore, #tpu.memory_space<semaphore_mem>>) {add = true}
        %dma_wait3A_310 = arith.constant 0 : i32
        %dma_wait3A_311 = tpu.memref_slice %arg12[%run_scoped3A, %dma_wait3A_310] : memref<4x128xi32, #tpu.memory_space<vmem>> -> memref<1x128xi32, #tpu.memory_space<vmem>>
        %dma_wait3A_312 = tpu.memref_squeeze %dma_wait3A_311 : memref<1x128xi32, #tpu.memory_space<vmem>> -> memref<128xi32, #tpu.memory_space<vmem>>
        %dma_wait3A_313 = arith.constant 0 : i32
        %dma_wait3A_314 = arith.constant 0 : i32
        %dma_wait3A_315 = tpu.memref_slice %arg18[%dma_wait3A_313, %dma_wait3A_314] : memref<10000x128xf32, #tpu.memory_space<vmem_shared>> -> memref<10000x128xf32, #tpu.memory_space<vmem_shared>>
        tpu.wait_indirect_dma semaphore(%run_scoped3A_303 : memref<!tpu.dma_semaphore, #tpu.memory_space<semaphore_mem>>) src(%arg17 : memref<128x128xf32, #tpu.memory_space<vmem>>) dst(%dma_wait3A_315 : memref<10000x128xf32, #tpu.memory_space<vmem_shared>>)
        tpu.yield
      }) : () -> ()
      %add3A_271 = arith.constant 2 : i32
      %add3A_272 = arith.addi %add3A_245, %add3A_271 : i32
      %lt3A_273 = arith.constant 80 : i32
      %lt3A_274 = arith.cmpi slt, %add3A_272, %lt3A_273 : i32
      %convert_element_type3A_275 = arith.extui %lt3A_274 : i1 to i32
      %cond3A_276 = arith.constant 0 : i32
      %cond3A_277 = arith.cmpi ne, %convert_element_type3A_275, %cond3A_276 : i32
      scf.if %cond3A_277 {
        %add3A_303 = arith.constant 2 : i32
        %add3A_304 = arith.addi %add3A_245, %add3A_303 : i32
        %dma_start3A_305 = arith.constant 0 : i32
        %dma_start3A_306 = arith.constant 0 : i32
        %dma_start3A_307 = tpu.memref_slice %arg6[%add3A, %add3A_304, %dma_start3A_305, %dma_start3A_306] : memref<32x80x4x128xi32, #tpu.memory_space<hbm>> -> memref<1x1x4x128xi32, #tpu.memory_space<hbm>>
        %dma_start3A_308 = tpu.memref_squeeze %dma_start3A_307 : memref<1x1x4x128xi32, #tpu.memory_space<hbm>> -> memref<4x128xi32, #tpu.memory_space<hbm>>
        %dma_start3A_309 = arith.constant 0 : i32
        %dma_start3A_310 = arith.constant 0 : i32
        %dma_start3A_311 = tpu.memref_slice %arg6[%add3A, %add3A_304, %dma_start3A_309, %dma_start3A_310] : memref<32x80x4x128xi32, #tpu.memory_space<hbm>> -> memref<1x1x4x128xi32, #tpu.memory_space<hbm>>
        %dma_start3A_312 = tpu.memref_squeeze %dma_start3A_311 : memref<1x1x4x128xi32, #tpu.memory_space<hbm>> -> memref<4x128xi32, #tpu.memory_space<hbm>>
        tpu.enqueue_dma source(%dma_start3A_312 : memref<4x128xi32, #tpu.memory_space<hbm>>) target(%arg12 : memref<4x128xi32, #tpu.memory_space<vmem>>) target_semaphore(%arg20 : memref<!tpu.dma_semaphore, #tpu.memory_space<semaphore_mem>>)
      } else {
      }
      %dma_wait3A_278 = arith.constant 0 : i32
      %dma_wait3A_279 = arith.constant 0 : i32
      %dma_wait3A_280 = tpu.memref_slice %arg12[%dma_wait3A_278, %dma_wait3A_279] : memref<4x128xi32, #tpu.memory_space<vmem>> -> memref<1x128xi32, #tpu.memory_space<vmem>>
      %dma_wait3A_281 = tpu.memref_squeeze %dma_wait3A_280 : memref<1x128xi32, #tpu.memory_space<vmem>> -> memref<128xi32, #tpu.memory_space<vmem>>
      %dma_wait3A_282 = arith.constant 0 : i32
      %dma_wait3A_283 = arith.constant 0 : i32
      %dma_wait3A_284 = tpu.memref_slice %arg4[%dma_wait3A_282, %dma_wait3A_283] : memref<10000x64xf32, #tpu.memory_space<hbm>> -> memref<10000x64xf32, #tpu.memory_space<hbm>>
      tpu.wait_indirect_dma semaphore(%arg23 : memref<!tpu.dma_semaphore, #tpu.memory_space<semaphore_mem>>) src(%dma_wait3A_284 : memref<10000x64xf32, #tpu.memory_space<hbm>>) dst(%arg16 : memref<128x64xf32, #tpu.memory_space<vmem>>)
      %parallel_loop3A_285 = arith.constant 0 : i32
      %parallel_loop3A_286 = arith.constant 128 : i32
      %parallel_loop3A_287 = arith.constant 1 : i32
      scf.for %parallel_loop3A_303 = %parallel_loop3A_285 to %parallel_loop3A_286 step %parallel_loop3A_287  : i32 {
        %parallel_loop3A_304 = vector.broadcast %parallel_loop3A_303 : i32 to vector<16xi32>
        %parallel_loop3A_305 = arith.constant 2 : i32
        %parallel_loop3A_306 = vector.broadcast %parallel_loop3A_305 : i32 to vector<16xi32>
        %parallel_loop3A_307 = tpu.vector_load_idx %arg13[%parallel_loop3A_306, %parallel_loop3A_304] : memref<4x128xi32, #tpu.memory_space<vmem>>[vector<16xi32>, vector<16xi32>], vector<16xi32>,
        %parallel_loop3A_308 = vector.bitcast %parallel_loop3A_307 : vector<16xi32> to vector<16xf32>
        %parallel_loop3A_309 = arith.constant 3 : i32
        %parallel_loop3A_310 = vector.broadcast %parallel_loop3A_309 : i32 to vector<16xi32>
        %parallel_loop3A_311 = tpu.vector_load_idx %arg13[%parallel_loop3A_310, %parallel_loop3A_304] : memref<4x128xi32, #tpu.memory_space<vmem>>[vector<16xi32>, vector<16xi32>], vector<16xi32>,
        %parallel_loop3A_312 = vector.bitcast %parallel_loop3A_311 : vector<16xi32> to vector<16xf32>
        %parallel_loop3A_313 = arith.index_cast %parallel_loop3A_303 : i32 to index
        %parallel_loop3A_314 = arith.constant 0 : index
        %parallel_loop3A_315 = tpu.vector_load %arg16[%parallel_loop3A_313, %parallel_loop3A_314] {strides = array<i32>} : memref<128x64xf32, #tpu.memory_space<vmem>>, vector<16xf32>,
        %parallel_loop3A_316 = arith.mulf %parallel_loop3A_315, %parallel_loop3A_308 : vector<16xf32>
        %parallel_loop3A_317 = arith.index_cast %parallel_loop3A_303 : i32 to index
        %parallel_loop3A_318 = arith.constant 0 : index
        %parallel_loop3A_319 = tpu.vector_load %arg17[%parallel_loop3A_317, %parallel_loop3A_318] {strides = array<i32>} : memref<128x128xf32, #tpu.memory_space<vmem>>, vector<16xf32>,
        tpu.vector_store %arg17[%parallel_loop3A_317, %parallel_loop3A_318], %parallel_loop3A_316 {strides = array<i32>} : memref<128x128xf32, #tpu.memory_space<vmem>>, vector<16xf32>,
        %parallel_loop3A_320 = arith.mulf %parallel_loop3A_315, %parallel_loop3A_312 : vector<16xf32>
        %parallel_loop3A_321 = arith.index_cast %parallel_loop3A_303 : i32 to index
        %parallel_loop3A_322 = arith.constant 64 : index
        %parallel_loop3A_323 = tpu.vector_load %arg17[%parallel_loop3A_321, %parallel_loop3A_322] {strides = array<i32>} : memref<128x128xf32, #tpu.memory_space<vmem>>, vector<16xf32>,
        tpu.vector_store %arg17[%parallel_loop3A_321, %parallel_loop3A_322], %parallel_loop3A_320 {strides = array<i32>} : memref<128x128xf32, #tpu.memory_space<vmem>>, vector<16xf32>,
        %parallel_loop3A_324 = arith.index_cast %parallel_loop3A_303 : i32 to index
        %parallel_loop3A_325 = arith.constant 16 : index
        %parallel_loop3A_326 = tpu.vector_load %arg16[%parallel_loop3A_324, %parallel_loop3A_325] {strides = array<i32>} : memref<128x64xf32, #tpu.memory_space<vmem>>, vector<16xf32>,
        %parallel_loop3A_327 = arith.mulf %parallel_loop3A_326, %parallel_loop3A_308 : vector<16xf32>
        %parallel_loop3A_328 = arith.index_cast %parallel_loop3A_303 : i32 to index
        %parallel_loop3A_329 = arith.constant 16 : index
        %parallel_loop3A_330 = tpu.vector_load %arg17[%parallel_loop3A_328, %parallel_loop3A_329] {strides = array<i32>} : memref<128x128xf32, #tpu.memory_space<vmem>>, vector<16xf32>,
        tpu.vector_store %arg17[%parallel_loop3A_328, %parallel_loop3A_329], %parallel_loop3A_327 {strides = array<i32>} : memref<128x128xf32, #tpu.memory_space<vmem>>, vector<16xf32>,
        %parallel_loop3A_331 = arith.mulf %parallel_loop3A_326, %parallel_loop3A_312 : vector<16xf32>
        %parallel_loop3A_332 = arith.index_cast %parallel_loop3A_303 : i32 to index
        %parallel_loop3A_333 = arith.constant 80 : index
        %parallel_loop3A_334 = tpu.vector_load %arg17[%parallel_loop3A_332, %parallel_loop3A_333] {strides = array<i32>} : memref<128x128xf32, #tpu.memory_space<vmem>>, vector<16xf32>,
        tpu.vector_store %arg17[%parallel_loop3A_332, %parallel_loop3A_333], %parallel_loop3A_331 {strides = array<i32>} : memref<128x128xf32, #tpu.memory_space<vmem>>, vector<16xf32>,
        %parallel_loop3A_335 = arith.index_cast %parallel_loop3A_303 : i32 to index
        %parallel_loop3A_336 = arith.constant 32 : index
        %parallel_loop3A_337 = tpu.vector_load %arg16[%parallel_loop3A_335, %parallel_loop3A_336] {strides = array<i32>} : memref<128x64xf32, #tpu.memory_space<vmem>>, vector<16xf32>,
        %parallel_loop3A_338 = arith.mulf %parallel_loop3A_337, %parallel_loop3A_308 : vector<16xf32>
        %parallel_loop3A_339 = arith.index_cast %parallel_loop3A_303 : i32 to index
        %parallel_loop3A_340 = arith.constant 32 : index
        %parallel_loop3A_341 = tpu.vector_load %arg17[%parallel_loop3A_339, %parallel_loop3A_340] {strides = array<i32>} : memref<128x128xf32, #tpu.memory_space<vmem>>, vector<16xf32>,
        tpu.vector_store %arg17[%parallel_loop3A_339, %parallel_loop3A_340], %parallel_loop3A_338 {strides = array<i32>} : memref<128x128xf32, #tpu.memory_space<vmem>>, vector<16xf32>,
        %parallel_loop3A_342 = arith.mulf %parallel_loop3A_337, %parallel_loop3A_312 : vector<16xf32>
        %parallel_loop3A_343 = arith.index_cast %parallel_loop3A_303 : i32 to index
        %parallel_loop3A_344 = arith.constant 96 : index
        %parallel_loop3A_345 = tpu.vector_load %arg17[%parallel_loop3A_343, %parallel_loop3A_344] {strides = array<i32>} : memref<128x128xf32, #tpu.memory_space<vmem>>, vector<16xf32>,
        tpu.vector_store %arg17[%parallel_loop3A_343, %parallel_loop3A_344], %parallel_loop3A_342 {strides = array<i32>} : memref<128x128xf32, #tpu.memory_space<vmem>>, vector<16xf32>,
        %parallel_loop3A_346 = arith.index_cast %parallel_loop3A_303 : i32 to index
        %parallel_loop3A_347 = arith.constant 48 : index
        %parallel_loop3A_348 = tpu.vector_load %arg16[%parallel_loop3A_346, %parallel_loop3A_347] {strides = array<i32>} : memref<128x64xf32, #tpu.memory_space<vmem>>, vector<16xf32>,
        %parallel_loop3A_349 = arith.mulf %parallel_loop3A_348, %parallel_loop3A_308 : vector<16xf32>
        %parallel_loop3A_350 = arith.index_cast %parallel_loop3A_303 : i32 to index
        %parallel_loop3A_351 = arith.constant 48 : index
        %parallel_loop3A_352 = tpu.vector_load %arg17[%parallel_loop3A_350, %parallel_loop3A_351] {strides = array<i32>} : memref<128x128xf32, #tpu.memory_space<vmem>>, vector<16xf32>,
        tpu.vector_store %arg17[%parallel_loop3A_350, %parallel_loop3A_351], %parallel_loop3A_349 {strides = array<i32>} : memref<128x128xf32, #tpu.memory_space<vmem>>, vector<16xf32>,
        %parallel_loop3A_353 = arith.mulf %parallel_loop3A_348, %parallel_loop3A_312 : vector<16xf32>
        %parallel_loop3A_354 = arith.index_cast %parallel_loop3A_303 : i32 to index
        %parallel_loop3A_355 = arith.constant 112 : index
        %parallel_loop3A_356 = tpu.vector_load %arg17[%parallel_loop3A_354, %parallel_loop3A_355] {strides = array<i32>} : memref<128x128xf32, #tpu.memory_space<vmem>>, vector<16xf32>,
        tpu.vector_store %arg17[%parallel_loop3A_354, %parallel_loop3A_355], %parallel_loop3A_353 {strides = array<i32>} : memref<128x128xf32, #tpu.memory_space<vmem>>, vector<16xf32>,
      } {sc.loop_unroll_factor = 4 : i64, sc.parallel_access}
      %run_scoped3A_288 = arith.constant 1 : i32
      "tpu.region"() ({
        %run_scoped3A_303 = tpu.sem_alloc : memref<!tpu.dma_semaphore, #tpu.memory_space<semaphore_mem>>
        %dma_start3A_304 = arith.constant 0 : i32
        %dma_start3A_305 = tpu.memref_slice %arg13[%run_scoped3A_288, %dma_start3A_304] : memref<4x128xi32, #tpu.memory_space<vmem>> -> memref<1x128xi32, #tpu.memory_space<vmem>>
        %dma_start3A_306 = tpu.memref_squeeze %dma_start3A_305 : memref<1x128xi32, #tpu.memory_space<vmem>> -> memref<128xi32, #tpu.memory_space<vmem>>
        %dma_start3A_307 = arith.constant 0 : i32
        %dma_start3A_308 = arith.constant 0 : i32
        %dma_start3A_309 = tpu.memref_slice %arg18[%dma_start3A_307, %dma_start3A_308] : memref<10000x128xf32, #tpu.memory_space<vmem_shared>> -> memref<10000x128xf32, #tpu.memory_space<vmem_shared>>
        tpu.enqueue_indirect_dma source(%arg17 : memref<128x128xf32, #tpu.memory_space<vmem>>) target(%dma_start3A_309 : memref<10000x128xf32, #tpu.memory_space<vmem_shared>>) offsets(%dma_start3A_306 : memref<128xi32, #tpu.memory_space<vmem>>) semaphore(%run_scoped3A_303 : memref<!tpu.dma_semaphore, #tpu.memory_space<semaphore_mem>>) {add = true}
        %dma_wait3A_310 = arith.constant 0 : i32
        %dma_wait3A_311 = tpu.memref_slice %arg13[%run_scoped3A_288, %dma_wait3A_310] : memref<4x128xi32, #tpu.memory_space<vmem>> -> memref<1x128xi32, #tpu.memory_space<vmem>>
        %dma_wait3A_312 = tpu.memref_squeeze %dma_wait3A_311 : memref<1x128xi32, #tpu.memory_space<vmem>> -> memref<128xi32, #tpu.memory_space<vmem>>
        %dma_wait3A_313 = arith.constant 0 : i32
        %dma_wait3A_314 = arith.constant 0 : i32
        %dma_wait3A_315 = tpu.memref_slice %arg18[%dma_wait3A_313, %dma_wait3A_314] : memref<10000x128xf32, #tpu.memory_space<vmem_shared>> -> memref<10000x128xf32, #tpu.memory_space<vmem_shared>>
        tpu.wait_indirect_dma semaphore(%run_scoped3A_303 : memref<!tpu.dma_semaphore, #tpu.memory_space<semaphore_mem>>) src(%arg17 : memref<128x128xf32, #tpu.memory_space<vmem>>) dst(%dma_wait3A_315 : memref<10000x128xf32, #tpu.memory_space<vmem_shared>>)
        tpu.yield
      }) : () -> ()
      %add3A_289 = arith.constant 2 : i32
      %add3A_290 = arith.addi %add3A_245, %add3A_289 : i32
      %lt3A_291 = arith.constant 80 : i32
      %lt3A_292 = arith.cmpi slt, %add3A_290, %lt3A_291 : i32
      %convert_element_type3A_293 = arith.extui %lt3A_292 : i1 to i32
      %cond3A_294 = arith.constant 0 : i32
      %cond3A_295 = arith.cmpi ne, %convert_element_type3A_293, %cond3A_294 : i32
      scf.if %cond3A_295 {
        %dma_wait3A_303 = arith.constant 0 : i32
        %dma_wait3A_304 = arith.constant 0 : i32
        %dma_wait3A_305 = arith.constant 0 : i32
        %dma_wait3A_306 = tpu.memref_slice %arg6[%add3A, %dma_wait3A_303, %dma_wait3A_304, %dma_wait3A_305] : memref<32x80x4x128xi32, #tpu.memory_space<hbm>> -> memref<1x1x4x128xi32, #tpu.memory_space<hbm>>
        %dma_wait3A_307 = tpu.memref_squeeze %dma_wait3A_306 : memref<1x1x4x128xi32, #tpu.memory_space<hbm>> -> memref<4x128xi32, #tpu.memory_space<hbm>>
        %dma_wait3A_308 = arith.constant 0 : i32
        %dma_wait3A_309 = arith.constant 0 : i32
        %dma_wait3A_310 = tpu.memref_slice %arg6[%add3A, %dma_wait3A_303, %dma_wait3A_308, %dma_wait3A_309] : memref<32x80x4x128xi32, #tpu.memory_space<hbm>> -> memref<1x1x4x128xi32, #tpu.memory_space<hbm>>
        %dma_wait3A_311 = tpu.memref_squeeze %dma_wait3A_310 : memref<1x1x4x128xi32, #tpu.memory_space<hbm>> -> memref<4x128xi32, #tpu.memory_space<hbm>>
        tpu.wait_dma2 semaphore(%arg20 : memref<!tpu.dma_semaphore, #tpu.memory_space<semaphore_mem>>) src(%dma_wait3A_311 : memref<4x128xi32, #tpu.memory_space<hbm>>) dst(%arg12 : memref<4x128xi32, #tpu.memory_space<vmem>>)
        %dma_start3A_312 = arith.constant 0 : i32
        %dma_start3A_313 = arith.constant 0 : i32
        %dma_start3A_314 = tpu.memref_slice %arg12[%dma_start3A_312, %dma_start3A_313] : memref<4x128xi32, #tpu.memory_space<vmem>> -> memref<1x128xi32, #tpu.memory_space<vmem>>
        %dma_start3A_315 = tpu.memref_squeeze %dma_start3A_314 : memref<1x128xi32, #tpu.memory_space<vmem>> -> memref<128xi32, #tpu.memory_space<vmem>>
        %dma_start3A_316 = arith.constant 0 : i32
        %dma_start3A_317 = arith.constant 0 : i32
        %dma_start3A_318 = tpu.memref_slice %arg4[%dma_start3A_316, %dma_start3A_317] : memref<10000x64xf32, #tpu.memory_space<hbm>> -> memref<10000x64xf32, #tpu.memory_space<hbm>>
        tpu.enqueue_indirect_dma source(%dma_start3A_318 : memref<10000x64xf32, #tpu.memory_space<hbm>>) target(%arg15 : memref<128x64xf32, #tpu.memory_space<vmem>>) offsets(%dma_start3A_315 : memref<128xi32, #tpu.memory_space<vmem>>) semaphore(%arg22 : memref<!tpu.dma_semaphore, #tpu.memory_space<semaphore_mem>>)
      } else {
      }
      %add3A_296 = arith.constant 3 : i32
      %add3A_297 = arith.addi %add3A_245, %add3A_296 : i32
      %lt3A_298 = arith.constant 80 : i32
      %lt3A_299 = arith.cmpi slt, %add3A_297, %lt3A_298 : i32
      %convert_element_type3A_300 = arith.extui %lt3A_299 : i1 to i32
      %cond3A_301 = arith.constant 0 : i32
      %cond3A_302 = arith.cmpi ne, %convert_element_type3A_300, %cond3A_301 : i32
      scf.if %cond3A_302 {
        %add3A_303 = arith.constant 3 : i32
        %add3A_304 = arith.addi %add3A_245, %add3A_303 : i32
        %dma_start3A_305 = arith.constant 0 : i32
        %dma_start3A_306 = arith.constant 0 : i32
        %dma_start3A_307 = tpu.memref_slice %arg6[%add3A, %add3A_304, %dma_start3A_305, %dma_start3A_306] : memref<32x80x4x128xi32, #tpu.memory_space<hbm>> -> memref<1x1x4x128xi32, #tpu.memory_space<hbm>>
        %dma_start3A_308 = tpu.memref_squeeze %dma_start3A_307 : memref<1x1x4x128xi32, #tpu.memory_space<hbm>> -> memref<4x128xi32, #tpu.memory_space<hbm>>
        %dma_start3A_309 = arith.constant 0 : i32
        %dma_start3A_310 = arith.constant 0 : i32
        %dma_start3A_311 = tpu.memref_slice %arg6[%add3A, %add3A_304, %dma_start3A_309, %dma_start3A_310] : memref<32x80x4x128xi32, #tpu.memory_space<hbm>> -> memref<1x1x4x128xi32, #tpu.memory_space<hbm>>
        %dma_start3A_312 = tpu.memref_squeeze %dma_start3A_311 : memref<1x1x4x128xi32, #tpu.memory_space<hbm>> -> memref<4x128xi32, #tpu.memory_space<hbm>>
        tpu.enqueue_dma source(%dma_start3A_312 : memref<4x128xi32, #tpu.memory_space<hbm>>) target(%arg13 : memref<4x128xi32, #tpu.memory_space<vmem>>) target_semaphore(%arg21 : memref<!tpu.dma_semaphore, #tpu.memory_space<semaphore_mem>>)
      } else {
      }
    }
    %scan3A_166 = arith.constant 40 : i32
    %barrier3A_167 = arith.constant 0 : index
    tpu.barrier barrier_id(%barrier3A_167)
    %lt3A_168 = arith.constant 15 : i32
    %lt3A_169 = arith.cmpi slt, %arg1, %lt3A_168 : i32
    %convert_element_type3A_170 = arith.extui %lt3A_169 : i1 to i32
    %cond3A_171 = arith.constant 0 : i32
    %cond3A_172 = arith.cmpi ne, %convert_element_type3A_170, %cond3A_171 : i32
    scf.if %cond3A_172 {
      %mul3A_241 = arith.constant 640 : i32
      %mul3A_242 = arith.muli %arg1, %mul3A_241 : i32
      %mul3A_243 = arith.constant 4 : i32
      %mul3A_244 = arith.muli %arg0, %mul3A_243 : i32
      %add3A_245 = arith.constant 2 : i32
      %add3A_246 = arith.addi %mul3A_244, %add3A_245 : i32
      %mul3A_247 = arith.constant 10000 : i32
      %mul3A_248 = arith.muli %add3A_246, %mul3A_247 : i32
      %add3A_249 = arith.addi %mul3A_248, %mul3A_242 : i32
      "tpu.region"() ({
        %run_scoped3A = tpu.sem_alloc : memref<!tpu.dma_semaphore, #tpu.memory_space<semaphore_mem>>
        %dma_start3A_250 = arith.constant 0 : i32
        %dma_start3A_251 = tpu.memref_slice %arg10[%add3A_249, %dma_start3A_250] : memref<80000x128xf32, #tpu.memory_space<hbm>> -> memref<640x128xf32, #tpu.memory_space<hbm>>
        %dma_start3A_252 = arith.constant 0 : i32
        %dma_start3A_253 = tpu.memref_slice %arg18[%mul3A_242, %dma_start3A_252] : memref<10000x128xf32, #tpu.memory_space<vmem_shared>> -> memref<640x128xf32, #tpu.memory_space<vmem_shared>>
        tpu.enqueue_dma source(%dma_start3A_253 : memref<640x128xf32, #tpu.memory_space<vmem_shared>>) target(%dma_start3A_251 : memref<640x128xf32, #tpu.memory_space<hbm>>) target_semaphore(%run_scoped3A : memref<!tpu.dma_semaphore, #tpu.memory_space<semaphore_mem>>)
        %dma_wait3A_254 = arith.constant 0 : i32
        %dma_wait3A_255 = tpu.memref_slice %arg10[%add3A_249, %dma_wait3A_254] : memref<80000x128xf32, #tpu.memory_space<hbm>> -> memref<640x128xf32, #tpu.memory_space<hbm>>
        %dma_wait3A_256 = arith.constant 0 : i32
        %dma_wait3A_257 = tpu.memref_slice %arg18[%mul3A_242, %dma_wait3A_256] : memref<10000x128xf32, #tpu.memory_space<vmem_shared>> -> memref<640x128xf32, #tpu.memory_space<vmem_shared>>
        tpu.wait_dma2 semaphore(%run_scoped3A : memref<!tpu.dma_semaphore, #tpu.memory_space<semaphore_mem>>) src(%dma_wait3A_257 : memref<640x128xf32, #tpu.memory_space<vmem_shared>>) dst(%dma_wait3A_255 : memref<640x128xf32, #tpu.memory_space<hbm>>)
        tpu.yield
      }) : () -> ()
    } else {
    }
    %eq3A_173 = arith.constant 15 : i32
    %eq3A_174 = arith.cmpi eq, %arg1, %eq3A_173 : i32
    %convert_element_type3A_175 = arith.extui %eq3A_174 : i1 to i32
    %cond3A_176 = arith.constant 0 : i32
    %cond3A_177 = arith.cmpi ne, %convert_element_type3A_175, %cond3A_176 : i32
    scf.if %cond3A_177 {
      %mul3A_241 = arith.constant 4 : i32
      %mul3A_242 = arith.muli %arg0, %mul3A_241 : i32
      %add3A_243 = arith.constant 2 : i32
      %add3A_244 = arith.addi %mul3A_242, %add3A_243 : i32
      %mul3A_245 = arith.constant 10000 : i32
      %mul3A_246 = arith.muli %add3A_244, %mul3A_245 : i32
      %add3A_247 = arith.constant 9600 : i32
      %add3A_248 = arith.addi %mul3A_246, %add3A_247 : i32
      "tpu.region"() ({
        %run_scoped3A = tpu.sem_alloc : memref<!tpu.dma_semaphore, #tpu.memory_space<semaphore_mem>>
        %dma_start3A_249 = arith.constant 0 : i32
        %dma_start3A_250 = tpu.memref_slice %arg10[%add3A_248, %dma_start3A_249] : memref<80000x128xf32, #tpu.memory_space<hbm>> -> memref<400x128xf32, #tpu.memory_space<hbm>>
        %dma_start3A_251 = arith.constant 9600 : i32
        %dma_start3A_252 = arith.constant 0 : i32
        %dma_start3A_253 = tpu.memref_slice %arg18[%dma_start3A_251, %dma_start3A_252] : memref<10000x128xf32, #tpu.memory_space<vmem_shared>> -> memref<400x128xf32, #tpu.memory_space<vmem_shared>>
        tpu.enqueue_dma source(%dma_start3A_253 : memref<400x128xf32, #tpu.memory_space<vmem_shared>>) target(%dma_start3A_250 : memref<400x128xf32, #tpu.memory_space<hbm>>) target_semaphore(%run_scoped3A : memref<!tpu.dma_semaphore, #tpu.memory_space<semaphore_mem>>)
        %dma_wait3A_254 = arith.constant 0 : i32
        %dma_wait3A_255 = tpu.memref_slice %arg10[%add3A_248, %dma_wait3A_254] : memref<80000x128xf32, #tpu.memory_space<hbm>> -> memref<400x128xf32, #tpu.memory_space<hbm>>
        %dma_wait3A_256 = arith.constant 9600 : i32
        %dma_wait3A_257 = arith.constant 0 : i32
        %dma_wait3A_258 = tpu.memref_slice %arg18[%dma_wait3A_256, %dma_wait3A_257] : memref<10000x128xf32, #tpu.memory_space<vmem_shared>> -> memref<400x128xf32, #tpu.memory_space<vmem_shared>>
        tpu.wait_dma2 semaphore(%run_scoped3A : memref<!tpu.dma_semaphore, #tpu.memory_space<semaphore_mem>>) src(%dma_wait3A_258 : memref<400x128xf32, #tpu.memory_space<vmem_shared>>) dst(%dma_wait3A_255 : memref<400x128xf32, #tpu.memory_space<hbm>>)
        tpu.yield
      }) : () -> ()
    } else {
    }
    %barrier3A_178 = arith.constant 0 : index
    tpu.barrier barrier_id(%barrier3A_178)
    %lt3A_179 = arith.constant 15 : i32
    %lt3A_180 = arith.cmpi slt, %arg1, %lt3A_179 : i32
    %convert_element_type3A_181 = arith.extui %lt3A_180 : i1 to i32
    %cond3A_182 = arith.constant 0 : i32
    %cond3A_183 = arith.cmpi ne, %convert_element_type3A_181, %cond3A_182 : i32
    scf.if %cond3A_183 {
      %mul3A_241 = arith.constant 640 : i32
      %mul3A_242 = arith.muli %arg1, %mul3A_241 : i32
      "tpu.region"() ({
        %run_scoped3A = tpu.sem_alloc : memref<!tpu.dma_semaphore, #tpu.memory_space<semaphore_mem>>
        %dma_start3A_243 = arith.constant 0 : i32
        %dma_start3A_244 = tpu.memref_slice %arg18[%mul3A_242, %dma_start3A_243] : memref<10000x128xf32, #tpu.memory_space<vmem_shared>> -> memref<640x128xf32, #tpu.memory_space<vmem_shared>>
        %dma_start3A_245 = arith.constant 0 : i32
        %dma_start3A_246 = arith.constant 0 : i32
        %dma_start3A_247 = tpu.memref_slice %arg8[%dma_start3A_245, %dma_start3A_246] : memref<640x128xf32, #tpu.memory_space<hbm>> -> memref<640x128xf32, #tpu.memory_space<hbm>>
        tpu.enqueue_dma source(%dma_start3A_247 : memref<640x128xf32, #tpu.memory_space<hbm>>) target(%dma_start3A_244 : memref<640x128xf32, #tpu.memory_space<vmem_shared>>) target_semaphore(%run_scoped3A : memref<!tpu.dma_semaphore, #tpu.memory_space<semaphore_mem>>)
        %dma_wait3A_248 = arith.constant 0 : i32
        %dma_wait3A_249 = tpu.memref_slice %arg18[%mul3A_242, %dma_wait3A_248] : memref<10000x128xf32, #tpu.memory_space<vmem_shared>> -> memref<640x128xf32, #tpu.memory_space<vmem_shared>>
        %dma_wait3A_250 = arith.constant 0 : i32
        %dma_wait3A_251 = arith.constant 0 : i32
        %dma_wait3A_252 = tpu.memref_slice %arg8[%dma_wait3A_250, %dma_wait3A_251] : memref<640x128xf32, #tpu.memory_space<hbm>> -> memref<640x128xf32, #tpu.memory_space<hbm>>
        tpu.wait_dma2 semaphore(%run_scoped3A : memref<!tpu.dma_semaphore, #tpu.memory_space<semaphore_mem>>) src(%dma_wait3A_252 : memref<640x128xf32, #tpu.memory_space<hbm>>) dst(%dma_wait3A_249 : memref<640x128xf32, #tpu.memory_space<vmem_shared>>)
        tpu.yield
      }) : () -> ()
    } else {
    }
    %eq3A_184 = arith.constant 15 : i32
    %eq3A_185 = arith.cmpi eq, %arg1, %eq3A_184 : i32
    %convert_element_type3A_186 = arith.extui %eq3A_185 : i1 to i32
    %cond3A_187 = arith.constant 0 : i32
    %cond3A_188 = arith.cmpi ne, %convert_element_type3A_186, %cond3A_187 : i32
    scf.if %cond3A_188 {
      "tpu.region"() ({
        %run_scoped3A = tpu.sem_alloc : memref<!tpu.dma_semaphore, #tpu.memory_space<semaphore_mem>>
        %dma_start3A_241 = arith.constant 9600 : i32
        %dma_start3A_242 = arith.constant 0 : i32
        %dma_start3A_243 = tpu.memref_slice %arg18[%dma_start3A_241, %dma_start3A_242] : memref<10000x128xf32, #tpu.memory_space<vmem_shared>> -> memref<400x128xf32, #tpu.memory_space<vmem_shared>>
        %dma_start3A_244 = arith.constant 0 : i32
        %dma_start3A_245 = arith.constant 0 : i32
        %dma_start3A_246 = tpu.memref_slice %arg8[%dma_start3A_244, %dma_start3A_245] : memref<640x128xf32, #tpu.memory_space<hbm>> -> memref<400x128xf32, #tpu.memory_space<hbm>>
        tpu.enqueue_dma source(%dma_start3A_246 : memref<400x128xf32, #tpu.memory_space<hbm>>) target(%dma_start3A_243 : memref<400x128xf32, #tpu.memory_space<vmem_shared>>) target_semaphore(%run_scoped3A : memref<!tpu.dma_semaphore, #tpu.memory_space<semaphore_mem>>)
        %dma_wait3A_247 = arith.constant 9600 : i32
        %dma_wait3A_248 = arith.constant 0 : i32
        %dma_wait3A_249 = tpu.memref_slice %arg18[%dma_wait3A_247, %dma_wait3A_248] : memref<10000x128xf32, #tpu.memory_space<vmem_shared>> -> memref<400x128xf32, #tpu.memory_space<vmem_shared>>
        %dma_wait3A_250 = arith.constant 0 : i32
        %dma_wait3A_251 = arith.constant 0 : i32
        %dma_wait3A_252 = tpu.memref_slice %arg8[%dma_wait3A_250, %dma_wait3A_251] : memref<640x128xf32, #tpu.memory_space<hbm>> -> memref<400x128xf32, #tpu.memory_space<hbm>>
        tpu.wait_dma2 semaphore(%run_scoped3A : memref<!tpu.dma_semaphore, #tpu.memory_space<semaphore_mem>>) src(%dma_wait3A_252 : memref<400x128xf32, #tpu.memory_space<hbm>>) dst(%dma_wait3A_249 : memref<400x128xf32, #tpu.memory_space<vmem_shared>>)
        tpu.yield
      }) : () -> ()
    } else {
    }
    %barrier3A_189 = arith.constant 0 : index
    tpu.barrier barrier_id(%barrier3A_189)
    %dma_start3A_190 = arith.constant 0 : i32
    %dma_start3A_191 = arith.constant 0 : i32
    %dma_start3A_192 = arith.constant 0 : i32
    %dma_start3A_193 = tpu.memref_slice %arg6[%add3A, %dma_start3A_190, %dma_start3A_191, %dma_start3A_192] : memref<32x80x4x128xi32, #tpu.memory_space<hbm>> -> memref<1x1x4x128xi32, #tpu.memory_space<hbm>>
    %dma_start3A_194 = tpu.memref_squeeze %dma_start3A_193 : memref<1x1x4x128xi32, #tpu.memory_space<hbm>> -> memref<4x128xi32, #tpu.memory_space<hbm>>
    %dma_start3A_195 = arith.constant 0 : i32
    %dma_start3A_196 = arith.constant 0 : i32
    %dma_start3A_197 = tpu.memref_slice %arg6[%add3A, %dma_start3A_190, %dma_start3A_195, %dma_start3A_196] : memref<32x80x4x128xi32, #tpu.memory_space<hbm>> -> memref<1x1x4x128xi32, #tpu.memory_space<hbm>>
    %dma_start3A_198 = tpu.memref_squeeze %dma_start3A_197 : memref<1x1x4x128xi32, #tpu.memory_space<hbm>> -> memref<4x128xi32, #tpu.memory_space<hbm>>
    tpu.enqueue_dma source(%dma_start3A_198 : memref<4x128xi32, #tpu.memory_space<hbm>>) target(%arg12 : memref<4x128xi32, #tpu.memory_space<vmem>>) target_semaphore(%arg20 : memref<!tpu.dma_semaphore, #tpu.memory_space<semaphore_mem>>)
    %dma_wait3A_199 = arith.constant 0 : i32
    %dma_wait3A_200 = arith.constant 0 : i32
    %dma_wait3A_201 = arith.constant 0 : i32
    %dma_wait3A_202 = tpu.memref_slice %arg6[%add3A, %dma_wait3A_199, %dma_wait3A_200, %dma_wait3A_201] : memref<32x80x4x128xi32, #tpu.memory_space<hbm>> -> memref<1x1x4x128xi32, #tpu.memory_space<hbm>>
    %dma_wait3A_203 = tpu.memref_squeeze %dma_wait3A_202 : memref<1x1x4x128xi32, #tpu.memory_space<hbm>> -> memref<4x128xi32, #tpu.memory_space<hbm>>
    %dma_wait3A_204 = arith.constant 0 : i32
    %dma_wait3A_205 = arith.constant 0 : i32
    %dma_wait3A_206 = tpu.memref_slice %arg6[%add3A, %dma_wait3A_199, %dma_wait3A_204, %dma_wait3A_205] : memref<32x80x4x128xi32, #tpu.memory_space<hbm>> -> memref<1x1x4x128xi32, #tpu.memory_space<hbm>>
    %dma_wait3A_207 = tpu.memref_squeeze %dma_wait3A_206 : memref<1x1x4x128xi32, #tpu.memory_space<hbm>> -> memref<4x128xi32, #tpu.memory_space<hbm>>
    tpu.wait_dma2 semaphore(%arg20 : memref<!tpu.dma_semaphore, #tpu.memory_space<semaphore_mem>>) src(%dma_wait3A_207 : memref<4x128xi32, #tpu.memory_space<hbm>>) dst(%arg12 : memref<4x128xi32, #tpu.memory_space<vmem>>)
    %dma_start3A_208 = arith.constant 0 : i32
    %dma_start3A_209 = arith.constant 0 : i32
    %dma_start3A_210 = tpu.memref_slice %arg12[%dma_start3A_208, %dma_start3A_209] : memref<4x128xi32, #tpu.memory_space<vmem>> -> memref<1x128xi32, #tpu.memory_space<vmem>>
    %dma_start3A_211 = tpu.memref_squeeze %dma_start3A_210 : memref<1x128xi32, #tpu.memory_space<vmem>> -> memref<128xi32, #tpu.memory_space<vmem>>
    %dma_start3A_212 = arith.constant 0 : i32
    %dma_start3A_213 = arith.constant 0 : i32
    %dma_start3A_214 = tpu.memref_slice %arg5[%dma_start3A_212, %dma_start3A_213] : memref<10000x64xf32, #tpu.memory_space<hbm>> -> memref<10000x64xf32, #tpu.memory_space<hbm>>
    tpu.enqueue_indirect_dma source(%dma_start3A_214 : memref<10000x64xf32, #tpu.memory_space<hbm>>) target(%arg15 : memref<128x64xf32, #tpu.memory_space<vmem>>) offsets(%dma_start3A_211 : memref<128xi32, #tpu.memory_space<vmem>>) semaphore(%arg22 : memref<!tpu.dma_semaphore, #tpu.memory_space<semaphore_mem>>)
    %dma_start3A_215 = arith.constant 1 : i32
    %dma_start3A_216 = arith.constant 0 : i32
    %dma_start3A_217 = arith.constant 0 : i32
    %dma_start3A_218 = tpu.memref_slice %arg6[%add3A, %dma_start3A_215, %dma_start3A_216, %dma_start3A_217] : memref<32x80x4x128xi32, #tpu.memory_space<hbm>> -> memref<1x1x4x128xi32, #tpu.memory_space<hbm>>
    %dma_start3A_219 = tpu.memref_squeeze %dma_start3A_218 : memref<1x1x4x128xi32, #tpu.memory_space<hbm>> -> memref<4x128xi32, #tpu.memory_space<hbm>>
    %dma_start3A_220 = arith.constant 0 : i32
    %dma_start3A_221 = arith.constant 0 : i32
    %dma_start3A_222 = tpu.memref_slice %arg6[%add3A, %dma_start3A_215, %dma_start3A_220, %dma_start3A_221] : memref<32x80x4x128xi32, #tpu.memory_space<hbm>> -> memref<1x1x4x128xi32, #tpu.memory_space<hbm>>
    %dma_start3A_223 = tpu.memref_squeeze %dma_start3A_222 : memref<1x1x4x128xi32, #tpu.memory_space<hbm>> -> memref<4x128xi32, #tpu.memory_space<hbm>>
    tpu.enqueue_dma source(%dma_start3A_223 : memref<4x128xi32, #tpu.memory_space<hbm>>) target(%arg13 : memref<4x128xi32, #tpu.memory_space<vmem>>) target_semaphore(%arg21 : memref<!tpu.dma_semaphore, #tpu.memory_space<semaphore_mem>>)
    %scan3A_224 = arith.constant 0 : i32
    %scan3A_225 = arith.constant 40 : i32
    %scan3A_226 = arith.addi %scan3A_224, %scan3A_225 : i32
    %scan3A_227 = arith.constant 1 : i32
    scf.for %scan3A_241 = %scan3A_224 to %scan3A_226 step %scan3A_227  : i32 {
      %mul3A_242 = arith.constant 2 : i32
      %mul3A_243 = arith.muli %scan3A_241, %mul3A_242 : i32
      %add3A_244 = arith.constant 0 : i32
      %add3A_245 = arith.addi %add3A_244, %mul3A_243 : i32
      %dma_wait3A_246 = arith.constant 0 : i32
      %dma_wait3A_247 = arith.constant 0 : i32
      %dma_wait3A_248 = arith.constant 0 : i32
      %dma_wait3A_249 = tpu.memref_slice %arg6[%add3A, %dma_wait3A_246, %dma_wait3A_247, %dma_wait3A_248] : memref<32x80x4x128xi32, #tpu.memory_space<hbm>> -> memref<1x1x4x128xi32, #tpu.memory_space<hbm>>
      %dma_wait3A_250 = tpu.memref_squeeze %dma_wait3A_249 : memref<1x1x4x128xi32, #tpu.memory_space<hbm>> -> memref<4x128xi32, #tpu.memory_space<hbm>>
      %dma_wait3A_251 = arith.constant 0 : i32
      %dma_wait3A_252 = arith.constant 0 : i32
      %dma_wait3A_253 = tpu.memref_slice %arg6[%add3A, %dma_wait3A_246, %dma_wait3A_251, %dma_wait3A_252] : memref<32x80x4x128xi32, #tpu.memory_space<hbm>> -> memref<1x1x4x128xi32, #tpu.memory_space<hbm>>
      %dma_wait3A_254 = tpu.memref_squeeze %dma_wait3A_253 : memref<1x1x4x128xi32, #tpu.memory_space<hbm>> -> memref<4x128xi32, #tpu.memory_space<hbm>>
      tpu.wait_dma2 semaphore(%arg21 : memref<!tpu.dma_semaphore, #tpu.memory_space<semaphore_mem>>) src(%dma_wait3A_254 : memref<4x128xi32, #tpu.memory_space<hbm>>) dst(%arg13 : memref<4x128xi32, #tpu.memory_space<vmem>>)
      %dma_start3A_255 = arith.constant 0 : i32
      %dma_start3A_256 = arith.constant 0 : i32
      %dma_start3A_257 = tpu.memref_slice %arg13[%dma_start3A_255, %dma_start3A_256] : memref<4x128xi32, #tpu.memory_space<vmem>> -> memref<1x128xi32, #tpu.memory_space<vmem>>
      %dma_start3A_258 = tpu.memref_squeeze %dma_start3A_257 : memref<1x128xi32, #tpu.memory_space<vmem>> -> memref<128xi32, #tpu.memory_space<vmem>>
      %dma_start3A_259 = arith.constant 0 : i32
      %dma_start3A_260 = arith.constant 0 : i32
      %dma_start3A_261 = tpu.memref_slice %arg5[%dma_start3A_259, %dma_start3A_260] : memref<10000x64xf32, #tpu.memory_space<hbm>> -> memref<10000x64xf32, #tpu.memory_space<hbm>>
      tpu.enqueue_indirect_dma source(%dma_start3A_261 : memref<10000x64xf32, #tpu.memory_space<hbm>>) target(%arg16 : memref<128x64xf32, #tpu.memory_space<vmem>>) offsets(%dma_start3A_258 : memref<128xi32, #tpu.memory_space<vmem>>) semaphore(%arg23 : memref<!tpu.dma_semaphore, #tpu.memory_space<semaphore_mem>>)
      %dma_wait3A_262 = arith.constant 0 : i32
      %dma_wait3A_263 = arith.constant 0 : i32
      %dma_wait3A_264 = tpu.memref_slice %arg12[%dma_wait3A_262, %dma_wait3A_263] : memref<4x128xi32, #tpu.memory_space<vmem>> -> memref<1x128xi32, #tpu.memory_space<vmem>>
      %dma_wait3A_265 = tpu.memref_squeeze %dma_wait3A_264 : memref<1x128xi32, #tpu.memory_space<vmem>> -> memref<128xi32, #tpu.memory_space<vmem>>
      %dma_wait3A_266 = arith.constant 0 : i32
      %dma_wait3A_267 = arith.constant 0 : i32
      %dma_wait3A_268 = tpu.memref_slice %arg5[%dma_wait3A_266, %dma_wait3A_267] : memref<10000x64xf32, #tpu.memory_space<hbm>> -> memref<10000x64xf32, #tpu.memory_space<hbm>>
      tpu.wait_indirect_dma semaphore(%arg22 : memref<!tpu.dma_semaphore, #tpu.memory_space<semaphore_mem>>) src(%dma_wait3A_268 : memref<10000x64xf32, #tpu.memory_space<hbm>>) dst(%arg15 : memref<128x64xf32, #tpu.memory_space<vmem>>)
      %parallel_loop3A = arith.constant 0 : i32
      %parallel_loop3A_269 = arith.constant 128 : i32
      %parallel_loop3A_270 = arith.constant 1 : i32
      scf.for %parallel_loop3A_303 = %parallel_loop3A to %parallel_loop3A_269 step %parallel_loop3A_270  : i32 {
        %parallel_loop3A_304 = vector.broadcast %parallel_loop3A_303 : i32 to vector<16xi32>
        %parallel_loop3A_305 = arith.constant 2 : i32
        %parallel_loop3A_306 = vector.broadcast %parallel_loop3A_305 : i32 to vector<16xi32>
        %parallel_loop3A_307 = tpu.vector_load_idx %arg12[%parallel_loop3A_306, %parallel_loop3A_304] : memref<4x128xi32, #tpu.memory_space<vmem>>[vector<16xi32>, vector<16xi32>], vector<16xi32>,
        %parallel_loop3A_308 = vector.bitcast %parallel_loop3A_307 : vector<16xi32> to vector<16xf32>
        %parallel_loop3A_309 = arith.constant 3 : i32
        %parallel_loop3A_310 = vector.broadcast %parallel_loop3A_309 : i32 to vector<16xi32>
        %parallel_loop3A_311 = tpu.vector_load_idx %arg12[%parallel_loop3A_310, %parallel_loop3A_304] : memref<4x128xi32, #tpu.memory_space<vmem>>[vector<16xi32>, vector<16xi32>], vector<16xi32>,
        %parallel_loop3A_312 = vector.bitcast %parallel_loop3A_311 : vector<16xi32> to vector<16xf32>
        %parallel_loop3A_313 = arith.index_cast %parallel_loop3A_303 : i32 to index
        %parallel_loop3A_314 = arith.constant 0 : index
        %parallel_loop3A_315 = tpu.vector_load %arg15[%parallel_loop3A_313, %parallel_loop3A_314] {strides = array<i32>} : memref<128x64xf32, #tpu.memory_space<vmem>>, vector<16xf32>,
        %parallel_loop3A_316 = arith.mulf %parallel_loop3A_315, %parallel_loop3A_308 : vector<16xf32>
        %parallel_loop3A_317 = arith.index_cast %parallel_loop3A_303 : i32 to index
        %parallel_loop3A_318 = arith.constant 0 : index
        %parallel_loop3A_319 = tpu.vector_load %arg17[%parallel_loop3A_317, %parallel_loop3A_318] {strides = array<i32>} : memref<128x128xf32, #tpu.memory_space<vmem>>, vector<16xf32>,
        tpu.vector_store %arg17[%parallel_loop3A_317, %parallel_loop3A_318], %parallel_loop3A_316 {strides = array<i32>} : memref<128x128xf32, #tpu.memory_space<vmem>>, vector<16xf32>,
        %parallel_loop3A_320 = arith.mulf %parallel_loop3A_315, %parallel_loop3A_312 : vector<16xf32>
        %parallel_loop3A_321 = arith.index_cast %parallel_loop3A_303 : i32 to index
        %parallel_loop3A_322 = arith.constant 64 : index
        %parallel_loop3A_323 = tpu.vector_load %arg17[%parallel_loop3A_321, %parallel_loop3A_322] {strides = array<i32>} : memref<128x128xf32, #tpu.memory_space<vmem>>, vector<16xf32>,
        tpu.vector_store %arg17[%parallel_loop3A_321, %parallel_loop3A_322], %parallel_loop3A_320 {strides = array<i32>} : memref<128x128xf32, #tpu.memory_space<vmem>>, vector<16xf32>,
        %parallel_loop3A_324 = arith.index_cast %parallel_loop3A_303 : i32 to index
        %parallel_loop3A_325 = arith.constant 16 : index
        %parallel_loop3A_326 = tpu.vector_load %arg15[%parallel_loop3A_324, %parallel_loop3A_325] {strides = array<i32>} : memref<128x64xf32, #tpu.memory_space<vmem>>, vector<16xf32>,
        %parallel_loop3A_327 = arith.mulf %parallel_loop3A_326, %parallel_loop3A_308 : vector<16xf32>
        %parallel_loop3A_328 = arith.index_cast %parallel_loop3A_303 : i32 to index
        %parallel_loop3A_329 = arith.constant 16 : index
        %parallel_loop3A_330 = tpu.vector_load %arg17[%parallel_loop3A_328, %parallel_loop3A_329] {strides = array<i32>} : memref<128x128xf32, #tpu.memory_space<vmem>>, vector<16xf32>,
        tpu.vector_store %arg17[%parallel_loop3A_328, %parallel_loop3A_329], %parallel_loop3A_327 {strides = array<i32>} : memref<128x128xf32, #tpu.memory_space<vmem>>, vector<16xf32>,
        %parallel_loop3A_331 = arith.mulf %parallel_loop3A_326, %parallel_loop3A_312 : vector<16xf32>
        %parallel_loop3A_332 = arith.index_cast %parallel_loop3A_303 : i32 to index
        %parallel_loop3A_333 = arith.constant 80 : index
        %parallel_loop3A_334 = tpu.vector_load %arg17[%parallel_loop3A_332, %parallel_loop3A_333] {strides = array<i32>} : memref<128x128xf32, #tpu.memory_space<vmem>>, vector<16xf32>,
        tpu.vector_store %arg17[%parallel_loop3A_332, %parallel_loop3A_333], %parallel_loop3A_331 {strides = array<i32>} : memref<128x128xf32, #tpu.memory_space<vmem>>, vector<16xf32>,
        %parallel_loop3A_335 = arith.index_cast %parallel_loop3A_303 : i32 to index
        %parallel_loop3A_336 = arith.constant 32 : index
        %parallel_loop3A_337 = tpu.vector_load %arg15[%parallel_loop3A_335, %parallel_loop3A_336] {strides = array<i32>} : memref<128x64xf32, #tpu.memory_space<vmem>>, vector<16xf32>,
        %parallel_loop3A_338 = arith.mulf %parallel_loop3A_337, %parallel_loop3A_308 : vector<16xf32>
        %parallel_loop3A_339 = arith.index_cast %parallel_loop3A_303 : i32 to index
        %parallel_loop3A_340 = arith.constant 32 : index
        %parallel_loop3A_341 = tpu.vector_load %arg17[%parallel_loop3A_339, %parallel_loop3A_340] {strides = array<i32>} : memref<128x128xf32, #tpu.memory_space<vmem>>, vector<16xf32>,
        tpu.vector_store %arg17[%parallel_loop3A_339, %parallel_loop3A_340], %parallel_loop3A_338 {strides = array<i32>} : memref<128x128xf32, #tpu.memory_space<vmem>>, vector<16xf32>,
        %parallel_loop3A_342 = arith.mulf %parallel_loop3A_337, %parallel_loop3A_312 : vector<16xf32>
        %parallel_loop3A_343 = arith.index_cast %parallel_loop3A_303 : i32 to index
        %parallel_loop3A_344 = arith.constant 96 : index
        %parallel_loop3A_345 = tpu.vector_load %arg17[%parallel_loop3A_343, %parallel_loop3A_344] {strides = array<i32>} : memref<128x128xf32, #tpu.memory_space<vmem>>, vector<16xf32>,
        tpu.vector_store %arg17[%parallel_loop3A_343, %parallel_loop3A_344], %parallel_loop3A_342 {strides = array<i32>} : memref<128x128xf32, #tpu.memory_space<vmem>>, vector<16xf32>,
        %parallel_loop3A_346 = arith.index_cast %parallel_loop3A_303 : i32 to index
        %parallel_loop3A_347 = arith.constant 48 : index
        %parallel_loop3A_348 = tpu.vector_load %arg15[%parallel_loop3A_346, %parallel_loop3A_347] {strides = array<i32>} : memref<128x64xf32, #tpu.memory_space<vmem>>, vector<16xf32>,
        %parallel_loop3A_349 = arith.mulf %parallel_loop3A_348, %parallel_loop3A_308 : vector<16xf32>
        %parallel_loop3A_350 = arith.index_cast %parallel_loop3A_303 : i32 to index
        %parallel_loop3A_351 = arith.constant 48 : index
        %parallel_loop3A_352 = tpu.vector_load %arg17[%parallel_loop3A_350, %parallel_loop3A_351] {strides = array<i32>} : memref<128x128xf32, #tpu.memory_space<vmem>>, vector<16xf32>,
        tpu.vector_store %arg17[%parallel_loop3A_350, %parallel_loop3A_351], %parallel_loop3A_349 {strides = array<i32>} : memref<128x128xf32, #tpu.memory_space<vmem>>, vector<16xf32>,
        %parallel_loop3A_353 = arith.mulf %parallel_loop3A_348, %parallel_loop3A_312 : vector<16xf32>
        %parallel_loop3A_354 = arith.index_cast %parallel_loop3A_303 : i32 to index
        %parallel_loop3A_355 = arith.constant 112 : index
        %parallel_loop3A_356 = tpu.vector_load %arg17[%parallel_loop3A_354, %parallel_loop3A_355] {strides = array<i32>} : memref<128x128xf32, #tpu.memory_space<vmem>>, vector<16xf32>,
        tpu.vector_store %arg17[%parallel_loop3A_354, %parallel_loop3A_355], %parallel_loop3A_353 {strides = array<i32>} : memref<128x128xf32, #tpu.memory_space<vmem>>, vector<16xf32>,
      } {sc.loop_unroll_factor = 4 : i64, sc.parallel_access}
      %run_scoped3A = arith.constant 1 : i32
      "tpu.region"() ({
        %run_scoped3A_303 = tpu.sem_alloc : memref<!tpu.dma_semaphore, #tpu.memory_space<semaphore_mem>>
        %dma_start3A_304 = arith.constant 0 : i32
        %dma_start3A_305 = tpu.memref_slice %arg12[%run_scoped3A, %dma_start3A_304] : memref<4x128xi32, #tpu.memory_space<vmem>> -> memref<1x128xi32, #tpu.memory_space<vmem>>
        %dma_start3A_306 = tpu.memref_squeeze %dma_start3A_305 : memref<1x128xi32, #tpu.memory_space<vmem>> -> memref<128xi32, #tpu.memory_space<vmem>>
        %dma_start3A_307 = arith.constant 0 : i32
        %dma_start3A_308 = arith.constant 0 : i32
        %dma_start3A_309 = tpu.memref_slice %arg18[%dma_start3A_307, %dma_start3A_308] : memref<10000x128xf32, #tpu.memory_space<vmem_shared>> -> memref<10000x128xf32, #tpu.memory_space<vmem_shared>>
        tpu.enqueue_indirect_dma source(%arg17 : memref<128x128xf32, #tpu.memory_space<vmem>>) target(%dma_start3A_309 : memref<10000x128xf32, #tpu.memory_space<vmem_shared>>) offsets(%dma_start3A_306 : memref<128xi32, #tpu.memory_space<vmem>>) semaphore(%run_scoped3A_303 : memref<!tpu.dma_semaphore, #tpu.memory_space<semaphore_mem>>) {add = true}
        %dma_wait3A_310 = arith.constant 0 : i32
        %dma_wait3A_311 = tpu.memref_slice %arg12[%run_scoped3A, %dma_wait3A_310] : memref<4x128xi32, #tpu.memory_space<vmem>> -> memref<1x128xi32, #tpu.memory_space<vmem>>
        %dma_wait3A_312 = tpu.memref_squeeze %dma_wait3A_311 : memref<1x128xi32, #tpu.memory_space<vmem>> -> memref<128xi32, #tpu.memory_space<vmem>>
        %dma_wait3A_313 = arith.constant 0 : i32
        %dma_wait3A_314 = arith.constant 0 : i32
        %dma_wait3A_315 = tpu.memref_slice %arg18[%dma_wait3A_313, %dma_wait3A_314] : memref<10000x128xf32, #tpu.memory_space<vmem_shared>> -> memref<10000x128xf32, #tpu.memory_space<vmem_shared>>
        tpu.wait_indirect_dma semaphore(%run_scoped3A_303 : memref<!tpu.dma_semaphore, #tpu.memory_space<semaphore_mem>>) src(%arg17 : memref<128x128xf32, #tpu.memory_space<vmem>>) dst(%dma_wait3A_315 : memref<10000x128xf32, #tpu.memory_space<vmem_shared>>)
        tpu.yield
      }) : () -> ()
      %add3A_271 = arith.constant 2 : i32
      %add3A_272 = arith.addi %add3A_245, %add3A_271 : i32
      %lt3A_273 = arith.constant 80 : i32
      %lt3A_274 = arith.cmpi slt, %add3A_272, %lt3A_273 : i32
      %convert_element_type3A_275 = arith.extui %lt3A_274 : i1 to i32
      %cond3A_276 = arith.constant 0 : i32
      %cond3A_277 = arith.cmpi ne, %convert_element_type3A_275, %cond3A_276 : i32
      scf.if %cond3A_277 {
        %add3A_303 = arith.constant 2 : i32
        %add3A_304 = arith.addi %add3A_245, %add3A_303 : i32
        %dma_start3A_305 = arith.constant 0 : i32
        %dma_start3A_306 = arith.constant 0 : i32
        %dma_start3A_307 = tpu.memref_slice %arg6[%add3A, %add3A_304, %dma_start3A_305, %dma_start3A_306] : memref<32x80x4x128xi32, #tpu.memory_space<hbm>> -> memref<1x1x4x128xi32, #tpu.memory_space<hbm>>
        %dma_start3A_308 = tpu.memref_squeeze %dma_start3A_307 : memref<1x1x4x128xi32, #tpu.memory_space<hbm>> -> memref<4x128xi32, #tpu.memory_space<hbm>>
        %dma_start3A_309 = arith.constant 0 : i32
        %dma_start3A_310 = arith.constant 0 : i32
        %dma_start3A_311 = tpu.memref_slice %arg6[%add3A, %add3A_304, %dma_start3A_309, %dma_start3A_310] : memref<32x80x4x128xi32, #tpu.memory_space<hbm>> -> memref<1x1x4x128xi32, #tpu.memory_space<hbm>>
        %dma_start3A_312 = tpu.memref_squeeze %dma_start3A_311 : memref<1x1x4x128xi32, #tpu.memory_space<hbm>> -> memref<4x128xi32, #tpu.memory_space<hbm>>
        tpu.enqueue_dma source(%dma_start3A_312 : memref<4x128xi32, #tpu.memory_space<hbm>>) target(%arg12 : memref<4x128xi32, #tpu.memory_space<vmem>>) target_semaphore(%arg20 : memref<!tpu.dma_semaphore, #tpu.memory_space<semaphore_mem>>)
      } else {
      }
      %dma_wait3A_278 = arith.constant 0 : i32
      %dma_wait3A_279 = arith.constant 0 : i32
      %dma_wait3A_280 = tpu.memref_slice %arg12[%dma_wait3A_278, %dma_wait3A_279] : memref<4x128xi32, #tpu.memory_space<vmem>> -> memref<1x128xi32, #tpu.memory_space<vmem>>
      %dma_wait3A_281 = tpu.memref_squeeze %dma_wait3A_280 : memref<1x128xi32, #tpu.memory_space<vmem>> -> memref<128xi32, #tpu.memory_space<vmem>>
      %dma_wait3A_282 = arith.constant 0 : i32
      %dma_wait3A_283 = arith.constant 0 : i32
      %dma_wait3A_284 = tpu.memref_slice %arg5[%dma_wait3A_282, %dma_wait3A_283] : memref<10000x64xf32, #tpu.memory_space<hbm>> -> memref<10000x64xf32, #tpu.memory_space<hbm>>
      tpu.wait_indirect_dma semaphore(%arg23 : memref<!tpu.dma_semaphore, #tpu.memory_space<semaphore_mem>>) src(%dma_wait3A_284 : memref<10000x64xf32, #tpu.memory_space<hbm>>) dst(%arg16 : memref<128x64xf32, #tpu.memory_space<vmem>>)
      %parallel_loop3A_285 = arith.constant 0 : i32
      %parallel_loop3A_286 = arith.constant 128 : i32
      %parallel_loop3A_287 = arith.constant 1 : i32
      scf.for %parallel_loop3A_303 = %parallel_loop3A_285 to %parallel_loop3A_286 step %parallel_loop3A_287  : i32 {
        %parallel_loop3A_304 = vector.broadcast %parallel_loop3A_303 : i32 to vector<16xi32>
        %parallel_loop3A_305 = arith.constant 2 : i32
        %parallel_loop3A_306 = vector.broadcast %parallel_loop3A_305 : i32 to vector<16xi32>
        %parallel_loop3A_307 = tpu.vector_load_idx %arg13[%parallel_loop3A_306, %parallel_loop3A_304] : memref<4x128xi32, #tpu.memory_space<vmem>>[vector<16xi32>, vector<16xi32>], vector<16xi32>,
        %parallel_loop3A_308 = vector.bitcast %parallel_loop3A_307 : vector<16xi32> to vector<16xf32>
        %parallel_loop3A_309 = arith.constant 3 : i32
        %parallel_loop3A_310 = vector.broadcast %parallel_loop3A_309 : i32 to vector<16xi32>
        %parallel_loop3A_311 = tpu.vector_load_idx %arg13[%parallel_loop3A_310, %parallel_loop3A_304] : memref<4x128xi32, #tpu.memory_space<vmem>>[vector<16xi32>, vector<16xi32>], vector<16xi32>,
        %parallel_loop3A_312 = vector.bitcast %parallel_loop3A_311 : vector<16xi32> to vector<16xf32>
        %parallel_loop3A_313 = arith.index_cast %parallel_loop3A_303 : i32 to index
        %parallel_loop3A_314 = arith.constant 0 : index
        %parallel_loop3A_315 = tpu.vector_load %arg16[%parallel_loop3A_313, %parallel_loop3A_314] {strides = array<i32>} : memref<128x64xf32, #tpu.memory_space<vmem>>, vector<16xf32>,
        %parallel_loop3A_316 = arith.mulf %parallel_loop3A_315, %parallel_loop3A_308 : vector<16xf32>
        %parallel_loop3A_317 = arith.index_cast %parallel_loop3A_303 : i32 to index
        %parallel_loop3A_318 = arith.constant 0 : index
        %parallel_loop3A_319 = tpu.vector_load %arg17[%parallel_loop3A_317, %parallel_loop3A_318] {strides = array<i32>} : memref<128x128xf32, #tpu.memory_space<vmem>>, vector<16xf32>,
        tpu.vector_store %arg17[%parallel_loop3A_317, %parallel_loop3A_318], %parallel_loop3A_316 {strides = array<i32>} : memref<128x128xf32, #tpu.memory_space<vmem>>, vector<16xf32>,
        %parallel_loop3A_320 = arith.mulf %parallel_loop3A_315, %parallel_loop3A_312 : vector<16xf32>
        %parallel_loop3A_321 = arith.index_cast %parallel_loop3A_303 : i32 to index
        %parallel_loop3A_322 = arith.constant 64 : index
        %parallel_loop3A_323 = tpu.vector_load %arg17[%parallel_loop3A_321, %parallel_loop3A_322] {strides = array<i32>} : memref<128x128xf32, #tpu.memory_space<vmem>>, vector<16xf32>,
        tpu.vector_store %arg17[%parallel_loop3A_321, %parallel_loop3A_322], %parallel_loop3A_320 {strides = array<i32>} : memref<128x128xf32, #tpu.memory_space<vmem>>, vector<16xf32>,
        %parallel_loop3A_324 = arith.index_cast %parallel_loop3A_303 : i32 to index
        %parallel_loop3A_325 = arith.constant 16 : index
        %parallel_loop3A_326 = tpu.vector_load %arg16[%parallel_loop3A_324, %parallel_loop3A_325] {strides = array<i32>} : memref<128x64xf32, #tpu.memory_space<vmem>>, vector<16xf32>,
        %parallel_loop3A_327 = arith.mulf %parallel_loop3A_326, %parallel_loop3A_308 : vector<16xf32>
        %parallel_loop3A_328 = arith.index_cast %parallel_loop3A_303 : i32 to index
        %parallel_loop3A_329 = arith.constant 16 : index
        %parallel_loop3A_330 = tpu.vector_load %arg17[%parallel_loop3A_328, %parallel_loop3A_329] {strides = array<i32>} : memref<128x128xf32, #tpu.memory_space<vmem>>, vector<16xf32>,
        tpu.vector_store %arg17[%parallel_loop3A_328, %parallel_loop3A_329], %parallel_loop3A_327 {strides = array<i32>} : memref<128x128xf32, #tpu.memory_space<vmem>>, vector<16xf32>,
        %parallel_loop3A_331 = arith.mulf %parallel_loop3A_326, %parallel_loop3A_312 : vector<16xf32>
        %parallel_loop3A_332 = arith.index_cast %parallel_loop3A_303 : i32 to index
        %parallel_loop3A_333 = arith.constant 80 : index
        %parallel_loop3A_334 = tpu.vector_load %arg17[%parallel_loop3A_332, %parallel_loop3A_333] {strides = array<i32>} : memref<128x128xf32, #tpu.memory_space<vmem>>, vector<16xf32>,
        tpu.vector_store %arg17[%parallel_loop3A_332, %parallel_loop3A_333], %parallel_loop3A_331 {strides = array<i32>} : memref<128x128xf32, #tpu.memory_space<vmem>>, vector<16xf32>,
        %parallel_loop3A_335 = arith.index_cast %parallel_loop3A_303 : i32 to index
        %parallel_loop3A_336 = arith.constant 32 : index
        %parallel_loop3A_337 = tpu.vector_load %arg16[%parallel_loop3A_335, %parallel_loop3A_336] {strides = array<i32>} : memref<128x64xf32, #tpu.memory_space<vmem>>, vector<16xf32>,
        %parallel_loop3A_338 = arith.mulf %parallel_loop3A_337, %parallel_loop3A_308 : vector<16xf32>
        %parallel_loop3A_339 = arith.index_cast %parallel_loop3A_303 : i32 to index
        %parallel_loop3A_340 = arith.constant 32 : index
        %parallel_loop3A_341 = tpu.vector_load %arg17[%parallel_loop3A_339, %parallel_loop3A_340] {strides = array<i32>} : memref<128x128xf32, #tpu.memory_space<vmem>>, vector<16xf32>,
        tpu.vector_store %arg17[%parallel_loop3A_339, %parallel_loop3A_340], %parallel_loop3A_338 {strides = array<i32>} : memref<128x128xf32, #tpu.memory_space<vmem>>, vector<16xf32>,
        %parallel_loop3A_342 = arith.mulf %parallel_loop3A_337, %parallel_loop3A_312 : vector<16xf32>
        %parallel_loop3A_343 = arith.index_cast %parallel_loop3A_303 : i32 to index
        %parallel_loop3A_344 = arith.constant 96 : index
        %parallel_loop3A_345 = tpu.vector_load %arg17[%parallel_loop3A_343, %parallel_loop3A_344] {strides = array<i32>} : memref<128x128xf32, #tpu.memory_space<vmem>>, vector<16xf32>,
        tpu.vector_store %arg17[%parallel_loop3A_343, %parallel_loop3A_344], %parallel_loop3A_342 {strides = array<i32>} : memref<128x128xf32, #tpu.memory_space<vmem>>, vector<16xf32>,
        %parallel_loop3A_346 = arith.index_cast %parallel_loop3A_303 : i32 to index
        %parallel_loop3A_347 = arith.constant 48 : index
        %parallel_loop3A_348 = tpu.vector_load %arg16[%parallel_loop3A_346, %parallel_loop3A_347] {strides = array<i32>} : memref<128x64xf32, #tpu.memory_space<vmem>>, vector<16xf32>,
        %parallel_loop3A_349 = arith.mulf %parallel_loop3A_348, %parallel_loop3A_308 : vector<16xf32>
        %parallel_loop3A_350 = arith.index_cast %parallel_loop3A_303 : i32 to index
        %parallel_loop3A_351 = arith.constant 48 : index
        %parallel_loop3A_352 = tpu.vector_load %arg17[%parallel_loop3A_350, %parallel_loop3A_351] {strides = array<i32>} : memref<128x128xf32, #tpu.memory_space<vmem>>, vector<16xf32>,
        tpu.vector_store %arg17[%parallel_loop3A_350, %parallel_loop3A_351], %parallel_loop3A_349 {strides = array<i32>} : memref<128x128xf32, #tpu.memory_space<vmem>>, vector<16xf32>,
        %parallel_loop3A_353 = arith.mulf %parallel_loop3A_348, %parallel_loop3A_312 : vector<16xf32>
        %parallel_loop3A_354 = arith.index_cast %parallel_loop3A_303 : i32 to index
        %parallel_loop3A_355 = arith.constant 112 : index
        %parallel_loop3A_356 = tpu.vector_load %arg17[%parallel_loop3A_354, %parallel_loop3A_355] {strides = array<i32>} : memref<128x128xf32, #tpu.memory_space<vmem>>, vector<16xf32>,
        tpu.vector_store %arg17[%parallel_loop3A_354, %parallel_loop3A_355], %parallel_loop3A_353 {strides = array<i32>} : memref<128x128xf32, #tpu.memory_space<vmem>>, vector<16xf32>,
      } {sc.loop_unroll_factor = 4 : i64, sc.parallel_access}
      %run_scoped3A_288 = arith.constant 1 : i32
      "tpu.region"() ({
        %run_scoped3A_303 = tpu.sem_alloc : memref<!tpu.dma_semaphore, #tpu.memory_space<semaphore_mem>>
        %dma_start3A_304 = arith.constant 0 : i32
        %dma_start3A_305 = tpu.memref_slice %arg13[%run_scoped3A_288, %dma_start3A_304] : memref<4x128xi32, #tpu.memory_space<vmem>> -> memref<1x128xi32, #tpu.memory_space<vmem>>
        %dma_start3A_306 = tpu.memref_squeeze %dma_start3A_305 : memref<1x128xi32, #tpu.memory_space<vmem>> -> memref<128xi32, #tpu.memory_space<vmem>>
        %dma_start3A_307 = arith.constant 0 : i32
        %dma_start3A_308 = arith.constant 0 : i32
        %dma_start3A_309 = tpu.memref_slice %arg18[%dma_start3A_307, %dma_start3A_308] : memref<10000x128xf32, #tpu.memory_space<vmem_shared>> -> memref<10000x128xf32, #tpu.memory_space<vmem_shared>>
        tpu.enqueue_indirect_dma source(%arg17 : memref<128x128xf32, #tpu.memory_space<vmem>>) target(%dma_start3A_309 : memref<10000x128xf32, #tpu.memory_space<vmem_shared>>) offsets(%dma_start3A_306 : memref<128xi32, #tpu.memory_space<vmem>>) semaphore(%run_scoped3A_303 : memref<!tpu.dma_semaphore, #tpu.memory_space<semaphore_mem>>) {add = true}
        %dma_wait3A_310 = arith.constant 0 : i32
        %dma_wait3A_311 = tpu.memref_slice %arg13[%run_scoped3A_288, %dma_wait3A_310] : memref<4x128xi32, #tpu.memory_space<vmem>> -> memref<1x128xi32, #tpu.memory_space<vmem>>
        %dma_wait3A_312 = tpu.memref_squeeze %dma_wait3A_311 : memref<1x128xi32, #tpu.memory_space<vmem>> -> memref<128xi32, #tpu.memory_space<vmem>>
        %dma_wait3A_313 = arith.constant 0 : i32
        %dma_wait3A_314 = arith.constant 0 : i32
        %dma_wait3A_315 = tpu.memref_slice %arg18[%dma_wait3A_313, %dma_wait3A_314] : memref<10000x128xf32, #tpu.memory_space<vmem_shared>> -> memref<10000x128xf32, #tpu.memory_space<vmem_shared>>
        tpu.wait_indirect_dma semaphore(%run_scoped3A_303 : memref<!tpu.dma_semaphore, #tpu.memory_space<semaphore_mem>>) src(%arg17 : memref<128x128xf32, #tpu.memory_space<vmem>>) dst(%dma_wait3A_315 : memref<10000x128xf32, #tpu.memory_space<vmem_shared>>)
        tpu.yield
      }) : () -> ()
      %add3A_289 = arith.constant 2 : i32
      %add3A_290 = arith.addi %add3A_245, %add3A_289 : i32
      %lt3A_291 = arith.constant 80 : i32
      %lt3A_292 = arith.cmpi slt, %add3A_290, %lt3A_291 : i32
      %convert_element_type3A_293 = arith.extui %lt3A_292 : i1 to i32
      %cond3A_294 = arith.constant 0 : i32
      %cond3A_295 = arith.cmpi ne, %convert_element_type3A_293, %cond3A_294 : i32
      scf.if %cond3A_295 {
        %dma_wait3A_303 = arith.constant 0 : i32
        %dma_wait3A_304 = arith.constant 0 : i32
        %dma_wait3A_305 = arith.constant 0 : i32
        %dma_wait3A_306 = tpu.memref_slice %arg6[%add3A, %dma_wait3A_303, %dma_wait3A_304, %dma_wait3A_305] : memref<32x80x4x128xi32, #tpu.memory_space<hbm>> -> memref<1x1x4x128xi32, #tpu.memory_space<hbm>>
        %dma_wait3A_307 = tpu.memref_squeeze %dma_wait3A_306 : memref<1x1x4x128xi32, #tpu.memory_space<hbm>> -> memref<4x128xi32, #tpu.memory_space<hbm>>
        %dma_wait3A_308 = arith.constant 0 : i32
        %dma_wait3A_309 = arith.constant 0 : i32
        %dma_wait3A_310 = tpu.memref_slice %arg6[%add3A, %dma_wait3A_303, %dma_wait3A_308, %dma_wait3A_309] : memref<32x80x4x128xi32, #tpu.memory_space<hbm>> -> memref<1x1x4x128xi32, #tpu.memory_space<hbm>>
        %dma_wait3A_311 = tpu.memref_squeeze %dma_wait3A_310 : memref<1x1x4x128xi32, #tpu.memory_space<hbm>> -> memref<4x128xi32, #tpu.memory_space<hbm>>
        tpu.wait_dma2 semaphore(%arg20 : memref<!tpu.dma_semaphore, #tpu.memory_space<semaphore_mem>>) src(%dma_wait3A_311 : memref<4x128xi32, #tpu.memory_space<hbm>>) dst(%arg12 : memref<4x128xi32, #tpu.memory_space<vmem>>)
        %dma_start3A_312 = arith.constant 0 : i32
        %dma_start3A_313 = arith.constant 0 : i32
        %dma_start3A_314 = tpu.memref_slice %arg12[%dma_start3A_312, %dma_start3A_313] : memref<4x128xi32, #tpu.memory_space<vmem>> -> memref<1x128xi32, #tpu.memory_space<vmem>>
        %dma_start3A_315 = tpu.memref_squeeze %dma_start3A_314 : memref<1x128xi32, #tpu.memory_space<vmem>> -> memref<128xi32, #tpu.memory_space<vmem>>
        %dma_start3A_316 = arith.constant 0 : i32
        %dma_start3A_317 = arith.constant 0 : i32
        %dma_start3A_318 = tpu.memref_slice %arg5[%dma_start3A_316, %dma_start3A_317] : memref<10000x64xf32, #tpu.memory_space<hbm>> -> memref<10000x64xf32, #tpu.memory_space<hbm>>
        tpu.enqueue_indirect_dma source(%dma_start3A_318 : memref<10000x64xf32, #tpu.memory_space<hbm>>) target(%arg15 : memref<128x64xf32, #tpu.memory_space<vmem>>) offsets(%dma_start3A_315 : memref<128xi32, #tpu.memory_space<vmem>>) semaphore(%arg22 : memref<!tpu.dma_semaphore, #tpu.memory_space<semaphore_mem>>)
      } else {
      }
      %add3A_296 = arith.constant 3 : i32
      %add3A_297 = arith.addi %add3A_245, %add3A_296 : i32
      %lt3A_298 = arith.constant 80 : i32
      %lt3A_299 = arith.cmpi slt, %add3A_297, %lt3A_298 : i32
      %convert_element_type3A_300 = arith.extui %lt3A_299 : i1 to i32
      %cond3A_301 = arith.constant 0 : i32
      %cond3A_302 = arith.cmpi ne, %convert_element_type3A_300, %cond3A_301 : i32
      scf.if %cond3A_302 {
        %add3A_303 = arith.constant 3 : i32
        %add3A_304 = arith.addi %add3A_245, %add3A_303 : i32
        %dma_start3A_305 = arith.constant 0 : i32
        %dma_start3A_306 = arith.constant 0 : i32
        %dma_start3A_307 = tpu.memref_slice %arg6[%add3A, %add3A_304, %dma_start3A_305, %dma_start3A_306] : memref<32x80x4x128xi32, #tpu.memory_space<hbm>> -> memref<1x1x4x128xi32, #tpu.memory_space<hbm>>
        %dma_start3A_308 = tpu.memref_squeeze %dma_start3A_307 : memref<1x1x4x128xi32, #tpu.memory_space<hbm>> -> memref<4x128xi32, #tpu.memory_space<hbm>>
        %dma_start3A_309 = arith.constant 0 : i32
        %dma_start3A_310 = arith.constant 0 : i32
        %dma_start3A_311 = tpu.memref_slice %arg6[%add3A, %add3A_304, %dma_start3A_309, %dma_start3A_310] : memref<32x80x4x128xi32, #tpu.memory_space<hbm>> -> memref<1x1x4x128xi32, #tpu.memory_space<hbm>>
        %dma_start3A_312 = tpu.memref_squeeze %dma_start3A_311 : memref<1x1x4x128xi32, #tpu.memory_space<hbm>> -> memref<4x128xi32, #tpu.memory_space<hbm>>
        tpu.enqueue_dma source(%dma_start3A_312 : memref<4x128xi32, #tpu.memory_space<hbm>>) target(%arg13 : memref<4x128xi32, #tpu.memory_space<vmem>>) target_semaphore(%arg21 : memref<!tpu.dma_semaphore, #tpu.memory_space<semaphore_mem>>)
      } else {
      }
    }
    %scan3A_228 = arith.constant 40 : i32
    %barrier3A_229 = arith.constant 0 : index
    tpu.barrier barrier_id(%barrier3A_229)
    %lt3A_230 = arith.constant 15 : i32
    %lt3A_231 = arith.cmpi slt, %arg1, %lt3A_230 : i32
    %convert_element_type3A_232 = arith.extui %lt3A_231 : i1 to i32
    %cond3A_233 = arith.constant 0 : i32
    %cond3A_234 = arith.cmpi ne, %convert_element_type3A_232, %cond3A_233 : i32
    scf.if %cond3A_234 {
      %mul3A_241 = arith.constant 640 : i32
      %mul3A_242 = arith.muli %arg1, %mul3A_241 : i32
      %mul3A_243 = arith.constant 4 : i32
      %mul3A_244 = arith.muli %arg0, %mul3A_243 : i32
      %add3A_245 = arith.constant 3 : i32
      %add3A_246 = arith.addi %mul3A_244, %add3A_245 : i32
      %mul3A_247 = arith.constant 10000 : i32
      %mul3A_248 = arith.muli %add3A_246, %mul3A_247 : i32
      %add3A_249 = arith.addi %mul3A_248, %mul3A_242 : i32
      "tpu.region"() ({
        %run_scoped3A = tpu.sem_alloc : memref<!tpu.dma_semaphore, #tpu.memory_space<semaphore_mem>>
        %dma_start3A_250 = arith.constant 0 : i32
        %dma_start3A_251 = tpu.memref_slice %arg10[%add3A_249, %dma_start3A_250] : memref<80000x128xf32, #tpu.memory_space<hbm>> -> memref<640x128xf32, #tpu.memory_space<hbm>>
        %dma_start3A_252 = arith.constant 0 : i32
        %dma_start3A_253 = tpu.memref_slice %arg18[%mul3A_242, %dma_start3A_252] : memref<10000x128xf32, #tpu.memory_space<vmem_shared>> -> memref<640x128xf32, #tpu.memory_space<vmem_shared>>
        tpu.enqueue_dma source(%dma_start3A_253 : memref<640x128xf32, #tpu.memory_space<vmem_shared>>) target(%dma_start3A_251 : memref<640x128xf32, #tpu.memory_space<hbm>>) target_semaphore(%run_scoped3A : memref<!tpu.dma_semaphore, #tpu.memory_space<semaphore_mem>>)
        %dma_wait3A_254 = arith.constant 0 : i32
        %dma_wait3A_255 = tpu.memref_slice %arg10[%add3A_249, %dma_wait3A_254] : memref<80000x128xf32, #tpu.memory_space<hbm>> -> memref<640x128xf32, #tpu.memory_space<hbm>>
        %dma_wait3A_256 = arith.constant 0 : i32
        %dma_wait3A_257 = tpu.memref_slice %arg18[%mul3A_242, %dma_wait3A_256] : memref<10000x128xf32, #tpu.memory_space<vmem_shared>> -> memref<640x128xf32, #tpu.memory_space<vmem_shared>>
        tpu.wait_dma2 semaphore(%run_scoped3A : memref<!tpu.dma_semaphore, #tpu.memory_space<semaphore_mem>>) src(%dma_wait3A_257 : memref<640x128xf32, #tpu.memory_space<vmem_shared>>) dst(%dma_wait3A_255 : memref<640x128xf32, #tpu.memory_space<hbm>>)
        tpu.yield
      }) : () -> ()
    } else {
    }
    %eq3A_235 = arith.constant 15 : i32
    %eq3A_236 = arith.cmpi eq, %arg1, %eq3A_235 : i32
    %convert_element_type3A_237 = arith.extui %eq3A_236 : i1 to i32
    %cond3A_238 = arith.constant 0 : i32
    %cond3A_239 = arith.cmpi ne, %convert_element_type3A_237, %cond3A_238 : i32
    scf.if %cond3A_239 {
      %mul3A_241 = arith.constant 4 : i32
      %mul3A_242 = arith.muli %arg0, %mul3A_241 : i32
      %add3A_243 = arith.constant 3 : i32
      %add3A_244 = arith.addi %mul3A_242, %add3A_243 : i32
      %mul3A_245 = arith.constant 10000 : i32
      %mul3A_246 = arith.muli %add3A_244, %mul3A_245 : i32
      %add3A_247 = arith.constant 9600 : i32
      %add3A_248 = arith.addi %mul3A_246, %add3A_247 : i32
      "tpu.region"() ({
        %run_scoped3A = tpu.sem_alloc : memref<!tpu.dma_semaphore, #tpu.memory_space<semaphore_mem>>
        %dma_start3A_249 = arith.constant 0 : i32
        %dma_start3A_250 = tpu.memref_slice %arg10[%add3A_248, %dma_start3A_249] : memref<80000x128xf32, #tpu.memory_space<hbm>> -> memref<400x128xf32, #tpu.memory_space<hbm>>
        %dma_start3A_251 = arith.constant 9600 : i32
        %dma_start3A_252 = arith.constant 0 : i32
        %dma_start3A_253 = tpu.memref_slice %arg18[%dma_start3A_251, %dma_start3A_252] : memref<10000x128xf32, #tpu.memory_space<vmem_shared>> -> memref<400x128xf32, #tpu.memory_space<vmem_shared>>
        tpu.enqueue_dma source(%dma_start3A_253 : memref<400x128xf32, #tpu.memory_space<vmem_shared>>) target(%dma_start3A_250 : memref<400x128xf32, #tpu.memory_space<hbm>>) target_semaphore(%run_scoped3A : memref<!tpu.dma_semaphore, #tpu.memory_space<semaphore_mem>>)
        %dma_wait3A_254 = arith.constant 0 : i32
        %dma_wait3A_255 = tpu.memref_slice %arg10[%add3A_248, %dma_wait3A_254] : memref<80000x128xf32, #tpu.memory_space<hbm>> -> memref<400x128xf32, #tpu.memory_space<hbm>>
        %dma_wait3A_256 = arith.constant 9600 : i32
        %dma_wait3A_257 = arith.constant 0 : i32
        %dma_wait3A_258 = tpu.memref_slice %arg18[%dma_wait3A_256, %dma_wait3A_257] : memref<10000x128xf32, #tpu.memory_space<vmem_shared>> -> memref<400x128xf32, #tpu.memory_space<vmem_shared>>
        tpu.wait_dma2 semaphore(%run_scoped3A : memref<!tpu.dma_semaphore, #tpu.memory_space<semaphore_mem>>) src(%dma_wait3A_258 : memref<400x128xf32, #tpu.memory_space<vmem_shared>>) dst(%dma_wait3A_255 : memref<400x128xf32, #tpu.memory_space<hbm>>)
        tpu.yield
      }) : () -> ()
    } else {
    }
    %barrier3A_240 = arith.constant 0 : index
    tpu.barrier barrier_id(%barrier3A_240)
    return
  }
}

module attributes {stable_mosaic.version = 14 : i64} {
  func.func @_a1_body(%arg0: i32, %arg1: memref<1000x128xf32, #tpu.memory_space<vmem>>, %arg2: memref<128x128xf32, #tpu.memory_space<vmem>>, %arg3: memref<2xf32, #tpu.memory_space<vmem>>, %arg4: memref<128xf32, #tpu.memory_space<vmem>>, %arg5: memref<1000x64xf32, #tpu.memory_space<vmem>>, %arg6: memref<1000x64xf32, #tpu.memory_space<vmem>>, %arg7: memref<1000x64xf32, #tpu.memory_space<vmem>>, %arg8: memref<1000x64xf32, #tpu.memory_space<vmem>>) attributes {dimension_semantics = [#tpu.dimension_semantics<arbitrary>], iteration_bounds = array<i64: 10>, scalar_prefetch = 0 : i64, scratch_operands = 0 : i64, tpu.core_type = #tpu.core_type<tc>, window_params = [{transform_indices = @transform_0, window_bounds = array<i64: 1000, 128>}, {pipeline_mode = #tpu.pipeline_mode<synchronous>, transform_indices = @transform_1, window_bounds = array<i64: 128, 128>}, {pipeline_mode = #tpu.pipeline_mode<synchronous>, transform_indices = @transform_2, window_bounds = array<i64: 2>}, {pipeline_mode = #tpu.pipeline_mode<synchronous>, transform_indices = @transform_3, window_bounds = array<i64: 128>}, {transform_indices = @transform_4, window_bounds = array<i64: 1000, 64>}, {transform_indices = @transform_5, window_bounds = array<i64: 1000, 64>}, {transform_indices = @transform_6, window_bounds = array<i64: 1000, 64>}, {transform_indices = @transform_7, window_bounds = array<i64: 1000, 64>}]} {
    %get3A = arith.constant 0 : index
    %get3A_0 = vector.load %arg3[%get3A] : memref<2xf32, #tpu.memory_space<vmem>>, vector<2xf32>
    %abs3A = math.absf %get3A_0 : vector<2xf32>
    %broadcast_in_dim3A = vector.shape_cast %abs3A : vector<2xf32> to vector<2x1xf32>
    %neg3A = arith.constant 0.000000e+00 : f32
    %neg3A_1 = vector.broadcast %neg3A : f32 to vector<2x1xf32>
    %neg3A_2 = arith.subf %neg3A_1, %broadcast_in_dim3A : vector<2x1xf32>
    %get3A_3 = arith.constant 0 : index
    %get3A_4 = vector.load %arg4[%get3A_3] : memref<128xf32, #tpu.memory_space<vmem>>, vector<128xf32>
    %broadcast_in_dim3A_5 = vector.shape_cast %get3A_4 : vector<128xf32> to vector<1x128xf32>
    %mul3A = vector.broadcast %neg3A_2 : vector<2x1xf32> to vector<2x128xf32>
    %mul3A_6 = vector.broadcast %broadcast_in_dim3A_5 : vector<1x128xf32> to vector<2x128xf32>
    %mul3A_7 = arith.mulf %mul3A, %mul3A_6 : vector<2x128xf32>
    %exp3A = math.exp %mul3A_7 : vector<2x128xf32>
    %get3A_8 = arith.constant 0 : index
    %get3A_9 = arith.constant 0 : index
    %get3A_10 = vector.load %arg1[%get3A_8, %get3A_9] : memref<1000x128xf32, #tpu.memory_space<vmem>>, vector<1000x128xf32>
    %get3A_11 = arith.constant 0 : index
    %get3A_12 = arith.constant 0 : index
    %get3A_13 = vector.load %arg2[%get3A_11, %get3A_12] : memref<128x128xf32, #tpu.memory_space<vmem>>, vector<128x128xf32>
    %slice3A = vector.extract_strided_slice %exp3A {offsets = [0, 0], sizes = [1, 128], strides = [1, 1]} : vector<2x128xf32> to vector<1x128xf32>
    %squeeze3A = vector.shape_cast %slice3A : vector<1x128xf32> to vector<128xf32>
    %broadcast_in_dim3A_14 = vector.shape_cast %squeeze3A : vector<128xf32> to vector<128x1xf32>
    %mul3A_15 = vector.broadcast %broadcast_in_dim3A_14 : vector<128x1xf32> to vector<128x128xf32>
    %mul3A_16 = arith.mulf %get3A_13, %mul3A_15 : vector<128x128xf32>
    %dot_general3A = arith.constant dense<0.000000e+00> : vector<1000x128xf32>
    %dot_general3A_17 = tpu.matmul %get3A_10, %mul3A_16, %dot_general3A {dimension_numbers = #tpu.dot_dimension_numbers<[1], [0], [0], [1], [0, 0, 1, 1], [], []>, transpose_lhs_hint = false} : vector<1000x128xf32>, vector<128x128xf32>, vector<1000x128xf32> -> vector<1000x128xf32>
    %slice3A_18 = vector.extract_strided_slice %dot_general3A_17 {offsets = [0, 0], sizes = [1000, 64], strides = [1, 1]} : vector<1000x128xf32> to vector<1000x64xf32>
    %swap3A = arith.constant 0 : index
    %swap3A_19 = arith.constant 0 : index
    %swap3A_20 = vector.load %arg5[%swap3A, %swap3A_19] : memref<1000x64xf32, #tpu.memory_space<vmem>>, vector<1000x64xf32>
    tpu.vector_store %arg5[%swap3A, %swap3A_19], %slice3A_18 {strides = array<i32>} : memref<1000x64xf32, #tpu.memory_space<vmem>>, vector<1000x64xf32>,
    %slice3A_21 = vector.extract_strided_slice %dot_general3A_17 {offsets = [0, 64], sizes = [1000, 64], strides = [1, 1]} : vector<1000x128xf32> to vector<1000x64xf32>
    %swap3A_22 = arith.constant 0 : index
    %swap3A_23 = arith.constant 0 : index
    %swap3A_24 = vector.load %arg6[%swap3A_22, %swap3A_23] : memref<1000x64xf32, #tpu.memory_space<vmem>>, vector<1000x64xf32>
    tpu.vector_store %arg6[%swap3A_22, %swap3A_23], %slice3A_21 {strides = array<i32>} : memref<1000x64xf32, #tpu.memory_space<vmem>>, vector<1000x64xf32>,
    %get3A_25 = arith.constant 0 : index
    %get3A_26 = arith.constant 0 : index
    %get3A_27 = vector.load %arg1[%get3A_25, %get3A_26] : memref<1000x128xf32, #tpu.memory_space<vmem>>, vector<1000x128xf32>
    %get3A_28 = arith.constant 0 : index
    %get3A_29 = arith.constant 0 : index
    %get3A_30 = vector.load %arg2[%get3A_28, %get3A_29] : memref<128x128xf32, #tpu.memory_space<vmem>>, vector<128x128xf32>
    %slice3A_31 = vector.extract_strided_slice %exp3A {offsets = [1, 0], sizes = [1, 128], strides = [1, 1]} : vector<2x128xf32> to vector<1x128xf32>
    %squeeze3A_32 = vector.shape_cast %slice3A_31 : vector<1x128xf32> to vector<128xf32>
    %broadcast_in_dim3A_33 = vector.shape_cast %squeeze3A_32 : vector<128xf32> to vector<128x1xf32>
    %mul3A_34 = vector.broadcast %broadcast_in_dim3A_33 : vector<128x1xf32> to vector<128x128xf32>
    %mul3A_35 = arith.mulf %get3A_30, %mul3A_34 : vector<128x128xf32>
    %dot_general3A_36 = arith.constant dense<0.000000e+00> : vector<1000x128xf32>
    %dot_general3A_37 = tpu.matmul %get3A_27, %mul3A_35, %dot_general3A_36 {dimension_numbers = #tpu.dot_dimension_numbers<[1], [0], [0], [1], [0, 0, 1, 1], [], []>, transpose_lhs_hint = false} : vector<1000x128xf32>, vector<128x128xf32>, vector<1000x128xf32> -> vector<1000x128xf32>
    %slice3A_38 = vector.extract_strided_slice %dot_general3A_37 {offsets = [0, 0], sizes = [1000, 64], strides = [1, 1]} : vector<1000x128xf32> to vector<1000x64xf32>
    %swap3A_39 = arith.constant 0 : index
    %swap3A_40 = arith.constant 0 : index
    %swap3A_41 = vector.load %arg7[%swap3A_39, %swap3A_40] : memref<1000x64xf32, #tpu.memory_space<vmem>>, vector<1000x64xf32>
    tpu.vector_store %arg7[%swap3A_39, %swap3A_40], %slice3A_38 {strides = array<i32>} : memref<1000x64xf32, #tpu.memory_space<vmem>>, vector<1000x64xf32>,
    %slice3A_42 = vector.extract_strided_slice %dot_general3A_37 {offsets = [0, 64], sizes = [1000, 64], strides = [1, 1]} : vector<1000x128xf32> to vector<1000x64xf32>
    %swap3A_43 = arith.constant 0 : index
    %swap3A_44 = arith.constant 0 : index
    %swap3A_45 = vector.load %arg8[%swap3A_43, %swap3A_44] : memref<1000x64xf32, #tpu.memory_space<vmem>>, vector<1000x64xf32>
    tpu.vector_store %arg8[%swap3A_43, %swap3A_44], %slice3A_42 {strides = array<i32>} : memref<1000x64xf32, #tpu.memory_space<vmem>>, vector<1000x64xf32>,
    return
  }
  func.func @transform_0(%arg0: i32) -> (i32, i32) {
    %c0_i32 = arith.constant 0 : i32
    %c0_i32_0 = arith.constant 0 : i32
    return %arg0, %c0_i32 : i32, i32
  }
  func.func @transform_1(%arg0: i32) -> (i32, i32) {
    %c0_i32 = arith.constant 0 : i32
    %c0_i32_0 = arith.constant 0 : i32
    %c0_i32_1 = arith.constant 0 : i32
    return %c0_i32, %c0_i32_0 : i32, i32
  }
  func.func @transform_2(%arg0: i32) -> i32 {
    %c0_i32 = arith.constant 0 : i32
    %c0_i32_0 = arith.constant 0 : i32
    return %c0_i32 : i32
  }
  func.func @transform_3(%arg0: i32) -> i32 {
    %c0_i32 = arith.constant 0 : i32
    %c0_i32_0 = arith.constant 0 : i32
    return %c0_i32 : i32
  }
  func.func @transform_4(%arg0: i32) -> (i32, i32) {
    %c0_i32 = arith.constant 0 : i32
    %c0_i32_0 = arith.constant 0 : i32
    return %arg0, %c0_i32 : i32, i32
  }
  func.func @transform_5(%arg0: i32) -> (i32, i32) {
    %c0_i32 = arith.constant 0 : i32
    %c0_i32_0 = arith.constant 0 : i32
    return %arg0, %c0_i32 : i32, i32
  }
  func.func @transform_6(%arg0: i32) -> (i32, i32) {
    %c0_i32 = arith.constant 0 : i32
    %c0_i32_0 = arith.constant 0 : i32
    return %arg0, %c0_i32 : i32, i32
  }
  func.func @transform_7(%arg0: i32) -> (i32, i32) {
    %c0_i32 = arith.constant 0 : i32
    %c0_i32_0 = arith.constant 0 : i32
    return %arg0, %c0_i32 : i32, i32
  }
}

module attributes {stable_mosaic.version = 14 : i64} {
  func.func @_a0_body(%arg0: i32, %arg1: memref<1000x128xf32, #tpu.memory_space<vmem>>, %arg2: memref<1000x128xf32, #tpu.memory_space<vmem>>, %arg3: memref<128x128xf32, #tpu.memory_space<vmem>>) attributes {dimension_semantics = [#tpu.dimension_semantics<arbitrary>], iteration_bounds = array<i64: 10>, scalar_prefetch = 0 : i64, scratch_operands = 0 : i64, tpu.core_type = #tpu.core_type<tc>, window_params = [{transform_indices = @transform_0, window_bounds = array<i64: 1000, 128>}, {transform_indices = @transform_1, window_bounds = array<i64: 1000, 128>}, {pipeline_mode = #tpu.pipeline_mode<synchronous>, transform_indices = @transform_2, window_bounds = array<i64: 128, 128>}]} {
    %eq3A = arith.constant 0 : i32
    %eq3A_0 = arith.cmpi eq, %arg0, %eq3A : i32
    %convert_element_type3A = arith.extui %eq3A_0 : i1 to i32
    %cond3A = arith.constant 0 : i32
    %cond3A_1 = arith.cmpi ne, %convert_element_type3A, %cond3A : i32
    scf.if %cond3A_1 {
      %broadcast_in_dim3A = arith.constant 0.000000e+00 : f32
      %broadcast_in_dim3A_13 = vector.broadcast %broadcast_in_dim3A : f32 to vector<128x128xf32>
      %swap3A_14 = arith.constant 0 : index
      %swap3A_15 = arith.constant 0 : index
      %swap3A_16 = vector.load %arg3[%swap3A_14, %swap3A_15] : memref<128x128xf32, #tpu.memory_space<vmem>>, vector<128x128xf32>
      tpu.vector_store %arg3[%swap3A_14, %swap3A_15], %broadcast_in_dim3A_13 {strides = array<i32>} : memref<128x128xf32, #tpu.memory_space<vmem>>, vector<128x128xf32>,
    } else {
    }
    %get3A = arith.constant 0 : index
    %get3A_2 = arith.constant 0 : index
    %get3A_3 = vector.load %arg3[%get3A, %get3A_2] : memref<128x128xf32, #tpu.memory_space<vmem>>, vector<128x128xf32>
    %get3A_4 = arith.constant 0 : index
    %get3A_5 = arith.constant 0 : index
    %get3A_6 = vector.load %arg1[%get3A_4, %get3A_5] : memref<1000x128xf32, #tpu.memory_space<vmem>>, vector<1000x128xf32>
    %get3A_7 = arith.constant 0 : index
    %get3A_8 = arith.constant 0 : index
    %get3A_9 = vector.load %arg2[%get3A_7, %get3A_8] : memref<1000x128xf32, #tpu.memory_space<vmem>>, vector<1000x128xf32>
    %dot_general3A = arith.constant dense<0.000000e+00> : vector<128x128xf32>
    %dot_general3A_10 = tpu.matmul %get3A_6, %get3A_9, %dot_general3A {dimension_numbers = #tpu.dot_dimension_numbers<[0], [0], [1], [1], [0, 1, 1, 1], [], []>, transpose_lhs_hint = false} : vector<1000x128xf32>, vector<1000x128xf32>, vector<128x128xf32> -> vector<128x128xf32>
    %add3A = arith.addf %get3A_3, %dot_general3A_10 : vector<128x128xf32>
    %swap3A = arith.constant 0 : index
    %swap3A_11 = arith.constant 0 : index
    %swap3A_12 = vector.load %arg3[%swap3A, %swap3A_11] : memref<128x128xf32, #tpu.memory_space<vmem>>, vector<128x128xf32>
    tpu.vector_store %arg3[%swap3A, %swap3A_11], %add3A {strides = array<i32>} : memref<128x128xf32, #tpu.memory_space<vmem>>, vector<128x128xf32>,
    return
  }
  func.func @transform_0(%arg0: i32) -> (i32, i32) {
    %c0_i32 = arith.constant 0 : i32
    %c0_i32_0 = arith.constant 0 : i32
    return %arg0, %c0_i32 : i32, i32
  }
  func.func @transform_1(%arg0: i32) -> (i32, i32) {
    %c0_i32 = arith.constant 0 : i32
    %c0_i32_0 = arith.constant 0 : i32
    return %arg0, %c0_i32 : i32, i32
  }
  func.func @transform_2(%arg0: i32) -> (i32, i32) {
    %c0_i32 = arith.constant 0 : i32
    %c0_i32_0 = arith.constant 0 : i32
    %c0_i32_1 = arith.constant 0 : i32
    return %c0_i32, %c0_i32_0 : i32, i32
  }
}

module attributes {stable_mosaic.version = 14 : i64} {
  func.func @_c_body(%arg0: i32, %arg1: memref<8x1000x128xf32, #tpu.memory_space<vmem>>, %arg2: memref<1x1x1000xf32, #tpu.memory_space<vmem>>, %arg3: memref<1x1x1000xf32, #tpu.memory_space<vmem>>, %arg4: memref<1x1x1000xf32, #tpu.memory_space<vmem>>, %arg5: memref<512x512xf32, #tpu.memory_space<vmem>>, %arg6: memref<512xf32, #tpu.memory_space<vmem>>, %arg7: memref<512x64xf32, #tpu.memory_space<vmem>>, %arg8: memref<64xf32, #tpu.memory_space<vmem>>, %arg9: memref<1000x64xf32, #tpu.memory_space<vmem>>) attributes {dimension_semantics = [#tpu.dimension_semantics<arbitrary>], iteration_bounds = array<i64: 10>, scalar_prefetch = 0 : i64, scratch_operands = 0 : i64, tpu.core_type = #tpu.core_type<tc>, window_params = [{transform_indices = @transform_0, window_bounds = array<i64: 8, 1000, 128>}, {transform_indices = @transform_1, window_bounds = array<i64: 1, 1, 1000>}, {transform_indices = @transform_2, window_bounds = array<i64: 1, 1, 1000>}, {transform_indices = @transform_3, window_bounds = array<i64: 1, 1, 1000>}, {pipeline_mode = #tpu.pipeline_mode<synchronous>, transform_indices = @transform_4, window_bounds = array<i64: 512, 512>}, {pipeline_mode = #tpu.pipeline_mode<synchronous>, transform_indices = @transform_5, window_bounds = array<i64: 512>}, {pipeline_mode = #tpu.pipeline_mode<synchronous>, transform_indices = @transform_6, window_bounds = array<i64: 512, 64>}, {pipeline_mode = #tpu.pipeline_mode<synchronous>, transform_indices = @transform_7, window_bounds = array<i64: 64>}, {transform_indices = @transform_8, window_bounds = array<i64: 1000, 64>}]} {
    %get3A = arith.constant 0 : index
    %get3A_0 = arith.constant 0 : index
    %get3A_1 = arith.constant 0 : index
    %get3A_2 = vector.load %arg2[%get3A, %get3A_0, %get3A_1] : memref<1x1x1000xf32, #tpu.memory_space<vmem>>, vector<1x1x1000xf32>
    %get3A_3 = vector.shape_cast %get3A_2 : vector<1x1x1000xf32> to vector<1000xf32>
    %get3A_4 = arith.constant 0 : index
    %get3A_5 = arith.constant 0 : index
    %get3A_6 = arith.constant 0 : index
    %get3A_7 = vector.load %arg3[%get3A_4, %get3A_5, %get3A_6] : memref<1x1x1000xf32, #tpu.memory_space<vmem>>, vector<1x1x1000xf32>
    %get3A_8 = vector.shape_cast %get3A_7 : vector<1x1x1000xf32> to vector<1000xf32>
    %add3A = arith.addf %get3A_3, %get3A_8 : vector<1000xf32>
    %get3A_9 = arith.constant 0 : index
    %get3A_10 = arith.constant 0 : index
    %get3A_11 = arith.constant 0 : index
    %get3A_12 = vector.load %arg4[%get3A_9, %get3A_10, %get3A_11] : memref<1x1x1000xf32, #tpu.memory_space<vmem>>, vector<1x1x1000xf32>
    %get3A_13 = vector.shape_cast %get3A_12 : vector<1x1x1000xf32> to vector<1000xf32>
    %sub3A = arith.subf %add3A, %get3A_13 : vector<1000xf32>
    %max3A = arith.constant 1.000000e+00 : f32
    %max3A_14 = vector.broadcast %max3A : f32 to vector<1000xf32>
    %max3A_15 = arith.maximumf %sub3A, %max3A_14 : vector<1000xf32>
    %get3A_16 = arith.constant 0 : index
    %get3A_17 = arith.constant 0 : index
    %get3A_18 = arith.constant 0 : index
    %get3A_19 = vector.load %arg1[%get3A_16, %get3A_17, %get3A_18] : memref<8x1000x128xf32, #tpu.memory_space<vmem>>, vector<1x1000x64xf32>
    %get3A_20 = vector.shape_cast %get3A_19 : vector<1x1000x64xf32> to vector<1000x64xf32>
    %get3A_21 = arith.constant 4 : index
    %get3A_22 = arith.constant 0 : index
    %get3A_23 = arith.constant 0 : index
    %get3A_24 = vector.load %arg1[%get3A_21, %get3A_22, %get3A_23] : memref<8x1000x128xf32, #tpu.memory_space<vmem>>, vector<1x1000x64xf32>
    %get3A_25 = vector.shape_cast %get3A_24 : vector<1x1000x64xf32> to vector<1000x64xf32>
    %add3A_26 = arith.addf %get3A_20, %get3A_25 : vector<1000x64xf32>
    %get3A_27 = arith.constant 1 : index
    %get3A_28 = arith.constant 0 : index
    %get3A_29 = arith.constant 0 : index
    %get3A_30 = vector.load %arg1[%get3A_27, %get3A_28, %get3A_29] : memref<8x1000x128xf32, #tpu.memory_space<vmem>>, vector<1x1000x64xf32>
    %get3A_31 = vector.shape_cast %get3A_30 : vector<1x1000x64xf32> to vector<1000x64xf32>
    %get3A_32 = arith.constant 5 : index
    %get3A_33 = arith.constant 0 : index
    %get3A_34 = arith.constant 0 : index
    %get3A_35 = vector.load %arg1[%get3A_32, %get3A_33, %get3A_34] : memref<8x1000x128xf32, #tpu.memory_space<vmem>>, vector<1x1000x64xf32>
    %get3A_36 = vector.shape_cast %get3A_35 : vector<1x1000x64xf32> to vector<1000x64xf32>
    %add3A_37 = arith.addf %get3A_31, %get3A_36 : vector<1000x64xf32>
    %get3A_38 = arith.constant 2 : index
    %get3A_39 = arith.constant 0 : index
    %get3A_40 = arith.constant 0 : index
    %get3A_41 = vector.load %arg1[%get3A_38, %get3A_39, %get3A_40] : memref<8x1000x128xf32, #tpu.memory_space<vmem>>, vector<1x1000x64xf32>
    %get3A_42 = vector.shape_cast %get3A_41 : vector<1x1000x64xf32> to vector<1000x64xf32>
    %get3A_43 = arith.constant 6 : index
    %get3A_44 = arith.constant 0 : index
    %get3A_45 = arith.constant 0 : index
    %get3A_46 = vector.load %arg1[%get3A_43, %get3A_44, %get3A_45] : memref<8x1000x128xf32, #tpu.memory_space<vmem>>, vector<1x1000x64xf32>
    %get3A_47 = vector.shape_cast %get3A_46 : vector<1x1000x64xf32> to vector<1000x64xf32>
    %add3A_48 = arith.addf %get3A_42, %get3A_47 : vector<1000x64xf32>
    %get3A_49 = arith.constant 3 : index
    %get3A_50 = arith.constant 0 : index
    %get3A_51 = arith.constant 0 : index
    %get3A_52 = vector.load %arg1[%get3A_49, %get3A_50, %get3A_51] : memref<8x1000x128xf32, #tpu.memory_space<vmem>>, vector<1x1000x64xf32>
    %get3A_53 = vector.shape_cast %get3A_52 : vector<1x1000x64xf32> to vector<1000x64xf32>
    %get3A_54 = arith.constant 7 : index
    %get3A_55 = arith.constant 0 : index
    %get3A_56 = arith.constant 0 : index
    %get3A_57 = vector.load %arg1[%get3A_54, %get3A_55, %get3A_56] : memref<8x1000x128xf32, #tpu.memory_space<vmem>>, vector<1x1000x64xf32>
    %get3A_58 = vector.shape_cast %get3A_57 : vector<1x1000x64xf32> to vector<1000x64xf32>
    %add3A_59 = arith.addf %get3A_53, %get3A_58 : vector<1000x64xf32>
    %get3A_60 = arith.constant 0 : index
    %get3A_61 = arith.constant 0 : index
    %get3A_62 = arith.constant 64 : index
    %get3A_63 = vector.load %arg1[%get3A_60, %get3A_61, %get3A_62] : memref<8x1000x128xf32, #tpu.memory_space<vmem>>, vector<1x1000x64xf32>
    %get3A_64 = vector.shape_cast %get3A_63 : vector<1x1000x64xf32> to vector<1000x64xf32>
    %get3A_65 = arith.constant 4 : index
    %get3A_66 = arith.constant 0 : index
    %get3A_67 = arith.constant 64 : index
    %get3A_68 = vector.load %arg1[%get3A_65, %get3A_66, %get3A_67] : memref<8x1000x128xf32, #tpu.memory_space<vmem>>, vector<1x1000x64xf32>
    %get3A_69 = vector.shape_cast %get3A_68 : vector<1x1000x64xf32> to vector<1000x64xf32>
    %add3A_70 = arith.addf %get3A_64, %get3A_69 : vector<1000x64xf32>
    %get3A_71 = arith.constant 1 : index
    %get3A_72 = arith.constant 0 : index
    %get3A_73 = arith.constant 64 : index
    %get3A_74 = vector.load %arg1[%get3A_71, %get3A_72, %get3A_73] : memref<8x1000x128xf32, #tpu.memory_space<vmem>>, vector<1x1000x64xf32>
    %get3A_75 = vector.shape_cast %get3A_74 : vector<1x1000x64xf32> to vector<1000x64xf32>
    %get3A_76 = arith.constant 5 : index
    %get3A_77 = arith.constant 0 : index
    %get3A_78 = arith.constant 64 : index
    %get3A_79 = vector.load %arg1[%get3A_76, %get3A_77, %get3A_78] : memref<8x1000x128xf32, #tpu.memory_space<vmem>>, vector<1x1000x64xf32>
    %get3A_80 = vector.shape_cast %get3A_79 : vector<1x1000x64xf32> to vector<1000x64xf32>
    %add3A_81 = arith.addf %get3A_75, %get3A_80 : vector<1000x64xf32>
    %get3A_82 = arith.constant 2 : index
    %get3A_83 = arith.constant 0 : index
    %get3A_84 = arith.constant 64 : index
    %get3A_85 = vector.load %arg1[%get3A_82, %get3A_83, %get3A_84] : memref<8x1000x128xf32, #tpu.memory_space<vmem>>, vector<1x1000x64xf32>
    %get3A_86 = vector.shape_cast %get3A_85 : vector<1x1000x64xf32> to vector<1000x64xf32>
    %get3A_87 = arith.constant 6 : index
    %get3A_88 = arith.constant 0 : index
    %get3A_89 = arith.constant 64 : index
    %get3A_90 = vector.load %arg1[%get3A_87, %get3A_88, %get3A_89] : memref<8x1000x128xf32, #tpu.memory_space<vmem>>, vector<1x1000x64xf32>
    %get3A_91 = vector.shape_cast %get3A_90 : vector<1x1000x64xf32> to vector<1000x64xf32>
    %add3A_92 = arith.addf %get3A_86, %get3A_91 : vector<1000x64xf32>
    %get3A_93 = arith.constant 3 : index
    %get3A_94 = arith.constant 0 : index
    %get3A_95 = arith.constant 64 : index
    %get3A_96 = vector.load %arg1[%get3A_93, %get3A_94, %get3A_95] : memref<8x1000x128xf32, #tpu.memory_space<vmem>>, vector<1x1000x64xf32>
    %get3A_97 = vector.shape_cast %get3A_96 : vector<1x1000x64xf32> to vector<1000x64xf32>
    %get3A_98 = arith.constant 7 : index
    %get3A_99 = arith.constant 0 : index
    %get3A_100 = arith.constant 64 : index
    %get3A_101 = vector.load %arg1[%get3A_98, %get3A_99, %get3A_100] : memref<8x1000x128xf32, #tpu.memory_space<vmem>>, vector<1x1000x64xf32>
    %get3A_102 = vector.shape_cast %get3A_101 : vector<1x1000x64xf32> to vector<1000x64xf32>
    %add3A_103 = arith.addf %get3A_97, %get3A_102 : vector<1000x64xf32>
    %concatenate3A = tpu.concatenate %add3A_26, %add3A_37, %add3A_48, %add3A_59, %add3A_70, %add3A_81, %add3A_92, %add3A_103 in 1 : vector<1000x64xf32>, vector<1000x64xf32>, vector<1000x64xf32>, vector<1000x64xf32>, vector<1000x64xf32>, vector<1000x64xf32>, vector<1000x64xf32>, vector<1000x64xf32> -> vector<1000x512xf32>
    %broadcast_in_dim3A = vector.shape_cast %max3A_15 : vector<1000xf32> to vector<1000x1xf32>
    %div3A = vector.broadcast %broadcast_in_dim3A : vector<1000x1xf32> to vector<1000x512xf32>
    %div3A_104 = arith.divf %concatenate3A, %div3A : vector<1000x512xf32>
    %get3A_105 = arith.constant 0 : index
    %get3A_106 = arith.constant 0 : index
    %get3A_107 = vector.load %arg5[%get3A_105, %get3A_106] : memref<512x512xf32, #tpu.memory_space<vmem>>, vector<512x512xf32>
    %dot_general3A = arith.constant dense<0.000000e+00> : vector<1000x512xf32>
    %dot_general3A_108 = tpu.matmul %div3A_104, %get3A_107, %dot_general3A {dimension_numbers = #tpu.dot_dimension_numbers<[1], [0], [0], [1], [0, 0, 1, 1], [], []>, transpose_lhs_hint = false} : vector<1000x512xf32>, vector<512x512xf32>, vector<1000x512xf32> -> vector<1000x512xf32>
    %get3A_109 = arith.constant 0 : index
    %get3A_110 = vector.load %arg6[%get3A_109] : memref<512xf32, #tpu.memory_space<vmem>>, vector<512xf32>
    %broadcast_in_dim3A_111 = vector.shape_cast %get3A_110 : vector<512xf32> to vector<1x512xf32>
    %add3A_112 = vector.broadcast %broadcast_in_dim3A_111 : vector<1x512xf32> to vector<1000x512xf32>
    %add3A_113 = arith.addf %dot_general3A_108, %add3A_112 : vector<1000x512xf32>
    %max3A_114 = arith.constant 0.000000e+00 : f32
    %max3A_115 = vector.broadcast %max3A_114 : f32 to vector<1000x512xf32>
    %max3A_116 = arith.maximumf %add3A_113, %max3A_115 : vector<1000x512xf32>
    %get3A_117 = arith.constant 0 : index
    %get3A_118 = arith.constant 0 : index
    %get3A_119 = vector.load %arg7[%get3A_117, %get3A_118] : memref<512x64xf32, #tpu.memory_space<vmem>>, vector<512x64xf32>
    %dot_general3A_120 = arith.constant dense<0.000000e+00> : vector<1000x64xf32>
    %dot_general3A_121 = tpu.matmul %max3A_116, %get3A_119, %dot_general3A_120 {dimension_numbers = #tpu.dot_dimension_numbers<[1], [0], [0], [1], [0, 0, 1, 1], [], []>, transpose_lhs_hint = false} : vector<1000x512xf32>, vector<512x64xf32>, vector<1000x64xf32> -> vector<1000x64xf32>
    %get3A_122 = arith.constant 0 : index
    %get3A_123 = vector.load %arg8[%get3A_122] : memref<64xf32, #tpu.memory_space<vmem>>, vector<64xf32>
    %broadcast_in_dim3A_124 = vector.shape_cast %get3A_123 : vector<64xf32> to vector<1x64xf32>
    %add3A_125 = vector.broadcast %broadcast_in_dim3A_124 : vector<1x64xf32> to vector<1000x64xf32>
    %add3A_126 = arith.addf %dot_general3A_121, %add3A_125 : vector<1000x64xf32>
    %mul3A = arith.mulf %add3A_126, %add3A_126 : vector<1000x64xf32>
    %reduce_sum3A = arith.constant dense<0.000000e+00> : vector<1000xf32>
    %reduce_sum3A_127 = vector.multi_reduction <add>, %mul3A, %reduce_sum3A [1] : vector<1000x64xf32> to vector<1000xf32>
    %broadcast_in_dim3A_128 = vector.shape_cast %reduce_sum3A_127 : vector<1000xf32> to vector<1000x1xf32>
    %sqrt3A = math.sqrt %broadcast_in_dim3A_128 : vector<1000x1xf32>
    %max3A_129 = arith.constant 9.99999996E-13 : f32
    %max3A_130 = vector.broadcast %max3A_129 : f32 to vector<1000x1xf32>
    %max3A_131 = arith.maximumf %sqrt3A, %max3A_130 : vector<1000x1xf32>
    %div3A_132 = vector.broadcast %max3A_131 : vector<1000x1xf32> to vector<1000x64xf32>
    %div3A_133 = arith.divf %add3A_126, %div3A_132 : vector<1000x64xf32>
    %swap3A = arith.constant 0 : index
    %swap3A_134 = arith.constant 0 : index
    %swap3A_135 = vector.load %arg9[%swap3A, %swap3A_134] : memref<1000x64xf32, #tpu.memory_space<vmem>>, vector<1000x64xf32>
    tpu.vector_store %arg9[%swap3A, %swap3A_134], %div3A_133 {strides = array<i32>} : memref<1000x64xf32, #tpu.memory_space<vmem>>, vector<1000x64xf32>,
    return
  }
  func.func @transform_0(%arg0: i32) -> (i32, i32, i32) {
    %c0_i32 = arith.constant 0 : i32
    %c0_i32_0 = arith.constant 0 : i32
    %c0_i32_1 = arith.constant 0 : i32
    return %c0_i32, %arg0, %c0_i32_0 : i32, i32, i32
  }
  func.func @transform_1(%arg0: i32) -> (i32, i32, i32) {
    %c0_i32 = arith.constant 0 : i32
    %c0_i32_0 = arith.constant 0 : i32
    %c0_i32_1 = arith.constant 0 : i32
    return %arg0, %c0_i32, %c0_i32_0 : i32, i32, i32
  }
  func.func @transform_2(%arg0: i32) -> (i32, i32, i32) {
    %c0_i32 = arith.constant 0 : i32
    %c0_i32_0 = arith.constant 0 : i32
    %c0_i32_1 = arith.constant 0 : i32
    return %arg0, %c0_i32, %c0_i32_0 : i32, i32, i32
  }
  func.func @transform_3(%arg0: i32) -> (i32, i32, i32) {
    %c0_i32 = arith.constant 0 : i32
    %c0_i32_0 = arith.constant 0 : i32
    %c0_i32_1 = arith.constant 0 : i32
    return %arg0, %c0_i32, %c0_i32_0 : i32, i32, i32
  }
  func.func @transform_4(%arg0: i32) -> (i32, i32) {
    %c0_i32 = arith.constant 0 : i32
    %c0_i32_0 = arith.constant 0 : i32
    %c0_i32_1 = arith.constant 0 : i32
    return %c0_i32, %c0_i32_0 : i32, i32
  }
  func.func @transform_5(%arg0: i32) -> i32 {
    %c0_i32 = arith.constant 0 : i32
    %c0_i32_0 = arith.constant 0 : i32
    return %c0_i32 : i32
  }
  func.func @transform_6(%arg0: i32) -> (i32, i32) {
    %c0_i32 = arith.constant 0 : i32
    %c0_i32_0 = arith.constant 0 : i32
    %c0_i32_1 = arith.constant 0 : i32
    return %c0_i32, %c0_i32_0 : i32, i32
  }
  func.func @transform_7(%arg0: i32) -> i32 {
    %c0_i32 = arith.constant 0 : i32
    %c0_i32_0 = arith.constant 0 : i32
    return %c0_i32 : i32
  }
  func.func @transform_8(%arg0: i32) -> (i32, i32) {
    %c0_i32 = arith.constant 0 : i32
    %c0_i32_0 = arith.constant 0 : i32
    return %arg0, %c0_i32 : i32, i32
  }
}

</mosaic_0001>

<sc_bundles>
// kernel: kernel.6.cloned.1.call-start
scs
__scs_entry_jumppad:
0x0: {  	(pc) =	sbr.rel $0x88, $3  }
0x1: {  	(tag) =	ssettag $0x0;
	lr =	simm.s32 $0x1  }
0x2: {  	[smem:$0x3F97] =	sst lr;
	_ =	strace $0xD0000000  }
0x3: {  	_ = 	snop  }
0x4: {  	_ = 	snop  }
0x5: {  	_ = 	snop  }
0x6: {  	_ = 	snop  }
0x7: {  	_ = 	snop  }
__scs_overlays_trampoline_lowered:
0x8: {  	[smem:$0x3FA6] =	sst s0  }
0x9: {  	[smem:$0x3FA7] =	sst s1  }
0xa: {  	[smem:$0x3FA8] =	sst s2  }
0xb: {  	[smem:$0x3FA9] =	sst s3  }
0xc: {  	[smem:$0x3FAA] =	sst s4  }
0xd: {  	[smem:$0x3FAB] =	sst s5  }
0xe: {  	[smem:$0x3FAC] =	sst s6  }
0xf: {  	[smem:$0x3FAD] =	sst s7  }
0x10: {  	[smem:$0x3FAE] =	sst s8  }
0x11: {  	[smem:$0x3FAF] =	sst s9;
	s0 =	simm.s32 @!p0 $0x0  }
0x12: {  	s1 =	sld [smem:$0x3F95];
	s0 =	simm.s32 @p0 $0x1  }
0x13: {  	[smem:$0x3FB0] =	sst s0;
	s0 =	simm.s32 @!p1 $0x0  }
0x14: {  	s2 =	sld [smem:$0x3F94];
	s0 =	simm.s32 @p1 $0x1  }
0x15: {  	[smem:$0x3FB1] =	sst s0;
	s0 =	simm.s32 @!p2 $0x0  }
0x16: {  	s3 =	sld [smem:$0x3FDB];
	s0 =	simm.s32 @p2 $0x1  }
0x17: {  	s4 =	simm.s32 $0x1BF5;
	[smem:$0x3FB3] =	sst s0  }
0x18: {  	s0 =	sld [smem:$0x3F96];
	_ =	swait.ge [sflag:s4], $0x0  }
0x19: {  	s7 =	sld [smem:$0x3F97]  }
0x1a: {  	s8 =	sadd.s32 $0xFFFFE003, lr  }
0x1b: {  	s9 =	sadd.s32 $0xFFFFFEF7, lr;
	s5 =	simm.s32 $0xFFFFFFFF;
	p2 =	slt.u32 s8, $0xFFFFF086  }
0x1c: {  	p1 =	slt.u32 s9, $0xF7A;
	s5 =	simm.s32 @!p2 $0x0  }
0x1d: {  	s5 =	simm.s32 @p1 $0x1;
	p0 =	seq.s32 s7, s2  }
0x1e: {  	s7 =	smul.u32 @!p0 $0xF7A, s2;
	p2 =	seq.s32 @!p0 s5, $0x0  }
0x1f: {  	s9 =	smul.u32 $0xF7A, s1;
	s8 =	simm.s32 @!p0 $0x1BF5;
	p2 =	por !p2, p0  }
0x20: {  	[sflag:s8] =	ssyncset.s32 @!p0 $0xFFFFF086;
	s6 =	sadd.s32 @!p0 s3, s7;
	s7 =	simm.s32 @!p0 $0x108  }
0x21: {  	s3 =	sadd.s32 s3, s9;
	s6 =	sadd.s32 @!p0 $0x88, s6;
	s7 =	simm.s32 @p2 $0x1082  }
0x22: {  	[simem:s7], [sflag:s8] =	dma.local @!p0 [hbm:s6], $0xF7A  }
0x23: {  	s9 =	sor.u32 $0xD0000000, s2;
	s6 =	simm.s32 $0x108;
	_ =	swait.ge @!p0 [sflag:s8], $0x0  }
0x24: {  	s3 =	sadd.s32 $0x88, s3;
	s6 =	simm.s32 @!p1 $0x1082;
	[sflag:s4] =	ssyncset.s32 $0xFFFFF086  }
0x25: {  	[simem:s6], [sflag:s4] =	dma.local [hbm:s3], $0xF7A  }
0x26: {  	[smem:$0x3F97] =	sst s1;
	(tag) =	ssettag s2;
	_ =	strace s9  }
0x27: {  	s1 =	sld [smem:$0x3FA7]  }
0x28: {  	s2 =	sld [smem:$0x3FA8]  }
0x29: {  	s4 =	sld [smem:$0x3FAA]  }
0x2a: {  	p0 =	seq.s32 s5, $0x0;
	s5 =	sld [smem:$0x3FAB]  }
0x2b: {  	s6 =	sld [smem:$0x3FAC]  }
0x2c: {  	s7 =	sld [smem:$0x3FAD]  }
0x2d: {  	s3 =	simm.s32 $0x108;
	s8 =	sld [smem:$0x3FAE]  }
0x2e: {  	s3 =	simm.s32 @!p0 $0x1082;
	s9 =	sld [smem:$0x3FAF]  }
0x2f: {  	lr =	sadd.s32 s0, s3;
	s0 =	sld [smem:$0x3FA6]  }
0x30: {  	s3 =	sld [smem:$0x3FA9]  }
0x31: {  	[smem:$0x3FB2] =	sst s10  }
0x32: {  	s10 =	sld [smem:$0x3FB0];
	_ =	sdelay $0x3  }
0x33: {  	p0 =	seq.s32 s10, $0x1;
	s10 =	sld [smem:$0x3FB2];
	_ =	sdelay $0x3  }
0x34: {  	[smem:$0x3FB2] =	sst s10  }
0x35: {  	s10 =	sld [smem:$0x3FB1];
	_ =	sdelay $0x3  }
0x36: {  	p1 =	seq.s32 s10, $0x1;
	s10 =	sld [smem:$0x3FB2];
	_ =	sdelay $0x3  }
0x37: {  	[smem:$0x3FB2] =	sst s10  }
0x38: {  	s10 =	sld [smem:$0x3FB3]  }
0x39: {  	_ = 	snop;
	(pc) =	sbr.ind lr, $3  }
0x3a: {  	_ = 	snop  }
0x3b: {  	_ = 	snop  }
0x3c: {  	p2 =	seq.s32 s10, $0x1;
	s10 =	sld [smem:$0x3FB2]  }
0x3d: {  	_ =	shalt  }
0x3e: {  	_ =	shalt  }
0x3f: {  	_ =	shalt  }
0x40: {  	_ =	shalt  }
0x41: {  	_ =	shalt  }
0x42: {  	_ =	shalt  }
0x43: {  	_ =	shalt  }
0x44: {  	_ =	shalt  }
0x45: {  	_ =	shalt  }
0x46: {  	_ =	shalt  }
0x47: {  	_ =	shalt  }
0x48: {  	_ =	shalt  }
0x49: {  	_ =	shalt  }
0x4a: {  	_ =	shalt  }
0x4b: {  	_ =	shalt  }
0x4c: {  	_ =	shalt  }
0x4d: {  	_ =	shalt  }
0x4e: {  	_ =	shalt  }
0x4f: {  	_ =	shalt  }
0x50: {  	_ =	shalt  }
0x51: {  	_ =	shalt  }
0x52: {  	_ =	shalt  }
0x53: {  	_ =	shalt  }
0x54: {  	_ =	shalt  }
0x55: {  	_ =	shalt  }
0x56: {  	_ =	shalt  }
0x57: {  	_ =	shalt  }
0x58: {  	_ =	shalt  }
0x59: {  	_ =	shalt  }
0x5a: {  	_ =	shalt  }
0x5b: {  	_ =	shalt  }
0x5c: {  	_ =	shalt  }
0x5d: {  	_ =	shalt  }
0x5e: {  	_ =	shalt  }
0x5f: {  	_ =	shalt  }
0x60: {  	_ =	shalt  }
0x61: {  	_ =	shalt  }
0x62: {  	_ =	shalt  }
0x63: {  	_ =	shalt  }
0x64: {  	_ =	shalt  }
0x65: {  	_ =	shalt  }
0x66: {  	_ =	shalt  }
0x67: {  	_ =	shalt  }
0x68: {  	_ =	shalt  }
0x69: {  	_ =	shalt  }
0x6a: {  	_ =	shalt  }
0x6b: {  	_ =	shalt  }
0x6c: {  	_ =	shalt  }
0x6d: {  	_ =	shalt  }
0x6e: {  	_ =	shalt  }
0x6f: {  	_ =	shalt  }
0x70: {  	_ =	shalt  }
0x71: {  	_ =	shalt  }
0x72: {  	_ =	shalt  }
0x73: {  	_ =	shalt  }
0x74: {  	_ =	shalt  }
0x75: {  	_ =	shalt  }
0x76: {  	_ =	shalt  }
0x77: {  	_ =	shalt  }
0x78: {  	_ =	shalt  }
0x79: {  	_ =	shalt  }
0x7a: {  	_ =	shalt  }
0x7b: {  	_ =	shalt  }
0x7c: {  	_ =	shalt  }
0x7d: {  	_ =	shalt  }
0x7e: {  	_ =	shalt  }
0x7f: {  	_ =	shalt  }
0x80: {  	_ =	shalt  }
0x81: {  	_ =	shalt  }
0x82: {  	_ =	shalt  }
0x83: {  	_ =	shalt  }
0x84: {  	_ =	shalt  }
0x85: {  	_ =	shalt  }
0x86: {  	_ =	shalt  }
0x87: {  	_ =	shalt  }
.Lfunc_end0:
.L_simem_size_0:
called_computation_lowered:
.L_overlay_start_0:
0x88: {  	s2 =	sld [smem:$0x3FD9]  }
0x89: {  	s3 =	sld [smem:$0x3FFE];
	_ =	sdelay $0x1  }
0x8a: {  	s1 =	srdreg.scid  }
0x8b: {  	s0 =	sand.u32 $0x1, s1  }
0x8c: {  	s17 =	sshll.u32 s0, $0xA;
	s2 =	sadd.s32 s3, s2  }
0x8d: {  	s2 =	sadd.s32 s2, s17  }
0x8e: {  	[smem:$0x3FBE] =	sst s2  }
0x8f: {  	_ = 	snop  }
0x90: {  	s2 =	sld [smem:$0x3FD0];
	(tm) =	ssettm $0x1  }
0x91: {  	s18 =	sld [smem:$0x3FFB];
	_ =	sdelay $0x3  }
0x92: {  	_ =	strace s18  }
0x93: {  	s3 =	sld [smem:$0x3FFC];
	_ =	sdelay $0x3  }
0x94: {  	_ =	strace s3  }
0x95: {  	s3 =	sld [smem:$0x3FFD];
	_ =	sdelay $0x3  }
0x96: {  	_ =	strace s3  }
0x97: {  	_ =	strace $0x8FFFFFFF  }
0x98: {  	s19 =	sld [smem:$0x3FDB];
	_ =	sdelay $0x1  }
0x99: {  	s4 =	simm.s32 $_scs_section_size  }
0x9a: {  	s5 =	simm.s32 $_size__tile_overlayer_lowered;
	s6 =	simm.s32 $_tile_overlayer_lowered  }
0x9b: {  	s22 =	simm.s32 $0x1BFF;
	s21 =	sshll.u32 s6, $0x1;
	s3 =	sadd.s32 s4, s19  }
0x9c: {  	s7 =	simm.s32 $0x0;
	s20 =	sshll.u32 s5, $0x1;
	s5 =	sadd.s32 s21, s3  }
0x9d: {  	[timem:s7], [sflag:s22] =	dma.local [hbm:s5], s20  }
0x9e: {  	_ =	swait.ge [sflag:s22], s20  }
0x9f: {  	s4 =	ssub.s32 $0x0, s20;
	[sflag:s22] =	ssyncset.done $0x0  }
0xa0: {  	[sflag:s22] =	ssyncadd.s32 s4;
	_ =	sdelay $0x1  }
0xa1: {  	s23 =	simm.s32 $0x1B8B  }
0xa2: {  	_ =	swait.ge [sflag:s23], $0x1  }
0xa3: {  	[sflag:s23] =	ssyncset.done $0x0  }
0xa4: {  	s25 =	simm.s32 $0x1B8E;
	s24 =	sld [smem:$0x3FFE];
	[sflag:s23] =	ssyncadd.s32 $0xFFFFFFFF  }
0xa5: {  	s26 =	simm.s32 $execute0_lowered;
	[smem:$0x3FD2] =	sst s25  }
0xa6: {  	s5 =	sshll.u32 s26, $0x1;
	_ =	strace $0x80000046;
	[dreg:$0x1] =	wrdreg $0xFFFFFFFF  }
0xa7: {  	s28 =	simm.s32 $_size_execute0_lowered;
	s3 =	sadd.s32 s3, s5;
	[dreg:$0x0] =	wrdreg $0x0  }
0xa8: {  	s5 =	sshll.u32 s28, $0x1;
	[dreg:$0x2] =	wrdreg s3  }
0xa9: {  	[dreg:$0x3] =	wrdreg s5  }
0xaa: {  	[dreg:$0x4] =	wrdreg $0xC0  }
0xab: {  	_ =	task [dreg:s7], $0x5FFFF  }
0xac: {  	[dreg:$0x1] =	wrdreg $0xFFFFFFFF  }
0xad: {  	[dreg:$0x0] =	wrdreg $0x60  }
0xae: {  	[dreg:$0x2] =	wrdreg s2  }
0xaf: {  	[dreg:$0x3] =	wrdreg s24  }
0xb0: {  	[dreg:$0x4] =	wrdreg $0x88000  }
0xb1: {  	[dreg:$0x5] =	wrdreg $0x1C0800  }
0xb2: {  	[dreg:$0x6] =	wrdreg $0x9  }
0xb3: {  	_ =	task.clear_ibuf [dreg:s7], $0x7FFFF;
	_ =	strace $0x90000046  }
0xb4: {  	s29 =	simm.s32 $0x9;
	_ =	strace $0x80000048  }
0xb5: {  	_ =	swait.ge [sflag:s29], $0x1  }
0xb6: {  	[sflag:s29] =	ssyncadd.s32 $0xFFFFFFFF  }
0xb7: {  	_ =	strace $0x90000048  }
0xb8: {  	_ =	sfence  }
0xb9: {  	s30 =	sld [smem:$0x0];
	_ =	sdelay $0x2  }
0xba: {  	s31 =	sshll.u32 s1, $0xD;
	s1 =	sshrl.u32 s1, $0x2  }
0xbb: {  	s3 =	sand.u32 $0x4000, s31;
	s1 =	sadd.s32 s1, s30  }
0xbc: {  	s0 =	sor.u32 s3, s0;
	s1 =	sshll.u32 s1, $0x11  }
0xbd: {  	s0 =	sor.u32 s1, s0  }
0xbe: {  	s0 =	sadd.s32 $0x8F2B, s0  }
0xbf: {  	[sflag:s0] =	ssyncadd.remote.s32 $0x1  }
0xc0: {  	_ =	sfence.sel $0xFFFF  }
0xc1: {  	[dreg:$0x0] =	wrdreg $0xFFFFFFFF;
	(pc) =	sbr.abs _section_cstart, $3  }
0xc2: {  	[dreg:$0x1] =	wrdreg $0xFFFFFFFF  }
0xc3: {  	_ =	task.clear_ibuf [dreg:s7], $0x2FFFF;
	_ =	strace $0x9FFFFFFF  }
0xc4: {  	(tm) =	ssettm $0x7FFFFFFF  }
0xc5: {  	_ =	shalt  }
tec
execute0_lowered:
.L_overlay_start_1:
0x0: {  	(tag) =	ssettag $0x1  }
0x1: {  	s1 =	rddreg [dreg:$0x0]  }
0x2: {  	s0 =	rddreg [dreg:$0x1]  }
0x3: {  	s2 =	rddreg [dreg:$0x2]  }
0x4: {  	s3 =	rddreg [dreg:$0x3]  }
0x5: {  	s4 =	simm.s32 $0x0;
	s17 =	srdreg.scid;
	s19 =	stileid.u32  }
0x6: {  	s28 =	simm.s32 $0x280;
	[smem:$0x7FF] =	sst s4;
	s5 =	sadd.s32 $0x27600, s0  }
0x7: {  	s6 =	sadd.s32 $0x13C00, s0;
	s7 =	sadd.s32 $0x200, s0;
	s9 =	sadd.s32 $0x3B600, s0  }
0x8: {  	s8 =	sadd.s32 $0x3B400, s0;
	s10 =	sadd.s32 $0x63600, s0;
	s11 =	smul.u32 $0x50000, s19  }
0x9: {  	s18 =	sadd.s32 $0x3B000, s0;
	s13 =	smul.u32 $0x5000, s19;
	s14 =	sadd.s32 $0x6AE00, s0  }
0xa: {  	s0 =	sadd.s32 $0x65E00, s0;
	_ =	strace $0x80000047;
	[dreg:$0x5] =	wrdreg s8  }
0xb: {  	s8 =	sand.u32 $0x1, s17;
	[dreg:$0x7] =	wrdreg s18;
	s18 =	smul.u32 $0x280, s19  }
0xc: {  	p0 =	seq.s32 s19, $0xF;
	[dreg:$0x6] =	wrdreg s10;
	s21 =	smul.u32 $0x9C40, s8  }
0xd: {  	s20 =	sshll.u32 s8, $0x4;
	s12 =	ssub.s32 $0x2, s8;
	s25 =	smul.u32 $0x4E2000, s8  }
0xe: {  	s11 =	sshrl.u32 s11, $0x2;
	s13 =	sshrl.u32 s13, $0x2;
	s26 =	smul.u32 $0x13880, s8  }
0xf: {  	s8 =	smul.u32 $0x2710, s8;
	s10 =	sor.u32 s19, s20;
	s15 =	sshrl.u32 s12, $0x1  }
0x10: {  	s11 =	sadd.s32 s11, s2;
	s22 =	sadd.s32 s13, s3;
	s29 =	sadd.s32 s0, s18  }
0x11: {  	s13 =	simm.s32 $0x1;
	s19 =	simm.s32 $0x800;
	[dreg:$0x8] =	wrdreg s11  }
0x12: {  	s10 =	smul.u32 $0xA000, s10;
	[dreg:$0x9] =	wrdreg s22;
	s24 =	sadd.s32 s18, s21  }
0x13: {  	s30 =	sshrl.u32 s25, $0x3;
	s31 =	sshrl.u32 s26, $0x3;
	s8 =	sadd.s32 s8, s29  }
0x14: {  	s25 =	sadd.s32 $0x12C00, s3;
	s11 =	sshll.u32 s24, $0x4;
	[dreg:$0xc] =	wrdreg s8  }
0x15: {  	s0 =	sadd.s32 s0, s31;
	s24 =	sadd.s32 $0x12C000, s2;
	[dreg:$0x14] =	wrdreg s25  }
0x16: {  	s12 =	ssub.s32 s12, s15;
	s0 =	sadd.s32 $0x2580, s0;
	[dreg:$0x13] =	wrdreg s24  }
0x17: {  	s21 =	sadd.s32 s14, s11;
	s11 =	sadd.s32 s14, s30;
	[dreg:$0xe] =	wrdreg s0  }
0x18: {  	s8 =	simm.s32 $0x400;
	s14 =	sadd.s32 $0x25800, s11;
	[dreg:$0xb] =	wrdreg s21  }
0x19: {  	s25 =	simm.s32 $0x4800;
	s15 =	sadd.s32 $0x4C900, s11;
	[dreg:$0xd] =	wrdreg s14  }
0x1a: {  	s23 =	sshrl.u32 s10, $0x3;
	s18 =	sadd.s32 $0x73A00, s11;
	[dreg:$0xf] =	wrdreg s15  }
0x1b: {  	s16 =	sor.u32 $0x400, s10;
	s22 =	sadd.s32 $0x9AB00, s11;
	[dreg:$0x10] =	wrdreg s18  }
0x1c: {  	s20 =	sadd.s32 s9, s23;
	s23 =	smax.u32 s12, $0x1;
	[dreg:$0x11] =	wrdreg s22  }
0x1d: {  	s17 =	sor.u32 $0x600, s10;
	s10 =	simm.s32 $0x6;
	[dreg:$0x12] =	wrdreg s23  }
0x1e: {  	s24 =	simm.s32 $0x5;
	s29 =	sadd.s32 $0x27100, s21;
	[dreg:$0xa] =	wrdreg s20  }
.Ltmp0:
0x1f: {  	s30 =	sadd.s32 $0x4E200, s21;
	[dreg:$0x16] =	wrdreg s29;
	(pc) =	sbr.rel .LBB2_1-.Ltmp0, $4  }
0x20: {  	s31 =	sadd.s32 $0x75300, s21;
	s21 =	simm.s32 $0x2;
	[dreg:$0x17] =	wrdreg s30  }
0x21: {  	s11 =	simm.s32 $0x0;
	s26 =	sadd.s32 $0x40, s20;
	[dreg:$0x18] =	wrdreg s31  }
0x22: {  	s14 =	simm.s32 $0x80;
	s20 =	simm.s32 $0x200;
	s22 =	simm.s32 $0x2800  }
0x23: {  	s23 =	simm.s32 $0x3;
	[dreg:$0x15] =	wrdreg s26;
	s26 =	simm.s32 $0x4  }
.LBB2_29:
0x24: {  	[bflag:$0x0] =	sbarrier.arrive $0xFFFF  }
0x25: {  	s1 =	rddreg [dreg:$0x11]  }
0x26: {  	s0 =	simm.s32 @p0 $0x1FC6;
	s11 =	rddreg [dreg:$0x1a]  }
0x27: {  	[hbm:s1], [sflag:s0] =	dma.local @p0 [spmem:s11], $0x1900  }
0x28: {  	s0 =	simm.s32 @p0 $0x6  }
0x29: {  	_ =	swait.ge @p0 [sflag:s0], $0x1900  }
0x2a: {  	s1 =	rddreg [dreg:$0x1b]  }
0x2b: {  	[sflag:s0] =	ssyncset.done @p0 $0x0;
	s11 =	rddreg [dreg:$0x1c]  }
0x2c: {  	[sflag:s0] =	ssyncadd.s32 @p0 $0xFFFFE700;
	s0 =	rddreg [dreg:$0x18]  }
0x2d: {  	[hbm:s0], [sflag:s1] =	dma.local @!p0 [spmem:s11], $0x2800  }
0x2e: {  	s0 =	simm.s32 @!p0 $0x6  }
0x2f: {  	_ =	swait.ge @!p0 [sflag:s0], $0x2800  }
0x30: {  	s30 =	rddreg [dreg:$0x19]  }
0x31: {  	s31 =	rddreg [dreg:$0x12];
	s11 =	sadd.s32 $0x1, s30  }
0x32: {  	p1 =	sne.s32 s11, s31  }
.Ltmp1:
0x33: {  	_ = 	snop;
	(pc) =	sbr.rel @!p1 .LBB2_30-.Ltmp1, $4  }
0x34: {  	[sflag:s0] =	ssyncset.done @!p0 $0x0  }
0x35: {  	[sflag:s0] =	ssyncadd.s32 @!p0 $0xFFFFD800  }
0x36: {  	[bflag:$0x0] =	sbarrier.arrive $0xFFFF  }
0x37: {  	s1 =	rddreg [dreg:$0x0]  }
.LBB2_1:
0x38: {  	[dreg:$0x19] =	wrdreg s11  }
0x39: {  	s0 =	rddreg [dreg:$0x5]  }
0x3a: {  	[tilespmem:s8], [sflag:$0x6] =	stream.linear.gather [hbm4b:s0+s4], $0x400, $0x38;
	[tilespmem:$0x1C2F8] =	vst v63  }
0x3b: {  	_ =	swait.ge [sflag:s10], $0x400  }
0x3c: {  	s0 =	rddreg [dreg:$0x13]  }
0x3d: {  	[sflag:s10] =	ssyncset.done $0x0;
	s12 =	rddreg [dreg:$0x6];
	s11 =	sshrl.u32 @p0 s0, $0x3  }
0x3e: {  	[sflag:s10] =	ssyncadd.s32 $0xFFFFFC00;
	s0 =	simm.s32 @p0 $0x1FC6;
	[dreg:$0x1a] =	wrdreg s11  }
0x3f: {  	[spmem:s11], [sflag:s0] =	dma.local @p0 [hbm:s12], $0x1900  }
0x40: {  	s11 =	simm.s32 @p0 $0x6  }
0x41: {  	_ =	swait.ge @p0 [sflag:s11], $0x1900  }
0x42: {  	s15 =	rddreg [dreg:$0x14]  }
0x43: {  	[sflag:s11] =	ssyncset.done @p0 $0x0;
	s18 =	sshrl.u32 @p0 s15, $0x3;
	s15 =	rddreg [dreg:$0x7]  }
0x44: {  	[sflag:s11] =	ssyncadd.s32 @p0 $0xFFFFE700;
	[dreg:$0x1e] =	wrdreg s18  }
0x45: {  	[spmem:s18], [sflag:s0] =	dma.local @p0 [hbm:s15], $0x190  }
0x46: {  	s0 =	stileid.u32  }
0x47: {  	_ =	swait.ge @p0 [sflag:s11], $0x190;
	s0 =	sshll.u32 @!p0 s0, $0x6  }
0x48: {  	s18 =	sor.u32 @!p0 $0x1C06, s0;
	s0 =	rddreg [dreg:$0x8]  }
0x49: {  	[sflag:s11] =	ssyncset.done @p0 $0x0;
	s0 =	sshrl.u32 @!p0 s0, $0x3  }
0x4a: {  	[sflag:s11] =	ssyncadd.s32 @p0 $0xFFFFFE70;
	[dreg:$0x1c] =	wrdreg s0  }
0x4b: {  	[spmem:s0], [sflag:s18] =	dma.local @!p0 [hbm:s12], $0x2800  }
0x4c: {  	s0 =	simm.s32 @!p0 $0x6  }
0x4d: {  	_ =	swait.ge @!p0 [sflag:s0], $0x2800  }
0x4e: {  	s11 =	rddreg [dreg:$0x9]  }
0x4f: {  	[dreg:$0x1b] =	wrdreg s18;
	[sflag:s0] =	ssyncset.done @!p0 $0x0;
	s11 =	sshrl.u32 @!p0 s11, $0x3  }
0x50: {  	[sflag:s0] =	ssyncadd.s32 @!p0 $0xFFFFD800;
	[dreg:$0x1d] =	wrdreg s11  }
0x51: {  	[spmem:s11], [sflag:s18] =	dma.local @!p0 [hbm:s15], $0x280  }
0x52: {  	_ =	swait.ge @!p0 [sflag:s0], $0x280  }
0x53: {  	[sflag:s0] =	ssyncset.done @!p0 $0x0  }
0x54: {  	[sflag:s0] =	ssyncadd.s32 @!p0 $0xFFFFFD80  }
0x55: {  	[bflag:$0x0] =	sbarrier.arrive $0xFFFF  }
0x56: {  	s30 =	rddreg [dreg:$0xa]  }
0x57: {  	[tilespmem:s4], [sflag:$0x1] =	stream.linear.gather [hbm4b:s30+s4], $0x200, $0x38;
	[tilespmem:$0x1C2F8] =	vst v63  }
0x58: {  	_ =	swait.ge [sflag:s13], $0x200  }
0x59: {  	[sflag:s13] =	ssyncset.done $0x0  }
0x5a: {  	[sflag:s13] =	ssyncadd.s32 $0xFFFFFE00  }
0x5b: {  	[tilespmem:s19], [sflag:$0x3] =	stream.indirect.gather [hbm4b:s1+s14], $0x40, s4, s14, $0xb8;
	[tilespmem:$0x1C2F8] =	vst v63  }
0x5c: {  	s15 =	simm.s32 $0x0;
	s31 =	rddreg [dreg:$0x15]  }
0x5d: {  	[tilespmem:s20], [sflag:$0x2] =	stream.linear.gather [hbm4b:s31+s4], $0x200, $0x38;
	[tilespmem:$0x1C2F8] =	vst v63  }
.LBB2_2:
0x5e: {  	s0 =	simm.s32 $0x0  }
0x5f: {  	s11 =	simm.s32 $0x1;
	v0 =	vmov s0  }
0x60: {  	_ =	swait.ge [sflag:s21], $0x200;
	v1 =	vmov s11;
	v0 =	vand.u32 $0x7C, v0  }
0x61: {  	s12 =	simm.s32 $0x3;
	[sflag:s21] =	ssyncset.done $0x0;
	v1 =	vand.u32 $0x7D, v1;
	v0 =	vbroadcast v0, $0x0  }
0x62: {  	v2 =	vmov s12;
	[sflag:s21] =	ssyncadd.s32 $0xFFFFFE00;
	v1 =	vbroadcast v1, $0x0  }
0x63: {  	v2 =	vand.u32 $0x7F, v2;
	[tilespmem:s22], [sflag:$0x4] =	stream.indirect.gather [hbm4b:s1+s14], $0x40, s20, s14, $0xb8;
	v3 =	vor.u32 $0x100, v0;
	[tilespmem:$0x1C2F8] =	vst v63  }
0x64: {  	v2 =	vbroadcast v2, $0x0;
	_ =	swait.ge [sflag:s23], $0x2000;
	v4 =	vor.u32 $0x100, v1  }
0x65: {  	s18 =	simm.s32 $0x2;
	[sflag:s23] =	ssyncset.done $0x0  }
0x66: {  	v5 =	vmov s18;
	v6 =	vor.u32 $0x100, v2;
	[sflag:s23] =	ssyncadd.s32 $0xFFFFE000  }
0x67: {  	v5 =	vand.u32 $0x7E, v5;
	v2 =	vor.u32 $0x180, v2;
	[spmem:s3] =	stream.indirect.scatter.add.f32 [tilespmem:s8], [sflag:$0x5], $0x1, s14, s14, $0xb8;
	[tilespmem:$0x1C2F8] =	vst v63  }
0x68: {  	v7 =	vld.idx.msk [tilespmem:v3+s4+$0x0], $0xffff;
	v3 =	vbroadcast v5, $0x0  }
0x69: {  	s0 =	simm.s32 $0x880;
	v1 =	vor.u32 $0x180, v1;
	v12 =	vld.idx.msk [tilespmem:v4+s4+$0x0], $0xffff  }
0x6a: {  	v5 =	vld [tilespmem:s0+$0x40];
	v4 =	vor.u32 $0x100, v3  }
0x6b: {  	v13 =	vld.idx.msk [tilespmem:v6+s4+$0x0], $0xffff  }
0x6c: {  	v2 =	vld.idx.msk [tilespmem:v2+s4+$0x0], $0xffff;
	v3 =	vor.u32 $0x180, v3  }
0x6d: {  	v6 =	vld [tilespmem:s0+$0xFFFFFFC0]  }
0x6e: {  	v0 =	vor.u32 $0x180, v0;
	v1 =	vld.idx.msk [tilespmem:v1+s4+$0x0], $0xffff  }
0x6f: {  	v11 =	vld.idx.msk [tilespmem:v4+s4+$0x0], $0xffff  }
0x70: {  	v8 =	vmul.f32 v13, v5;
	v4 =	vld [tilespmem:s0+$0x0]  }
0x71: {  	s30 =	simm.s32 $0x4900;
	v9 =	vld.idx.msk [tilespmem:v3+s4+$0x0], $0xffff;
	v3 =	vmul.f32 v2, v5  }
0x72: {  	v14 =	vmul.f32 v12, v6;
	v5 =	vld [tilespmem:s0+$0xFFFFFF80];
	[tilespmem:s30+$0x80] =	vst v8  }
0x73: {  	v10 =	vld.idx.msk [tilespmem:v0+s4+$0x0], $0xffff;
	v0 =	vmul.f32 v1, v6;
	[tilespmem:s30+$0xC0] =	vst v3  }
0x74: {  	[tilespmem:s30+$0xFFFFFF80] =	vst v14;
	v3 =	vld [tilespmem:s0+$0x50]  }
0x75: {  	[tilespmem:s30+$0xFFFFFFC0] =	vst v0;
	v6 =	vmul.f32 v11, v4  }
0x76: {  	v0 =	vmul.f32 v9, v4;
	v4 =	vld [tilespmem:s0+$0xFFFFFFD0]  }
0x77: {  	v8 =	vmul.f32 v7, v5;
	[tilespmem:s30+$0x0] =	vst v6  }
0x78: {  	v5 =	vmul.f32 v10, v5;
	[tilespmem:s30+$0x40] =	vst v0  }
0x79: {  	s11 =	simm.s32 $0x4;
	[tilespmem:s30+$0xFFFFFF00] =	vst v8;
	v0 =	vld [tilespmem:s0+$0x10];
	v6 =	vmul.f32 v13, v3  }
0x7a: {  	v8 =	vmov s11;
	[tilespmem:s30+$0xFFFFFF40] =	vst v5;
	v3 =	vmul.f32 v2, v3  }
0x7b: {  	s29 =	simm.s32 $0x5;
	v5 =	vand.u32 $0x7C, v8;
	v8 =	vld [tilespmem:s0+$0xFFFFFF90];
	v14 =	vmul.f32 v12, v4;
	[tilespmem:s30+$0x90] =	vst v6  }
0x7c: {  	v15 =	vbroadcast v5, $0x0;
	v5 =	vmov s29;
	v4 =	vmul.f32 v1, v4;
	[tilespmem:s30+$0xD0] =	vst v3  }
0x7d: {  	v3 =	vand.u32 $0x7D, v5;
	v5 =	vld [tilespmem:s0+$0x60];
	[tilespmem:s30+$0xFFFFFF90] =	vst v14  }
0x7e: {  	v6 =	vor.u32 $0x100, v15;
	[tilespmem:s30+$0xFFFFFFD0] =	vst v4;
	v14 =	vmul.f32 v11, v0  }
0x7f: {  	v3 =	vbroadcast v3, $0x0;
	v0 =	vmul.f32 v9, v0;
	v16 =	vld [tilespmem:s0+$0xFFFFFFE0]  }
0x80: {  	s12 =	simm.s32 $0x7;
	v17 =	vmul.f32 v7, v8;
	[tilespmem:s30+$0x10] =	vst v14  }
0x81: {  	v4 =	vor.u32 $0x100, v3;
	v8 =	vmul.f32 v10, v8;
	[tilespmem:s30+$0x50] =	vst v0;
	v0 =	vmov s12  }
0x82: {  	v3 =	vor.u32 $0x180, v3;
	[tilespmem:s30+$0xFFFFFF10] =	vst v17;
	v14 =	vld [tilespmem:s0+$0x20];
	v17 =	vand.u32 $0x7F, v0;
	v18 =	vmul.f32 v13, v5  }
0x83: {  	s18 =	simm.s32 $0x6;
	[tilespmem:s30+$0xFFFFFF50] =	vst v8;
	v0 =	vld.idx.msk [tilespmem:v6+s4+$0x0], $0xffff;
	v5 =	vmul.f32 v2, v5;
	v6 =	vbroadcast v17, $0x0  }
0x84: {  	s31 =	simm.s32 $0x980;
	v8 =	vmov s18;
	v17 =	vld [tilespmem:s0+$0xFFFFFFA0];
	v19 =	vmul.f32 v12, v16;
	[tilespmem:s30+$0xA0] =	vst v18  }
0x85: {  	v22 =	vld [tilespmem:s31+$0x40];
	v8 =	vand.u32 $0x7E, v8;
	v16 =	vmul.f32 v1, v16;
	[tilespmem:s30+$0xE0] =	vst v5;
	v18 =	vor.u32 $0x100, v6  }
0x86: {  	v8 =	vbroadcast v8, $0x0;
	v6 =	vor.u32 $0x180, v6;
	[tilespmem:s30+$0xFFFFFFA0] =	vst v19;
	v19 =	vld [tilespmem:s0+$0x70]  }
0x87: {  	v5 =	vld.idx.msk [tilespmem:v3+s4+$0x0], $0xffff;
	[tilespmem:s30+$0xFFFFFFE0] =	vst v16;
	v3 =	vmul.f32 v11, v14  }
0x88: {  	v16 =	vor.u32 $0x100, v8;
	v14 =	vmul.f32 v9, v14;
	v20 =	vld [tilespmem:s0+$0xFFFFFFF0]  }
0x89: {  	v4 =	vld.idx.msk [tilespmem:v4+s4+$0x0], $0xffff;
	v21 =	vmul.f32 v7, v17;
	[tilespmem:s30+$0x20] =	vst v3  }
0x8a: {  	v23 =	vor.u32 $0x180, v8;
	v3 =	vmul.f32 v10, v17;
	[tilespmem:s30+$0x60] =	vst v14;
	v8 =	vld.idx.msk [tilespmem:v18+s4+$0x0], $0xffff  }
0x8b: {  	[tilespmem:s30+$0xFFFFFF20] =	vst v21;
	v6 =	vld.idx.msk [tilespmem:v6+s4+$0x0], $0xffff;
	v2 =	vmul.f32 v2, v19  }
0x8c: {  	v14 =	vor.u32 $0x180, v15;
	v15 =	vld [tilespmem:s31+$0xFFFFFFC0];
	[tilespmem:s30+$0xFFFFFF60] =	vst v3;
	v13 =	vmul.f32 v13, v19  }
0x8d: {  	v3 =	vld.idx.msk [tilespmem:v16+s4+$0x0], $0xffff;
	v12 =	vmul.f32 v12, v20;
	[tilespmem:s30+$0xF0] =	vst v2  }
0x8e: {  	v16 =	vld [tilespmem:s31+$0x0];
	v1 =	vmul.f32 v1, v20;
	[tilespmem:s30+$0xB0] =	vst v13  }
0x8f: {  	v2 =	vld.idx.msk [tilespmem:v23+s4+$0x0], $0xffff;
	[tilespmem:s30+$0xFFFFFFB0] =	vst v12;
	v12 =	vmul.f32 v8, v22  }
0x90: {  	s11 =	simm.s32 $0x4B00;
	v13 =	vld [tilespmem:s31+$0xFFFFFF80];
	[tilespmem:s30+$0xFFFFFFF0] =	vst v1;
	v17 =	vmul.f32 v6, v22  }
0x91: {  	v1 =	vld.idx.msk [tilespmem:v14+s4+$0x0], $0xffff;
	v14 =	vmul.f32 v4, v15;
	[tilespmem:s11+$0x80] =	vst v12  }
0x92: {  	v18 =	vld [tilespmem:s0+$0x30];
	v12 =	vmul.f32 v5, v15;
	[tilespmem:s11+$0xC0] =	vst v17  }
0x93: {  	s12 =	simm.s32 $0x8;
	[tilespmem:s11+$0xFFFFFF80] =	vst v14;
	v15 =	vmul.f32 v3, v16;
	v14 =	vld [tilespmem:s31+$0x50]  }
0x94: {  	v17 =	vmov s12;
	v16 =	vmul.f32 v2, v16;
	[tilespmem:s11+$0xFFFFFFC0] =	vst v12  }
0x95: {  	v17 =	vand.u32 $0x7C, v17;
	v12 =	vmul.f32 v0, v13;
	[tilespmem:s11+$0x0] =	vst v15;
	v19 =	vld [tilespmem:s31+$0xFFFFFFD0]  }
0x96: {  	s29 =	simm.s32 $0x9;
	v13 =	vmul.f32 v1, v13;
	v15 =	vbroadcast v17, $0x0;
	[tilespmem:s11+$0x40] =	vst v16  }
0x97: {  	v11 =	vmul.f32 v11, v18;
	[tilespmem:s11+$0xFFFFFF00] =	vst v12;
	v16 =	vld [tilespmem:s31+$0x10];
	v12 =	vmov s29  }
0x98: {  	v20 =	vor.u32 $0x100, v15;
	[tilespmem:s11+$0xFFFFFF40] =	vst v13;
	v15 =	vor.u32 $0x180, v15;
	v13 =	vmul.f32 v8, v14  }
0x99: {  	[tilespmem:s30+$0x30] =	vst v11;
	v12 =	vand.u32 $0x7D, v12;
	v21 =	vld [tilespmem:s31+$0xFFFFFF90];
	v14 =	vmul.f32 v6, v14  }
0x9a: {  	s18 =	simm.s32 $0xA;
	v17 =	vld [tilespmem:s0+$0xFFFFFFB0];
	v11 =	vbroadcast v12, $0x0;
	v12 =	vmul.f32 v4, v19;
	[tilespmem:s11+$0x90] =	vst v13  }
0x9b: {  	v23 =	vmov s18;
	v25 =	vmul.f32 v9, v18;
	v13 =	vmul.f32 v5, v19;
	[tilespmem:s11+$0xD0] =	vst v14  }
0x9c: {  	v9 =	vand.u32 $0x7E, v23;
	v19 =	vor.u32 $0x100, v11;
	v14 =	vmul.f32 v3, v16;
	v22 =	vld [tilespmem:s31+$0x60];
	[tilespmem:s11+$0xFFFFFF90] =	vst v12  }
0x9d: {  	v18 =	vbroadcast v9, $0x0;
	v24 =	vmul.f32 v2, v16;
	v9 =	vld.idx.msk [tilespmem:v15+s4+$0x0], $0xffff;
	[tilespmem:s11+$0xFFFFFFD0] =	vst v13  }
0x9e: {  	v15 =	vor.u32 $0x180, v11;
	v13 =	vmul.f32 v0, v21;
	v16 =	vld [tilespmem:s31+$0xFFFFFFE0];
	[tilespmem:s11+$0x10] =	vst v14  }
0x9f: {  	s29 =	simm.s32 $0xB;
	v12 =	vmul.f32 v7, v17;
	v7 =	vld.idx.msk [tilespmem:v20+s4+$0x0], $0xffff;
	v20 =	vmul.f32 v1, v21;
	[tilespmem:s11+$0x50] =	vst v24;
	v14 =	vor.u32 $0x100, v18  }
0xa0: {  	v10 =	vmul.f32 v10, v17;
	v21 =	vmov s29;
	[tilespmem:s11+$0xFFFFFF10] =	vst v13;
	v17 =	vld [tilespmem:s31+$0x20]  }
0xa1: {  	[tilespmem:s11+$0xFFFFFF50] =	vst v20;
	v13 =	vor.u32 $0x180, v18;
	v11 =	vld.idx.msk [tilespmem:v19+s4+$0x0], $0xffff;
	v19 =	vand.u32 $0x7F, v21;
	v20 =	vmul.f32 v8, v22  }
0xa2: {  	s18 =	simm.s32 $0x980;
	[tilespmem:s30+$0x70] =	vst v25;
	s0 =	simm.s32 $0xC;
	v18 =	vld [tilespmem:s31+$0xFFFFFFA0];
	v19 =	vbroadcast v19, $0x0;
	v21 =	vmul.f32 v6, v22  }
.LBB2_3:
0xa3: {  	p1 =	slt.u32 s0, $0x7C;
	v15 =	vld.idx.msk [tilespmem:v15+s4+$0x0], $0xffff;
	v22 =	vmul.f32 v4, v16;
	v16 =	vmul.f32 v5, v16;
	[tilespmem:s11+$0xA0] =	vst v20  }
0xa4: {  	v14 =	vld.idx.msk [tilespmem:v14+s4+$0x0], $0xffff;
	v20 =	vor.u32 $0x100, v19;
	[tilespmem:s11+$0xE0] =	vst v21  }
0xa5: {  	v19 =	vor.u32 $0x180, v19;
	[tilespmem:s11+$0xFFFFFFA0] =	vst v22;
	v21 =	vmul.f32 v3, v17;
	v17 =	vmul.f32 v2, v17;
	v22 =	vld [tilespmem:s31+$0x70]  }
0xa6: {  	v13 =	vld.idx.msk [tilespmem:v13+s4+$0x0], $0xffff;
	[tilespmem:s11+$0xFFFFFFE0] =	vst v16  }
0xa7: {  	s31 =	sadd.s32 $0x100, s31;
	v16 =	vmul.f32 v0, v18;
	v18 =	vmul.f32 v1, v18;
	v23 =	vld [tilespmem:s18+$0xFFFFFFF0];
	[tilespmem:s11+$0x20] =	vst v21  }
0xa8: {  	v21 =	vld [tilespmem:s31+$0x40];
	[tilespmem:s11+$0x60] =	vst v17  }
0xa9: {  	v17 =	vld.idx.msk [tilespmem:v20+s4+$0x0], $0xffff;
	[tilespmem:s11+$0xFFFFFF20] =	vst v16  }
0xaa: {  	[tilespmem:s11+$0xFFFFFF60] =	vst v18;
	v8 =	vmul.f32 v8, v22;
	v16 =	vmul.f32 v6, v22;
	v6 =	vld.idx.msk [tilespmem:v19+s4+$0x0], $0xffff  }
0xab: {  	v18 =	vld [tilespmem:s31+$0xFFFFFF80];
	[tilespmem:s30+$0xFFFFFF30] =	vst v12  }
0xac: {  	v12 =	vld [tilespmem:s31+$0xFFFFFFC0];
	v19 =	vmul.f32 v4, v23;
	v20 =	vmul.f32 v5, v23;
	[tilespmem:s11+$0xF0] =	vst v16;
	v5 =	vmovc v15;
	v4 =	vmov v11  }
0xad: {  	v11 =	vld [tilespmem:s31+$0x0];
	[tilespmem:s11+$0xB0] =	vst v8  }
0xae: {  	[tilespmem:s11+$0xFFFFFFB0] =	vst v19;
	v15 =	vld [tilespmem:s18+$0x30]  }
0xaf: {  	v16 =	vmul.f32 v17, v21;
	v8 =	vmov v17;
	v19 =	vld [tilespmem:s18+$0xFFFFFFB0];
	[tilespmem:s11+$0xFFFFFFF0] =	vst v20;
	s18 =	smov.u32 s31  }
0xb0: {  	v20 =	vmul.f32 v6, v21;
	v17 =	vmul.f32 v7, v18;
	[tilespmem:s30+$0xFFFFFF70] =	vst v10;
	s30 =	smov.u32 s11;
	s11 =	sadd.s32 $0x200, s11  }
0xb1: {  	v10 =	vmul.f32 v4, v12;
	v12 =	vmul.f32 v5, v12;
	[tilespmem:s11+$0x80] =	vst v16  }
0xb2: {  	v16 =	vmul.f32 v14, v11;
	v11 =	vmul.f32 v13, v11;
	[tilespmem:s11+$0xC0] =	vst v20  }
0xb3: {  	v18 =	vmul.f32 v9, v18;
	[tilespmem:s11+$0xFFFFFF80] =	vst v10;
	v20 =	vld [tilespmem:s31+$0x50];
	v21 =	vmul.f32 v3, v15;
	v3 =	vmov v14  }
0xb4: {  	v10 =	vmov s0;
	v22 =	vmul.f32 v2, v15;
	v2 =	vmovc v13;
	[tilespmem:s11+$0xFFFFFFC0] =	vst v12;
	v12 =	vmul.f32 v0, v19;
	v0 =	vmovc v7  }
0xb5: {  	v7 =	vand.u32 $0x7C, v10;
	v10 =	vmul.f32 v1, v19;
	v1 =	vmov v9;
	v13 =	vld [tilespmem:s31+$0xFFFFFFD0];
	[tilespmem:s11+$0x0] =	vst v16  }
0xb6: {  	s12 =	sadd.s32 $0x1, s0;
	v7 =	vbroadcast v7, $0x0;
	[tilespmem:s11+$0x40] =	vst v11  }
0xb7: {  	v9 =	vmov s12;
	[tilespmem:s11+$0xFFFFFF00] =	vst v17;
	v11 =	vld [tilespmem:s31+$0x10]  }
0xb8: {  	s12 =	sadd.s32 $0x2, s0;
	v9 =	vand.u32 $0x7D, v9;
	v14 =	vor.u32 $0x100, v7;
	[tilespmem:s11+$0xFFFFFF40] =	vst v18;
	v15 =	vmul.f32 v8, v20  }
0xb9: {  	v16 =	vmov s12;
	v9 =	vbroadcast v9, $0x0;
	v18 =	vmul.f32 v6, v20;
	v17 =	vld [tilespmem:s31+$0xFFFFFF90];
	[tilespmem:s30+$0x30] =	vst v21  }
0xba: {  	v19 =	vor.u32 $0x180, v7;
	v7 =	vmul.f32 v4, v13;
	v13 =	vmul.f32 v5, v13;
	[tilespmem:s11+$0x90] =	vst v15  }
0xbb: {  	v15 =	vand.u32 $0x7E, v16;
	[tilespmem:s11+$0xD0] =	vst v18  }
0xbc: {  	v18 =	vor.u32 $0x100, v9;
	[tilespmem:s11+$0xFFFFFF90] =	vst v7;
	v20 =	vmul.f32 v3, v11;
	v11 =	vmul.f32 v2, v11;
	v21 =	vld [tilespmem:s31+$0x60]  }
0xbd: {  	v23 =	vbroadcast v15, $0x0;
	v7 =	vld.idx.msk [tilespmem:v14+s4+$0x0], $0xffff;
	[tilespmem:s11+$0xFFFFFFD0] =	vst v13  }
.Ltmp2:
0xbe: {  	v15 =	vor.u32 $0x180, v9;
	v13 =	vmul.f32 v0, v17;
	v24 =	vmul.f32 v1, v17;
	v16 =	vld [tilespmem:s31+$0xFFFFFFE0];
	[tilespmem:s11+$0x10] =	vst v20;
	(pc) =	sbr.rel @p1 .LBB2_3-.Ltmp2, $4  }
0xbf: {  	s12 =	sadd.s32 $0x3, s0;
	v14 =	vor.u32 $0x100, v23;
	v9 =	vld.idx.msk [tilespmem:v19+s4+$0x0], $0xffff;
	[tilespmem:s11+$0x50] =	vst v11  }
0xc0: {  	v19 =	vmov s12;
	[tilespmem:s11+$0xFFFFFF10] =	vst v13;
	v17 =	vld [tilespmem:s31+$0x20]  }
0xc1: {  	v13 =	vor.u32 $0x180, v23;
	v11 =	vld.idx.msk [tilespmem:v18+s4+$0x0], $0xffff;
	v18 =	vand.u32 $0x7F, v19;
	[tilespmem:s11+$0xFFFFFF50] =	vst v24;
	v20 =	vmul.f32 v8, v21  }
0xc2: {  	s0 =	sadd.s32 $0x4, s0;
	v21 =	vmul.f32 v6, v21;
	v19 =	vbroadcast v18, $0x0;
	v18 =	vld [tilespmem:s31+$0xFFFFFFA0];
	[tilespmem:s30+$0x70] =	vst v22  }
0xc3: {  	[tilespmem:s11+$0xA0] =	vst v20  }
0xc4: {  	v22 =	vmul.f32 v4, v16;
	[tilespmem:s30+$0xFFFFFF30] =	vst v12  }
0xc5: {  	v16 =	vmul.f32 v5, v16;
	[tilespmem:s11+$0xE0] =	vst v21;
	v20 =	vor.u32 $0x100, v19  }
0xc6: {  	v19 =	vor.u32 $0x180, v19;
	[tilespmem:s11+$0xFFFFFFA0] =	vst v22;
	v22 =	vld [tilespmem:s31+$0x70]  }
0xc7: {  	v15 =	vld.idx.msk [tilespmem:v15+s4+$0x0], $0xffff;
	v21 =	vmul.f32 v3, v17;
	v17 =	vmul.f32 v2, v17;
	[tilespmem:s11+$0xFFFFFFE0] =	vst v16  }
0xc8: {  	s0 =	sadd.s32 $0x100, s31;
	[tilespmem:s30+$0xFFFFFF70] =	vst v10;
	v23 =	vld [tilespmem:s18+$0xFFFFFFF0];
	v16 =	vmul.f32 v0, v18  }
0xc9: {  	v18 =	vmul.f32 v1, v18;
	[tilespmem:s11+$0x60] =	vst v17;
	v17 =	vld [tilespmem:s0+$0x40]  }
0xca: {  	[tilespmem:s11+$0xFFFFFF20] =	vst v16;
	v16 =	vld.idx.msk [tilespmem:v20+s4+$0x0], $0xffff  }
0xcb: {  	[tilespmem:s11+$0xFFFFFF60] =	vst v18;
	v18 =	vld.idx.msk [tilespmem:v19+s4+$0x0], $0xffff;
	v6 =	vmul.f32 v6, v22  }
0xcc: {  	v12 =	vld [tilespmem:s0+$0xFFFFFFC0];
	[tilespmem:s11+$0x20] =	vst v21;
	v8 =	vmul.f32 v8, v22  }
0xcd: {  	v4 =	vmul.f32 v4, v23;
	[tilespmem:s11+$0xF0] =	vst v6;
	v6 =	vld.idx.msk [tilespmem:v14+s4+$0x0], $0xffff  }
0xce: {  	v5 =	vmul.f32 v5, v23;
	[tilespmem:s11+$0xB0] =	vst v8;
	v8 =	vld [tilespmem:s0+$0x0]  }
0xcf: {  	[tilespmem:s11+$0xFFFFFFB0] =	vst v4;
	v4 =	vld.idx.msk [tilespmem:v13+s4+$0x0], $0xffff;
	v13 =	vmul.f32 v16, v17  }
0xd0: {  	s12 =	sadd.s32 $0x200, s11;
	[tilespmem:s11+$0xFFFFFFF0] =	vst v5;
	v5 =	vld [tilespmem:s0+$0xFFFFFF80];
	v14 =	vmul.f32 v18, v17  }
0xd1: {  	v10 =	vmul.f32 v11, v12;
	[tilespmem:s12+$0x80] =	vst v13  }
0xd2: {  	v12 =	vmul.f32 v15, v12;
	v13 =	vld [tilespmem:s18+$0x30];
	[tilespmem:s12+$0xC0] =	vst v14  }
0xd3: {  	[tilespmem:s12+$0xFFFFFF80] =	vst v10;
	v14 =	vmul.f32 v6, v8;
	v10 =	vld [tilespmem:s0+$0x50]  }
0xd4: {  	[tilespmem:s12+$0xFFFFFFC0] =	vst v12;
	v8 =	vmul.f32 v4, v8  }
0xd5: {  	v17 =	vld [tilespmem:s0+$0xFFFFFFD0];
	v12 =	vmul.f32 v7, v5;
	[tilespmem:s12+$0x0] =	vst v14  }
0xd6: {  	v5 =	vmul.f32 v9, v5;
	[tilespmem:s12+$0x40] =	vst v8  }
0xd7: {  	[tilespmem:s12+$0xFFFFFF00] =	vst v12;
	v3 =	vmul.f32 v3, v13;
	v8 =	vld [tilespmem:s0+$0x10]  }
0xd8: {  	[tilespmem:s12+$0xFFFFFF40] =	vst v5;
	v5 =	vmul.f32 v16, v10  }
0xd9: {  	v12 =	vld [tilespmem:s0+$0xFFFFFF90];
	v10 =	vmul.f32 v18, v10;
	[tilespmem:s11+$0x30] =	vst v3  }
0xda: {  	v3 =	vmul.f32 v11, v17;
	[tilespmem:s12+$0x90] =	vst v5  }
0xdb: {  	v5 =	vmul.f32 v15, v17;
	[tilespmem:s12+$0xD0] =	vst v10  }
0xdc: {  	[tilespmem:s12+$0xFFFFFF90] =	vst v3;
	v10 =	vld [tilespmem:s0+$0x60];
	v3 =	vmul.f32 v6, v8  }
0xdd: {  	v8 =	vmul.f32 v4, v8;
	[tilespmem:s12+$0xFFFFFFD0] =	vst v5  }
0xde: {  	v5 =	vmul.f32 v7, v12;
	v14 =	vld [tilespmem:s0+$0xFFFFFFE0];
	[tilespmem:s12+$0x10] =	vst v3  }
0xdf: {  	v3 =	vmul.f32 v9, v12;
	[tilespmem:s12+$0x50] =	vst v8  }
0xe0: {  	v2 =	vmul.f32 v2, v13;
	[tilespmem:s12+$0xFFFFFF10] =	vst v5;
	v5 =	vld [tilespmem:s0+$0x20]  }
0xe1: {  	[tilespmem:s12+$0xFFFFFF50] =	vst v3;
	v3 =	vmul.f32 v16, v10  }
0xe2: {  	[tilespmem:s11+$0x70] =	vst v2;
	v10 =	vmul.f32 v18, v10;
	v8 =	vld [tilespmem:s0+$0xFFFFFFA0]  }
0xe3: {  	v2 =	vmul.f32 v11, v14;
	[tilespmem:s12+$0xA0] =	vst v3  }
0xe4: {  	v3 =	vld [tilespmem:s18+$0xFFFFFFB0];
	v12 =	vmul.f32 v15, v14;
	[tilespmem:s12+$0xE0] =	vst v10  }
0xe5: {  	v10 =	vld [tilespmem:s0+$0x70];
	[tilespmem:s12+$0xFFFFFFA0] =	vst v2;
	v2 =	vmul.f32 v6, v5  }
0xe6: {  	v5 =	vmul.f32 v4, v5;
	[tilespmem:s12+$0xFFFFFFE0] =	vst v12  }
0xe7: {  	v12 =	vmul.f32 v7, v8;
	[tilespmem:s12+$0x20] =	vst v2  }
0xe8: {  	v13 =	vld [tilespmem:s0+$0xFFFFFFF0];
	v2 =	vmul.f32 v9, v8;
	[tilespmem:s12+$0x60] =	vst v5  }
0xe9: {  	v0 =	vmul.f32 v0, v3;
	[tilespmem:s12+$0xFFFFFF20] =	vst v12  }
0xea: {  	v5 =	vld [tilespmem:s0+$0x30];
	[tilespmem:s12+$0xFFFFFF60] =	vst v2;
	v2 =	vmul.f32 v18, v10  }
0xeb: {  	v1 =	vmul.f32 v1, v3;
	[tilespmem:s11+$0xFFFFFF30] =	vst v0  }
0xec: {  	v8 =	vmul.f32 v16, v10;
	[tilespmem:s12+$0xF0] =	vst v2;
	v2 =	vld [tilespmem:s0+$0xFFFFFFB0]  }
0xed: {  	[tilespmem:s11+$0xFFFFFF70] =	vst v1;
	v0 =	vmul.f32 v11, v13  }
0xee: {  	v10 =	vmul.f32 v15, v13;
	[tilespmem:s12+$0xB0] =	vst v8  }
0xef: {  	[tilespmem:s12+$0xFFFFFFB0] =	vst v0;
	v0 =	vmul.f32 v6, v5  }
0xf0: {  	[tilespmem:s12+$0xFFFFFFF0] =	vst v10;
	v1 =	vmul.f32 v4, v5  }
0xf1: {  	[tilespmem:s12+$0x30] =	vst v0;
	v3 =	vmul.f32 v7, v2  }
0xf2: {  	[tilespmem:s12+$0x70] =	vst v1;
	v0 =	vmul.f32 v9, v2  }
0xf3: {  	[tilespmem:s12+$0xFFFFFF30] =	vst v3  }
0xf4: {  	[tilespmem:s12+$0xFFFFFF70] =	vst v0  }
0xf5: {  	_ =	swait.ge [sflag:s24], $0x80  }
0xf6: {  	s30 =	sshll.u32 s15, $0xA;
	p1 =	seq.s32 s15, $0x27;
	[sflag:s24] =	ssyncset.done $0x0  }
0xf7: {  	s18 =	simm.s32 $0x1;
	s12 =	simm.s32 $0x0;
	[sflag:s24] =	ssyncadd.s32 $0xFFFFFF80  }
0xf8: {  	v0 =	vmov s12;
	[spmem:s2] =	stream.indirect.scatter.add.f32 [tilespmem:s25], [sflag:$0x6], $0x80, s14, s14, $0xb8;
	[tilespmem:$0x1C2F8] =	vst v63  }
0xf9: {  	s11 =	sadd.s32 @!p1 s30, s16;
	v1 =	vmov s18;
	v0 =	vand.u32 $0x7C, v0;
	_ =	swait.ge [sflag:s10], $0x4000  }
0xfa: {  	s29 =	simm.s32 $0x3;
	s0 =	sshrl.u32 @!p1 s11, $0x3;
	v1 =	vand.u32 $0x7D, v1;
	v0 =	vbroadcast v0, $0x0;
	[sflag:s10] =	ssyncset.done $0x0  }
0xfb: {  	s0 =	sadd.s32 @!p1 s9, s0;
	v2 =	vmov s29;
	v1 =	vbroadcast v1, $0x0;
	s12 =	simm.s32 @!p1 $0x0;
	[sflag:s10] =	ssyncadd.s32 $0xFFFFC000  }
0xfc: {  	v2 =	vand.u32 $0x7F, v2;
	v3 =	vor.u32 $0x100, v0;
	[tilespmem:s12], [sflag:$0x1] =	stream.linear.gather @!p1 [hbm4b:s0+s12], $0x200, $0x38;
	[tilespmem:$0x1C2F8] =	vst v63  }
0xfd: {  	v2 =	vbroadcast v2, $0x0;
	v4 =	vor.u32 $0x100, v1;
	_ =	swait.ge [sflag:s26], $0x2000  }
0xfe: {  	s18 =	simm.s32 $0x2;
	[sflag:s26] =	ssyncset.done $0x0  }
0xff: {  	v5 =	vmov s18;
	v6 =	vor.u32 $0x100, v2;
	[sflag:s26] =	ssyncadd.s32 $0xFFFFE000  }
0x100: {  	v5 =	vand.u32 $0x7E, v5;
	v2 =	vor.u32 $0x180, v2;
	[spmem:s3] =	stream.indirect.scatter.add.f32 [tilespmem:s8], [sflag:$0x5], $0x1, s28, s14, $0xb8;
	[tilespmem:$0x1C2F8] =	vst v63  }
0x101: {  	v7 =	vld.idx.msk [tilespmem:v3+s20+$0x0], $0xffff;
	v3 =	vbroadcast v5, $0x0  }
0x102: {  	v1 =	vor.u32 $0x180, v1;
	s0 =	simm.s32 $0x2880;
	v12 =	vld.idx.msk [tilespmem:v4+s20+$0x0], $0xffff  }
0x103: {  	v5 =	vld [tilespmem:s0+$0x40];
	v4 =	vor.u32 $0x100, v3  }
0x104: {  	v13 =	vld.idx.msk [tilespmem:v6+s20+$0x0], $0xffff  }
0x105: {  	v2 =	vld.idx.msk [tilespmem:v2+s20+$0x0], $0xffff;
	v3 =	vor.u32 $0x180, v3  }
0x106: {  	v6 =	vld [tilespmem:s0+$0xFFFFFFC0]  }
0x107: {  	v0 =	vor.u32 $0x180, v0;
	v1 =	vld.idx.msk [tilespmem:v1+s20+$0x0], $0xffff  }
0x108: {  	v11 =	vld.idx.msk [tilespmem:v4+s20+$0x0], $0xffff  }
0x109: {  	v8 =	vmul.f32 v13, v5;
	v4 =	vld [tilespmem:s0+$0x0]  }
0x10a: {  	s11 =	simm.s32 $0x4900;
	v9 =	vld.idx.msk [tilespmem:v3+s20+$0x0], $0xffff;
	v3 =	vmul.f32 v2, v5  }
0x10b: {  	v14 =	vmul.f32 v12, v6;
	v5 =	vld [tilespmem:s0+$0xFFFFFF80];
	[tilespmem:s11+$0x80] =	vst v8  }
0x10c: {  	v10 =	vld.idx.msk [tilespmem:v0+s20+$0x0], $0xffff;
	v0 =	vmul.f32 v1, v6;
	[tilespmem:s11+$0xC0] =	vst v3  }
0x10d: {  	[tilespmem:s11+$0xFFFFFF80] =	vst v14;
	v3 =	vld [tilespmem:s0+$0x50]  }
0x10e: {  	[tilespmem:s11+$0xFFFFFFC0] =	vst v0;
	v6 =	vmul.f32 v11, v4  }
0x10f: {  	v0 =	vmul.f32 v9, v4;
	v4 =	vld [tilespmem:s0+$0xFFFFFFD0]  }
0x110: {  	v8 =	vmul.f32 v7, v5;
	[tilespmem:s11+$0x0] =	vst v6  }
0x111: {  	v5 =	vmul.f32 v10, v5;
	[tilespmem:s11+$0x40] =	vst v0  }
0x112: {  	s29 =	simm.s32 $0x4;
	[tilespmem:s11+$0xFFFFFF00] =	vst v8;
	v0 =	vld [tilespmem:s0+$0x10];
	v6 =	vmul.f32 v13, v3  }
0x113: {  	v8 =	vmov s29;
	[tilespmem:s11+$0xFFFFFF40] =	vst v5;
	v3 =	vmul.f32 v2, v3  }
0x114: {  	s18 =	simm.s32 $0x5;
	v5 =	vand.u32 $0x7C, v8;
	v8 =	vld [tilespmem:s0+$0xFFFFFF90];
	v14 =	vmul.f32 v12, v4;
	[tilespmem:s11+$0x90] =	vst v6  }
0x115: {  	v15 =	vbroadcast v5, $0x0;
	v5 =	vmov s18;
	v4 =	vmul.f32 v1, v4;
	[tilespmem:s11+$0xD0] =	vst v3  }
0x116: {  	v3 =	vand.u32 $0x7D, v5;
	v5 =	vld [tilespmem:s0+$0x60];
	[tilespmem:s11+$0xFFFFFF90] =	vst v14  }
0x117: {  	v6 =	vor.u32 $0x100, v15;
	[tilespmem:s11+$0xFFFFFFD0] =	vst v4;
	v14 =	vmul.f32 v11, v0  }
0x118: {  	v3 =	vbroadcast v3, $0x0;
	v0 =	vmul.f32 v9, v0;
	v16 =	vld [tilespmem:s0+$0xFFFFFFE0]  }
0x119: {  	s29 =	simm.s32 $0x7;
	v17 =	vmul.f32 v7, v8;
	[tilespmem:s11+$0x10] =	vst v14  }
0x11a: {  	v4 =	vor.u32 $0x100, v3;
	v8 =	vmul.f32 v10, v8;
	[tilespmem:s11+$0x50] =	vst v0;
	v0 =	vmov s29  }
0x11b: {  	v3 =	vor.u32 $0x180, v3;
	[tilespmem:s11+$0xFFFFFF10] =	vst v17;
	v14 =	vld [tilespmem:s0+$0x20];
	v17 =	vand.u32 $0x7F, v0;
	v18 =	vmul.f32 v13, v5  }
0x11c: {  	s18 =	simm.s32 $0x6;
	[tilespmem:s11+$0xFFFFFF50] =	vst v8;
	v0 =	vld.idx.msk [tilespmem:v6+s20+$0x0], $0xffff;
	v5 =	vmul.f32 v2, v5;
	v6 =	vbroadcast v17, $0x0  }
0x11d: {  	v8 =	vmov s18;
	s18 =	simm.s32 $0x2980;
	v17 =	vld [tilespmem:s0+$0xFFFFFFA0];
	v19 =	vmul.f32 v12, v16;
	[tilespmem:s11+$0xA0] =	vst v18  }
0x11e: {  	v8 =	vand.u32 $0x7E, v8;
	v22 =	vld [tilespmem:s18+$0x40];
	v16 =	vmul.f32 v1, v16;
	[tilespmem:s11+$0xE0] =	vst v5;
	v18 =	vor.u32 $0x100, v6  }
0x11f: {  	v8 =	vbroadcast v8, $0x0;
	v6 =	vor.u32 $0x180, v6;
	[tilespmem:s11+$0xFFFFFFA0] =	vst v19;
	v19 =	vld [tilespmem:s0+$0x70]  }
0x120: {  	v5 =	vld.idx.msk [tilespmem:v3+s20+$0x0], $0xffff;
	[tilespmem:s11+$0xFFFFFFE0] =	vst v16;
	v3 =	vmul.f32 v11, v14  }
0x121: {  	v16 =	vor.u32 $0x100, v8;
	v14 =	vmul.f32 v9, v14;
	v20 =	vld [tilespmem:s0+$0xFFFFFFF0]  }
0x122: {  	v4 =	vld.idx.msk [tilespmem:v4+s20+$0x0], $0xffff;
	v21 =	vmul.f32 v7, v17;
	[tilespmem:s11+$0x20] =	vst v3  }
0x123: {  	v23 =	vor.u32 $0x180, v8;
	v3 =	vmul.f32 v10, v17;
	[tilespmem:s11+$0x60] =	vst v14;
	v8 =	vld.idx.msk [tilespmem:v18+s20+$0x0], $0xffff  }
0x124: {  	[tilespmem:s11+$0xFFFFFF20] =	vst v21;
	v6 =	vld.idx.msk [tilespmem:v6+s20+$0x0], $0xffff;
	v2 =	vmul.f32 v2, v19  }
0x125: {  	v14 =	vor.u32 $0x180, v15;
	v15 =	vld [tilespmem:s18+$0xFFFFFFC0];
	[tilespmem:s11+$0xFFFFFF60] =	vst v3;
	v13 =	vmul.f32 v13, v19  }
0x126: {  	v3 =	vld.idx.msk [tilespmem:v16+s20+$0x0], $0xffff;
	v12 =	vmul.f32 v12, v20;
	[tilespmem:s11+$0xF0] =	vst v2  }
0x127: {  	v16 =	vld [tilespmem:s18+$0x0];
	v1 =	vmul.f32 v1, v20;
	[tilespmem:s11+$0xB0] =	vst v13  }
0x128: {  	v2 =	vld.idx.msk [tilespmem:v23+s20+$0x0], $0xffff;
	[tilespmem:s11+$0xFFFFFFB0] =	vst v12;
	v12 =	vmul.f32 v8, v22  }
0x129: {  	s31 =	simm.s32 $0x4B00;
	v13 =	vld [tilespmem:s18+$0xFFFFFF80];
	[tilespmem:s11+$0xFFFFFFF0] =	vst v1;
	v17 =	vmul.f32 v6, v22  }
0x12a: {  	v1 =	vld.idx.msk [tilespmem:v14+s20+$0x0], $0xffff;
	v14 =	vmul.f32 v4, v15;
	[tilespmem:s31+$0x80] =	vst v12  }
0x12b: {  	v18 =	vld [tilespmem:s0+$0x30];
	v12 =	vmul.f32 v5, v15;
	[tilespmem:s31+$0xC0] =	vst v17  }
0x12c: {  	s29 =	simm.s32 $0x8;
	[tilespmem:s31+$0xFFFFFF80] =	vst v14;
	v15 =	vmul.f32 v3, v16;
	v14 =	vld [tilespmem:s18+$0x50]  }
0x12d: {  	v17 =	vmov s29;
	v16 =	vmul.f32 v2, v16;
	[tilespmem:s31+$0xFFFFFFC0] =	vst v12  }
0x12e: {  	v17 =	vand.u32 $0x7C, v17;
	v12 =	vmul.f32 v0, v13;
	[tilespmem:s31+$0x0] =	vst v15;
	v19 =	vld [tilespmem:s18+$0xFFFFFFD0]  }
0x12f: {  	s29 =	simm.s32 $0x9;
	v13 =	vmul.f32 v1, v13;
	v15 =	vbroadcast v17, $0x0;
	[tilespmem:s31+$0x40] =	vst v16  }
0x130: {  	v11 =	vmul.f32 v11, v18;
	[tilespmem:s31+$0xFFFFFF00] =	vst v12;
	v16 =	vld [tilespmem:s18+$0x10];
	v12 =	vmov s29  }
0x131: {  	v20 =	vor.u32 $0x100, v15;
	[tilespmem:s31+$0xFFFFFF40] =	vst v13;
	v15 =	vor.u32 $0x180, v15;
	v13 =	vmul.f32 v8, v14  }
0x132: {  	[tilespmem:s11+$0x30] =	vst v11;
	v12 =	vand.u32 $0x7D, v12;
	v21 =	vld [tilespmem:s18+$0xFFFFFF90];
	v14 =	vmul.f32 v6, v14  }
0x133: {  	s12 =	simm.s32 $0xA;
	v17 =	vld [tilespmem:s0+$0xFFFFFFB0];
	v11 =	vbroadcast v12, $0x0;
	v12 =	vmul.f32 v4, v19;
	[tilespmem:s31+$0x90] =	vst v13  }
0x134: {  	v23 =	vmov s12;
	v25 =	vmul.f32 v9, v18;
	v13 =	vmul.f32 v5, v19;
	[tilespmem:s31+$0xD0] =	vst v14  }
0x135: {  	v9 =	vand.u32 $0x7E, v23;
	v19 =	vor.u32 $0x100, v11;
	v14 =	vmul.f32 v3, v16;
	v22 =	vld [tilespmem:s18+$0x60];
	[tilespmem:s31+$0xFFFFFF90] =	vst v12  }
0x136: {  	v18 =	vbroadcast v9, $0x0;
	v24 =	vmul.f32 v2, v16;
	v9 =	vld.idx.msk [tilespmem:v15+s20+$0x0], $0xffff;
	[tilespmem:s31+$0xFFFFFFD0] =	vst v13  }
0x137: {  	v15 =	vor.u32 $0x180, v11;
	v13 =	vmul.f32 v0, v21;
	v16 =	vld [tilespmem:s18+$0xFFFFFFE0];
	[tilespmem:s31+$0x10] =	vst v14  }
0x138: {  	s29 =	simm.s32 $0xB;
	v12 =	vmul.f32 v7, v17;
	v7 =	vld.idx.msk [tilespmem:v20+s20+$0x0], $0xffff;
	v20 =	vmul.f32 v1, v21;
	[tilespmem:s31+$0x50] =	vst v24;
	v14 =	vor.u32 $0x100, v18  }
0x139: {  	v10 =	vmul.f32 v10, v17;
	v21 =	vmov s29;
	[tilespmem:s31+$0xFFFFFF10] =	vst v13;
	v17 =	vld [tilespmem:s18+$0x20]  }
0x13a: {  	[tilespmem:s31+$0xFFFFFF50] =	vst v20;
	v13 =	vor.u32 $0x180, v18;
	v11 =	vld.idx.msk [tilespmem:v19+s20+$0x0], $0xffff;
	v19 =	vand.u32 $0x7F, v21;
	v20 =	vmul.f32 v8, v22  }
0x13b: {  	s12 =	simm.s32 $0xC;
	[tilespmem:s11+$0x70] =	vst v25;
	s0 =	simm.s32 $0x2980;
	v18 =	vld [tilespmem:s18+$0xFFFFFFA0];
	v19 =	vbroadcast v19, $0x0;
	v21 =	vmul.f32 v6, v22  }
.LBB2_5:
0x13c: {  	p2 =	slt.u32 s12, $0x7C;
	v15 =	vld.idx.msk [tilespmem:v15+s20+$0x0], $0xffff;
	v22 =	vmul.f32 v4, v16;
	v16 =	vmul.f32 v5, v16;
	[tilespmem:s31+$0xA0] =	vst v20  }
0x13d: {  	v14 =	vld.idx.msk [tilespmem:v14+s20+$0x0], $0xffff;
	v20 =	vor.u32 $0x100, v19;
	[tilespmem:s31+$0xE0] =	vst v21  }
0x13e: {  	v19 =	vor.u32 $0x180, v19;
	[tilespmem:s31+$0xFFFFFFA0] =	vst v22;
	v21 =	vmul.f32 v3, v17;
	v17 =	vmul.f32 v2, v17;
	v22 =	vld [tilespmem:s18+$0x70]  }
0x13f: {  	v13 =	vld.idx.msk [tilespmem:v13+s20+$0x0], $0xffff;
	[tilespmem:s31+$0xFFFFFFE0] =	vst v16  }
0x140: {  	s18 =	sadd.s32 $0x100, s18;
	v16 =	vmul.f32 v0, v18;
	v18 =	vmul.f32 v1, v18;
	v23 =	vld [tilespmem:s0+$0xFFFFFFF0];
	[tilespmem:s31+$0x20] =	vst v21  }
0x141: {  	v21 =	vld [tilespmem:s18+$0x40];
	[tilespmem:s31+$0x60] =	vst v17  }
0x142: {  	v17 =	vld.idx.msk [tilespmem:v20+s20+$0x0], $0xffff;
	[tilespmem:s31+$0xFFFFFF20] =	vst v16  }
0x143: {  	[tilespmem:s31+$0xFFFFFF60] =	vst v18;
	v8 =	vmul.f32 v8, v22;
	v16 =	vmul.f32 v6, v22;
	v6 =	vld.idx.msk [tilespmem:v19+s20+$0x0], $0xffff  }
0x144: {  	v18 =	vld [tilespmem:s18+$0xFFFFFF80];
	[tilespmem:s11+$0xFFFFFF30] =	vst v12  }
0x145: {  	v12 =	vld [tilespmem:s18+$0xFFFFFFC0];
	v19 =	vmul.f32 v4, v23;
	v20 =	vmul.f32 v5, v23;
	[tilespmem:s31+$0xF0] =	vst v16;
	v5 =	vmovc v15;
	v4 =	vmov v11  }
0x146: {  	v11 =	vld [tilespmem:s18+$0x0];
	[tilespmem:s31+$0xB0] =	vst v8  }
0x147: {  	[tilespmem:s31+$0xFFFFFFB0] =	vst v19;
	v15 =	vld [tilespmem:s0+$0x30]  }
0x148: {  	v16 =	vmul.f32 v17, v21;
	v8 =	vmov v17;
	v19 =	vld [tilespmem:s0+$0xFFFFFFB0];
	[tilespmem:s31+$0xFFFFFFF0] =	vst v20;
	s0 =	smov.u32 s18  }
0x149: {  	v20 =	vmul.f32 v6, v21;
	v17 =	vmul.f32 v7, v18;
	[tilespmem:s11+$0xFFFFFF70] =	vst v10;
	s11 =	smov.u32 s31;
	s31 =	sadd.s32 $0x200, s31  }
0x14a: {  	v10 =	vmul.f32 v4, v12;
	v12 =	vmul.f32 v5, v12;
	[tilespmem:s31+$0x80] =	vst v16  }
0x14b: {  	v16 =	vmul.f32 v14, v11;
	v11 =	vmul.f32 v13, v11;
	[tilespmem:s31+$0xC0] =	vst v20  }
0x14c: {  	v18 =	vmul.f32 v9, v18;
	[tilespmem:s31+$0xFFFFFF80] =	vst v10;
	v20 =	vld [tilespmem:s18+$0x50];
	v21 =	vmul.f32 v3, v15;
	v3 =	vmov v14  }
0x14d: {  	v10 =	vmov s12;
	v22 =	vmul.f32 v2, v15;
	v2 =	vmovc v13;
	[tilespmem:s31+$0xFFFFFFC0] =	vst v12;
	v12 =	vmul.f32 v0, v19;
	v0 =	vmovc v7  }
0x14e: {  	v7 =	vand.u32 $0x7C, v10;
	v10 =	vmul.f32 v1, v19;
	v1 =	vmov v9;
	v13 =	vld [tilespmem:s18+$0xFFFFFFD0];
	[tilespmem:s31+$0x0] =	vst v16  }
0x14f: {  	s29 =	sadd.s32 $0x1, s12;
	v7 =	vbroadcast v7, $0x0;
	[tilespmem:s31+$0x40] =	vst v11  }
0x150: {  	v9 =	vmov s29;
	[tilespmem:s31+$0xFFFFFF00] =	vst v17;
	v11 =	vld [tilespmem:s18+$0x10]  }
0x151: {  	s29 =	sadd.s32 $0x2, s12;
	v9 =	vand.u32 $0x7D, v9;
	v14 =	vor.u32 $0x100, v7;
	[tilespmem:s31+$0xFFFFFF40] =	vst v18;
	v15 =	vmul.f32 v8, v20  }
0x152: {  	v16 =	vmov s29;
	v9 =	vbroadcast v9, $0x0;
	v18 =	vmul.f32 v6, v20;
	v17 =	vld [tilespmem:s18+$0xFFFFFF90];
	[tilespmem:s11+$0x30] =	vst v21  }
0x153: {  	v19 =	vor.u32 $0x180, v7;
	v7 =	vmul.f32 v4, v13;
	v13 =	vmul.f32 v5, v13;
	[tilespmem:s31+$0x90] =	vst v15  }
0x154: {  	v15 =	vand.u32 $0x7E, v16;
	[tilespmem:s31+$0xD0] =	vst v18  }
0x155: {  	v18 =	vor.u32 $0x100, v9;
	[tilespmem:s31+$0xFFFFFF90] =	vst v7;
	v20 =	vmul.f32 v3, v11;
	v11 =	vmul.f32 v2, v11;
	v21 =	vld [tilespmem:s18+$0x60]  }
0x156: {  	v23 =	vbroadcast v15, $0x0;
	v7 =	vld.idx.msk [tilespmem:v14+s20+$0x0], $0xffff;
	[tilespmem:s31+$0xFFFFFFD0] =	vst v13  }
.Ltmp3:
0x157: {  	v15 =	vor.u32 $0x180, v9;
	v13 =	vmul.f32 v0, v17;
	v24 =	vmul.f32 v1, v17;
	v16 =	vld [tilespmem:s18+$0xFFFFFFE0];
	[tilespmem:s31+$0x10] =	vst v20;
	(pc) =	sbr.rel @p2 .LBB2_5-.Ltmp3, $4  }
0x158: {  	s29 =	sadd.s32 $0x3, s12;
	v14 =	vor.u32 $0x100, v23;
	v9 =	vld.idx.msk [tilespmem:v19+s20+$0x0], $0xffff;
	[tilespmem:s31+$0x50] =	vst v11  }
0x159: {  	v19 =	vmov s29;
	[tilespmem:s31+$0xFFFFFF10] =	vst v13;
	v17 =	vld [tilespmem:s18+$0x20]  }
0x15a: {  	v13 =	vor.u32 $0x180, v23;
	v11 =	vld.idx.msk [tilespmem:v18+s20+$0x0], $0xffff;
	v18 =	vand.u32 $0x7F, v19;
	[tilespmem:s31+$0xFFFFFF50] =	vst v24;
	v20 =	vmul.f32 v8, v21  }
0x15b: {  	s12 =	sadd.s32 $0x4, s12;
	v21 =	vmul.f32 v6, v21;
	v19 =	vbroadcast v18, $0x0;
	v18 =	vld [tilespmem:s18+$0xFFFFFFA0];
	[tilespmem:s11+$0x70] =	vst v22  }
0x15c: {  	[tilespmem:s31+$0xA0] =	vst v20  }
0x15d: {  	[tilespmem:s11+$0xFFFFFF30] =	vst v12  }
0x15e: {  	v22 =	vmul.f32 v4, v16;
	s12 =	sadd.s32 $0x100, s18;
	[tilespmem:s11+$0xFFFFFF70] =	vst v10  }
0x15f: {  	v53 =	vmul.f32 v5, v16;
	[tilespmem:s31+$0xE0] =	vst v21;
	v54 =	vor.u32 $0x100, v19;
	v57 =	vor.u32 $0x180, v19;
	v19 =	vld [tilespmem:s12+$0xFFFFFFC0]  }
0x160: {  	v15 =	vld.idx.msk [tilespmem:v15+s20+$0x0], $0xffff;
	[tilespmem:s31+$0xFFFFFFA0] =	vst v22;
	v55 =	vmul.f32 v3, v17  }
0x161: {  	v26 =	vld [tilespmem:s12+$0xFFFFFF80];
	v58 =	vmul.f32 v2, v17;
	[tilespmem:s31+$0xFFFFFFE0] =	vst v53  }
0x162: {  	v56 =	vld [tilespmem:s18+$0x70];
	v59 =	vmul.f32 v0, v18;
	[tilespmem:s31+$0x20] =	vst v55  }
0x163: {  	v60 =	vmul.f32 v1, v18;
	[tilespmem:s31+$0x60] =	vst v58  }
0x164: {  	v23 =	vld [tilespmem:s0+$0xFFFFFFF0];
	[tilespmem:s31+$0xFFFFFF20] =	vst v59;
	v28 =	vmul.f32 v11, v19  }
0x165: {  	s29 =	sadd.s32 $0x200, s31;
	v61 =	vld [tilespmem:s12+$0x40];
	[tilespmem:s31+$0xFFFFFF60] =	vst v60;
	v12 =	vmul.f32 v15, v19  }
0x166: {  	v62 =	vld.idx.msk [tilespmem:v54+s20+$0x0], $0xffff;
	v32 =	vmul.f32 v7, v26;
	[tilespmem:s29+$0xFFFFFF80] =	vst v28  }
0x167: {  	v63 =	vld.idx.msk [tilespmem:v57+s20+$0x0], $0xffff;
	v6 =	vmul.f32 v6, v56;
	[tilespmem:s29+$0xFFFFFFC0] =	vst v12  }
0x168: {  	v21 =	vld.idx.msk [tilespmem:v14+s20+$0x0], $0xffff;
	v8 =	vmul.f32 v8, v56;
	[tilespmem:s29+$0xFFFFFF00] =	vst v32  }
0x169: {  	v29 =	vld [tilespmem:s0+$0x30];
	v20 =	vmul.f32 v4, v23;
	[tilespmem:s31+$0xF0] =	vst v6  }
0x16a: {  	v22 =	vmul.f32 v5, v23;
	v23 =	vld [tilespmem:s12+$0x0];
	[tilespmem:s31+$0xB0] =	vst v8  }
0x16b: {  	v24 =	vld.idx.msk [tilespmem:v13+s20+$0x0], $0xffff;
	[tilespmem:s31+$0xFFFFFFB0] =	vst v20;
	v25 =	vmul.f32 v62, v61  }
0x16c: {  	[tilespmem:s31+$0xFFFFFFF0] =	vst v22;
	v27 =	vmul.f32 v63, v61  }
0x16d: {  	v5 =	vmul.f32 v9, v26;
	v33 =	vld [tilespmem:s12+$0xFFFFFFD0];
	[tilespmem:s29+$0x80] =	vst v25  }
0x16e: {  	v34 =	vmul.f32 v3, v29;
	[tilespmem:s29+$0xC0] =	vst v27  }
0x16f: {  	[tilespmem:s29+$0xFFFFFF40] =	vst v5;
	v30 =	vmul.f32 v21, v23;
	v31 =	vld [tilespmem:s12+$0x50]  }
0x170: {  	[tilespmem:s31+$0x30] =	vst v34;
	v8 =	vmul.f32 v24, v23  }
0x171: {  	v42 =	vmul.f32 v2, v29;
	v12 =	vld [tilespmem:s12+$0xFFFFFF90];
	[tilespmem:s29+$0x0] =	vst v30  }
0x172: {  	v36 =	vmul.f32 v11, v33;
	[tilespmem:s29+$0x40] =	vst v8  }
0x173: {  	[tilespmem:s31+$0x70] =	vst v42;
	v37 =	vmul.f32 v15, v33;
	v8 =	vld [tilespmem:s12+$0x10]  }
0x174: {  	[tilespmem:s29+$0xFFFFFF90] =	vst v36;
	v35 =	vmul.f32 v62, v31  }
0x175: {  	v47 =	vld [tilespmem:s0+$0xFFFFFFB0];
	[tilespmem:s29+$0xFFFFFFD0] =	vst v37;
	v10 =	vmul.f32 v63, v31  }
0x176: {  	v39 =	vmul.f32 v7, v12;
	v40 =	vld [tilespmem:s12+$0xFFFFFFE0];
	[tilespmem:s29+$0x90] =	vst v35  }
0x177: {  	v41 =	vmul.f32 v9, v12;
	[tilespmem:s29+$0xD0] =	vst v10  }
0x178: {  	[tilespmem:s29+$0xFFFFFF10] =	vst v39;
	v38 =	vmul.f32 v21, v8;
	v10 =	vld [tilespmem:s12+$0x60]  }
0x179: {  	[tilespmem:s29+$0xFFFFFF50] =	vst v41;
	v8 =	vmul.f32 v24, v8  }
0x17a: {  	v53 =	vmul.f32 v0, v47;
	v45 =	vld [tilespmem:s12+$0xFFFFFFA0];
	[tilespmem:s29+$0x10] =	vst v38  }
0x17b: {  	v46 =	vmul.f32 v11, v40;
	[tilespmem:s29+$0x50] =	vst v8  }
0x17c: {  	[tilespmem:s31+$0xFFFFFF30] =	vst v53;
	v48 =	vmul.f32 v15, v40;
	v43 =	vld [tilespmem:s12+$0x20]  }
0x17d: {  	[tilespmem:s29+$0xFFFFFFA0] =	vst v46;
	v44 =	vmul.f32 v62, v10  }
0x17e: {  	[tilespmem:s29+$0xFFFFFFE0] =	vst v48;
	v10 =	vmul.f32 v63, v10  }
0x17f: {  	v50 =	vmul.f32 v7, v45;
	v51 =	vld [tilespmem:s12+$0xFFFFFFF0];
	[tilespmem:s29+$0xA0] =	vst v44  }
0x180: {  	v52 =	vmul.f32 v9, v45;
	[tilespmem:s29+$0xE0] =	vst v10  }
0x181: {  	[tilespmem:s29+$0xFFFFFF20] =	vst v50;
	v49 =	vmul.f32 v21, v43;
	v10 =	vld [tilespmem:s12+$0x70]  }
0x182: {  	[tilespmem:s29+$0xFFFFFF60] =	vst v52;
	v5 =	vmul.f32 v24, v43  }
0x183: {  	v59 =	vmul.f32 v1, v47;
	v57 =	vld [tilespmem:s12+$0xFFFFFFB0];
	[tilespmem:s29+$0x20] =	vst v49  }
0x184: {  	v56 =	vmul.f32 v11, v51;
	[tilespmem:s29+$0x60] =	vst v5  }
0x185: {  	[tilespmem:s31+$0xFFFFFF70] =	vst v59;
	v58 =	vmul.f32 v15, v51;
	v5 =	vld [tilespmem:s12+$0x30]  }
0x186: {  	[tilespmem:s29+$0xFFFFFFB0] =	vst v56;
	v54 =	vmul.f32 v63, v10  }
0x187: {  	[tilespmem:s29+$0xFFFFFFF0] =	vst v58;
	v55 =	vmul.f32 v62, v10  }
0x188: {  	v62 =	vmul.f32 v7, v57;
	[tilespmem:s29+$0xF0] =	vst v54  }
0x189: {  	v63 =	vmul.f32 v9, v57;
	[tilespmem:s29+$0xB0] =	vst v55  }
0x18a: {  	v60 =	vmul.f32 v21, v5;
	[tilespmem:s29+$0xFFFFFF30] =	vst v62  }
0x18b: {  	v61 =	vmul.f32 v24, v5;
	[tilespmem:s29+$0xFFFFFF70] =	vst v63  }
0x18c: {  	[tilespmem:s29+$0x30] =	vst v60  }
0x18d: {  	[tilespmem:s29+$0x70] =	vst v61  }
0x18e: {  	_ =	swait.ge [sflag:s24], $0x80  }
0x18f: {  	[sflag:s24] =	ssyncset.done $0x0  }
.Ltmp4:
0x190: {  	[sflag:s24] =	ssyncadd.s32 $0xFFFFFF80;
	(pc) =	sbr.rel @p1 .LBB2_8-.Ltmp4, $4  }
0x191: {  	[spmem:s2] =	stream.indirect.scatter.add.f32 [tilespmem:s25], [sflag:$0x6], $0x80, s28, s14, $0xb8;
	[tilespmem:$0x1C2F8] =	vst v63  }
0x192: {  	_ =	swait.ge [sflag:s10], $0x4000  }
0x193: {  	[sflag:s10] =	ssyncset.done $0x0  }
0x194: {  	[sflag:s10] =	ssyncadd.s32 $0xFFFFC000  }
0x195: {  	_ =	swait.ge [sflag:s13], $0x200  }
.Ltmp5:
0x196: {  	s0 =	sadd.s32 s30, s17;
	[sflag:s13] =	ssyncset.done $0x0;
	(pc) =	sbr.rel .LBB2_2-.Ltmp5, $4  }
0x197: {  	s0 =	sshrl.u32 s0, $0x3;
	[sflag:s13] =	ssyncadd.s32 $0xFFFFFE00  }
0x198: {  	[tilespmem:s19], [sflag:$0x3] =	stream.indirect.gather [hbm4b:s1+s14], $0x40, s4, s14, $0xb8;
	[tilespmem:$0x1C2F8] =	vst v63  }
0x199: {  	s15 =	sadd.s32 $0x1, s15;
	s0 =	sadd.s32 s9, s0  }
0x19a: {  	[tilespmem:s20], [sflag:$0x2] =	stream.linear.gather [hbm4b:s0+s4], $0x200, $0x38;
	[tilespmem:$0x1C2F8] =	vst v63  }
.LBB2_8:
0x19b: {  	[bflag:$0x0] =	sbarrier.arrive $0xFFFF  }
0x19c: {  	s1 =	rddreg [dreg:$0xd]  }
0x19d: {  	s0 =	simm.s32 @p0 $0x1FC6;
	s11 =	simm.s32 @p0 $0x6;
	s12 =	rddreg [dreg:$0x1a]  }
0x19e: {  	[hbm:s1], [sflag:s0] =	dma.local @p0 [spmem:s12], $0x1900  }
0x19f: {  	_ =	swait.ge @p0 [sflag:s11], $0x1900  }
0x1a0: {  	[sflag:s11] =	ssyncset.done @p0 $0x0;
	s1 =	rddreg [dreg:$0xe]  }
0x1a1: {  	s15 =	rddreg [dreg:$0x1e];
	[sflag:s11] =	ssyncadd.s32 @p0 $0xFFFFE700  }
0x1a2: {  	[hbm:s1], [sflag:s0] =	dma.local @p0 [spmem:s15], $0x190  }
0x1a3: {  	_ =	swait.ge @p0 [sflag:s11], $0x190  }
0x1a4: {  	[sflag:s11] =	ssyncset.done @p0 $0x0  }
0x1a5: {  	[sflag:s11] =	ssyncadd.s32 @p0 $0xFFFFFE70  }
0x1a6: {  	[bflag:$0x0] =	sbarrier.arrive @p0 $0xFFFF  }
0x1a7: {  	s1 =	rddreg [dreg:$0x6]  }
0x1a8: {  	[spmem:s12], [sflag:s0] =	dma.local @p0 [hbm:s1], $0x1900  }
0x1a9: {  	_ =	swait.ge @p0 [sflag:s11], $0x1900  }
0x1aa: {  	s0 =	rddreg [dreg:$0xb]  }
0x1ab: {  	[sflag:s11] =	ssyncset.done @p0 $0x0;
	s12 =	rddreg [dreg:$0x1b]  }
0x1ac: {  	s15 =	rddreg [dreg:$0x1c];
	[sflag:s11] =	ssyncadd.s32 @p0 $0xFFFFE700  }
0x1ad: {  	[hbm:s0], [sflag:s12] =	dma.local @!p0 [spmem:s15], $0x2800  }
0x1ae: {  	s0 =	simm.s32 @!p0 $0x6  }
0x1af: {  	_ =	swait.ge @!p0 [sflag:s0], $0x2800  }
0x1b0: {  	[sflag:s0] =	ssyncset.done @!p0 $0x0;
	s11 =	rddreg [dreg:$0xc]  }
0x1b1: {  	s18 =	rddreg [dreg:$0x1d];
	[sflag:s0] =	ssyncadd.s32 @!p0 $0xFFFFD800  }
0x1b2: {  	[hbm:s11], [sflag:s12] =	dma.local @!p0 [spmem:s18], $0x280  }
0x1b3: {  	_ =	swait.ge @!p0 [sflag:s0], $0x280  }
0x1b4: {  	[sflag:s0] =	ssyncset.done @!p0 $0x0  }
0x1b5: {  	[sflag:s0] =	ssyncadd.s32 @!p0 $0xFFFFFD80  }
0x1b6: {  	[bflag:$0x0] =	sbarrier.arrive @!p0 $0xFFFF  }
0x1b7: {  	[spmem:s15], [sflag:s12] =	dma.local @!p0 [hbm:s1], $0x2800  }
0x1b8: {  	_ =	swait.ge @!p0 [sflag:s0], $0x2800  }
0x1b9: {  	[sflag:s0] =	ssyncset.done @!p0 $0x0  }
0x1ba: {  	[sflag:s0] =	ssyncadd.s32 @!p0 $0xFFFFD800  }
0x1bb: {  	[bflag:$0x0] =	sbarrier.arrive $0xFFFF  }
0x1bc: {  	s12 =	simm.s32 $0x0;
	s30 =	rddreg [dreg:$0xa]  }
0x1bd: {  	[tilespmem:s12], [sflag:$0x1] =	stream.linear.gather [hbm4b:s30+s12], $0x200, $0x38;
	[tilespmem:$0x1C2F8] =	vst v63  }
0x1be: {  	_ =	swait.ge [sflag:s13], $0x200  }
0x1bf: {  	[sflag:s13] =	ssyncset.done $0x0  }
0x1c0: {  	[sflag:s13] =	ssyncadd.s32 $0xFFFFFE00  }
0x1c1: {  	[tilespmem:s19], [sflag:$0x3] =	stream.indirect.gather [hbm4b:s5+s14], $0x40, s12, s14, $0xb8;
	[tilespmem:$0x1C2F8] =	vst v63  }
0x1c2: {  	s15 =	simm.s32 $0x0;
	s31 =	rddreg [dreg:$0x15]  }
0x1c3: {  	[tilespmem:s20], [sflag:$0x2] =	stream.linear.gather [hbm4b:s31+s12], $0x200, $0x38;
	[tilespmem:$0x1C2F8] =	vst v63  }
.LBB2_9:
0x1c4: {  	v0 =	vmov s12  }
0x1c5: {  	s0 =	simm.s32 $0x1;
	v0 =	vand.u32 $0x7C, v0  }
0x1c6: {  	_ =	swait.ge [sflag:s21], $0x200;
	s18 =	simm.s32 $0x3;
	v1 =	vmov s0;
	v0 =	vbroadcast v0, $0x0  }
0x1c7: {  	[sflag:s21] =	ssyncset.done $0x0;
	v2 =	vmov s18;
	v1 =	vand.u32 $0x7D, v1  }
0x1c8: {  	[sflag:s21] =	ssyncadd.s32 $0xFFFFFE00;
	v2 =	vand.u32 $0x7F, v2;
	v1 =	vbroadcast v1, $0x0;
	v3 =	vor.u32 $0x100, v0  }
0x1c9: {  	[tilespmem:s22], [sflag:$0x4] =	stream.indirect.gather [hbm4b:s5+s14], $0x40, s20, s14, $0xb8;
	v2 =	vbroadcast v2, $0x0;
	[tilespmem:$0x1C2F8] =	vst v63  }
0x1ca: {  	s31 =	simm.s32 $0x2;
	_ =	swait.ge [sflag:s23], $0x2000;
	v4 =	vor.u32 $0x100, v1  }
0x1cb: {  	v5 =	vmov s31;
	[sflag:s23] =	ssyncset.done $0x0;
	v6 =	vor.u32 $0x100, v2  }
0x1cc: {  	v5 =	vand.u32 $0x7E, v5;
	v2 =	vor.u32 $0x180, v2;
	[sflag:s23] =	ssyncadd.s32 $0xFFFFE000  }
0x1cd: {  	s0 =	simm.s32 $0x880;
	v7 =	vld.idx.msk [tilespmem:v3+s4+$0x0], $0xffff;
	v3 =	vbroadcast v5, $0x0  }
0x1ce: {  	v1 =	vor.u32 $0x180, v1;
	v5 =	vld [tilespmem:s0+$0x40]  }
0x1cf: {  	v12 =	vld.idx.msk [tilespmem:v4+s4+$0x0], $0xffff;
	v4 =	vor.u32 $0x100, v3  }
0x1d0: {  	v13 =	vld.idx.msk [tilespmem:v6+s4+$0x0], $0xffff  }
0x1d1: {  	v2 =	vld.idx.msk [tilespmem:v2+s4+$0x0], $0xffff;
	v3 =	vor.u32 $0x180, v3  }
0x1d2: {  	v6 =	vld [tilespmem:s0+$0xFFFFFFC0]  }
0x1d3: {  	v0 =	vor.u32 $0x180, v0;
	v1 =	vld.idx.msk [tilespmem:v1+s4+$0x0], $0xffff  }
0x1d4: {  	v11 =	vld.idx.msk [tilespmem:v4+s4+$0x0], $0xffff  }
0x1d5: {  	v8 =	vmul.f32 v13, v5;
	v4 =	vld [tilespmem:s0+$0x0]  }
0x1d6: {  	s29 =	simm.s32 $0x4900;
	v9 =	vld.idx.msk [tilespmem:v3+s4+$0x0], $0xffff;
	v3 =	vmul.f32 v2, v5  }
0x1d7: {  	v14 =	vmul.f32 v12, v6;
	v5 =	vld [tilespmem:s0+$0xFFFFFF80];
	[tilespmem:s29+$0x80] =	vst v8  }
0x1d8: {  	v10 =	vld.idx.msk [tilespmem:v0+s4+$0x0], $0xffff;
	v0 =	vmul.f32 v1, v6;
	[tilespmem:s29+$0xC0] =	vst v3  }
0x1d9: {  	[tilespmem:s29+$0xFFFFFF80] =	vst v14;
	v3 =	vld [tilespmem:s0+$0x50]  }
0x1da: {  	[tilespmem:s29+$0xFFFFFFC0] =	vst v0;
	v6 =	vmul.f32 v11, v4  }
0x1db: {  	v0 =	vmul.f32 v9, v4;
	v4 =	vld [tilespmem:s0+$0xFFFFFFD0]  }
0x1dc: {  	v8 =	vmul.f32 v7, v5;
	[tilespmem:s29+$0x0] =	vst v6  }
0x1dd: {  	v5 =	vmul.f32 v10, v5;
	[tilespmem:s29+$0x40] =	vst v0  }
0x1de: {  	s11 =	simm.s32 $0x4;
	[tilespmem:s29+$0xFFFFFF00] =	vst v8;
	v0 =	vld [tilespmem:s0+$0x10];
	v6 =	vmul.f32 v13, v3  }
0x1df: {  	v8 =	vmov s11;
	[tilespmem:s29+$0xFFFFFF40] =	vst v5;
	v3 =	vmul.f32 v2, v3  }
0x1e0: {  	s1 =	simm.s32 $0x5;
	v5 =	vand.u32 $0x7C, v8;
	v8 =	vld [tilespmem:s0+$0xFFFFFF90];
	v14 =	vmul.f32 v12, v4;
	[tilespmem:s29+$0x90] =	vst v6  }
0x1e1: {  	v15 =	vbroadcast v5, $0x0;
	v5 =	vmov s1;
	v4 =	vmul.f32 v1, v4;
	[tilespmem:s29+$0xD0] =	vst v3  }
0x1e2: {  	v3 =	vand.u32 $0x7D, v5;
	v5 =	vld [tilespmem:s0+$0x60];
	[tilespmem:s29+$0xFFFFFF90] =	vst v14  }
0x1e3: {  	v6 =	vor.u32 $0x100, v15;
	[tilespmem:s29+$0xFFFFFFD0] =	vst v4;
	v14 =	vmul.f32 v11, v0  }
0x1e4: {  	v3 =	vbroadcast v3, $0x0;
	v0 =	vmul.f32 v9, v0;
	v16 =	vld [tilespmem:s0+$0xFFFFFFE0]  }
0x1e5: {  	s18 =	simm.s32 $0x7;
	v17 =	vmul.f32 v7, v8;
	[tilespmem:s29+$0x10] =	vst v14  }
0x1e6: {  	v4 =	vor.u32 $0x100, v3;
	v8 =	vmul.f32 v10, v8;
	[tilespmem:s29+$0x50] =	vst v0;
	v0 =	vmov s18  }
0x1e7: {  	v3 =	vor.u32 $0x180, v3;
	[tilespmem:s29+$0xFFFFFF10] =	vst v17;
	v14 =	vld [tilespmem:s0+$0x20];
	v17 =	vand.u32 $0x7F, v0;
	v18 =	vmul.f32 v13, v5  }
0x1e8: {  	s31 =	simm.s32 $0x6;
	[tilespmem:s29+$0xFFFFFF50] =	vst v8;
	v0 =	vld.idx.msk [tilespmem:v6+s4+$0x0], $0xffff;
	v5 =	vmul.f32 v2, v5;
	v6 =	vbroadcast v17, $0x0  }
0x1e9: {  	v8 =	vmov s31;
	s18 =	simm.s32 $0x980;
	v17 =	vld [tilespmem:s0+$0xFFFFFFA0];
	v19 =	vmul.f32 v12, v16;
	[tilespmem:s29+$0xA0] =	vst v18  }
0x1ea: {  	v8 =	vand.u32 $0x7E, v8;
	v22 =	vld [tilespmem:s18+$0x40];
	v16 =	vmul.f32 v1, v16;
	[tilespmem:s29+$0xE0] =	vst v5;
	v18 =	vor.u32 $0x100, v6  }
0x1eb: {  	v8 =	vbroadcast v8, $0x0;
	v6 =	vor.u32 $0x180, v6;
	[tilespmem:s29+$0xFFFFFFA0] =	vst v19;
	v19 =	vld [tilespmem:s0+$0x70]  }
0x1ec: {  	v5 =	vld.idx.msk [tilespmem:v3+s4+$0x0], $0xffff;
	[tilespmem:s29+$0xFFFFFFE0] =	vst v16;
	v3 =	vmul.f32 v11, v14  }
0x1ed: {  	v16 =	vor.u32 $0x100, v8;
	v14 =	vmul.f32 v9, v14;
	v20 =	vld [tilespmem:s0+$0xFFFFFFF0]  }
0x1ee: {  	v4 =	vld.idx.msk [tilespmem:v4+s4+$0x0], $0xffff;
	v21 =	vmul.f32 v7, v17;
	[tilespmem:s29+$0x20] =	vst v3  }
0x1ef: {  	v23 =	vor.u32 $0x180, v8;
	v3 =	vmul.f32 v10, v17;
	[tilespmem:s29+$0x60] =	vst v14;
	v8 =	vld.idx.msk [tilespmem:v18+s4+$0x0], $0xffff  }
0x1f0: {  	[tilespmem:s29+$0xFFFFFF20] =	vst v21;
	v6 =	vld.idx.msk [tilespmem:v6+s4+$0x0], $0xffff;
	v2 =	vmul.f32 v2, v19  }
0x1f1: {  	v14 =	vor.u32 $0x180, v15;
	v15 =	vld [tilespmem:s18+$0xFFFFFFC0];
	[tilespmem:s29+$0xFFFFFF60] =	vst v3;
	v13 =	vmul.f32 v13, v19  }
0x1f2: {  	v3 =	vld.idx.msk [tilespmem:v16+s4+$0x0], $0xffff;
	v12 =	vmul.f32 v12, v20;
	[tilespmem:s29+$0xF0] =	vst v2  }
0x1f3: {  	v16 =	vld [tilespmem:s18+$0x0];
	v1 =	vmul.f32 v1, v20;
	[tilespmem:s29+$0xB0] =	vst v13  }
0x1f4: {  	v2 =	vld.idx.msk [tilespmem:v23+s4+$0x0], $0xffff;
	[tilespmem:s29+$0xFFFFFFB0] =	vst v12;
	v12 =	vmul.f32 v8, v22  }
0x1f5: {  	s11 =	simm.s32 $0x4B00;
	v13 =	vld [tilespmem:s18+$0xFFFFFF80];
	[tilespmem:s29+$0xFFFFFFF0] =	vst v1;
	v17 =	vmul.f32 v6, v22  }
0x1f6: {  	v1 =	vld.idx.msk [tilespmem:v14+s4+$0x0], $0xffff;
	v14 =	vmul.f32 v4, v15;
	[tilespmem:s11+$0x80] =	vst v12  }
0x1f7: {  	v18 =	vld [tilespmem:s0+$0x30];
	v12 =	vmul.f32 v5, v15;
	[tilespmem:s11+$0xC0] =	vst v17  }
0x1f8: {  	s30 =	simm.s32 $0x8;
	[tilespmem:s11+$0xFFFFFF80] =	vst v14;
	v15 =	vmul.f32 v3, v16;
	v14 =	vld [tilespmem:s18+$0x50]  }
0x1f9: {  	v17 =	vmov s30;
	v16 =	vmul.f32 v2, v16;
	[tilespmem:s11+$0xFFFFFFC0] =	vst v12  }
0x1fa: {  	v17 =	vand.u32 $0x7C, v17;
	v12 =	vmul.f32 v0, v13;
	[tilespmem:s11+$0x0] =	vst v15;
	v19 =	vld [tilespmem:s18+$0xFFFFFFD0]  }
0x1fb: {  	s30 =	simm.s32 $0x9;
	v13 =	vmul.f32 v1, v13;
	v15 =	vbroadcast v17, $0x0;
	[tilespmem:s11+$0x40] =	vst v16  }
0x1fc: {  	v11 =	vmul.f32 v11, v18;
	[tilespmem:s11+$0xFFFFFF00] =	vst v12;
	v16 =	vld [tilespmem:s18+$0x10];
	v12 =	vmov s30  }
0x1fd: {  	v20 =	vor.u32 $0x100, v15;
	[tilespmem:s11+$0xFFFFFF40] =	vst v13;
	v15 =	vor.u32 $0x180, v15;
	v13 =	vmul.f32 v8, v14  }
0x1fe: {  	[tilespmem:s29+$0x30] =	vst v11;
	v12 =	vand.u32 $0x7D, v12;
	v21 =	vld [tilespmem:s18+$0xFFFFFF90];
	v14 =	vmul.f32 v6, v14  }
0x1ff: {  	s1 =	simm.s32 $0xA;
	v17 =	vld [tilespmem:s0+$0xFFFFFFB0];
	v11 =	vbroadcast v12, $0x0;
	v12 =	vmul.f32 v4, v19;
	[tilespmem:s11+$0x90] =	vst v13  }
0x200: {  	v23 =	vmov s1;
	v25 =	vmul.f32 v9, v18;
	v13 =	vmul.f32 v5, v19;
	[tilespmem:s11+$0xD0] =	vst v14  }
0x201: {  	v9 =	vand.u32 $0x7E, v23;
	v19 =	vor.u32 $0x100, v11;
	v14 =	vmul.f32 v3, v16;
	v22 =	vld [tilespmem:s18+$0x60];
	[tilespmem:s11+$0xFFFFFF90] =	vst v12  }
0x202: {  	v18 =	vbroadcast v9, $0x0;
	v24 =	vmul.f32 v2, v16;
	v9 =	vld.idx.msk [tilespmem:v15+s4+$0x0], $0xffff;
	[tilespmem:s11+$0xFFFFFFD0] =	vst v13  }
0x203: {  	v15 =	vor.u32 $0x180, v11;
	v13 =	vmul.f32 v0, v21;
	v16 =	vld [tilespmem:s18+$0xFFFFFFE0];
	[tilespmem:s11+$0x10] =	vst v14  }
0x204: {  	s31 =	simm.s32 $0xB;
	v12 =	vmul.f32 v7, v17;
	v7 =	vld.idx.msk [tilespmem:v20+s4+$0x0], $0xffff;
	v20 =	vmul.f32 v1, v21;
	[tilespmem:s11+$0x50] =	vst v24;
	v14 =	vor.u32 $0x100, v18  }
0x205: {  	v10 =	vmul.f32 v10, v17;
	v21 =	vmov s31;
	[tilespmem:s11+$0xFFFFFF10] =	vst v13;
	v17 =	vld [tilespmem:s18+$0x20]  }
0x206: {  	[tilespmem:s11+$0xFFFFFF50] =	vst v20;
	v13 =	vor.u32 $0x180, v18;
	v11 =	vld.idx.msk [tilespmem:v19+s4+$0x0], $0xffff;
	v19 =	vand.u32 $0x7F, v21;
	v20 =	vmul.f32 v8, v22  }
0x207: {  	[tilespmem:s29+$0x70] =	vst v25;
	s0 =	simm.s32 $0x980;
	s30 =	simm.s32 $0xC;
	v18 =	vld [tilespmem:s18+$0xFFFFFFA0];
	v19 =	vbroadcast v19, $0x0;
	v21 =	vmul.f32 v6, v22  }
.LBB2_10:
0x208: {  	p1 =	slt.u32 s30, $0x7C;
	v15 =	vld.idx.msk [tilespmem:v15+s4+$0x0], $0xffff;
	v22 =	vmul.f32 v4, v16;
	v16 =	vmul.f32 v5, v16;
	[tilespmem:s11+$0xA0] =	vst v20  }
0x209: {  	v14 =	vld.idx.msk [tilespmem:v14+s4+$0x0], $0xffff;
	v20 =	vor.u32 $0x100, v19;
	[tilespmem:s11+$0xE0] =	vst v21  }
0x20a: {  	v19 =	vor.u32 $0x180, v19;
	[tilespmem:s11+$0xFFFFFFA0] =	vst v22;
	v21 =	vmul.f32 v3, v17;
	v17 =	vmul.f32 v2, v17;
	v22 =	vld [tilespmem:s18+$0x70]  }
0x20b: {  	v13 =	vld.idx.msk [tilespmem:v13+s4+$0x0], $0xffff;
	[tilespmem:s11+$0xFFFFFFE0] =	vst v16  }
0x20c: {  	s18 =	sadd.s32 $0x100, s18;
	v16 =	vmul.f32 v0, v18;
	v18 =	vmul.f32 v1, v18;
	v23 =	vld [tilespmem:s0+$0xFFFFFFF0];
	[tilespmem:s11+$0x20] =	vst v21  }
0x20d: {  	v21 =	vld [tilespmem:s18+$0x40];
	[tilespmem:s11+$0x60] =	vst v17  }
0x20e: {  	v17 =	vld.idx.msk [tilespmem:v20+s4+$0x0], $0xffff;
	[tilespmem:s11+$0xFFFFFF20] =	vst v16  }
0x20f: {  	[tilespmem:s11+$0xFFFFFF60] =	vst v18;
	v8 =	vmul.f32 v8, v22;
	v16 =	vmul.f32 v6, v22;
	v6 =	vld.idx.msk [tilespmem:v19+s4+$0x0], $0xffff  }
0x210: {  	v18 =	vld [tilespmem:s18+$0xFFFFFF80];
	[tilespmem:s29+$0xFFFFFF30] =	vst v12  }
0x211: {  	v12 =	vld [tilespmem:s18+$0xFFFFFFC0];
	v19 =	vmul.f32 v4, v23;
	v20 =	vmul.f32 v5, v23;
	[tilespmem:s11+$0xF0] =	vst v16;
	v5 =	vmovc v15;
	v4 =	vmov v11  }
0x212: {  	v11 =	vld [tilespmem:s18+$0x0];
	[tilespmem:s11+$0xB0] =	vst v8  }
0x213: {  	[tilespmem:s11+$0xFFFFFFB0] =	vst v19;
	v15 =	vld [tilespmem:s0+$0x30]  }
0x214: {  	v16 =	vmul.f32 v17, v21;
	v8 =	vmov v17;
	v19 =	vld [tilespmem:s0+$0xFFFFFFB0];
	[tilespmem:s11+$0xFFFFFFF0] =	vst v20;
	s0 =	smov.u32 s18  }
0x215: {  	v20 =	vmul.f32 v6, v21;
	v17 =	vmul.f32 v7, v18;
	[tilespmem:s29+$0xFFFFFF70] =	vst v10;
	s29 =	smov.u32 s11;
	s11 =	sadd.s32 $0x200, s11  }
0x216: {  	v10 =	vmul.f32 v4, v12;
	v12 =	vmul.f32 v5, v12;
	[tilespmem:s11+$0x80] =	vst v16  }
0x217: {  	v16 =	vmul.f32 v14, v11;
	v11 =	vmul.f32 v13, v11;
	[tilespmem:s11+$0xC0] =	vst v20  }
0x218: {  	v18 =	vmul.f32 v9, v18;
	[tilespmem:s11+$0xFFFFFF80] =	vst v10;
	v20 =	vld [tilespmem:s18+$0x50];
	v21 =	vmul.f32 v3, v15;
	v3 =	vmov v14  }
0x219: {  	v10 =	vmov s30;
	v22 =	vmul.f32 v2, v15;
	v2 =	vmovc v13;
	[tilespmem:s11+$0xFFFFFFC0] =	vst v12;
	v12 =	vmul.f32 v0, v19;
	v0 =	vmovc v7  }
0x21a: {  	v7 =	vand.u32 $0x7C, v10;
	v10 =	vmul.f32 v1, v19;
	v1 =	vmov v9;
	v13 =	vld [tilespmem:s18+$0xFFFFFFD0];
	[tilespmem:s11+$0x0] =	vst v16  }
0x21b: {  	s31 =	sadd.s32 $0x1, s30;
	v7 =	vbroadcast v7, $0x0;
	[tilespmem:s11+$0x40] =	vst v11  }
0x21c: {  	v9 =	vmov s31;
	[tilespmem:s11+$0xFFFFFF00] =	vst v17;
	v11 =	vld [tilespmem:s18+$0x10]  }
0x21d: {  	s31 =	sadd.s32 $0x2, s30;
	v9 =	vand.u32 $0x7D, v9;
	v14 =	vor.u32 $0x100, v7;
	[tilespmem:s11+$0xFFFFFF40] =	vst v18;
	v15 =	vmul.f32 v8, v20  }
0x21e: {  	v16 =	vmov s31;
	v9 =	vbroadcast v9, $0x0;
	v18 =	vmul.f32 v6, v20;
	v17 =	vld [tilespmem:s18+$0xFFFFFF90];
	[tilespmem:s29+$0x30] =	vst v21  }
0x21f: {  	v19 =	vor.u32 $0x180, v7;
	v7 =	vmul.f32 v4, v13;
	v13 =	vmul.f32 v5, v13;
	[tilespmem:s11+$0x90] =	vst v15  }
0x220: {  	v15 =	vand.u32 $0x7E, v16;
	[tilespmem:s11+$0xD0] =	vst v18  }
0x221: {  	v18 =	vor.u32 $0x100, v9;
	[tilespmem:s11+$0xFFFFFF90] =	vst v7;
	v20 =	vmul.f32 v3, v11;
	v11 =	vmul.f32 v2, v11;
	v21 =	vld [tilespmem:s18+$0x60]  }
0x222: {  	v23 =	vbroadcast v15, $0x0;
	v7 =	vld.idx.msk [tilespmem:v14+s4+$0x0], $0xffff;
	[tilespmem:s11+$0xFFFFFFD0] =	vst v13  }
.Ltmp6:
0x223: {  	v15 =	vor.u32 $0x180, v9;
	v13 =	vmul.f32 v0, v17;
	v24 =	vmul.f32 v1, v17;
	v16 =	vld [tilespmem:s18+$0xFFFFFFE0];
	[tilespmem:s11+$0x10] =	vst v20;
	(pc) =	sbr.rel @p1 .LBB2_10-.Ltmp6, $4  }
0x224: {  	s31 =	sadd.s32 $0x3, s30;
	v14 =	vor.u32 $0x100, v23;
	v9 =	vld.idx.msk [tilespmem:v19+s4+$0x0], $0xffff;
	[tilespmem:s11+$0x50] =	vst v11  }
0x225: {  	v19 =	vmov s31;
	[tilespmem:s11+$0xFFFFFF10] =	vst v13;
	v17 =	vld [tilespmem:s18+$0x20]  }
0x226: {  	v13 =	vor.u32 $0x180, v23;
	v11 =	vld.idx.msk [tilespmem:v18+s4+$0x0], $0xffff;
	v18 =	vand.u32 $0x7F, v19;
	[tilespmem:s11+$0xFFFFFF50] =	vst v24;
	v20 =	vmul.f32 v8, v21  }
0x227: {  	s30 =	sadd.s32 $0x4, s30;
	v21 =	vmul.f32 v6, v21;
	v19 =	vbroadcast v18, $0x0;
	v18 =	vld [tilespmem:s18+$0xFFFFFFA0];
	[tilespmem:s29+$0x70] =	vst v22  }
0x228: {  	[tilespmem:s11+$0xA0] =	vst v20  }
0x229: {  	v22 =	vmul.f32 v4, v16;
	[tilespmem:s29+$0xFFFFFF30] =	vst v12  }
0x22a: {  	v16 =	vmul.f32 v5, v16;
	[tilespmem:s11+$0xE0] =	vst v21;
	v20 =	vor.u32 $0x100, v19  }
0x22b: {  	v19 =	vor.u32 $0x180, v19;
	[tilespmem:s11+$0xFFFFFFA0] =	vst v22;
	v22 =	vld [tilespmem:s18+$0x70]  }
0x22c: {  	v15 =	vld.idx.msk [tilespmem:v15+s4+$0x0], $0xffff;
	v21 =	vmul.f32 v3, v17;
	v17 =	vmul.f32 v2, v17;
	[tilespmem:s11+$0xFFFFFFE0] =	vst v16  }
0x22d: {  	s1 =	sadd.s32 $0x100, s18;
	[tilespmem:s29+$0xFFFFFF70] =	vst v10;
	v23 =	vld [tilespmem:s0+$0xFFFFFFF0];
	v16 =	vmul.f32 v0, v18  }
0x22e: {  	v18 =	vmul.f32 v1, v18;
	[tilespmem:s11+$0x60] =	vst v17;
	v17 =	vld [tilespmem:s1+$0x40]  }
0x22f: {  	[tilespmem:s11+$0xFFFFFF20] =	vst v16;
	v16 =	vld.idx.msk [tilespmem:v20+s4+$0x0], $0xffff  }
0x230: {  	[tilespmem:s11+$0xFFFFFF60] =	vst v18;
	v18 =	vld.idx.msk [tilespmem:v19+s4+$0x0], $0xffff;
	v6 =	vmul.f32 v6, v22  }
0x231: {  	v12 =	vld [tilespmem:s1+$0xFFFFFFC0];
	[tilespmem:s11+$0x20] =	vst v21;
	v8 =	vmul.f32 v8, v22  }
0x232: {  	v4 =	vmul.f32 v4, v23;
	[tilespmem:s11+$0xF0] =	vst v6;
	v6 =	vld.idx.msk [tilespmem:v14+s4+$0x0], $0xffff  }
0x233: {  	v5 =	vmul.f32 v5, v23;
	[tilespmem:s11+$0xB0] =	vst v8;
	v8 =	vld [tilespmem:s1+$0x0]  }
0x234: {  	[tilespmem:s11+$0xFFFFFFB0] =	vst v4;
	v4 =	vld.idx.msk [tilespmem:v13+s4+$0x0], $0xffff;
	v13 =	vmul.f32 v16, v17  }
0x235: {  	s30 =	sadd.s32 $0x200, s11;
	[tilespmem:s11+$0xFFFFFFF0] =	vst v5;
	v5 =	vld [tilespmem:s1+$0xFFFFFF80];
	v14 =	vmul.f32 v18, v17  }
0x236: {  	v10 =	vmul.f32 v11, v12;
	[tilespmem:s30+$0x80] =	vst v13  }
0x237: {  	v12 =	vmul.f32 v15, v12;
	v13 =	vld [tilespmem:s0+$0x30];
	[tilespmem:s30+$0xC0] =	vst v14  }
0x238: {  	[tilespmem:s30+$0xFFFFFF80] =	vst v10;
	v14 =	vmul.f32 v6, v8;
	v10 =	vld [tilespmem:s1+$0x50]  }
0x239: {  	[tilespmem:s30+$0xFFFFFFC0] =	vst v12;
	v8 =	vmul.f32 v4, v8  }
0x23a: {  	v17 =	vld [tilespmem:s1+$0xFFFFFFD0];
	v12 =	vmul.f32 v7, v5;
	[tilespmem:s30+$0x0] =	vst v14  }
0x23b: {  	v5 =	vmul.f32 v9, v5;
	[tilespmem:s30+$0x40] =	vst v8  }
0x23c: {  	[tilespmem:s30+$0xFFFFFF00] =	vst v12;
	v3 =	vmul.f32 v3, v13;
	v8 =	vld [tilespmem:s1+$0x10]  }
0x23d: {  	[tilespmem:s30+$0xFFFFFF40] =	vst v5;
	v5 =	vmul.f32 v16, v10  }
0x23e: {  	v12 =	vld [tilespmem:s1+$0xFFFFFF90];
	v10 =	vmul.f32 v18, v10;
	[tilespmem:s11+$0x30] =	vst v3  }
0x23f: {  	v3 =	vmul.f32 v11, v17;
	[tilespmem:s30+$0x90] =	vst v5  }
0x240: {  	v5 =	vmul.f32 v15, v17;
	[tilespmem:s30+$0xD0] =	vst v10  }
0x241: {  	[tilespmem:s30+$0xFFFFFF90] =	vst v3;
	v10 =	vld [tilespmem:s1+$0x60];
	v3 =	vmul.f32 v6, v8  }
0x242: {  	v8 =	vmul.f32 v4, v8;
	[tilespmem:s30+$0xFFFFFFD0] =	vst v5  }
0x243: {  	v5 =	vmul.f32 v7, v12;
	v14 =	vld [tilespmem:s1+$0xFFFFFFE0];
	[tilespmem:s30+$0x10] =	vst v3  }
0x244: {  	v3 =	vmul.f32 v9, v12;
	[tilespmem:s30+$0x50] =	vst v8  }
0x245: {  	v2 =	vmul.f32 v2, v13;
	[tilespmem:s30+$0xFFFFFF10] =	vst v5;
	v5 =	vld [tilespmem:s1+$0x20]  }
0x246: {  	[tilespmem:s30+$0xFFFFFF50] =	vst v3;
	v3 =	vmul.f32 v16, v10  }
0x247: {  	[tilespmem:s11+$0x70] =	vst v2;
	v10 =	vmul.f32 v18, v10;
	v8 =	vld [tilespmem:s1+$0xFFFFFFA0]  }
0x248: {  	v2 =	vmul.f32 v11, v14;
	[tilespmem:s30+$0xA0] =	vst v3  }
0x249: {  	v3 =	vld [tilespmem:s0+$0xFFFFFFB0];
	v12 =	vmul.f32 v15, v14;
	[tilespmem:s30+$0xE0] =	vst v10  }
0x24a: {  	v10 =	vld [tilespmem:s1+$0x70];
	[tilespmem:s30+$0xFFFFFFA0] =	vst v2;
	v2 =	vmul.f32 v6, v5  }
0x24b: {  	v5 =	vmul.f32 v4, v5;
	[tilespmem:s30+$0xFFFFFFE0] =	vst v12  }
0x24c: {  	v12 =	vmul.f32 v7, v8;
	[tilespmem:s30+$0x20] =	vst v2  }
0x24d: {  	v13 =	vld [tilespmem:s1+$0xFFFFFFF0];
	v2 =	vmul.f32 v9, v8;
	[tilespmem:s30+$0x60] =	vst v5  }
0x24e: {  	v0 =	vmul.f32 v0, v3;
	[tilespmem:s30+$0xFFFFFF20] =	vst v12  }
0x24f: {  	v5 =	vld [tilespmem:s1+$0x30];
	[tilespmem:s30+$0xFFFFFF60] =	vst v2;
	v2 =	vmul.f32 v18, v10  }
0x250: {  	v1 =	vmul.f32 v1, v3;
	[tilespmem:s11+$0xFFFFFF30] =	vst v0  }
0x251: {  	v8 =	vmul.f32 v16, v10;
	[tilespmem:s30+$0xF0] =	vst v2;
	v2 =	vld [tilespmem:s1+$0xFFFFFFB0]  }
0x252: {  	[tilespmem:s11+$0xFFFFFF70] =	vst v1;
	v0 =	vmul.f32 v11, v13  }
0x253: {  	v10 =	vmul.f32 v15, v13;
	[tilespmem:s30+$0xB0] =	vst v8  }
0x254: {  	[tilespmem:s30+$0xFFFFFFB0] =	vst v0;
	v0 =	vmul.f32 v6, v5  }
0x255: {  	[tilespmem:s30+$0xFFFFFFF0] =	vst v10;
	v1 =	vmul.f32 v4, v5  }
0x256: {  	[tilespmem:s30+$0x30] =	vst v0;
	v3 =	vmul.f32 v7, v2  }
0x257: {  	[tilespmem:s30+$0x70] =	vst v1;
	v0 =	vmul.f32 v9, v2  }
0x258: {  	s11 =	simm.s32 $0x0;
	[tilespmem:s30+$0xFFFFFF30] =	vst v3  }
0x259: {  	s29 =	sshll.u32 s15, $0xA;
	p1 =	seq.s32 s15, $0x27;
	s18 =	simm.s32 $0x1;
	[tilespmem:s30+$0xFFFFFF70] =	vst v0;
	v0 =	vmov s11  }
0x25a: {  	v1 =	vmov s18;
	[spmem:s2] =	stream.indirect.scatter.add.f32 [tilespmem:s25], [sflag:$0x6], $0x80, s14, s14, $0xb8;
	v0 =	vand.u32 $0x7C, v0;
	[tilespmem:$0x1C2F8] =	vst v63  }
0x25b: {  	s0 =	sadd.s32 @!p1 s29, s16;
	s1 =	simm.s32 $0x3;
	v1 =	vand.u32 $0x7D, v1;
	_ =	swait.ge [sflag:s10], $0x4000;
	v0 =	vbroadcast v0, $0x0  }
0x25c: {  	s0 =	sshrl.u32 @!p1 s0, $0x3;
	v2 =	vmov s1;
	v1 =	vbroadcast v1, $0x0;
	[sflag:s10] =	ssyncset.done $0x0  }
0x25d: {  	s0 =	sadd.s32 @!p1 s9, s0;
	v2 =	vand.u32 $0x7F, v2;
	s11 =	simm.s32 @!p1 $0x0;
	[sflag:s10] =	ssyncadd.s32 $0xFFFFC000;
	v3 =	vor.u32 $0x100, v0  }
0x25e: {  	v2 =	vbroadcast v2, $0x0;
	v4 =	vor.u32 $0x100, v1;
	[tilespmem:s11], [sflag:$0x1] =	stream.linear.gather @!p1 [hbm4b:s0+s11], $0x200, $0x38;
	[tilespmem:$0x1C2F8] =	vst v63  }
0x25f: {  	s18 =	simm.s32 $0x2;
	_ =	swait.ge [sflag:s26], $0x2000  }
0x260: {  	v5 =	vmov s18;
	v6 =	vor.u32 $0x100, v2;
	[sflag:s26] =	ssyncset.done $0x0  }
0x261: {  	v5 =	vand.u32 $0x7E, v5;
	v2 =	vor.u32 $0x180, v2;
	[sflag:s26] =	ssyncadd.s32 $0xFFFFE000  }
0x262: {  	v7 =	vld.idx.msk [tilespmem:v3+s20+$0x0], $0xffff;
	v3 =	vbroadcast v5, $0x0  }
0x263: {  	v1 =	vor.u32 $0x180, v1;
	s0 =	simm.s32 $0x2880;
	v12 =	vld.idx.msk [tilespmem:v4+s20+$0x0], $0xffff  }
0x264: {  	v5 =	vld [tilespmem:s0+$0x40];
	v4 =	vor.u32 $0x100, v3  }
0x265: {  	v13 =	vld.idx.msk [tilespmem:v6+s20+$0x0], $0xffff  }
0x266: {  	v2 =	vld.idx.msk [tilespmem:v2+s20+$0x0], $0xffff;
	v3 =	vor.u32 $0x180, v3  }
0x267: {  	v6 =	vld [tilespmem:s0+$0xFFFFFFC0]  }
0x268: {  	v0 =	vor.u32 $0x180, v0;
	v1 =	vld.idx.msk [tilespmem:v1+s20+$0x0], $0xffff  }
0x269: {  	v11 =	vld.idx.msk [tilespmem:v4+s20+$0x0], $0xffff  }
0x26a: {  	v8 =	vmul.f32 v13, v5;
	v4 =	vld [tilespmem:s0+$0x0]  }
0x26b: {  	s11 =	simm.s32 $0x4900;
	v9 =	vld.idx.msk [tilespmem:v3+s20+$0x0], $0xffff;
	v3 =	vmul.f32 v2, v5  }
0x26c: {  	v14 =	vmul.f32 v12, v6;
	v5 =	vld [tilespmem:s0+$0xFFFFFF80];
	[tilespmem:s11+$0x80] =	vst v8  }
0x26d: {  	v10 =	vld.idx.msk [tilespmem:v0+s20+$0x0], $0xffff;
	v0 =	vmul.f32 v1, v6;
	[tilespmem:s11+$0xC0] =	vst v3  }
0x26e: {  	[tilespmem:s11+$0xFFFFFF80] =	vst v14;
	v3 =	vld [tilespmem:s0+$0x50]  }
0x26f: {  	[tilespmem:s11+$0xFFFFFFC0] =	vst v0;
	v6 =	vmul.f32 v11, v4  }
0x270: {  	v0 =	vmul.f32 v9, v4;
	v4 =	vld [tilespmem:s0+$0xFFFFFFD0]  }
0x271: {  	v8 =	vmul.f32 v7, v5;
	[tilespmem:s11+$0x0] =	vst v6  }
0x272: {  	v5 =	vmul.f32 v10, v5;
	[tilespmem:s11+$0x40] =	vst v0  }
0x273: {  	s1 =	simm.s32 $0x4;
	[tilespmem:s11+$0xFFFFFF00] =	vst v8;
	v0 =	vld [tilespmem:s0+$0x10];
	v6 =	vmul.f32 v13, v3  }
0x274: {  	v8 =	vmov s1;
	[tilespmem:s11+$0xFFFFFF40] =	vst v5;
	v3 =	vmul.f32 v2, v3  }
0x275: {  	s1 =	simm.s32 $0x5;
	v5 =	vand.u32 $0x7C, v8;
	v8 =	vld [tilespmem:s0+$0xFFFFFF90];
	v14 =	vmul.f32 v12, v4;
	[tilespmem:s11+$0x90] =	vst v6  }
0x276: {  	v15 =	vbroadcast v5, $0x0;
	v5 =	vmov s1;
	v4 =	vmul.f32 v1, v4;
	[tilespmem:s11+$0xD0] =	vst v3  }
0x277: {  	v3 =	vand.u32 $0x7D, v5;
	v5 =	vld [tilespmem:s0+$0x60];
	[tilespmem:s11+$0xFFFFFF90] =	vst v14  }
0x278: {  	v6 =	vor.u32 $0x100, v15;
	[tilespmem:s11+$0xFFFFFFD0] =	vst v4;
	v14 =	vmul.f32 v11, v0  }
0x279: {  	v3 =	vbroadcast v3, $0x0;
	v0 =	vmul.f32 v9, v0;
	v16 =	vld [tilespmem:s0+$0xFFFFFFE0]  }
0x27a: {  	s1 =	simm.s32 $0x7;
	v17 =	vmul.f32 v7, v8;
	[tilespmem:s11+$0x10] =	vst v14  }
0x27b: {  	v4 =	vor.u32 $0x100, v3;
	v8 =	vmul.f32 v10, v8;
	[tilespmem:s11+$0x50] =	vst v0;
	v0 =	vmov s1  }
0x27c: {  	v3 =	vor.u32 $0x180, v3;
	[tilespmem:s11+$0xFFFFFF10] =	vst v17;
	v14 =	vld [tilespmem:s0+$0x20];
	v17 =	vand.u32 $0x7F, v0;
	v18 =	vmul.f32 v13, v5  }
0x27d: {  	s1 =	simm.s32 $0x6;
	[tilespmem:s11+$0xFFFFFF50] =	vst v8;
	v0 =	vld.idx.msk [tilespmem:v6+s20+$0x0], $0xffff;
	v5 =	vmul.f32 v2, v5;
	v6 =	vbroadcast v17, $0x0  }
0x27e: {  	s18 =	simm.s32 $0x2980;
	v8 =	vmov s1;
	v17 =	vld [tilespmem:s0+$0xFFFFFFA0];
	v19 =	vmul.f32 v12, v16;
	[tilespmem:s11+$0xA0] =	vst v18  }
0x27f: {  	v22 =	vld [tilespmem:s18+$0x40];
	v8 =	vand.u32 $0x7E, v8;
	v16 =	vmul.f32 v1, v16;
	[tilespmem:s11+$0xE0] =	vst v5;
	v18 =	vor.u32 $0x100, v6  }
0x280: {  	v8 =	vbroadcast v8, $0x0;
	v6 =	vor.u32 $0x180, v6;
	[tilespmem:s11+$0xFFFFFFA0] =	vst v19;
	v19 =	vld [tilespmem:s0+$0x70]  }
0x281: {  	v5 =	vld.idx.msk [tilespmem:v3+s20+$0x0], $0xffff;
	[tilespmem:s11+$0xFFFFFFE0] =	vst v16;
	v3 =	vmul.f32 v11, v14  }
0x282: {  	v16 =	vor.u32 $0x100, v8;
	v14 =	vmul.f32 v9, v14;
	v20 =	vld [tilespmem:s0+$0xFFFFFFF0]  }
0x283: {  	v4 =	vld.idx.msk [tilespmem:v4+s20+$0x0], $0xffff;
	v21 =	vmul.f32 v7, v17;
	[tilespmem:s11+$0x20] =	vst v3  }
0x284: {  	v23 =	vor.u32 $0x180, v8;
	v3 =	vmul.f32 v10, v17;
	[tilespmem:s11+$0x60] =	vst v14;
	v8 =	vld.idx.msk [tilespmem:v18+s20+$0x0], $0xffff  }
0x285: {  	[tilespmem:s11+$0xFFFFFF20] =	vst v21;
	v6 =	vld.idx.msk [tilespmem:v6+s20+$0x0], $0xffff;
	v2 =	vmul.f32 v2, v19  }
0x286: {  	v14 =	vor.u32 $0x180, v15;
	v15 =	vld [tilespmem:s18+$0xFFFFFFC0];
	[tilespmem:s11+$0xFFFFFF60] =	vst v3;
	v13 =	vmul.f32 v13, v19  }
0x287: {  	v3 =	vld.idx.msk [tilespmem:v16+s20+$0x0], $0xffff;
	v12 =	vmul.f32 v12, v20;
	[tilespmem:s11+$0xF0] =	vst v2  }
0x288: {  	v16 =	vld [tilespmem:s18+$0x0];
	v1 =	vmul.f32 v1, v20;
	[tilespmem:s11+$0xB0] =	vst v13  }
0x289: {  	v2 =	vld.idx.msk [tilespmem:v23+s20+$0x0], $0xffff;
	[tilespmem:s11+$0xFFFFFFB0] =	vst v12;
	v12 =	vmul.f32 v8, v22  }
0x28a: {  	s30 =	simm.s32 $0x4B00;
	v13 =	vld [tilespmem:s18+$0xFFFFFF80];
	[tilespmem:s11+$0xFFFFFFF0] =	vst v1;
	v17 =	vmul.f32 v6, v22  }
0x28b: {  	v1 =	vld.idx.msk [tilespmem:v14+s20+$0x0], $0xffff;
	v14 =	vmul.f32 v4, v15;
	[tilespmem:s30+$0x80] =	vst v12  }
0x28c: {  	v18 =	vld [tilespmem:s0+$0x30];
	v12 =	vmul.f32 v5, v15;
	[tilespmem:s30+$0xC0] =	vst v17  }
0x28d: {  	s31 =	simm.s32 $0x8;
	[tilespmem:s30+$0xFFFFFF80] =	vst v14;
	v15 =	vmul.f32 v3, v16;
	v14 =	vld [tilespmem:s18+$0x50]  }
0x28e: {  	v17 =	vmov s31;
	v16 =	vmul.f32 v2, v16;
	[tilespmem:s30+$0xFFFFFFC0] =	vst v12  }
0x28f: {  	v17 =	vand.u32 $0x7C, v17;
	v12 =	vmul.f32 v0, v13;
	[tilespmem:s30+$0x0] =	vst v15;
	v19 =	vld [tilespmem:s18+$0xFFFFFFD0]  }
0x290: {  	s31 =	simm.s32 $0x9;
	v13 =	vmul.f32 v1, v13;
	v15 =	vbroadcast v17, $0x0;
	[tilespmem:s30+$0x40] =	vst v16  }
0x291: {  	v11 =	vmul.f32 v11, v18;
	[tilespmem:s30+$0xFFFFFF00] =	vst v12;
	v16 =	vld [tilespmem:s18+$0x10];
	v12 =	vmov s31  }
0x292: {  	v20 =	vor.u32 $0x100, v15;
	[tilespmem:s30+$0xFFFFFF40] =	vst v13;
	v15 =	vor.u32 $0x180, v15;
	v13 =	vmul.f32 v8, v14  }
0x293: {  	[tilespmem:s11+$0x30] =	vst v11;
	v12 =	vand.u32 $0x7D, v12;
	v21 =	vld [tilespmem:s18+$0xFFFFFF90];
	v14 =	vmul.f32 v6, v14  }
0x294: {  	s1 =	simm.s32 $0xA;
	v17 =	vld [tilespmem:s0+$0xFFFFFFB0];
	v11 =	vbroadcast v12, $0x0;
	v12 =	vmul.f32 v4, v19;
	[tilespmem:s30+$0x90] =	vst v13  }
0x295: {  	v23 =	vmov s1;
	v25 =	vmul.f32 v9, v18;
	v13 =	vmul.f32 v5, v19;
	[tilespmem:s30+$0xD0] =	vst v14  }
0x296: {  	v9 =	vand.u32 $0x7E, v23;
	v19 =	vor.u32 $0x100, v11;
	v14 =	vmul.f32 v3, v16;
	v22 =	vld [tilespmem:s18+$0x60];
	[tilespmem:s30+$0xFFFFFF90] =	vst v12  }
0x297: {  	v18 =	vbroadcast v9, $0x0;
	v24 =	vmul.f32 v2, v16;
	v9 =	vld.idx.msk [tilespmem:v15+s20+$0x0], $0xffff;
	[tilespmem:s30+$0xFFFFFFD0] =	vst v13  }
0x298: {  	v15 =	vor.u32 $0x180, v11;
	v13 =	vmul.f32 v0, v21;
	v16 =	vld [tilespmem:s18+$0xFFFFFFE0];
	[tilespmem:s30+$0x10] =	vst v14  }
0x299: {  	s1 =	simm.s32 $0xB;
	v12 =	vmul.f32 v7, v17;
	v7 =	vld.idx.msk [tilespmem:v20+s20+$0x0], $0xffff;
	v20 =	vmul.f32 v1, v21;
	[tilespmem:s30+$0x50] =	vst v24;
	v14 =	vor.u32 $0x100, v18  }
0x29a: {  	v10 =	vmul.f32 v10, v17;
	v21 =	vmov s1;
	[tilespmem:s30+$0xFFFFFF10] =	vst v13;
	v17 =	vld [tilespmem:s18+$0x20]  }
0x29b: {  	[tilespmem:s30+$0xFFFFFF50] =	vst v20;
	v13 =	vor.u32 $0x180, v18;
	v11 =	vld.idx.msk [tilespmem:v19+s20+$0x0], $0xffff;
	v19 =	vand.u32 $0x7F, v21;
	v20 =	vmul.f32 v8, v22  }
0x29c: {  	[tilespmem:s11+$0x70] =	vst v25;
	s0 =	simm.s32 $0x2980;
	s31 =	simm.s32 $0xC;
	v18 =	vld [tilespmem:s18+$0xFFFFFFA0];
	v19 =	vbroadcast v19, $0x0;
	v21 =	vmul.f32 v6, v22  }
.LBB2_12:
0x29d: {  	p2 =	slt.u32 s31, $0x7C;
	v15 =	vld.idx.msk [tilespmem:v15+s20+$0x0], $0xffff;
	v22 =	vmul.f32 v4, v16;
	v16 =	vmul.f32 v5, v16;
	[tilespmem:s30+$0xA0] =	vst v20  }
0x29e: {  	v14 =	vld.idx.msk [tilespmem:v14+s20+$0x0], $0xffff;
	v20 =	vor.u32 $0x100, v19;
	[tilespmem:s30+$0xE0] =	vst v21  }
0x29f: {  	v19 =	vor.u32 $0x180, v19;
	[tilespmem:s30+$0xFFFFFFA0] =	vst v22;
	v21 =	vmul.f32 v3, v17;
	v17 =	vmul.f32 v2, v17;
	v22 =	vld [tilespmem:s18+$0x70]  }
0x2a0: {  	v13 =	vld.idx.msk [tilespmem:v13+s20+$0x0], $0xffff;
	[tilespmem:s30+$0xFFFFFFE0] =	vst v16  }
0x2a1: {  	s18 =	sadd.s32 $0x100, s18;
	v16 =	vmul.f32 v0, v18;
	v18 =	vmul.f32 v1, v18;
	v23 =	vld [tilespmem:s0+$0xFFFFFFF0];
	[tilespmem:s30+$0x20] =	vst v21  }
0x2a2: {  	v21 =	vld [tilespmem:s18+$0x40];
	[tilespmem:s30+$0x60] =	vst v17  }
0x2a3: {  	v17 =	vld.idx.msk [tilespmem:v20+s20+$0x0], $0xffff;
	[tilespmem:s30+$0xFFFFFF20] =	vst v16  }
0x2a4: {  	[tilespmem:s30+$0xFFFFFF60] =	vst v18;
	v8 =	vmul.f32 v8, v22;
	v16 =	vmul.f32 v6, v22;
	v6 =	vld.idx.msk [tilespmem:v19+s20+$0x0], $0xffff  }
0x2a5: {  	v18 =	vld [tilespmem:s18+$0xFFFFFF80];
	[tilespmem:s11+$0xFFFFFF30] =	vst v12  }
0x2a6: {  	v12 =	vld [tilespmem:s18+$0xFFFFFFC0];
	v19 =	vmul.f32 v4, v23;
	v20 =	vmul.f32 v5, v23;
	[tilespmem:s30+$0xF0] =	vst v16;
	v5 =	vmovc v15;
	v4 =	vmov v11  }
0x2a7: {  	v11 =	vld [tilespmem:s18+$0x0];
	[tilespmem:s30+$0xB0] =	vst v8  }
0x2a8: {  	[tilespmem:s30+$0xFFFFFFB0] =	vst v19;
	v15 =	vld [tilespmem:s0+$0x30]  }
0x2a9: {  	v16 =	vmul.f32 v17, v21;
	v8 =	vmov v17;
	v19 =	vld [tilespmem:s0+$0xFFFFFFB0];
	[tilespmem:s30+$0xFFFFFFF0] =	vst v20;
	s0 =	smov.u32 s18  }
0x2aa: {  	v20 =	vmul.f32 v6, v21;
	v17 =	vmul.f32 v7, v18;
	[tilespmem:s11+$0xFFFFFF70] =	vst v10;
	s11 =	smov.u32 s30;
	s30 =	sadd.s32 $0x200, s30  }
0x2ab: {  	v10 =	vmul.f32 v4, v12;
	v12 =	vmul.f32 v5, v12;
	[tilespmem:s30+$0x80] =	vst v16  }
0x2ac: {  	v16 =	vmul.f32 v14, v11;
	v11 =	vmul.f32 v13, v11;
	[tilespmem:s30+$0xC0] =	vst v20  }
0x2ad: {  	v18 =	vmul.f32 v9, v18;
	[tilespmem:s30+$0xFFFFFF80] =	vst v10;
	v20 =	vld [tilespmem:s18+$0x50];
	v21 =	vmul.f32 v3, v15;
	v3 =	vmov v14  }
0x2ae: {  	v10 =	vmov s31;
	v22 =	vmul.f32 v2, v15;
	v2 =	vmovc v13;
	[tilespmem:s30+$0xFFFFFFC0] =	vst v12;
	v12 =	vmul.f32 v0, v19;
	v0 =	vmovc v7  }
0x2af: {  	v7 =	vand.u32 $0x7C, v10;
	v10 =	vmul.f32 v1, v19;
	v1 =	vmov v9;
	v13 =	vld [tilespmem:s18+$0xFFFFFFD0];
	[tilespmem:s30+$0x0] =	vst v16  }
0x2b0: {  	s1 =	sadd.s32 $0x1, s31;
	v7 =	vbroadcast v7, $0x0;
	[tilespmem:s30+$0x40] =	vst v11  }
0x2b1: {  	v9 =	vmov s1;
	[tilespmem:s30+$0xFFFFFF00] =	vst v17;
	v11 =	vld [tilespmem:s18+$0x10]  }
0x2b2: {  	s1 =	sadd.s32 $0x2, s31;
	v9 =	vand.u32 $0x7D, v9;
	v14 =	vor.u32 $0x100, v7;
	[tilespmem:s30+$0xFFFFFF40] =	vst v18;
	v15 =	vmul.f32 v8, v20  }
0x2b3: {  	v16 =	vmov s1;
	v9 =	vbroadcast v9, $0x0;
	v18 =	vmul.f32 v6, v20;
	v17 =	vld [tilespmem:s18+$0xFFFFFF90];
	[tilespmem:s11+$0x30] =	vst v21  }
0x2b4: {  	v19 =	vor.u32 $0x180, v7;
	v7 =	vmul.f32 v4, v13;
	v13 =	vmul.f32 v5, v13;
	[tilespmem:s30+$0x90] =	vst v15  }
0x2b5: {  	v15 =	vand.u32 $0x7E, v16;
	[tilespmem:s30+$0xD0] =	vst v18  }
0x2b6: {  	v18 =	vor.u32 $0x100, v9;
	[tilespmem:s30+$0xFFFFFF90] =	vst v7;
	v20 =	vmul.f32 v3, v11;
	v11 =	vmul.f32 v2, v11;
	v21 =	vld [tilespmem:s18+$0x60]  }
0x2b7: {  	v23 =	vbroadcast v15, $0x0;
	v7 =	vld.idx.msk [tilespmem:v14+s20+$0x0], $0xffff;
	[tilespmem:s30+$0xFFFFFFD0] =	vst v13  }
.Ltmp7:
0x2b8: {  	v15 =	vor.u32 $0x180, v9;
	v13 =	vmul.f32 v0, v17;
	v24 =	vmul.f32 v1, v17;
	v16 =	vld [tilespmem:s18+$0xFFFFFFE0];
	[tilespmem:s30+$0x10] =	vst v20;
	(pc) =	sbr.rel @p2 .LBB2_12-.Ltmp7, $4  }
0x2b9: {  	s1 =	sadd.s32 $0x3, s31;
	v14 =	vor.u32 $0x100, v23;
	v9 =	vld.idx.msk [tilespmem:v19+s20+$0x0], $0xffff;
	[tilespmem:s30+$0x50] =	vst v11  }
0x2ba: {  	v19 =	vmov s1;
	[tilespmem:s30+$0xFFFFFF10] =	vst v13;
	v17 =	vld [tilespmem:s18+$0x20]  }
0x2bb: {  	v13 =	vor.u32 $0x180, v23;
	v11 =	vld.idx.msk [tilespmem:v18+s20+$0x0], $0xffff;
	v18 =	vand.u32 $0x7F, v19;
	[tilespmem:s30+$0xFFFFFF50] =	vst v24;
	v20 =	vmul.f32 v8, v21  }
0x2bc: {  	s31 =	sadd.s32 $0x4, s31;
	v21 =	vmul.f32 v6, v21;
	v19 =	vbroadcast v18, $0x0;
	v18 =	vld [tilespmem:s18+$0xFFFFFFA0];
	[tilespmem:s11+$0x70] =	vst v22  }
0x2bd: {  	[tilespmem:s30+$0xA0] =	vst v20  }
0x2be: {  	[tilespmem:s11+$0xFFFFFF30] =	vst v12  }
0x2bf: {  	v22 =	vmul.f32 v4, v16;
	s1 =	sadd.s32 $0x100, s18;
	[tilespmem:s11+$0xFFFFFF70] =	vst v10  }
0x2c0: {  	v53 =	vmul.f32 v5, v16;
	[tilespmem:s30+$0xE0] =	vst v21;
	v54 =	vor.u32 $0x100, v19;
	v57 =	vor.u32 $0x180, v19;
	v19 =	vld [tilespmem:s1+$0xFFFFFFC0]  }
0x2c1: {  	v15 =	vld.idx.msk [tilespmem:v15+s20+$0x0], $0xffff;
	[tilespmem:s30+$0xFFFFFFA0] =	vst v22;
	v55 =	vmul.f32 v3, v17  }
0x2c2: {  	v26 =	vld [tilespmem:s1+$0xFFFFFF80];
	v58 =	vmul.f32 v2, v17;
	[tilespmem:s30+$0xFFFFFFE0] =	vst v53  }
0x2c3: {  	v56 =	vld [tilespmem:s18+$0x70];
	v59 =	vmul.f32 v0, v18;
	[tilespmem:s30+$0x20] =	vst v55  }
0x2c4: {  	v60 =	vmul.f32 v1, v18;
	[tilespmem:s30+$0x60] =	vst v58  }
0x2c5: {  	v23 =	vld [tilespmem:s0+$0xFFFFFFF0];
	[tilespmem:s30+$0xFFFFFF20] =	vst v59;
	v28 =	vmul.f32 v11, v19  }
0x2c6: {  	s31 =	sadd.s32 $0x200, s30;
	v61 =	vld [tilespmem:s1+$0x40];
	[tilespmem:s30+$0xFFFFFF60] =	vst v60;
	v12 =	vmul.f32 v15, v19  }
0x2c7: {  	v62 =	vld.idx.msk [tilespmem:v54+s20+$0x0], $0xffff;
	v32 =	vmul.f32 v7, v26;
	[tilespmem:s31+$0xFFFFFF80] =	vst v28  }
0x2c8: {  	v63 =	vld.idx.msk [tilespmem:v57+s20+$0x0], $0xffff;
	v6 =	vmul.f32 v6, v56;
	[tilespmem:s31+$0xFFFFFFC0] =	vst v12  }
0x2c9: {  	v21 =	vld.idx.msk [tilespmem:v14+s20+$0x0], $0xffff;
	v8 =	vmul.f32 v8, v56;
	[tilespmem:s31+$0xFFFFFF00] =	vst v32  }
0x2ca: {  	v29 =	vld [tilespmem:s0+$0x30];
	v20 =	vmul.f32 v4, v23;
	[tilespmem:s30+$0xF0] =	vst v6  }
0x2cb: {  	v22 =	vmul.f32 v5, v23;
	v23 =	vld [tilespmem:s1+$0x0];
	[tilespmem:s30+$0xB0] =	vst v8  }
0x2cc: {  	v24 =	vld.idx.msk [tilespmem:v13+s20+$0x0], $0xffff;
	[tilespmem:s30+$0xFFFFFFB0] =	vst v20;
	v25 =	vmul.f32 v62, v61  }
0x2cd: {  	[tilespmem:s30+$0xFFFFFFF0] =	vst v22;
	v27 =	vmul.f32 v63, v61  }
0x2ce: {  	v5 =	vmul.f32 v9, v26;
	v33 =	vld [tilespmem:s1+$0xFFFFFFD0];
	[tilespmem:s31+$0x80] =	vst v25  }
0x2cf: {  	v34 =	vmul.f32 v3, v29;
	[tilespmem:s31+$0xC0] =	vst v27  }
0x2d0: {  	[tilespmem:s31+$0xFFFFFF40] =	vst v5;
	v30 =	vmul.f32 v21, v23;
	v31 =	vld [tilespmem:s1+$0x50]  }
0x2d1: {  	[tilespmem:s30+$0x30] =	vst v34;
	v8 =	vmul.f32 v24, v23  }
0x2d2: {  	v42 =	vmul.f32 v2, v29;
	v12 =	vld [tilespmem:s1+$0xFFFFFF90];
	[tilespmem:s31+$0x0] =	vst v30  }
0x2d3: {  	v36 =	vmul.f32 v11, v33;
	[tilespmem:s31+$0x40] =	vst v8  }
0x2d4: {  	[tilespmem:s30+$0x70] =	vst v42;
	v37 =	vmul.f32 v15, v33;
	v8 =	vld [tilespmem:s1+$0x10]  }
0x2d5: {  	[tilespmem:s31+$0xFFFFFF90] =	vst v36;
	v35 =	vmul.f32 v62, v31  }
0x2d6: {  	v47 =	vld [tilespmem:s0+$0xFFFFFFB0];
	[tilespmem:s31+$0xFFFFFFD0] =	vst v37;
	v10 =	vmul.f32 v63, v31  }
0x2d7: {  	v39 =	vmul.f32 v7, v12;
	v40 =	vld [tilespmem:s1+$0xFFFFFFE0];
	[tilespmem:s31+$0x90] =	vst v35  }
0x2d8: {  	v41 =	vmul.f32 v9, v12;
	[tilespmem:s31+$0xD0] =	vst v10  }
0x2d9: {  	[tilespmem:s31+$0xFFFFFF10] =	vst v39;
	v38 =	vmul.f32 v21, v8;
	v10 =	vld [tilespmem:s1+$0x60]  }
0x2da: {  	[tilespmem:s31+$0xFFFFFF50] =	vst v41;
	v8 =	vmul.f32 v24, v8  }
0x2db: {  	v53 =	vmul.f32 v0, v47;
	v45 =	vld [tilespmem:s1+$0xFFFFFFA0];
	[tilespmem:s31+$0x10] =	vst v38  }
0x2dc: {  	v46 =	vmul.f32 v11, v40;
	[tilespmem:s31+$0x50] =	vst v8  }
0x2dd: {  	[tilespmem:s30+$0xFFFFFF30] =	vst v53;
	v48 =	vmul.f32 v15, v40;
	v43 =	vld [tilespmem:s1+$0x20]  }
0x2de: {  	[tilespmem:s31+$0xFFFFFFA0] =	vst v46;
	v44 =	vmul.f32 v62, v10  }
0x2df: {  	[tilespmem:s31+$0xFFFFFFE0] =	vst v48;
	v10 =	vmul.f32 v63, v10  }
0x2e0: {  	v50 =	vmul.f32 v7, v45;
	v51 =	vld [tilespmem:s1+$0xFFFFFFF0];
	[tilespmem:s31+$0xA0] =	vst v44  }
0x2e1: {  	v52 =	vmul.f32 v9, v45;
	[tilespmem:s31+$0xE0] =	vst v10  }
0x2e2: {  	[tilespmem:s31+$0xFFFFFF20] =	vst v50;
	v49 =	vmul.f32 v21, v43;
	v10 =	vld [tilespmem:s1+$0x70]  }
0x2e3: {  	[tilespmem:s31+$0xFFFFFF60] =	vst v52;
	v5 =	vmul.f32 v24, v43  }
0x2e4: {  	v59 =	vmul.f32 v1, v47;
	v57 =	vld [tilespmem:s1+$0xFFFFFFB0];
	[tilespmem:s31+$0x20] =	vst v49  }
0x2e5: {  	v56 =	vmul.f32 v11, v51;
	[tilespmem:s31+$0x60] =	vst v5  }
0x2e6: {  	[tilespmem:s30+$0xFFFFFF70] =	vst v59;
	v58 =	vmul.f32 v15, v51;
	v5 =	vld [tilespmem:s1+$0x30]  }
0x2e7: {  	[tilespmem:s31+$0xFFFFFFB0] =	vst v56;
	v54 =	vmul.f32 v63, v10  }
0x2e8: {  	[tilespmem:s31+$0xFFFFFFF0] =	vst v58;
	v55 =	vmul.f32 v62, v10  }
0x2e9: {  	v62 =	vmul.f32 v7, v57;
	[tilespmem:s31+$0xF0] =	vst v54  }
0x2ea: {  	v63 =	vmul.f32 v9, v57;
	[tilespmem:s31+$0xB0] =	vst v55  }
0x2eb: {  	v60 =	vmul.f32 v21, v5;
	[tilespmem:s31+$0xFFFFFF30] =	vst v62  }
0x2ec: {  	v61 =	vmul.f32 v24, v5;
	[tilespmem:s31+$0xFFFFFF70] =	vst v63  }
0x2ed: {  	[tilespmem:s31+$0x30] =	vst v60  }
.Ltmp8:
0x2ee: {  	[tilespmem:s31+$0x70] =	vst v61;
	(pc) =	sbr.rel @p1 .LBB2_15-.Ltmp8, $4  }
0x2ef: {  	[spmem:s2] =	stream.indirect.scatter.add.f32 [tilespmem:s25], [sflag:$0x6], $0x80, s28, s14, $0xb8;
	[tilespmem:$0x1C2F8] =	vst v63  }
0x2f0: {  	_ =	swait.ge [sflag:s10], $0x4000  }
0x2f1: {  	[sflag:s10] =	ssyncset.done $0x0  }
0x2f2: {  	[sflag:s10] =	ssyncadd.s32 $0xFFFFC000  }
0x2f3: {  	_ =	swait.ge [sflag:s13], $0x200  }
.Ltmp9:
0x2f4: {  	s0 =	sadd.s32 s29, s17;
	[sflag:s13] =	ssyncset.done $0x0;
	(pc) =	sbr.rel .LBB2_9-.Ltmp9, $4  }
0x2f5: {  	s0 =	sshrl.u32 s0, $0x3;
	[sflag:s13] =	ssyncadd.s32 $0xFFFFFE00  }
0x2f6: {  	[tilespmem:s19], [sflag:$0x3] =	stream.indirect.gather [hbm4b:s5+s14], $0x40, s4, s14, $0xb8;
	[tilespmem:$0x1C2F8] =	vst v63  }
0x2f7: {  	s15 =	sadd.s32 $0x1, s15;
	s0 =	sadd.s32 s9, s0  }
0x2f8: {  	[tilespmem:s20], [sflag:$0x2] =	stream.linear.gather [hbm4b:s0+s4], $0x200, $0x38;
	[tilespmem:$0x1C2F8] =	vst v63  }
.LBB2_15:
0x2f9: {  	[bflag:$0x0] =	sbarrier.arrive $0xFFFF  }
0x2fa: {  	s1 =	rddreg [dreg:$0xf]  }
0x2fb: {  	s0 =	simm.s32 @p0 $0x1FC6;
	s12 =	rddreg [dreg:$0x1a]  }
0x2fc: {  	[hbm:s1], [sflag:s0] =	dma.local @p0 [spmem:s12], $0x1900  }
0x2fd: {  	s1 =	simm.s32 @p0 $0x6  }
0x2fe: {  	_ =	swait.ge @p0 [sflag:s1], $0x1900  }
0x2ff: {  	[sflag:s1] =	ssyncset.done @p0 $0x0  }
0x300: {  	[sflag:s1] =	ssyncadd.s32 @p0 $0xFFFFE700  }
0x301: {  	[bflag:$0x0] =	sbarrier.arrive @p0 $0xFFFF  }
0x302: {  	s11 =	rddreg [dreg:$0x6]  }
0x303: {  	[spmem:s12], [sflag:s0] =	dma.local @p0 [hbm:s11], $0x1900  }
0x304: {  	_ =	swait.ge @p0 [sflag:s1], $0x1900  }
0x305: {  	s0 =	rddreg [dreg:$0x16]  }
0x306: {  	[sflag:s1] =	ssyncset.done @p0 $0x0;
	s12 =	rddreg [dreg:$0x1c]  }
0x307: {  	[sflag:s1] =	ssyncadd.s32 @p0 $0xFFFFE700;
	s1 =	rddreg [dreg:$0x1b]  }
0x308: {  	[hbm:s0], [sflag:s1] =	dma.local @!p0 [spmem:s12], $0x2800  }
0x309: {  	s0 =	simm.s32 @!p0 $0x6  }
0x30a: {  	_ =	swait.ge @!p0 [sflag:s0], $0x2800  }
0x30b: {  	[sflag:s0] =	ssyncset.done @!p0 $0x0  }
0x30c: {  	[sflag:s0] =	ssyncadd.s32 @!p0 $0xFFFFD800  }
0x30d: {  	[bflag:$0x0] =	sbarrier.arrive @!p0 $0xFFFF  }
0x30e: {  	[spmem:s12], [sflag:s1] =	dma.local @!p0 [hbm:s11], $0x2800  }
0x30f: {  	_ =	swait.ge @!p0 [sflag:s0], $0x2800  }
0x310: {  	[sflag:s0] =	ssyncset.done @!p0 $0x0  }
0x311: {  	[sflag:s0] =	ssyncadd.s32 @!p0 $0xFFFFD800  }
0x312: {  	[bflag:$0x0] =	sbarrier.arrive $0xFFFF  }
0x313: {  	s12 =	simm.s32 $0x0;
	s30 =	rddreg [dreg:$0xa]  }
0x314: {  	[tilespmem:s12], [sflag:$0x1] =	stream.linear.gather [hbm4b:s30+s12], $0x200, $0x38;
	[tilespmem:$0x1C2F8] =	vst v63  }
0x315: {  	_ =	swait.ge [sflag:s13], $0x200  }
0x316: {  	[sflag:s13] =	ssyncset.done $0x0  }
0x317: {  	[sflag:s13] =	ssyncadd.s32 $0xFFFFFE00  }
0x318: {  	[tilespmem:s19], [sflag:$0x3] =	stream.indirect.gather [hbm4b:s6+s14], $0x40, s12, s14, $0xb8;
	[tilespmem:$0x1C2F8] =	vst v63  }
0x319: {  	s15 =	simm.s32 $0x0;
	s31 =	rddreg [dreg:$0x15]  }
0x31a: {  	[tilespmem:s20], [sflag:$0x2] =	stream.linear.gather [hbm4b:s31+s12], $0x200, $0x38;
	[tilespmem:$0x1C2F8] =	vst v63  }
.LBB2_16:
0x31b: {  	v0 =	vmov s12  }
0x31c: {  	s0 =	simm.s32 $0x1;
	v0 =	vand.u32 $0x7C, v0  }
0x31d: {  	_ =	swait.ge [sflag:s21], $0x200;
	s11 =	simm.s32 $0x3;
	v1 =	vmov s0;
	v0 =	vbroadcast v0, $0x0  }
0x31e: {  	[sflag:s21] =	ssyncset.done $0x0;
	v2 =	vmov s11;
	v1 =	vand.u32 $0x7D, v1  }
0x31f: {  	[sflag:s21] =	ssyncadd.s32 $0xFFFFFE00;
	v2 =	vand.u32 $0x7F, v2;
	v1 =	vbroadcast v1, $0x0;
	v3 =	vor.u32 $0x100, v0  }
0x320: {  	[tilespmem:s22], [sflag:$0x4] =	stream.indirect.gather [hbm4b:s6+s14], $0x40, s20, s14, $0xb8;
	v2 =	vbroadcast v2, $0x0;
	[tilespmem:$0x1C2F8] =	vst v63  }
0x321: {  	s18 =	simm.s32 $0x2;
	_ =	swait.ge [sflag:s23], $0x2000;
	v4 =	vor.u32 $0x100, v1  }
0x322: {  	v5 =	vmov s18;
	[sflag:s23] =	ssyncset.done $0x0;
	v6 =	vor.u32 $0x100, v2  }
0x323: {  	v5 =	vand.u32 $0x7E, v5;
	v2 =	vor.u32 $0x180, v2;
	[sflag:s23] =	ssyncadd.s32 $0xFFFFE000  }
0x324: {  	s0 =	simm.s32 $0x880;
	v7 =	vld.idx.msk [tilespmem:v3+s4+$0x0], $0xffff;
	v3 =	vbroadcast v5, $0x0  }
0x325: {  	v1 =	vor.u32 $0x180, v1;
	v5 =	vld [tilespmem:s0+$0x40]  }
0x326: {  	v12 =	vld.idx.msk [tilespmem:v4+s4+$0x0], $0xffff;
	v4 =	vor.u32 $0x100, v3  }
0x327: {  	v13 =	vld.idx.msk [tilespmem:v6+s4+$0x0], $0xffff  }
0x328: {  	v2 =	vld.idx.msk [tilespmem:v2+s4+$0x0], $0xffff;
	v3 =	vor.u32 $0x180, v3  }
0x329: {  	v6 =	vld [tilespmem:s0+$0xFFFFFFC0]  }
0x32a: {  	v0 =	vor.u32 $0x180, v0;
	v1 =	vld.idx.msk [tilespmem:v1+s4+$0x0], $0xffff  }
0x32b: {  	v11 =	vld.idx.msk [tilespmem:v4+s4+$0x0], $0xffff  }
0x32c: {  	v8 =	vmul.f32 v13, v5;
	v4 =	vld [tilespmem:s0+$0x0]  }
0x32d: {  	s29 =	simm.s32 $0x4900;
	v9 =	vld.idx.msk [tilespmem:v3+s4+$0x0], $0xffff;
	v3 =	vmul.f32 v2, v5  }
0x32e: {  	v14 =	vmul.f32 v12, v6;
	v5 =	vld [tilespmem:s0+$0xFFFFFF80];
	[tilespmem:s29+$0x80] =	vst v8  }
0x32f: {  	v10 =	vld.idx.msk [tilespmem:v0+s4+$0x0], $0xffff;
	v0 =	vmul.f32 v1, v6;
	[tilespmem:s29+$0xC0] =	vst v3  }
0x330: {  	[tilespmem:s29+$0xFFFFFF80] =	vst v14;
	v3 =	vld [tilespmem:s0+$0x50]  }
0x331: {  	[tilespmem:s29+$0xFFFFFFC0] =	vst v0;
	v6 =	vmul.f32 v11, v4  }
0x332: {  	v0 =	vmul.f32 v9, v4;
	v4 =	vld [tilespmem:s0+$0xFFFFFFD0]  }
0x333: {  	v8 =	vmul.f32 v7, v5;
	[tilespmem:s29+$0x0] =	vst v6  }
0x334: {  	v5 =	vmul.f32 v10, v5;
	[tilespmem:s29+$0x40] =	vst v0  }
0x335: {  	s1 =	simm.s32 $0x4;
	[tilespmem:s29+$0xFFFFFF00] =	vst v8;
	v0 =	vld [tilespmem:s0+$0x10];
	v6 =	vmul.f32 v13, v3  }
0x336: {  	v8 =	vmov s1;
	[tilespmem:s29+$0xFFFFFF40] =	vst v5;
	v3 =	vmul.f32 v2, v3  }
0x337: {  	s31 =	simm.s32 $0x5;
	v5 =	vand.u32 $0x7C, v8;
	v8 =	vld [tilespmem:s0+$0xFFFFFF90];
	v14 =	vmul.f32 v12, v4;
	[tilespmem:s29+$0x90] =	vst v6  }
0x338: {  	v15 =	vbroadcast v5, $0x0;
	v5 =	vmov s31;
	v4 =	vmul.f32 v1, v4;
	[tilespmem:s29+$0xD0] =	vst v3  }
0x339: {  	v3 =	vand.u32 $0x7D, v5;
	v5 =	vld [tilespmem:s0+$0x60];
	[tilespmem:s29+$0xFFFFFF90] =	vst v14  }
0x33a: {  	v6 =	vor.u32 $0x100, v15;
	[tilespmem:s29+$0xFFFFFFD0] =	vst v4;
	v14 =	vmul.f32 v11, v0  }
0x33b: {  	v3 =	vbroadcast v3, $0x0;
	v0 =	vmul.f32 v9, v0;
	v16 =	vld [tilespmem:s0+$0xFFFFFFE0]  }
0x33c: {  	s11 =	simm.s32 $0x7;
	v17 =	vmul.f32 v7, v8;
	[tilespmem:s29+$0x10] =	vst v14  }
0x33d: {  	v4 =	vor.u32 $0x100, v3;
	v8 =	vmul.f32 v10, v8;
	[tilespmem:s29+$0x50] =	vst v0;
	v0 =	vmov s11  }
0x33e: {  	v3 =	vor.u32 $0x180, v3;
	[tilespmem:s29+$0xFFFFFF10] =	vst v17;
	v14 =	vld [tilespmem:s0+$0x20];
	v17 =	vand.u32 $0x7F, v0;
	v18 =	vmul.f32 v13, v5  }
0x33f: {  	s18 =	simm.s32 $0x6;
	[tilespmem:s29+$0xFFFFFF50] =	vst v8;
	v0 =	vld.idx.msk [tilespmem:v6+s4+$0x0], $0xffff;
	v5 =	vmul.f32 v2, v5;
	v6 =	vbroadcast v17, $0x0  }
0x340: {  	v8 =	vmov s18;
	s18 =	simm.s32 $0x980;
	v17 =	vld [tilespmem:s0+$0xFFFFFFA0];
	v19 =	vmul.f32 v12, v16;
	[tilespmem:s29+$0xA0] =	vst v18  }
0x341: {  	v8 =	vand.u32 $0x7E, v8;
	v22 =	vld [tilespmem:s18+$0x40];
	v16 =	vmul.f32 v1, v16;
	[tilespmem:s29+$0xE0] =	vst v5;
	v18 =	vor.u32 $0x100, v6  }
0x342: {  	v8 =	vbroadcast v8, $0x0;
	v6 =	vor.u32 $0x180, v6;
	[tilespmem:s29+$0xFFFFFFA0] =	vst v19;
	v19 =	vld [tilespmem:s0+$0x70]  }
0x343: {  	v5 =	vld.idx.msk [tilespmem:v3+s4+$0x0], $0xffff;
	[tilespmem:s29+$0xFFFFFFE0] =	vst v16;
	v3 =	vmul.f32 v11, v14  }
0x344: {  	v16 =	vor.u32 $0x100, v8;
	v14 =	vmul.f32 v9, v14;
	v20 =	vld [tilespmem:s0+$0xFFFFFFF0]  }
0x345: {  	v4 =	vld.idx.msk [tilespmem:v4+s4+$0x0], $0xffff;
	v21 =	vmul.f32 v7, v17;
	[tilespmem:s29+$0x20] =	vst v3  }
0x346: {  	v23 =	vor.u32 $0x180, v8;
	v3 =	vmul.f32 v10, v17;
	[tilespmem:s29+$0x60] =	vst v14;
	v8 =	vld.idx.msk [tilespmem:v18+s4+$0x0], $0xffff  }
0x347: {  	[tilespmem:s29+$0xFFFFFF20] =	vst v21;
	v6 =	vld.idx.msk [tilespmem:v6+s4+$0x0], $0xffff;
	v2 =	vmul.f32 v2, v19  }
0x348: {  	v14 =	vor.u32 $0x180, v15;
	v15 =	vld [tilespmem:s18+$0xFFFFFFC0];
	[tilespmem:s29+$0xFFFFFF60] =	vst v3;
	v13 =	vmul.f32 v13, v19  }
0x349: {  	v3 =	vld.idx.msk [tilespmem:v16+s4+$0x0], $0xffff;
	v12 =	vmul.f32 v12, v20;
	[tilespmem:s29+$0xF0] =	vst v2  }
0x34a: {  	v16 =	vld [tilespmem:s18+$0x0];
	v1 =	vmul.f32 v1, v20;
	[tilespmem:s29+$0xB0] =	vst v13  }
0x34b: {  	v2 =	vld.idx.msk [tilespmem:v23+s4+$0x0], $0xffff;
	[tilespmem:s29+$0xFFFFFFB0] =	vst v12;
	v12 =	vmul.f32 v8, v22  }
0x34c: {  	s11 =	simm.s32 $0x4B00;
	v13 =	vld [tilespmem:s18+$0xFFFFFF80];
	[tilespmem:s29+$0xFFFFFFF0] =	vst v1;
	v17 =	vmul.f32 v6, v22  }
0x34d: {  	v1 =	vld.idx.msk [tilespmem:v14+s4+$0x0], $0xffff;
	v14 =	vmul.f32 v4, v15;
	[tilespmem:s11+$0x80] =	vst v12  }
0x34e: {  	v18 =	vld [tilespmem:s0+$0x30];
	v12 =	vmul.f32 v5, v15;
	[tilespmem:s11+$0xC0] =	vst v17  }
0x34f: {  	s31 =	simm.s32 $0x8;
	[tilespmem:s11+$0xFFFFFF80] =	vst v14;
	v15 =	vmul.f32 v3, v16;
	v14 =	vld [tilespmem:s18+$0x50]  }
0x350: {  	v17 =	vmov s31;
	v16 =	vmul.f32 v2, v16;
	[tilespmem:s11+$0xFFFFFFC0] =	vst v12  }
0x351: {  	v17 =	vand.u32 $0x7C, v17;
	v12 =	vmul.f32 v0, v13;
	[tilespmem:s11+$0x0] =	vst v15;
	v19 =	vld [tilespmem:s18+$0xFFFFFFD0]  }
0x352: {  	s31 =	simm.s32 $0x9;
	v13 =	vmul.f32 v1, v13;
	v15 =	vbroadcast v17, $0x0;
	[tilespmem:s11+$0x40] =	vst v16  }
0x353: {  	v11 =	vmul.f32 v11, v18;
	[tilespmem:s11+$0xFFFFFF00] =	vst v12;
	v16 =	vld [tilespmem:s18+$0x10];
	v12 =	vmov s31  }
0x354: {  	v20 =	vor.u32 $0x100, v15;
	[tilespmem:s11+$0xFFFFFF40] =	vst v13;
	v15 =	vor.u32 $0x180, v15;
	v13 =	vmul.f32 v8, v14  }
0x355: {  	[tilespmem:s29+$0x30] =	vst v11;
	v12 =	vand.u32 $0x7D, v12;
	v21 =	vld [tilespmem:s18+$0xFFFFFF90];
	v14 =	vmul.f32 v6, v14  }
0x356: {  	s1 =	simm.s32 $0xA;
	v17 =	vld [tilespmem:s0+$0xFFFFFFB0];
	v11 =	vbroadcast v12, $0x0;
	v12 =	vmul.f32 v4, v19;
	[tilespmem:s11+$0x90] =	vst v13  }
0x357: {  	v23 =	vmov s1;
	v25 =	vmul.f32 v9, v18;
	v13 =	vmul.f32 v5, v19;
	[tilespmem:s11+$0xD0] =	vst v14  }
0x358: {  	v9 =	vand.u32 $0x7E, v23;
	v19 =	vor.u32 $0x100, v11;
	v14 =	vmul.f32 v3, v16;
	v22 =	vld [tilespmem:s18+$0x60];
	[tilespmem:s11+$0xFFFFFF90] =	vst v12  }
0x359: {  	v18 =	vbroadcast v9, $0x0;
	v24 =	vmul.f32 v2, v16;
	v9 =	vld.idx.msk [tilespmem:v15+s4+$0x0], $0xffff;
	[tilespmem:s11+$0xFFFFFFD0] =	vst v13  }
0x35a: {  	v15 =	vor.u32 $0x180, v11;
	v13 =	vmul.f32 v0, v21;
	v16 =	vld [tilespmem:s18+$0xFFFFFFE0];
	[tilespmem:s11+$0x10] =	vst v14  }
0x35b: {  	s31 =	simm.s32 $0xB;
	v12 =	vmul.f32 v7, v17;
	v7 =	vld.idx.msk [tilespmem:v20+s4+$0x0], $0xffff;
	v20 =	vmul.f32 v1, v21;
	[tilespmem:s11+$0x50] =	vst v24;
	v14 =	vor.u32 $0x100, v18  }
0x35c: {  	v10 =	vmul.f32 v10, v17;
	v21 =	vmov s31;
	[tilespmem:s11+$0xFFFFFF10] =	vst v13;
	v17 =	vld [tilespmem:s18+$0x20]  }
0x35d: {  	[tilespmem:s11+$0xFFFFFF50] =	vst v20;
	v13 =	vor.u32 $0x180, v18;
	v11 =	vld.idx.msk [tilespmem:v19+s4+$0x0], $0xffff;
	v19 =	vand.u32 $0x7F, v21;
	v20 =	vmul.f32 v8, v22  }
0x35e: {  	s30 =	simm.s32 $0xC;
	[tilespmem:s29+$0x70] =	vst v25;
	s0 =	simm.s32 $0x980;
	v18 =	vld [tilespmem:s18+$0xFFFFFFA0];
	v19 =	vbroadcast v19, $0x0;
	v21 =	vmul.f32 v6, v22  }
.LBB2_17:
0x35f: {  	p1 =	slt.u32 s30, $0x7C;
	v15 =	vld.idx.msk [tilespmem:v15+s4+$0x0], $0xffff;
	v22 =	vmul.f32 v4, v16;
	v16 =	vmul.f32 v5, v16;
	[tilespmem:s11+$0xA0] =	vst v20  }
0x360: {  	v14 =	vld.idx.msk [tilespmem:v14+s4+$0x0], $0xffff;
	v20 =	vor.u32 $0x100, v19;
	[tilespmem:s11+$0xE0] =	vst v21  }
0x361: {  	v19 =	vor.u32 $0x180, v19;
	[tilespmem:s11+$0xFFFFFFA0] =	vst v22;
	v21 =	vmul.f32 v3, v17;
	v17 =	vmul.f32 v2, v17;
	v22 =	vld [tilespmem:s18+$0x70]  }
0x362: {  	v13 =	vld.idx.msk [tilespmem:v13+s4+$0x0], $0xffff;
	[tilespmem:s11+$0xFFFFFFE0] =	vst v16  }
0x363: {  	s18 =	sadd.s32 $0x100, s18;
	v16 =	vmul.f32 v0, v18;
	v18 =	vmul.f32 v1, v18;
	v23 =	vld [tilespmem:s0+$0xFFFFFFF0];
	[tilespmem:s11+$0x20] =	vst v21  }
0x364: {  	v21 =	vld [tilespmem:s18+$0x40];
	[tilespmem:s11+$0x60] =	vst v17  }
0x365: {  	v17 =	vld.idx.msk [tilespmem:v20+s4+$0x0], $0xffff;
	[tilespmem:s11+$0xFFFFFF20] =	vst v16  }
0x366: {  	[tilespmem:s11+$0xFFFFFF60] =	vst v18;
	v8 =	vmul.f32 v8, v22;
	v16 =	vmul.f32 v6, v22;
	v6 =	vld.idx.msk [tilespmem:v19+s4+$0x0], $0xffff  }
0x367: {  	v18 =	vld [tilespmem:s18+$0xFFFFFF80];
	[tilespmem:s29+$0xFFFFFF30] =	vst v12  }
0x368: {  	v12 =	vld [tilespmem:s18+$0xFFFFFFC0];
	v19 =	vmul.f32 v4, v23;
	v20 =	vmul.f32 v5, v23;
	[tilespmem:s11+$0xF0] =	vst v16;
	v5 =	vmovc v15;
	v4 =	vmov v11  }
0x369: {  	v11 =	vld [tilespmem:s18+$0x0];
	[tilespmem:s11+$0xB0] =	vst v8  }
0x36a: {  	[tilespmem:s11+$0xFFFFFFB0] =	vst v19;
	v15 =	vld [tilespmem:s0+$0x30]  }
0x36b: {  	v16 =	vmul.f32 v17, v21;
	v8 =	vmov v17;
	v19 =	vld [tilespmem:s0+$0xFFFFFFB0];
	[tilespmem:s11+$0xFFFFFFF0] =	vst v20;
	s0 =	smov.u32 s18  }
0x36c: {  	v20 =	vmul.f32 v6, v21;
	v17 =	vmul.f32 v7, v18;
	[tilespmem:s29+$0xFFFFFF70] =	vst v10;
	s29 =	smov.u32 s11;
	s11 =	sadd.s32 $0x200, s11  }
0x36d: {  	v10 =	vmul.f32 v4, v12;
	v12 =	vmul.f32 v5, v12;
	[tilespmem:s11+$0x80] =	vst v16  }
0x36e: {  	v16 =	vmul.f32 v14, v11;
	v11 =	vmul.f32 v13, v11;
	[tilespmem:s11+$0xC0] =	vst v20  }
0x36f: {  	v18 =	vmul.f32 v9, v18;
	[tilespmem:s11+$0xFFFFFF80] =	vst v10;
	v20 =	vld [tilespmem:s18+$0x50];
	v21 =	vmul.f32 v3, v15;
	v3 =	vmov v14  }
0x370: {  	v10 =	vmov s30;
	v22 =	vmul.f32 v2, v15;
	v2 =	vmovc v13;
	[tilespmem:s11+$0xFFFFFFC0] =	vst v12;
	v12 =	vmul.f32 v0, v19;
	v0 =	vmovc v7  }
0x371: {  	v7 =	vand.u32 $0x7C, v10;
	v10 =	vmul.f32 v1, v19;
	v1 =	vmov v9;
	v13 =	vld [tilespmem:s18+$0xFFFFFFD0];
	[tilespmem:s11+$0x0] =	vst v16  }
0x372: {  	s1 =	sadd.s32 $0x1, s30;
	v7 =	vbroadcast v7, $0x0;
	[tilespmem:s11+$0x40] =	vst v11  }
0x373: {  	v9 =	vmov s1;
	[tilespmem:s11+$0xFFFFFF00] =	vst v17;
	v11 =	vld [tilespmem:s18+$0x10]  }
0x374: {  	s1 =	sadd.s32 $0x2, s30;
	v9 =	vand.u32 $0x7D, v9;
	v14 =	vor.u32 $0x100, v7;
	[tilespmem:s11+$0xFFFFFF40] =	vst v18;
	v15 =	vmul.f32 v8, v20  }
0x375: {  	v16 =	vmov s1;
	v9 =	vbroadcast v9, $0x0;
	v18 =	vmul.f32 v6, v20;
	v17 =	vld [tilespmem:s18+$0xFFFFFF90];
	[tilespmem:s29+$0x30] =	vst v21  }
0x376: {  	v19 =	vor.u32 $0x180, v7;
	v7 =	vmul.f32 v4, v13;
	v13 =	vmul.f32 v5, v13;
	[tilespmem:s11+$0x90] =	vst v15  }
0x377: {  	v15 =	vand.u32 $0x7E, v16;
	[tilespmem:s11+$0xD0] =	vst v18  }
0x378: {  	v18 =	vor.u32 $0x100, v9;
	[tilespmem:s11+$0xFFFFFF90] =	vst v7;
	v20 =	vmul.f32 v3, v11;
	v11 =	vmul.f32 v2, v11;
	v21 =	vld [tilespmem:s18+$0x60]  }
0x379: {  	v23 =	vbroadcast v15, $0x0;
	v7 =	vld.idx.msk [tilespmem:v14+s4+$0x0], $0xffff;
	[tilespmem:s11+$0xFFFFFFD0] =	vst v13  }
.Ltmp10:
0x37a: {  	v15 =	vor.u32 $0x180, v9;
	v13 =	vmul.f32 v0, v17;
	v24 =	vmul.f32 v1, v17;
	v16 =	vld [tilespmem:s18+$0xFFFFFFE0];
	[tilespmem:s11+$0x10] =	vst v20;
	(pc) =	sbr.rel @p1 .LBB2_17-.Ltmp10, $4  }
0x37b: {  	s1 =	sadd.s32 $0x3, s30;
	v14 =	vor.u32 $0x100, v23;
	v9 =	vld.idx.msk [tilespmem:v19+s4+$0x0], $0xffff;
	[tilespmem:s11+$0x50] =	vst v11  }
0x37c: {  	v19 =	vmov s1;
	[tilespmem:s11+$0xFFFFFF10] =	vst v13;
	v17 =	vld [tilespmem:s18+$0x20]  }
0x37d: {  	v13 =	vor.u32 $0x180, v23;
	v11 =	vld.idx.msk [tilespmem:v18+s4+$0x0], $0xffff;
	v18 =	vand.u32 $0x7F, v19;
	[tilespmem:s11+$0xFFFFFF50] =	vst v24;
	v20 =	vmul.f32 v8, v21  }
0x37e: {  	s30 =	sadd.s32 $0x4, s30;
	v21 =	vmul.f32 v6, v21;
	v19 =	vbroadcast v18, $0x0;
	v18 =	vld [tilespmem:s18+$0xFFFFFFA0];
	[tilespmem:s29+$0x70] =	vst v22  }
0x37f: {  	[tilespmem:s11+$0xA0] =	vst v20  }
0x380: {  	v22 =	vmul.f32 v4, v16;
	[tilespmem:s29+$0xFFFFFF30] =	vst v12  }
0x381: {  	v16 =	vmul.f32 v5, v16;
	[tilespmem:s11+$0xE0] =	vst v21;
	v20 =	vor.u32 $0x100, v19  }
0x382: {  	v19 =	vor.u32 $0x180, v19;
	[tilespmem:s11+$0xFFFFFFA0] =	vst v22;
	v22 =	vld [tilespmem:s18+$0x70]  }
0x383: {  	v15 =	vld.idx.msk [tilespmem:v15+s4+$0x0], $0xffff;
	v21 =	vmul.f32 v3, v17;
	v17 =	vmul.f32 v2, v17;
	[tilespmem:s11+$0xFFFFFFE0] =	vst v16  }
0x384: {  	s1 =	sadd.s32 $0x100, s18;
	[tilespmem:s29+$0xFFFFFF70] =	vst v10;
	v23 =	vld [tilespmem:s0+$0xFFFFFFF0];
	v16 =	vmul.f32 v0, v18  }
0x385: {  	v18 =	vmul.f32 v1, v18;
	[tilespmem:s11+$0x60] =	vst v17;
	v17 =	vld [tilespmem:s1+$0x40]  }
0x386: {  	[tilespmem:s11+$0xFFFFFF20] =	vst v16;
	v16 =	vld.idx.msk [tilespmem:v20+s4+$0x0], $0xffff  }
0x387: {  	[tilespmem:s11+$0xFFFFFF60] =	vst v18;
	v18 =	vld.idx.msk [tilespmem:v19+s4+$0x0], $0xffff;
	v6 =	vmul.f32 v6, v22  }
0x388: {  	v12 =	vld [tilespmem:s1+$0xFFFFFFC0];
	[tilespmem:s11+$0x20] =	vst v21;
	v8 =	vmul.f32 v8, v22  }
0x389: {  	v4 =	vmul.f32 v4, v23;
	[tilespmem:s11+$0xF0] =	vst v6;
	v6 =	vld.idx.msk [tilespmem:v14+s4+$0x0], $0xffff  }
0x38a: {  	v5 =	vmul.f32 v5, v23;
	[tilespmem:s11+$0xB0] =	vst v8;
	v8 =	vld [tilespmem:s1+$0x0]  }
0x38b: {  	[tilespmem:s11+$0xFFFFFFB0] =	vst v4;
	v4 =	vld.idx.msk [tilespmem:v13+s4+$0x0], $0xffff;
	v13 =	vmul.f32 v16, v17  }
0x38c: {  	s30 =	sadd.s32 $0x200, s11;
	[tilespmem:s11+$0xFFFFFFF0] =	vst v5;
	v5 =	vld [tilespmem:s1+$0xFFFFFF80];
	v14 =	vmul.f32 v18, v17  }
0x38d: {  	v10 =	vmul.f32 v11, v12;
	[tilespmem:s30+$0x80] =	vst v13  }
0x38e: {  	v12 =	vmul.f32 v15, v12;
	v13 =	vld [tilespmem:s0+$0x30];
	[tilespmem:s30+$0xC0] =	vst v14  }
0x38f: {  	[tilespmem:s30+$0xFFFFFF80] =	vst v10;
	v14 =	vmul.f32 v6, v8;
	v10 =	vld [tilespmem:s1+$0x50]  }
0x390: {  	[tilespmem:s30+$0xFFFFFFC0] =	vst v12;
	v8 =	vmul.f32 v4, v8  }
0x391: {  	v17 =	vld [tilespmem:s1+$0xFFFFFFD0];
	v12 =	vmul.f32 v7, v5;
	[tilespmem:s30+$0x0] =	vst v14  }
0x392: {  	v5 =	vmul.f32 v9, v5;
	[tilespmem:s30+$0x40] =	vst v8  }
0x393: {  	[tilespmem:s30+$0xFFFFFF00] =	vst v12;
	v3 =	vmul.f32 v3, v13;
	v8 =	vld [tilespmem:s1+$0x10]  }
0x394: {  	[tilespmem:s30+$0xFFFFFF40] =	vst v5;
	v5 =	vmul.f32 v16, v10  }
0x395: {  	v12 =	vld [tilespmem:s1+$0xFFFFFF90];
	v10 =	vmul.f32 v18, v10;
	[tilespmem:s11+$0x30] =	vst v3  }
0x396: {  	v3 =	vmul.f32 v11, v17;
	[tilespmem:s30+$0x90] =	vst v5  }
0x397: {  	v5 =	vmul.f32 v15, v17;
	[tilespmem:s30+$0xD0] =	vst v10  }
0x398: {  	[tilespmem:s30+$0xFFFFFF90] =	vst v3;
	v10 =	vld [tilespmem:s1+$0x60];
	v3 =	vmul.f32 v6, v8  }
0x399: {  	v8 =	vmul.f32 v4, v8;
	[tilespmem:s30+$0xFFFFFFD0] =	vst v5  }
0x39a: {  	v5 =	vmul.f32 v7, v12;
	v14 =	vld [tilespmem:s1+$0xFFFFFFE0];
	[tilespmem:s30+$0x10] =	vst v3  }
0x39b: {  	v3 =	vmul.f32 v9, v12;
	[tilespmem:s30+$0x50] =	vst v8  }
0x39c: {  	v2 =	vmul.f32 v2, v13;
	[tilespmem:s30+$0xFFFFFF10] =	vst v5;
	v5 =	vld [tilespmem:s1+$0x20]  }
0x39d: {  	[tilespmem:s30+$0xFFFFFF50] =	vst v3;
	v3 =	vmul.f32 v16, v10  }
0x39e: {  	[tilespmem:s11+$0x70] =	vst v2;
	v10 =	vmul.f32 v18, v10;
	v8 =	vld [tilespmem:s1+$0xFFFFFFA0]  }
0x39f: {  	v2 =	vmul.f32 v11, v14;
	[tilespmem:s30+$0xA0] =	vst v3  }
0x3a0: {  	v3 =	vld [tilespmem:s0+$0xFFFFFFB0];
	v12 =	vmul.f32 v15, v14;
	[tilespmem:s30+$0xE0] =	vst v10  }
0x3a1: {  	v10 =	vld [tilespmem:s1+$0x70];
	[tilespmem:s30+$0xFFFFFFA0] =	vst v2;
	v2 =	vmul.f32 v6, v5  }
0x3a2: {  	v5 =	vmul.f32 v4, v5;
	[tilespmem:s30+$0xFFFFFFE0] =	vst v12  }
0x3a3: {  	v12 =	vmul.f32 v7, v8;
	[tilespmem:s30+$0x20] =	vst v2  }
0x3a4: {  	v13 =	vld [tilespmem:s1+$0xFFFFFFF0];
	v2 =	vmul.f32 v9, v8;
	[tilespmem:s30+$0x60] =	vst v5  }
0x3a5: {  	v0 =	vmul.f32 v0, v3;
	[tilespmem:s30+$0xFFFFFF20] =	vst v12  }
0x3a6: {  	v5 =	vld [tilespmem:s1+$0x30];
	[tilespmem:s30+$0xFFFFFF60] =	vst v2;
	v2 =	vmul.f32 v18, v10  }
0x3a7: {  	v1 =	vmul.f32 v1, v3;
	[tilespmem:s11+$0xFFFFFF30] =	vst v0  }
0x3a8: {  	v8 =	vmul.f32 v16, v10;
	[tilespmem:s30+$0xF0] =	vst v2;
	v2 =	vld [tilespmem:s1+$0xFFFFFFB0]  }
0x3a9: {  	[tilespmem:s11+$0xFFFFFF70] =	vst v1;
	v0 =	vmul.f32 v11, v13  }
0x3aa: {  	v10 =	vmul.f32 v15, v13;
	[tilespmem:s30+$0xB0] =	vst v8  }
0x3ab: {  	[tilespmem:s30+$0xFFFFFFB0] =	vst v0;
	v0 =	vmul.f32 v6, v5  }
0x3ac: {  	[tilespmem:s30+$0xFFFFFFF0] =	vst v10;
	v1 =	vmul.f32 v4, v5  }
0x3ad: {  	[tilespmem:s30+$0x30] =	vst v0;
	v3 =	vmul.f32 v7, v2  }
0x3ae: {  	[tilespmem:s30+$0x70] =	vst v1;
	v0 =	vmul.f32 v9, v2  }
0x3af: {  	s18 =	simm.s32 $0x0;
	[tilespmem:s30+$0xFFFFFF30] =	vst v3  }
0x3b0: {  	s29 =	sshll.u32 s15, $0xA;
	p1 =	seq.s32 s15, $0x27;
	s1 =	simm.s32 $0x1;
	[tilespmem:s30+$0xFFFFFF70] =	vst v0;
	v0 =	vmov s18  }
0x3b1: {  	v1 =	vmov s1;
	[spmem:s2] =	stream.indirect.scatter.add.f32 [tilespmem:s25], [sflag:$0x6], $0x80, s14, s14, $0xb8;
	v0 =	vand.u32 $0x7C, v0;
	[tilespmem:$0x1C2F8] =	vst v63  }
0x3b2: {  	s0 =	sadd.s32 @!p1 s29, s16;
	s1 =	simm.s32 $0x3;
	v1 =	vand.u32 $0x7D, v1;
	_ =	swait.ge [sflag:s10], $0x4000;
	v0 =	vbroadcast v0, $0x0  }
0x3b3: {  	s0 =	sshrl.u32 @!p1 s0, $0x3;
	v2 =	vmov s1;
	v1 =	vbroadcast v1, $0x0;
	[sflag:s10] =	ssyncset.done $0x0  }
0x3b4: {  	s0 =	sadd.s32 @!p1 s9, s0;
	s1 =	simm.s32 @!p1 $0x0;
	v2 =	vand.u32 $0x7F, v2;
	[sflag:s10] =	ssyncadd.s32 $0xFFFFC000;
	v3 =	vor.u32 $0x100, v0  }
0x3b5: {  	v2 =	vbroadcast v2, $0x0;
	v4 =	vor.u32 $0x100, v1;
	[tilespmem:s1], [sflag:$0x1] =	stream.linear.gather @!p1 [hbm4b:s0+s1], $0x200, $0x38;
	[tilespmem:$0x1C2F8] =	vst v63  }
0x3b6: {  	s11 =	simm.s32 $0x2;
	_ =	swait.ge [sflag:s26], $0x2000  }
0x3b7: {  	v5 =	vmov s11;
	v6 =	vor.u32 $0x100, v2;
	[sflag:s26] =	ssyncset.done $0x0  }
0x3b8: {  	v5 =	vand.u32 $0x7E, v5;
	v2 =	vor.u32 $0x180, v2;
	[sflag:s26] =	ssyncadd.s32 $0xFFFFE000  }
0x3b9: {  	v7 =	vld.idx.msk [tilespmem:v3+s20+$0x0], $0xffff;
	v3 =	vbroadcast v5, $0x0  }
0x3ba: {  	v1 =	vor.u32 $0x180, v1;
	s0 =	simm.s32 $0x2880;
	v12 =	vld.idx.msk [tilespmem:v4+s20+$0x0], $0xffff  }
0x3bb: {  	v5 =	vld [tilespmem:s0+$0x40];
	v4 =	vor.u32 $0x100, v3  }
0x3bc: {  	v13 =	vld.idx.msk [tilespmem:v6+s20+$0x0], $0xffff  }
0x3bd: {  	v2 =	vld.idx.msk [tilespmem:v2+s20+$0x0], $0xffff;
	v3 =	vor.u32 $0x180, v3  }
0x3be: {  	v6 =	vld [tilespmem:s0+$0xFFFFFFC0]  }
0x3bf: {  	v0 =	vor.u32 $0x180, v0;
	v1 =	vld.idx.msk [tilespmem:v1+s20+$0x0], $0xffff  }
0x3c0: {  	v11 =	vld.idx.msk [tilespmem:v4+s20+$0x0], $0xffff  }
0x3c1: {  	v8 =	vmul.f32 v13, v5;
	v4 =	vld [tilespmem:s0+$0x0]  }
0x3c2: {  	s11 =	simm.s32 $0x4900;
	v9 =	vld.idx.msk [tilespmem:v3+s20+$0x0], $0xffff;
	v3 =	vmul.f32 v2, v5  }
0x3c3: {  	v14 =	vmul.f32 v12, v6;
	v5 =	vld [tilespmem:s0+$0xFFFFFF80];
	[tilespmem:s11+$0x80] =	vst v8  }
0x3c4: {  	v10 =	vld.idx.msk [tilespmem:v0+s20+$0x0], $0xffff;
	v0 =	vmul.f32 v1, v6;
	[tilespmem:s11+$0xC0] =	vst v3  }
0x3c5: {  	[tilespmem:s11+$0xFFFFFF80] =	vst v14;
	v3 =	vld [tilespmem:s0+$0x50]  }
0x3c6: {  	[tilespmem:s11+$0xFFFFFFC0] =	vst v0;
	v6 =	vmul.f32 v11, v4  }
0x3c7: {  	v0 =	vmul.f32 v9, v4;
	v4 =	vld [tilespmem:s0+$0xFFFFFFD0]  }
0x3c8: {  	v8 =	vmul.f32 v7, v5;
	[tilespmem:s11+$0x0] =	vst v6  }
0x3c9: {  	v5 =	vmul.f32 v10, v5;
	[tilespmem:s11+$0x40] =	vst v0  }
0x3ca: {  	s18 =	simm.s32 $0x4;
	[tilespmem:s11+$0xFFFFFF00] =	vst v8;
	v0 =	vld [tilespmem:s0+$0x10];
	v6 =	vmul.f32 v13, v3  }
0x3cb: {  	v8 =	vmov s18;
	[tilespmem:s11+$0xFFFFFF40] =	vst v5;
	v3 =	vmul.f32 v2, v3  }
0x3cc: {  	s18 =	simm.s32 $0x5;
	v5 =	vand.u32 $0x7C, v8;
	v8 =	vld [tilespmem:s0+$0xFFFFFF90];
	v14 =	vmul.f32 v12, v4;
	[tilespmem:s11+$0x90] =	vst v6  }
0x3cd: {  	v15 =	vbroadcast v5, $0x0;
	v5 =	vmov s18;
	v4 =	vmul.f32 v1, v4;
	[tilespmem:s11+$0xD0] =	vst v3  }
0x3ce: {  	v3 =	vand.u32 $0x7D, v5;
	v5 =	vld [tilespmem:s0+$0x60];
	[tilespmem:s11+$0xFFFFFF90] =	vst v14  }
0x3cf: {  	v6 =	vor.u32 $0x100, v15;
	[tilespmem:s11+$0xFFFFFFD0] =	vst v4;
	v14 =	vmul.f32 v11, v0  }
0x3d0: {  	v3 =	vbroadcast v3, $0x0;
	v0 =	vmul.f32 v9, v0;
	v16 =	vld [tilespmem:s0+$0xFFFFFFE0]  }
0x3d1: {  	s18 =	simm.s32 $0x7;
	v17 =	vmul.f32 v7, v8;
	[tilespmem:s11+$0x10] =	vst v14  }
0x3d2: {  	v4 =	vor.u32 $0x100, v3;
	v8 =	vmul.f32 v10, v8;
	[tilespmem:s11+$0x50] =	vst v0;
	v0 =	vmov s18  }
0x3d3: {  	v3 =	vor.u32 $0x180, v3;
	[tilespmem:s11+$0xFFFFFF10] =	vst v17;
	v14 =	vld [tilespmem:s0+$0x20];
	v17 =	vand.u32 $0x7F, v0;
	v18 =	vmul.f32 v13, v5  }
0x3d4: {  	s18 =	simm.s32 $0x6;
	[tilespmem:s11+$0xFFFFFF50] =	vst v8;
	v0 =	vld.idx.msk [tilespmem:v6+s20+$0x0], $0xffff;
	v5 =	vmul.f32 v2, v5;
	v6 =	vbroadcast v17, $0x0  }
0x3d5: {  	v8 =	vmov s18;
	s18 =	simm.s32 $0x2980;
	v17 =	vld [tilespmem:s0+$0xFFFFFFA0];
	v19 =	vmul.f32 v12, v16;
	[tilespmem:s11+$0xA0] =	vst v18  }
0x3d6: {  	v8 =	vand.u32 $0x7E, v8;
	v22 =	vld [tilespmem:s18+$0x40];
	v16 =	vmul.f32 v1, v16;
	[tilespmem:s11+$0xE0] =	vst v5;
	v18 =	vor.u32 $0x100, v6  }
0x3d7: {  	v8 =	vbroadcast v8, $0x0;
	v6 =	vor.u32 $0x180, v6;
	[tilespmem:s11+$0xFFFFFFA0] =	vst v19;
	v19 =	vld [tilespmem:s0+$0x70]  }
0x3d8: {  	v5 =	vld.idx.msk [tilespmem:v3+s20+$0x0], $0xffff;
	[tilespmem:s11+$0xFFFFFFE0] =	vst v16;
	v3 =	vmul.f32 v11, v14  }
0x3d9: {  	v16 =	vor.u32 $0x100, v8;
	v14 =	vmul.f32 v9, v14;
	v20 =	vld [tilespmem:s0+$0xFFFFFFF0]  }
0x3da: {  	v4 =	vld.idx.msk [tilespmem:v4+s20+$0x0], $0xffff;
	v21 =	vmul.f32 v7, v17;
	[tilespmem:s11+$0x20] =	vst v3  }
0x3db: {  	v23 =	vor.u32 $0x180, v8;
	v3 =	vmul.f32 v10, v17;
	[tilespmem:s11+$0x60] =	vst v14;
	v8 =	vld.idx.msk [tilespmem:v18+s20+$0x0], $0xffff  }
0x3dc: {  	[tilespmem:s11+$0xFFFFFF20] =	vst v21;
	v6 =	vld.idx.msk [tilespmem:v6+s20+$0x0], $0xffff;
	v2 =	vmul.f32 v2, v19  }
0x3dd: {  	v14 =	vor.u32 $0x180, v15;
	v15 =	vld [tilespmem:s18+$0xFFFFFFC0];
	[tilespmem:s11+$0xFFFFFF60] =	vst v3;
	v13 =	vmul.f32 v13, v19  }
0x3de: {  	v3 =	vld.idx.msk [tilespmem:v16+s20+$0x0], $0xffff;
	v12 =	vmul.f32 v12, v20;
	[tilespmem:s11+$0xF0] =	vst v2  }
0x3df: {  	v16 =	vld [tilespmem:s18+$0x0];
	v1 =	vmul.f32 v1, v20;
	[tilespmem:s11+$0xB0] =	vst v13  }
0x3e0: {  	v2 =	vld.idx.msk [tilespmem:v23+s20+$0x0], $0xffff;
	[tilespmem:s11+$0xFFFFFFB0] =	vst v12;
	v12 =	vmul.f32 v8, v22  }
0x3e1: {  	s30 =	simm.s32 $0x4B00;
	v13 =	vld [tilespmem:s18+$0xFFFFFF80];
	[tilespmem:s11+$0xFFFFFFF0] =	vst v1;
	v17 =	vmul.f32 v6, v22  }
0x3e2: {  	v1 =	vld.idx.msk [tilespmem:v14+s20+$0x0], $0xffff;
	v14 =	vmul.f32 v4, v15;
	[tilespmem:s30+$0x80] =	vst v12  }
0x3e3: {  	v18 =	vld [tilespmem:s0+$0x30];
	v12 =	vmul.f32 v5, v15;
	[tilespmem:s30+$0xC0] =	vst v17  }
0x3e4: {  	s1 =	simm.s32 $0x8;
	[tilespmem:s30+$0xFFFFFF80] =	vst v14;
	v15 =	vmul.f32 v3, v16;
	v14 =	vld [tilespmem:s18+$0x50]  }
0x3e5: {  	v17 =	vmov s1;
	v16 =	vmul.f32 v2, v16;
	[tilespmem:s30+$0xFFFFFFC0] =	vst v12  }
0x3e6: {  	v17 =	vand.u32 $0x7C, v17;
	v12 =	vmul.f32 v0, v13;
	[tilespmem:s30+$0x0] =	vst v15;
	v19 =	vld [tilespmem:s18+$0xFFFFFFD0]  }
0x3e7: {  	s1 =	simm.s32 $0x9;
	v13 =	vmul.f32 v1, v13;
	v15 =	vbroadcast v17, $0x0;
	[tilespmem:s30+$0x40] =	vst v16  }
0x3e8: {  	v11 =	vmul.f32 v11, v18;
	[tilespmem:s30+$0xFFFFFF00] =	vst v12;
	v16 =	vld [tilespmem:s18+$0x10];
	v12 =	vmov s1  }
0x3e9: {  	v20 =	vor.u32 $0x100, v15;
	[tilespmem:s30+$0xFFFFFF40] =	vst v13;
	v15 =	vor.u32 $0x180, v15;
	v13 =	vmul.f32 v8, v14  }
0x3ea: {  	[tilespmem:s11+$0x30] =	vst v11;
	v12 =	vand.u32 $0x7D, v12;
	v21 =	vld [tilespmem:s18+$0xFFFFFF90];
	v14 =	vmul.f32 v6, v14  }
0x3eb: {  	v17 =	vld [tilespmem:s0+$0xFFFFFFB0];
	s1 =	simm.s32 $0xA;
	v11 =	vbroadcast v12, $0x0;
	v12 =	vmul.f32 v4, v19;
	[tilespmem:s30+$0x90] =	vst v13  }
0x3ec: {  	v25 =	vmul.f32 v9, v18;
	v23 =	vmov s1;
	v13 =	vmul.f32 v5, v19;
	[tilespmem:s30+$0xD0] =	vst v14  }
0x3ed: {  	v9 =	vand.u32 $0x7E, v23;
	v19 =	vor.u32 $0x100, v11;
	v14 =	vmul.f32 v3, v16;
	v22 =	vld [tilespmem:s18+$0x60];
	[tilespmem:s30+$0xFFFFFF90] =	vst v12  }
0x3ee: {  	v18 =	vbroadcast v9, $0x0;
	v24 =	vmul.f32 v2, v16;
	v9 =	vld.idx.msk [tilespmem:v15+s20+$0x0], $0xffff;
	[tilespmem:s30+$0xFFFFFFD0] =	vst v13  }
0x3ef: {  	v15 =	vor.u32 $0x180, v11;
	v13 =	vmul.f32 v0, v21;
	v16 =	vld [tilespmem:s18+$0xFFFFFFE0];
	[tilespmem:s30+$0x10] =	vst v14  }
0x3f0: {  	s1 =	simm.s32 $0xB;
	v12 =	vmul.f32 v7, v17;
	v7 =	vld.idx.msk [tilespmem:v20+s20+$0x0], $0xffff;
	v20 =	vmul.f32 v1, v21;
	[tilespmem:s30+$0x50] =	vst v24;
	v14 =	vor.u32 $0x100, v18  }
0x3f1: {  	v10 =	vmul.f32 v10, v17;
	v21 =	vmov s1;
	[tilespmem:s30+$0xFFFFFF10] =	vst v13;
	v17 =	vld [tilespmem:s18+$0x20]  }
0x3f2: {  	[tilespmem:s30+$0xFFFFFF50] =	vst v20;
	v13 =	vor.u32 $0x180, v18;
	v11 =	vld.idx.msk [tilespmem:v19+s20+$0x0], $0xffff;
	v19 =	vand.u32 $0x7F, v21;
	v20 =	vmul.f32 v8, v22  }
0x3f3: {  	s31 =	simm.s32 $0xC;
	[tilespmem:s11+$0x70] =	vst v25;
	s0 =	simm.s32 $0x2980;
	v18 =	vld [tilespmem:s18+$0xFFFFFFA0];
	v19 =	vbroadcast v19, $0x0;
	v21 =	vmul.f32 v6, v22  }
.LBB2_19:
0x3f4: {  	p2 =	slt.u32 s31, $0x7C;
	v15 =	vld.idx.msk [tilespmem:v15+s20+$0x0], $0xffff;
	v22 =	vmul.f32 v4, v16;
	v16 =	vmul.f32 v5, v16;
	[tilespmem:s30+$0xA0] =	vst v20  }
0x3f5: {  	v14 =	vld.idx.msk [tilespmem:v14+s20+$0x0], $0xffff;
	v20 =	vor.u32 $0x100, v19;
	[tilespmem:s30+$0xE0] =	vst v21  }
0x3f6: {  	v19 =	vor.u32 $0x180, v19;
	[tilespmem:s30+$0xFFFFFFA0] =	vst v22;
	v21 =	vmul.f32 v3, v17;
	v17 =	vmul.f32 v2, v17;
	v22 =	vld [tilespmem:s18+$0x70]  }
0x3f7: {  	v13 =	vld.idx.msk [tilespmem:v13+s20+$0x0], $0xffff;
	[tilespmem:s30+$0xFFFFFFE0] =	vst v16  }
0x3f8: {  	s18 =	sadd.s32 $0x100, s18;
	v16 =	vmul.f32 v0, v18;
	v18 =	vmul.f32 v1, v18;
	v23 =	vld [tilespmem:s0+$0xFFFFFFF0];
	[tilespmem:s30+$0x20] =	vst v21  }
0x3f9: {  	v21 =	vld [tilespmem:s18+$0x40];
	[tilespmem:s30+$0x60] =	vst v17  }
0x3fa: {  	v17 =	vld.idx.msk [tilespmem:v20+s20+$0x0], $0xffff;
	[tilespmem:s30+$0xFFFFFF20] =	vst v16  }
0x3fb: {  	[tilespmem:s30+$0xFFFFFF60] =	vst v18;
	v8 =	vmul.f32 v8, v22;
	v16 =	vmul.f32 v6, v22;
	v6 =	vld.idx.msk [tilespmem:v19+s20+$0x0], $0xffff  }
0x3fc: {  	v18 =	vld [tilespmem:s18+$0xFFFFFF80];
	[tilespmem:s11+$0xFFFFFF30] =	vst v12  }
0x3fd: {  	v12 =	vld [tilespmem:s18+$0xFFFFFFC0];
	v19 =	vmul.f32 v4, v23;
	v20 =	vmul.f32 v5, v23;
	[tilespmem:s30+$0xF0] =	vst v16;
	v5 =	vmovc v15;
	v4 =	vmov v11  }
0x3fe: {  	v11 =	vld [tilespmem:s18+$0x0];
	[tilespmem:s30+$0xB0] =	vst v8  }
0x3ff: {  	[tilespmem:s30+$0xFFFFFFB0] =	vst v19;
	v15 =	vld [tilespmem:s0+$0x30]  }
0x400: {  	v16 =	vmul.f32 v17, v21;
	v8 =	vmov v17;
	v19 =	vld [tilespmem:s0+$0xFFFFFFB0];
	[tilespmem:s30+$0xFFFFFFF0] =	vst v20;
	s0 =	smov.u32 s18  }
0x401: {  	v20 =	vmul.f32 v6, v21;
	v17 =	vmul.f32 v7, v18;
	[tilespmem:s11+$0xFFFFFF70] =	vst v10;
	s11 =	smov.u32 s30;
	s30 =	sadd.s32 $0x200, s30  }
0x402: {  	v10 =	vmul.f32 v4, v12;
	v12 =	vmul.f32 v5, v12;
	[tilespmem:s30+$0x80] =	vst v16  }
0x403: {  	v16 =	vmul.f32 v14, v11;
	v11 =	vmul.f32 v13, v11;
	[tilespmem:s30+$0xC0] =	vst v20  }
0x404: {  	v18 =	vmul.f32 v9, v18;
	[tilespmem:s30+$0xFFFFFF80] =	vst v10;
	v20 =	vld [tilespmem:s18+$0x50];
	v21 =	vmul.f32 v3, v15;
	v3 =	vmov v14  }
0x405: {  	v10 =	vmov s31;
	v22 =	vmul.f32 v2, v15;
	v2 =	vmovc v13;
	[tilespmem:s30+$0xFFFFFFC0] =	vst v12;
	v12 =	vmul.f32 v0, v19;
	v0 =	vmovc v7  }
0x406: {  	v7 =	vand.u32 $0x7C, v10;
	v10 =	vmul.f32 v1, v19;
	v1 =	vmov v9;
	v13 =	vld [tilespmem:s18+$0xFFFFFFD0];
	[tilespmem:s30+$0x0] =	vst v16  }
0x407: {  	s1 =	sadd.s32 $0x1, s31;
	v7 =	vbroadcast v7, $0x0;
	[tilespmem:s30+$0x40] =	vst v11  }
0x408: {  	v9 =	vmov s1;
	[tilespmem:s30+$0xFFFFFF00] =	vst v17;
	v11 =	vld [tilespmem:s18+$0x10]  }
0x409: {  	s1 =	sadd.s32 $0x2, s31;
	v9 =	vand.u32 $0x7D, v9;
	v14 =	vor.u32 $0x100, v7;
	[tilespmem:s30+$0xFFFFFF40] =	vst v18;
	v15 =	vmul.f32 v8, v20  }
0x40a: {  	v16 =	vmov s1;
	v9 =	vbroadcast v9, $0x0;
	v18 =	vmul.f32 v6, v20;
	v17 =	vld [tilespmem:s18+$0xFFFFFF90];
	[tilespmem:s11+$0x30] =	vst v21  }
0x40b: {  	v19 =	vor.u32 $0x180, v7;
	v7 =	vmul.f32 v4, v13;
	v13 =	vmul.f32 v5, v13;
	[tilespmem:s30+$0x90] =	vst v15  }
0x40c: {  	v15 =	vand.u32 $0x7E, v16;
	[tilespmem:s30+$0xD0] =	vst v18  }
0x40d: {  	v18 =	vor.u32 $0x100, v9;
	[tilespmem:s30+$0xFFFFFF90] =	vst v7;
	v20 =	vmul.f32 v3, v11;
	v11 =	vmul.f32 v2, v11;
	v21 =	vld [tilespmem:s18+$0x60]  }
0x40e: {  	v23 =	vbroadcast v15, $0x0;
	v7 =	vld.idx.msk [tilespmem:v14+s20+$0x0], $0xffff;
	[tilespmem:s30+$0xFFFFFFD0] =	vst v13  }
.Ltmp11:
0x40f: {  	v15 =	vor.u32 $0x180, v9;
	v13 =	vmul.f32 v0, v17;
	v24 =	vmul.f32 v1, v17;
	v16 =	vld [tilespmem:s18+$0xFFFFFFE0];
	[tilespmem:s30+$0x10] =	vst v20;
	(pc) =	sbr.rel @p2 .LBB2_19-.Ltmp11, $4  }
0x410: {  	s1 =	sadd.s32 $0x3, s31;
	v14 =	vor.u32 $0x100, v23;
	v9 =	vld.idx.msk [tilespmem:v19+s20+$0x0], $0xffff;
	[tilespmem:s30+$0x50] =	vst v11  }
0x411: {  	v19 =	vmov s1;
	[tilespmem:s30+$0xFFFFFF10] =	vst v13;
	v17 =	vld [tilespmem:s18+$0x20]  }
0x412: {  	v13 =	vor.u32 $0x180, v23;
	v11 =	vld.idx.msk [tilespmem:v18+s20+$0x0], $0xffff;
	v18 =	vand.u32 $0x7F, v19;
	[tilespmem:s30+$0xFFFFFF50] =	vst v24;
	v20 =	vmul.f32 v8, v21  }
0x413: {  	s31 =	sadd.s32 $0x4, s31;
	v21 =	vmul.f32 v6, v21;
	v19 =	vbroadcast v18, $0x0;
	v18 =	vld [tilespmem:s18+$0xFFFFFFA0];
	[tilespmem:s11+$0x70] =	vst v22  }
0x414: {  	[tilespmem:s30+$0xA0] =	vst v20  }
0x415: {  	[tilespmem:s11+$0xFFFFFF30] =	vst v12  }
0x416: {  	v22 =	vmul.f32 v4, v16;
	s1 =	sadd.s32 $0x100, s18;
	[tilespmem:s11+$0xFFFFFF70] =	vst v10  }
0x417: {  	v53 =	vmul.f32 v5, v16;
	[tilespmem:s30+$0xE0] =	vst v21;
	v54 =	vor.u32 $0x100, v19;
	v57 =	vor.u32 $0x180, v19;
	v19 =	vld [tilespmem:s1+$0xFFFFFFC0]  }
0x418: {  	v15 =	vld.idx.msk [tilespmem:v15+s20+$0x0], $0xffff;
	[tilespmem:s30+$0xFFFFFFA0] =	vst v22;
	v55 =	vmul.f32 v3, v17  }
0x419: {  	v26 =	vld [tilespmem:s1+$0xFFFFFF80];
	v58 =	vmul.f32 v2, v17;
	[tilespmem:s30+$0xFFFFFFE0] =	vst v53  }
0x41a: {  	v56 =	vld [tilespmem:s18+$0x70];
	v59 =	vmul.f32 v0, v18;
	[tilespmem:s30+$0x20] =	vst v55  }
0x41b: {  	v60 =	vmul.f32 v1, v18;
	[tilespmem:s30+$0x60] =	vst v58  }
0x41c: {  	v23 =	vld [tilespmem:s0+$0xFFFFFFF0];
	[tilespmem:s30+$0xFFFFFF20] =	vst v59;
	v28 =	vmul.f32 v11, v19  }
0x41d: {  	s31 =	sadd.s32 $0x200, s30;
	v61 =	vld [tilespmem:s1+$0x40];
	[tilespmem:s30+$0xFFFFFF60] =	vst v60;
	v12 =	vmul.f32 v15, v19  }
0x41e: {  	v62 =	vld.idx.msk [tilespmem:v54+s20+$0x0], $0xffff;
	v32 =	vmul.f32 v7, v26;
	[tilespmem:s31+$0xFFFFFF80] =	vst v28  }
0x41f: {  	v63 =	vld.idx.msk [tilespmem:v57+s20+$0x0], $0xffff;
	v6 =	vmul.f32 v6, v56;
	[tilespmem:s31+$0xFFFFFFC0] =	vst v12  }
0x420: {  	v21 =	vld.idx.msk [tilespmem:v14+s20+$0x0], $0xffff;
	v8 =	vmul.f32 v8, v56;
	[tilespmem:s31+$0xFFFFFF00] =	vst v32  }
0x421: {  	v29 =	vld [tilespmem:s0+$0x30];
	v20 =	vmul.f32 v4, v23;
	[tilespmem:s30+$0xF0] =	vst v6  }
0x422: {  	v22 =	vmul.f32 v5, v23;
	v23 =	vld [tilespmem:s1+$0x0];
	[tilespmem:s30+$0xB0] =	vst v8  }
0x423: {  	v24 =	vld.idx.msk [tilespmem:v13+s20+$0x0], $0xffff;
	[tilespmem:s30+$0xFFFFFFB0] =	vst v20;
	v25 =	vmul.f32 v62, v61  }
0x424: {  	[tilespmem:s30+$0xFFFFFFF0] =	vst v22;
	v27 =	vmul.f32 v63, v61  }
0x425: {  	v5 =	vmul.f32 v9, v26;
	v33 =	vld [tilespmem:s1+$0xFFFFFFD0];
	[tilespmem:s31+$0x80] =	vst v25  }
0x426: {  	v34 =	vmul.f32 v3, v29;
	[tilespmem:s31+$0xC0] =	vst v27  }
0x427: {  	[tilespmem:s31+$0xFFFFFF40] =	vst v5;
	v30 =	vmul.f32 v21, v23;
	v31 =	vld [tilespmem:s1+$0x50]  }
0x428: {  	[tilespmem:s30+$0x30] =	vst v34;
	v8 =	vmul.f32 v24, v23  }
0x429: {  	v42 =	vmul.f32 v2, v29;
	v12 =	vld [tilespmem:s1+$0xFFFFFF90];
	[tilespmem:s31+$0x0] =	vst v30  }
0x42a: {  	v36 =	vmul.f32 v11, v33;
	[tilespmem:s31+$0x40] =	vst v8  }
0x42b: {  	[tilespmem:s30+$0x70] =	vst v42;
	v37 =	vmul.f32 v15, v33;
	v8 =	vld [tilespmem:s1+$0x10]  }
0x42c: {  	[tilespmem:s31+$0xFFFFFF90] =	vst v36;
	v35 =	vmul.f32 v62, v31  }
0x42d: {  	v47 =	vld [tilespmem:s0+$0xFFFFFFB0];
	[tilespmem:s31+$0xFFFFFFD0] =	vst v37;
	v10 =	vmul.f32 v63, v31  }
0x42e: {  	v39 =	vmul.f32 v7, v12;
	v40 =	vld [tilespmem:s1+$0xFFFFFFE0];
	[tilespmem:s31+$0x90] =	vst v35  }
0x42f: {  	v41 =	vmul.f32 v9, v12;
	[tilespmem:s31+$0xD0] =	vst v10  }
0x430: {  	[tilespmem:s31+$0xFFFFFF10] =	vst v39;
	v38 =	vmul.f32 v21, v8;
	v10 =	vld [tilespmem:s1+$0x60]  }
0x431: {  	[tilespmem:s31+$0xFFFFFF50] =	vst v41;
	v8 =	vmul.f32 v24, v8  }
0x432: {  	v53 =	vmul.f32 v0, v47;
	v45 =	vld [tilespmem:s1+$0xFFFFFFA0];
	[tilespmem:s31+$0x10] =	vst v38  }
0x433: {  	v46 =	vmul.f32 v11, v40;
	[tilespmem:s31+$0x50] =	vst v8  }
0x434: {  	[tilespmem:s30+$0xFFFFFF30] =	vst v53;
	v48 =	vmul.f32 v15, v40;
	v43 =	vld [tilespmem:s1+$0x20]  }
0x435: {  	[tilespmem:s31+$0xFFFFFFA0] =	vst v46;
	v44 =	vmul.f32 v62, v10  }
0x436: {  	[tilespmem:s31+$0xFFFFFFE0] =	vst v48;
	v10 =	vmul.f32 v63, v10  }
0x437: {  	v50 =	vmul.f32 v7, v45;
	v51 =	vld [tilespmem:s1+$0xFFFFFFF0];
	[tilespmem:s31+$0xA0] =	vst v44  }
0x438: {  	v52 =	vmul.f32 v9, v45;
	[tilespmem:s31+$0xE0] =	vst v10  }
0x439: {  	[tilespmem:s31+$0xFFFFFF20] =	vst v50;
	v49 =	vmul.f32 v21, v43;
	v10 =	vld [tilespmem:s1+$0x70]  }
0x43a: {  	[tilespmem:s31+$0xFFFFFF60] =	vst v52;
	v5 =	vmul.f32 v24, v43  }
0x43b: {  	v59 =	vmul.f32 v1, v47;
	v57 =	vld [tilespmem:s1+$0xFFFFFFB0];
	[tilespmem:s31+$0x20] =	vst v49  }
0x43c: {  	v56 =	vmul.f32 v11, v51;
	[tilespmem:s31+$0x60] =	vst v5  }
0x43d: {  	[tilespmem:s30+$0xFFFFFF70] =	vst v59;
	v58 =	vmul.f32 v15, v51;
	v5 =	vld [tilespmem:s1+$0x30]  }
0x43e: {  	[tilespmem:s31+$0xFFFFFFB0] =	vst v56;
	v54 =	vmul.f32 v63, v10  }
0x43f: {  	[tilespmem:s31+$0xFFFFFFF0] =	vst v58;
	v55 =	vmul.f32 v62, v10  }
0x440: {  	v62 =	vmul.f32 v7, v57;
	[tilespmem:s31+$0xF0] =	vst v54  }
0x441: {  	v63 =	vmul.f32 v9, v57;
	[tilespmem:s31+$0xB0] =	vst v55  }
0x442: {  	v60 =	vmul.f32 v21, v5;
	[tilespmem:s31+$0xFFFFFF30] =	vst v62  }
0x443: {  	v61 =	vmul.f32 v24, v5;
	[tilespmem:s31+$0xFFFFFF70] =	vst v63  }
0x444: {  	[tilespmem:s31+$0x30] =	vst v60  }
.Ltmp12:
0x445: {  	[tilespmem:s31+$0x70] =	vst v61;
	(pc) =	sbr.rel @p1 .LBB2_22-.Ltmp12, $4  }
0x446: {  	[spmem:s2] =	stream.indirect.scatter.add.f32 [tilespmem:s25], [sflag:$0x6], $0x80, s28, s14, $0xb8;
	[tilespmem:$0x1C2F8] =	vst v63  }
0x447: {  	_ =	swait.ge [sflag:s10], $0x4000  }
0x448: {  	[sflag:s10] =	ssyncset.done $0x0  }
0x449: {  	[sflag:s10] =	ssyncadd.s32 $0xFFFFC000  }
0x44a: {  	_ =	swait.ge [sflag:s13], $0x200  }
.Ltmp13:
0x44b: {  	s0 =	sadd.s32 s29, s17;
	[sflag:s13] =	ssyncset.done $0x0;
	(pc) =	sbr.rel .LBB2_16-.Ltmp13, $4  }
0x44c: {  	s0 =	sshrl.u32 s0, $0x3;
	[sflag:s13] =	ssyncadd.s32 $0xFFFFFE00  }
0x44d: {  	[tilespmem:s19], [sflag:$0x3] =	stream.indirect.gather [hbm4b:s6+s14], $0x40, s4, s14, $0xb8;
	[tilespmem:$0x1C2F8] =	vst v63  }
0x44e: {  	s15 =	sadd.s32 $0x1, s15;
	s0 =	sadd.s32 s9, s0  }
0x44f: {  	[tilespmem:s20], [sflag:$0x2] =	stream.linear.gather [hbm4b:s0+s4], $0x200, $0x38;
	[tilespmem:$0x1C2F8] =	vst v63  }
.LBB2_22:
0x450: {  	[bflag:$0x0] =	sbarrier.arrive $0xFFFF  }
0x451: {  	s1 =	rddreg [dreg:$0x10]  }
0x452: {  	s0 =	simm.s32 @p0 $0x1FC6;
	s12 =	rddreg [dreg:$0x1a]  }
0x453: {  	[hbm:s1], [sflag:s0] =	dma.local @p0 [spmem:s12], $0x1900  }
0x454: {  	s1 =	simm.s32 @p0 $0x6  }
0x455: {  	_ =	swait.ge @p0 [sflag:s1], $0x1900  }
0x456: {  	[sflag:s1] =	ssyncset.done @p0 $0x0  }
0x457: {  	[sflag:s1] =	ssyncadd.s32 @p0 $0xFFFFE700  }
0x458: {  	[bflag:$0x0] =	sbarrier.arrive @p0 $0xFFFF  }
0x459: {  	s11 =	rddreg [dreg:$0x6]  }
0x45a: {  	[spmem:s12], [sflag:s0] =	dma.local @p0 [hbm:s11], $0x1900  }
0x45b: {  	_ =	swait.ge @p0 [sflag:s1], $0x1900  }
0x45c: {  	s0 =	rddreg [dreg:$0x17]  }
0x45d: {  	[sflag:s1] =	ssyncset.done @p0 $0x0;
	s12 =	rddreg [dreg:$0x1c]  }
0x45e: {  	[sflag:s1] =	ssyncadd.s32 @p0 $0xFFFFE700;
	s1 =	rddreg [dreg:$0x1b]  }
0x45f: {  	[hbm:s0], [sflag:s1] =	dma.local @!p0 [spmem:s12], $0x2800  }
0x460: {  	s0 =	simm.s32 @!p0 $0x6  }
0x461: {  	_ =	swait.ge @!p0 [sflag:s0], $0x2800  }
0x462: {  	[sflag:s0] =	ssyncset.done @!p0 $0x0  }
0x463: {  	[sflag:s0] =	ssyncadd.s32 @!p0 $0xFFFFD800  }
0x464: {  	[bflag:$0x0] =	sbarrier.arrive @!p0 $0xFFFF  }
0x465: {  	[spmem:s12], [sflag:s1] =	dma.local @!p0 [hbm:s11], $0x2800  }
0x466: {  	_ =	swait.ge @!p0 [sflag:s0], $0x2800  }
0x467: {  	[sflag:s0] =	ssyncset.done @!p0 $0x0  }
0x468: {  	[sflag:s0] =	ssyncadd.s32 @!p0 $0xFFFFD800  }
0x469: {  	[bflag:$0x0] =	sbarrier.arrive $0xFFFF  }
0x46a: {  	s12 =	simm.s32 $0x0;
	s30 =	rddreg [dreg:$0xa]  }
0x46b: {  	[tilespmem:s12], [sflag:$0x1] =	stream.linear.gather [hbm4b:s30+s12], $0x200, $0x38;
	[tilespmem:$0x1C2F8] =	vst v63  }
0x46c: {  	_ =	swait.ge [sflag:s13], $0x200  }
0x46d: {  	[sflag:s13] =	ssyncset.done $0x0  }
0x46e: {  	[sflag:s13] =	ssyncadd.s32 $0xFFFFFE00  }
0x46f: {  	[tilespmem:s19], [sflag:$0x3] =	stream.indirect.gather [hbm4b:s7+s14], $0x40, s12, s14, $0xb8;
	[tilespmem:$0x1C2F8] =	vst v63  }
0x470: {  	s15 =	simm.s32 $0x0;
	s31 =	rddreg [dreg:$0x15]  }
0x471: {  	[tilespmem:s20], [sflag:$0x2] =	stream.linear.gather [hbm4b:s31+s12], $0x200, $0x38;
	[tilespmem:$0x1C2F8] =	vst v63  }
.LBB2_23:
0x472: {  	v0 =	vmov s12  }
0x473: {  	s0 =	simm.s32 $0x1;
	v0 =	vand.u32 $0x7C, v0  }
0x474: {  	_ =	swait.ge [sflag:s21], $0x200;
	s11 =	simm.s32 $0x3;
	v1 =	vmov s0;
	v0 =	vbroadcast v0, $0x0  }
0x475: {  	[sflag:s21] =	ssyncset.done $0x0;
	v2 =	vmov s11;
	v1 =	vand.u32 $0x7D, v1  }
0x476: {  	[sflag:s21] =	ssyncadd.s32 $0xFFFFFE00;
	v2 =	vand.u32 $0x7F, v2;
	v1 =	vbroadcast v1, $0x0;
	v3 =	vor.u32 $0x100, v0  }
0x477: {  	[tilespmem:s22], [sflag:$0x4] =	stream.indirect.gather [hbm4b:s7+s14], $0x40, s20, s14, $0xb8;
	v2 =	vbroadcast v2, $0x0;
	[tilespmem:$0x1C2F8] =	vst v63  }
0x478: {  	s18 =	simm.s32 $0x2;
	_ =	swait.ge [sflag:s23], $0x2000;
	v4 =	vor.u32 $0x100, v1  }
0x479: {  	v5 =	vmov s18;
	[sflag:s23] =	ssyncset.done $0x0;
	v6 =	vor.u32 $0x100, v2  }
0x47a: {  	v5 =	vand.u32 $0x7E, v5;
	v2 =	vor.u32 $0x180, v2;
	[sflag:s23] =	ssyncadd.s32 $0xFFFFE000  }
0x47b: {  	s0 =	simm.s32 $0x880;
	v7 =	vld.idx.msk [tilespmem:v3+s4+$0x0], $0xffff;
	v3 =	vbroadcast v5, $0x0  }
0x47c: {  	v1 =	vor.u32 $0x180, v1;
	v5 =	vld [tilespmem:s0+$0x40]  }
0x47d: {  	v12 =	vld.idx.msk [tilespmem:v4+s4+$0x0], $0xffff;
	v4 =	vor.u32 $0x100, v3  }
0x47e: {  	v13 =	vld.idx.msk [tilespmem:v6+s4+$0x0], $0xffff  }
0x47f: {  	v2 =	vld.idx.msk [tilespmem:v2+s4+$0x0], $0xffff;
	v3 =	vor.u32 $0x180, v3  }
0x480: {  	v6 =	vld [tilespmem:s0+$0xFFFFFFC0]  }
0x481: {  	v0 =	vor.u32 $0x180, v0;
	v1 =	vld.idx.msk [tilespmem:v1+s4+$0x0], $0xffff  }
0x482: {  	v11 =	vld.idx.msk [tilespmem:v4+s4+$0x0], $0xffff  }
0x483: {  	v8 =	vmul.f32 v13, v5;
	v4 =	vld [tilespmem:s0+$0x0]  }
0x484: {  	s29 =	simm.s32 $0x4900;
	v9 =	vld.idx.msk [tilespmem:v3+s4+$0x0], $0xffff;
	v3 =	vmul.f32 v2, v5  }
0x485: {  	v14 =	vmul.f32 v12, v6;
	v5 =	vld [tilespmem:s0+$0xFFFFFF80];
	[tilespmem:s29+$0x80] =	vst v8  }
0x486: {  	v10 =	vld.idx.msk [tilespmem:v0+s4+$0x0], $0xffff;
	v0 =	vmul.f32 v1, v6;
	[tilespmem:s29+$0xC0] =	vst v3  }
0x487: {  	[tilespmem:s29+$0xFFFFFF80] =	vst v14;
	v3 =	vld [tilespmem:s0+$0x50]  }
0x488: {  	[tilespmem:s29+$0xFFFFFFC0] =	vst v0;
	v6 =	vmul.f32 v11, v4  }
0x489: {  	v0 =	vmul.f32 v9, v4;
	v4 =	vld [tilespmem:s0+$0xFFFFFFD0]  }
0x48a: {  	v8 =	vmul.f32 v7, v5;
	[tilespmem:s29+$0x0] =	vst v6  }
0x48b: {  	v5 =	vmul.f32 v10, v5;
	[tilespmem:s29+$0x40] =	vst v0  }
0x48c: {  	s1 =	simm.s32 $0x4;
	[tilespmem:s29+$0xFFFFFF00] =	vst v8;
	v0 =	vld [tilespmem:s0+$0x10];
	v6 =	vmul.f32 v13, v3  }
0x48d: {  	v8 =	vmov s1;
	[tilespmem:s29+$0xFFFFFF40] =	vst v5;
	v3 =	vmul.f32 v2, v3  }
0x48e: {  	s31 =	simm.s32 $0x5;
	v5 =	vand.u32 $0x7C, v8;
	v8 =	vld [tilespmem:s0+$0xFFFFFF90];
	v14 =	vmul.f32 v12, v4;
	[tilespmem:s29+$0x90] =	vst v6  }
0x48f: {  	v15 =	vbroadcast v5, $0x0;
	v5 =	vmov s31;
	v4 =	vmul.f32 v1, v4;
	[tilespmem:s29+$0xD0] =	vst v3  }
0x490: {  	v3 =	vand.u32 $0x7D, v5;
	v5 =	vld [tilespmem:s0+$0x60];
	[tilespmem:s29+$0xFFFFFF90] =	vst v14  }
0x491: {  	v6 =	vor.u32 $0x100, v15;
	[tilespmem:s29+$0xFFFFFFD0] =	vst v4;
	v14 =	vmul.f32 v11, v0  }
0x492: {  	v3 =	vbroadcast v3, $0x0;
	v0 =	vmul.f32 v9, v0;
	v16 =	vld [tilespmem:s0+$0xFFFFFFE0]  }
0x493: {  	s11 =	simm.s32 $0x7;
	v17 =	vmul.f32 v7, v8;
	[tilespmem:s29+$0x10] =	vst v14  }
0x494: {  	v4 =	vor.u32 $0x100, v3;
	v8 =	vmul.f32 v10, v8;
	[tilespmem:s29+$0x50] =	vst v0;
	v0 =	vmov s11  }
0x495: {  	v3 =	vor.u32 $0x180, v3;
	[tilespmem:s29+$0xFFFFFF10] =	vst v17;
	v14 =	vld [tilespmem:s0+$0x20];
	v17 =	vand.u32 $0x7F, v0;
	v18 =	vmul.f32 v13, v5  }
0x496: {  	s18 =	simm.s32 $0x6;
	[tilespmem:s29+$0xFFFFFF50] =	vst v8;
	v0 =	vld.idx.msk [tilespmem:v6+s4+$0x0], $0xffff;
	v5 =	vmul.f32 v2, v5;
	v6 =	vbroadcast v17, $0x0  }
0x497: {  	v8 =	vmov s18;
	s18 =	simm.s32 $0x980;
	v17 =	vld [tilespmem:s0+$0xFFFFFFA0];
	v19 =	vmul.f32 v12, v16;
	[tilespmem:s29+$0xA0] =	vst v18  }
0x498: {  	v8 =	vand.u32 $0x7E, v8;
	v22 =	vld [tilespmem:s18+$0x40];
	v16 =	vmul.f32 v1, v16;
	[tilespmem:s29+$0xE0] =	vst v5;
	v18 =	vor.u32 $0x100, v6  }
0x499: {  	v8 =	vbroadcast v8, $0x0;
	v6 =	vor.u32 $0x180, v6;
	[tilespmem:s29+$0xFFFFFFA0] =	vst v19;
	v19 =	vld [tilespmem:s0+$0x70]  }
0x49a: {  	v5 =	vld.idx.msk [tilespmem:v3+s4+$0x0], $0xffff;
	[tilespmem:s29+$0xFFFFFFE0] =	vst v16;
	v3 =	vmul.f32 v11, v14  }
0x49b: {  	v16 =	vor.u32 $0x100, v8;
	v14 =	vmul.f32 v9, v14;
	v20 =	vld [tilespmem:s0+$0xFFFFFFF0]  }
0x49c: {  	v4 =	vld.idx.msk [tilespmem:v4+s4+$0x0], $0xffff;
	v21 =	vmul.f32 v7, v17;
	[tilespmem:s29+$0x20] =	vst v3  }
0x49d: {  	v23 =	vor.u32 $0x180, v8;
	v3 =	vmul.f32 v10, v17;
	[tilespmem:s29+$0x60] =	vst v14;
	v8 =	vld.idx.msk [tilespmem:v18+s4+$0x0], $0xffff  }
0x49e: {  	[tilespmem:s29+$0xFFFFFF20] =	vst v21;
	v6 =	vld.idx.msk [tilespmem:v6+s4+$0x0], $0xffff;
	v2 =	vmul.f32 v2, v19  }
0x49f: {  	v14 =	vor.u32 $0x180, v15;
	v15 =	vld [tilespmem:s18+$0xFFFFFFC0];
	[tilespmem:s29+$0xFFFFFF60] =	vst v3;
	v13 =	vmul.f32 v13, v19  }
0x4a0: {  	v3 =	vld.idx.msk [tilespmem:v16+s4+$0x0], $0xffff;
	v12 =	vmul.f32 v12, v20;
	[tilespmem:s29+$0xF0] =	vst v2  }
0x4a1: {  	v16 =	vld [tilespmem:s18+$0x0];
	v1 =	vmul.f32 v1, v20;
	[tilespmem:s29+$0xB0] =	vst v13  }
0x4a2: {  	v2 =	vld.idx.msk [tilespmem:v23+s4+$0x0], $0xffff;
	[tilespmem:s29+$0xFFFFFFB0] =	vst v12;
	v12 =	vmul.f32 v8, v22  }
0x4a3: {  	s11 =	simm.s32 $0x4B00;
	v13 =	vld [tilespmem:s18+$0xFFFFFF80];
	[tilespmem:s29+$0xFFFFFFF0] =	vst v1;
	v17 =	vmul.f32 v6, v22  }
0x4a4: {  	v1 =	vld.idx.msk [tilespmem:v14+s4+$0x0], $0xffff;
	v14 =	vmul.f32 v4, v15;
	[tilespmem:s11+$0x80] =	vst v12  }
0x4a5: {  	v18 =	vld [tilespmem:s0+$0x30];
	v12 =	vmul.f32 v5, v15;
	[tilespmem:s11+$0xC0] =	vst v17  }
0x4a6: {  	s31 =	simm.s32 $0x8;
	[tilespmem:s11+$0xFFFFFF80] =	vst v14;
	v15 =	vmul.f32 v3, v16;
	v14 =	vld [tilespmem:s18+$0x50]  }
0x4a7: {  	v17 =	vmov s31;
	v16 =	vmul.f32 v2, v16;
	[tilespmem:s11+$0xFFFFFFC0] =	vst v12  }
0x4a8: {  	v17 =	vand.u32 $0x7C, v17;
	v12 =	vmul.f32 v0, v13;
	[tilespmem:s11+$0x0] =	vst v15;
	v19 =	vld [tilespmem:s18+$0xFFFFFFD0]  }
0x4a9: {  	s31 =	simm.s32 $0x9;
	v13 =	vmul.f32 v1, v13;
	v15 =	vbroadcast v17, $0x0;
	[tilespmem:s11+$0x40] =	vst v16  }
0x4aa: {  	v11 =	vmul.f32 v11, v18;
	[tilespmem:s11+$0xFFFFFF00] =	vst v12;
	v16 =	vld [tilespmem:s18+$0x10];
	v12 =	vmov s31  }
0x4ab: {  	v20 =	vor.u32 $0x100, v15;
	[tilespmem:s11+$0xFFFFFF40] =	vst v13;
	v15 =	vor.u32 $0x180, v15;
	v13 =	vmul.f32 v8, v14  }
0x4ac: {  	[tilespmem:s29+$0x30] =	vst v11;
	v12 =	vand.u32 $0x7D, v12;
	v21 =	vld [tilespmem:s18+$0xFFFFFF90];
	v14 =	vmul.f32 v6, v14  }
0x4ad: {  	s1 =	simm.s32 $0xA;
	v17 =	vld [tilespmem:s0+$0xFFFFFFB0];
	v11 =	vbroadcast v12, $0x0;
	v12 =	vmul.f32 v4, v19;
	[tilespmem:s11+$0x90] =	vst v13  }
0x4ae: {  	v23 =	vmov s1;
	v25 =	vmul.f32 v9, v18;
	v13 =	vmul.f32 v5, v19;
	[tilespmem:s11+$0xD0] =	vst v14  }
0x4af: {  	v9 =	vand.u32 $0x7E, v23;
	v19 =	vor.u32 $0x100, v11;
	v14 =	vmul.f32 v3, v16;
	v22 =	vld [tilespmem:s18+$0x60];
	[tilespmem:s11+$0xFFFFFF90] =	vst v12  }
0x4b0: {  	v18 =	vbroadcast v9, $0x0;
	v24 =	vmul.f32 v2, v16;
	v9 =	vld.idx.msk [tilespmem:v15+s4+$0x0], $0xffff;
	[tilespmem:s11+$0xFFFFFFD0] =	vst v13  }
0x4b1: {  	v15 =	vor.u32 $0x180, v11;
	v13 =	vmul.f32 v0, v21;
	v16 =	vld [tilespmem:s18+$0xFFFFFFE0];
	[tilespmem:s11+$0x10] =	vst v14  }
0x4b2: {  	s31 =	simm.s32 $0xB;
	v12 =	vmul.f32 v7, v17;
	v7 =	vld.idx.msk [tilespmem:v20+s4+$0x0], $0xffff;
	v20 =	vmul.f32 v1, v21;
	[tilespmem:s11+$0x50] =	vst v24;
	v14 =	vor.u32 $0x100, v18  }
0x4b3: {  	v10 =	vmul.f32 v10, v17;
	v21 =	vmov s31;
	[tilespmem:s11+$0xFFFFFF10] =	vst v13;
	v17 =	vld [tilespmem:s18+$0x20]  }
0x4b4: {  	[tilespmem:s11+$0xFFFFFF50] =	vst v20;
	v13 =	vor.u32 $0x180, v18;
	v11 =	vld.idx.msk [tilespmem:v19+s4+$0x0], $0xffff;
	v19 =	vand.u32 $0x7F, v21;
	v20 =	vmul.f32 v8, v22  }
0x4b5: {  	s30 =	simm.s32 $0xC;
	[tilespmem:s29+$0x70] =	vst v25;
	s0 =	simm.s32 $0x980;
	v18 =	vld [tilespmem:s18+$0xFFFFFFA0];
	v19 =	vbroadcast v19, $0x0;
	v21 =	vmul.f32 v6, v22  }
.LBB2_24:
0x4b6: {  	p1 =	slt.u32 s30, $0x7C;
	v15 =	vld.idx.msk [tilespmem:v15+s4+$0x0], $0xffff;
	v22 =	vmul.f32 v4, v16;
	v16 =	vmul.f32 v5, v16;
	[tilespmem:s11+$0xA0] =	vst v20  }
0x4b7: {  	v14 =	vld.idx.msk [tilespmem:v14+s4+$0x0], $0xffff;
	v20 =	vor.u32 $0x100, v19;
	[tilespmem:s11+$0xE0] =	vst v21  }
0x4b8: {  	v19 =	vor.u32 $0x180, v19;
	[tilespmem:s11+$0xFFFFFFA0] =	vst v22;
	v21 =	vmul.f32 v3, v17;
	v17 =	vmul.f32 v2, v17;
	v22 =	vld [tilespmem:s18+$0x70]  }
0x4b9: {  	v13 =	vld.idx.msk [tilespmem:v13+s4+$0x0], $0xffff;
	[tilespmem:s11+$0xFFFFFFE0] =	vst v16  }
0x4ba: {  	s18 =	sadd.s32 $0x100, s18;
	v16 =	vmul.f32 v0, v18;
	v18 =	vmul.f32 v1, v18;
	v23 =	vld [tilespmem:s0+$0xFFFFFFF0];
	[tilespmem:s11+$0x20] =	vst v21  }
0x4bb: {  	v21 =	vld [tilespmem:s18+$0x40];
	[tilespmem:s11+$0x60] =	vst v17  }
0x4bc: {  	v17 =	vld.idx.msk [tilespmem:v20+s4+$0x0], $0xffff;
	[tilespmem:s11+$0xFFFFFF20] =	vst v16  }
0x4bd: {  	[tilespmem:s11+$0xFFFFFF60] =	vst v18;
	v8 =	vmul.f32 v8, v22;
	v16 =	vmul.f32 v6, v22;
	v6 =	vld.idx.msk [tilespmem:v19+s4+$0x0], $0xffff  }
0x4be: {  	v18 =	vld [tilespmem:s18+$0xFFFFFF80];
	[tilespmem:s29+$0xFFFFFF30] =	vst v12  }
0x4bf: {  	v12 =	vld [tilespmem:s18+$0xFFFFFFC0];
	v19 =	vmul.f32 v4, v23;
	v20 =	vmul.f32 v5, v23;
	[tilespmem:s11+$0xF0] =	vst v16;
	v5 =	vmovc v15;
	v4 =	vmov v11  }
0x4c0: {  	v11 =	vld [tilespmem:s18+$0x0];
	[tilespmem:s11+$0xB0] =	vst v8  }
0x4c1: {  	[tilespmem:s11+$0xFFFFFFB0] =	vst v19;
	v15 =	vld [tilespmem:s0+$0x30]  }
0x4c2: {  	v16 =	vmul.f32 v17, v21;
	v8 =	vmov v17;
	v19 =	vld [tilespmem:s0+$0xFFFFFFB0];
	[tilespmem:s11+$0xFFFFFFF0] =	vst v20;
	s0 =	smov.u32 s18  }
0x4c3: {  	v20 =	vmul.f32 v6, v21;
	v17 =	vmul.f32 v7, v18;
	[tilespmem:s29+$0xFFFFFF70] =	vst v10;
	s29 =	smov.u32 s11;
	s11 =	sadd.s32 $0x200, s11  }
0x4c4: {  	v10 =	vmul.f32 v4, v12;
	v12 =	vmul.f32 v5, v12;
	[tilespmem:s11+$0x80] =	vst v16  }
0x4c5: {  	v16 =	vmul.f32 v14, v11;
	v11 =	vmul.f32 v13, v11;
	[tilespmem:s11+$0xC0] =	vst v20  }
0x4c6: {  	v18 =	vmul.f32 v9, v18;
	[tilespmem:s11+$0xFFFFFF80] =	vst v10;
	v20 =	vld [tilespmem:s18+$0x50];
	v21 =	vmul.f32 v3, v15;
	v3 =	vmov v14  }
0x4c7: {  	v10 =	vmov s30;
	v22 =	vmul.f32 v2, v15;
	v2 =	vmovc v13;
	[tilespmem:s11+$0xFFFFFFC0] =	vst v12;
	v12 =	vmul.f32 v0, v19;
	v0 =	vmovc v7  }
0x4c8: {  	v7 =	vand.u32 $0x7C, v10;
	v10 =	vmul.f32 v1, v19;
	v1 =	vmov v9;
	v13 =	vld [tilespmem:s18+$0xFFFFFFD0];
	[tilespmem:s11+$0x0] =	vst v16  }
0x4c9: {  	s1 =	sadd.s32 $0x1, s30;
	v7 =	vbroadcast v7, $0x0;
	[tilespmem:s11+$0x40] =	vst v11  }
0x4ca: {  	v9 =	vmov s1;
	[tilespmem:s11+$0xFFFFFF00] =	vst v17;
	v11 =	vld [tilespmem:s18+$0x10]  }
0x4cb: {  	s1 =	sadd.s32 $0x2, s30;
	v9 =	vand.u32 $0x7D, v9;
	v14 =	vor.u32 $0x100, v7;
	[tilespmem:s11+$0xFFFFFF40] =	vst v18;
	v15 =	vmul.f32 v8, v20  }
0x4cc: {  	v16 =	vmov s1;
	v9 =	vbroadcast v9, $0x0;
	v18 =	vmul.f32 v6, v20;
	v17 =	vld [tilespmem:s18+$0xFFFFFF90];
	[tilespmem:s29+$0x30] =	vst v21  }
0x4cd: {  	v19 =	vor.u32 $0x180, v7;
	v7 =	vmul.f32 v4, v13;
	v13 =	vmul.f32 v5, v13;
	[tilespmem:s11+$0x90] =	vst v15  }
0x4ce: {  	v15 =	vand.u32 $0x7E, v16;
	[tilespmem:s11+$0xD0] =	vst v18  }
0x4cf: {  	v18 =	vor.u32 $0x100, v9;
	[tilespmem:s11+$0xFFFFFF90] =	vst v7;
	v20 =	vmul.f32 v3, v11;
	v11 =	vmul.f32 v2, v11;
	v21 =	vld [tilespmem:s18+$0x60]  }
0x4d0: {  	v23 =	vbroadcast v15, $0x0;
	v7 =	vld.idx.msk [tilespmem:v14+s4+$0x0], $0xffff;
	[tilespmem:s11+$0xFFFFFFD0] =	vst v13  }
.Ltmp14:
0x4d1: {  	v15 =	vor.u32 $0x180, v9;
	v13 =	vmul.f32 v0, v17;
	v24 =	vmul.f32 v1, v17;
	v16 =	vld [tilespmem:s18+$0xFFFFFFE0];
	[tilespmem:s11+$0x10] =	vst v20;
	(pc) =	sbr.rel @p1 .LBB2_24-.Ltmp14, $4  }
0x4d2: {  	s1 =	sadd.s32 $0x3, s30;
	v14 =	vor.u32 $0x100, v23;
	v9 =	vld.idx.msk [tilespmem:v19+s4+$0x0], $0xffff;
	[tilespmem:s11+$0x50] =	vst v11  }
0x4d3: {  	v19 =	vmov s1;
	[tilespmem:s11+$0xFFFFFF10] =	vst v13;
	v17 =	vld [tilespmem:s18+$0x20]  }
0x4d4: {  	v13 =	vor.u32 $0x180, v23;
	v11 =	vld.idx.msk [tilespmem:v18+s4+$0x0], $0xffff;
	v18 =	vand.u32 $0x7F, v19;
	[tilespmem:s11+$0xFFFFFF50] =	vst v24;
	v20 =	vmul.f32 v8, v21  }
0x4d5: {  	s30 =	sadd.s32 $0x4, s30;
	v21 =	vmul.f32 v6, v21;
	v19 =	vbroadcast v18, $0x0;
	v18 =	vld [tilespmem:s18+$0xFFFFFFA0];
	[tilespmem:s29+$0x70] =	vst v22  }
0x4d6: {  	[tilespmem:s11+$0xA0] =	vst v20  }
0x4d7: {  	v22 =	vmul.f32 v4, v16;
	[tilespmem:s29+$0xFFFFFF30] =	vst v12  }
0x4d8: {  	v16 =	vmul.f32 v5, v16;
	[tilespmem:s11+$0xE0] =	vst v21;
	v20 =	vor.u32 $0x100, v19  }
0x4d9: {  	v19 =	vor.u32 $0x180, v19;
	[tilespmem:s11+$0xFFFFFFA0] =	vst v22;
	v22 =	vld [tilespmem:s18+$0x70]  }
0x4da: {  	v15 =	vld.idx.msk [tilespmem:v15+s4+$0x0], $0xffff;
	v21 =	vmul.f32 v3, v17;
	v17 =	vmul.f32 v2, v17;
	[tilespmem:s11+$0xFFFFFFE0] =	vst v16  }
0x4db: {  	s1 =	sadd.s32 $0x100, s18;
	[tilespmem:s29+$0xFFFFFF70] =	vst v10;
	v23 =	vld [tilespmem:s0+$0xFFFFFFF0];
	v16 =	vmul.f32 v0, v18  }
0x4dc: {  	v18 =	vmul.f32 v1, v18;
	[tilespmem:s11+$0x60] =	vst v17;
	v17 =	vld [tilespmem:s1+$0x40]  }
0x4dd: {  	[tilespmem:s11+$0xFFFFFF20] =	vst v16;
	v16 =	vld.idx.msk [tilespmem:v20+s4+$0x0], $0xffff  }
0x4de: {  	[tilespmem:s11+$0xFFFFFF60] =	vst v18;
	v18 =	vld.idx.msk [tilespmem:v19+s4+$0x0], $0xffff;
	v6 =	vmul.f32 v6, v22  }
0x4df: {  	v12 =	vld [tilespmem:s1+$0xFFFFFFC0];
	[tilespmem:s11+$0x20] =	vst v21;
	v8 =	vmul.f32 v8, v22  }
0x4e0: {  	v4 =	vmul.f32 v4, v23;
	[tilespmem:s11+$0xF0] =	vst v6;
	v6 =	vld.idx.msk [tilespmem:v14+s4+$0x0], $0xffff  }
0x4e1: {  	v5 =	vmul.f32 v5, v23;
	[tilespmem:s11+$0xB0] =	vst v8;
	v8 =	vld [tilespmem:s1+$0x0]  }
0x4e2: {  	[tilespmem:s11+$0xFFFFFFB0] =	vst v4;
	v4 =	vld.idx.msk [tilespmem:v13+s4+$0x0], $0xffff;
	v13 =	vmul.f32 v16, v17  }
0x4e3: {  	s30 =	sadd.s32 $0x200, s11;
	[tilespmem:s11+$0xFFFFFFF0] =	vst v5;
	v5 =	vld [tilespmem:s1+$0xFFFFFF80];
	v14 =	vmul.f32 v18, v17  }
0x4e4: {  	v10 =	vmul.f32 v11, v12;
	[tilespmem:s30+$0x80] =	vst v13  }
0x4e5: {  	v12 =	vmul.f32 v15, v12;
	v13 =	vld [tilespmem:s0+$0x30];
	[tilespmem:s30+$0xC0] =	vst v14  }
0x4e6: {  	[tilespmem:s30+$0xFFFFFF80] =	vst v10;
	v14 =	vmul.f32 v6, v8;
	v10 =	vld [tilespmem:s1+$0x50]  }
0x4e7: {  	[tilespmem:s30+$0xFFFFFFC0] =	vst v12;
	v8 =	vmul.f32 v4, v8  }
0x4e8: {  	v17 =	vld [tilespmem:s1+$0xFFFFFFD0];
	v12 =	vmul.f32 v7, v5;
	[tilespmem:s30+$0x0] =	vst v14  }
0x4e9: {  	v5 =	vmul.f32 v9, v5;
	[tilespmem:s30+$0x40] =	vst v8  }
0x4ea: {  	[tilespmem:s30+$0xFFFFFF00] =	vst v12;
	v3 =	vmul.f32 v3, v13;
	v8 =	vld [tilespmem:s1+$0x10]  }
0x4eb: {  	[tilespmem:s30+$0xFFFFFF40] =	vst v5;
	v5 =	vmul.f32 v16, v10  }
0x4ec: {  	v12 =	vld [tilespmem:s1+$0xFFFFFF90];
	v10 =	vmul.f32 v18, v10;
	[tilespmem:s11+$0x30] =	vst v3  }
0x4ed: {  	v3 =	vmul.f32 v11, v17;
	[tilespmem:s30+$0x90] =	vst v5  }
0x4ee: {  	v5 =	vmul.f32 v15, v17;
	[tilespmem:s30+$0xD0] =	vst v10  }
0x4ef: {  	[tilespmem:s30+$0xFFFFFF90] =	vst v3;
	v10 =	vld [tilespmem:s1+$0x60];
	v3 =	vmul.f32 v6, v8  }
0x4f0: {  	v8 =	vmul.f32 v4, v8;
	[tilespmem:s30+$0xFFFFFFD0] =	vst v5  }
0x4f1: {  	v5 =	vmul.f32 v7, v12;
	v14 =	vld [tilespmem:s1+$0xFFFFFFE0];
	[tilespmem:s30+$0x10] =	vst v3  }
0x4f2: {  	v3 =	vmul.f32 v9, v12;
	[tilespmem:s30+$0x50] =	vst v8  }
0x4f3: {  	v2 =	vmul.f32 v2, v13;
	[tilespmem:s30+$0xFFFFFF10] =	vst v5;
	v5 =	vld [tilespmem:s1+$0x20]  }
0x4f4: {  	[tilespmem:s30+$0xFFFFFF50] =	vst v3;
	v3 =	vmul.f32 v16, v10  }
0x4f5: {  	[tilespmem:s11+$0x70] =	vst v2;
	v10 =	vmul.f32 v18, v10;
	v8 =	vld [tilespmem:s1+$0xFFFFFFA0]  }
0x4f6: {  	v2 =	vmul.f32 v11, v14;
	[tilespmem:s30+$0xA0] =	vst v3  }
0x4f7: {  	v3 =	vld [tilespmem:s0+$0xFFFFFFB0];
	v12 =	vmul.f32 v15, v14;
	[tilespmem:s30+$0xE0] =	vst v10  }
0x4f8: {  	v10 =	vld [tilespmem:s1+$0x70];
	[tilespmem:s30+$0xFFFFFFA0] =	vst v2;
	v2 =	vmul.f32 v6, v5  }
0x4f9: {  	v5 =	vmul.f32 v4, v5;
	[tilespmem:s30+$0xFFFFFFE0] =	vst v12  }
0x4fa: {  	v12 =	vmul.f32 v7, v8;
	[tilespmem:s30+$0x20] =	vst v2  }
0x4fb: {  	v13 =	vld [tilespmem:s1+$0xFFFFFFF0];
	v2 =	vmul.f32 v9, v8;
	[tilespmem:s30+$0x60] =	vst v5  }
0x4fc: {  	v0 =	vmul.f32 v0, v3;
	[tilespmem:s30+$0xFFFFFF20] =	vst v12  }
0x4fd: {  	v5 =	vld [tilespmem:s1+$0x30];
	[tilespmem:s30+$0xFFFFFF60] =	vst v2;
	v2 =	vmul.f32 v18, v10  }
0x4fe: {  	v1 =	vmul.f32 v1, v3;
	[tilespmem:s11+$0xFFFFFF30] =	vst v0  }
0x4ff: {  	v8 =	vmul.f32 v16, v10;
	[tilespmem:s30+$0xF0] =	vst v2;
	v2 =	vld [tilespmem:s1+$0xFFFFFFB0]  }
0x500: {  	[tilespmem:s11+$0xFFFFFF70] =	vst v1;
	v0 =	vmul.f32 v11, v13  }
0x501: {  	v10 =	vmul.f32 v15, v13;
	[tilespmem:s30+$0xB0] =	vst v8  }
0x502: {  	[tilespmem:s30+$0xFFFFFFB0] =	vst v0;
	v0 =	vmul.f32 v6, v5  }
0x503: {  	[tilespmem:s30+$0xFFFFFFF0] =	vst v10;
	v1 =	vmul.f32 v4, v5  }
0x504: {  	[tilespmem:s30+$0x30] =	vst v0;
	v3 =	vmul.f32 v7, v2  }
0x505: {  	[tilespmem:s30+$0x70] =	vst v1;
	v0 =	vmul.f32 v9, v2  }
0x506: {  	s18 =	simm.s32 $0x0;
	[tilespmem:s30+$0xFFFFFF30] =	vst v3  }
0x507: {  	s29 =	sshll.u32 s15, $0xA;
	p1 =	seq.s32 s15, $0x27;
	s1 =	simm.s32 $0x1;
	[tilespmem:s30+$0xFFFFFF70] =	vst v0;
	v0 =	vmov s18  }
0x508: {  	v1 =	vmov s1;
	[spmem:s2] =	stream.indirect.scatter.add.f32 [tilespmem:s25], [sflag:$0x6], $0x80, s14, s14, $0xb8;
	v0 =	vand.u32 $0x7C, v0;
	[tilespmem:$0x1C2F8] =	vst v63  }
0x509: {  	s0 =	sadd.s32 @!p1 s29, s16;
	s1 =	simm.s32 $0x3;
	v1 =	vand.u32 $0x7D, v1;
	_ =	swait.ge [sflag:s10], $0x4000;
	v0 =	vbroadcast v0, $0x0  }
0x50a: {  	s0 =	sshrl.u32 @!p1 s0, $0x3;
	v2 =	vmov s1;
	v1 =	vbroadcast v1, $0x0;
	[sflag:s10] =	ssyncset.done $0x0  }
0x50b: {  	s0 =	sadd.s32 @!p1 s9, s0;
	s1 =	simm.s32 @!p1 $0x0;
	v2 =	vand.u32 $0x7F, v2;
	[sflag:s10] =	ssyncadd.s32 $0xFFFFC000;
	v3 =	vor.u32 $0x100, v0  }
0x50c: {  	v2 =	vbroadcast v2, $0x0;
	v4 =	vor.u32 $0x100, v1;
	[tilespmem:s1], [sflag:$0x1] =	stream.linear.gather @!p1 [hbm4b:s0+s1], $0x200, $0x38;
	[tilespmem:$0x1C2F8] =	vst v63  }
0x50d: {  	s11 =	simm.s32 $0x2;
	_ =	swait.ge [sflag:s26], $0x2000  }
0x50e: {  	v5 =	vmov s11;
	v6 =	vor.u32 $0x100, v2;
	[sflag:s26] =	ssyncset.done $0x0  }
0x50f: {  	v5 =	vand.u32 $0x7E, v5;
	v2 =	vor.u32 $0x180, v2;
	[sflag:s26] =	ssyncadd.s32 $0xFFFFE000  }
0x510: {  	v7 =	vld.idx.msk [tilespmem:v3+s20+$0x0], $0xffff;
	v3 =	vbroadcast v5, $0x0  }
0x511: {  	v1 =	vor.u32 $0x180, v1;
	s0 =	simm.s32 $0x2880;
	v12 =	vld.idx.msk [tilespmem:v4+s20+$0x0], $0xffff  }
0x512: {  	v5 =	vld [tilespmem:s0+$0x40];
	v4 =	vor.u32 $0x100, v3  }
0x513: {  	v13 =	vld.idx.msk [tilespmem:v6+s20+$0x0], $0xffff  }
0x514: {  	v2 =	vld.idx.msk [tilespmem:v2+s20+$0x0], $0xffff;
	v3 =	vor.u32 $0x180, v3  }
0x515: {  	v6 =	vld [tilespmem:s0+$0xFFFFFFC0]  }
0x516: {  	v0 =	vor.u32 $0x180, v0;
	v1 =	vld.idx.msk [tilespmem:v1+s20+$0x0], $0xffff  }
0x517: {  	v11 =	vld.idx.msk [tilespmem:v4+s20+$0x0], $0xffff  }
0x518: {  	v8 =	vmul.f32 v13, v5;
	v4 =	vld [tilespmem:s0+$0x0]  }
0x519: {  	s11 =	simm.s32 $0x4900;
	v9 =	vld.idx.msk [tilespmem:v3+s20+$0x0], $0xffff;
	v3 =	vmul.f32 v2, v5  }
0x51a: {  	v14 =	vmul.f32 v12, v6;
	v5 =	vld [tilespmem:s0+$0xFFFFFF80];
	[tilespmem:s11+$0x80] =	vst v8  }
0x51b: {  	v10 =	vld.idx.msk [tilespmem:v0+s20+$0x0], $0xffff;
	v0 =	vmul.f32 v1, v6;
	[tilespmem:s11+$0xC0] =	vst v3  }
0x51c: {  	[tilespmem:s11+$0xFFFFFF80] =	vst v14;
	v3 =	vld [tilespmem:s0+$0x50]  }
0x51d: {  	[tilespmem:s11+$0xFFFFFFC0] =	vst v0;
	v6 =	vmul.f32 v11, v4  }
0x51e: {  	v0 =	vmul.f32 v9, v4;
	v4 =	vld [tilespmem:s0+$0xFFFFFFD0]  }
0x51f: {  	v8 =	vmul.f32 v7, v5;
	[tilespmem:s11+$0x0] =	vst v6  }
0x520: {  	v5 =	vmul.f32 v10, v5;
	[tilespmem:s11+$0x40] =	vst v0  }
0x521: {  	s18 =	simm.s32 $0x4;
	[tilespmem:s11+$0xFFFFFF00] =	vst v8;
	v0 =	vld [tilespmem:s0+$0x10];
	v6 =	vmul.f32 v13, v3  }
0x522: {  	v8 =	vmov s18;
	[tilespmem:s11+$0xFFFFFF40] =	vst v5;
	v3 =	vmul.f32 v2, v3  }
0x523: {  	s18 =	simm.s32 $0x5;
	v5 =	vand.u32 $0x7C, v8;
	v8 =	vld [tilespmem:s0+$0xFFFFFF90];
	v14 =	vmul.f32 v12, v4;
	[tilespmem:s11+$0x90] =	vst v6  }
0x524: {  	v15 =	vbroadcast v5, $0x0;
	v5 =	vmov s18;
	v4 =	vmul.f32 v1, v4;
	[tilespmem:s11+$0xD0] =	vst v3  }
0x525: {  	v3 =	vand.u32 $0x7D, v5;
	v5 =	vld [tilespmem:s0+$0x60];
	[tilespmem:s11+$0xFFFFFF90] =	vst v14  }
0x526: {  	v6 =	vor.u32 $0x100, v15;
	[tilespmem:s11+$0xFFFFFFD0] =	vst v4;
	v14 =	vmul.f32 v11, v0  }
0x527: {  	v3 =	vbroadcast v3, $0x0;
	v0 =	vmul.f32 v9, v0;
	v16 =	vld [tilespmem:s0+$0xFFFFFFE0]  }
0x528: {  	s18 =	simm.s32 $0x7;
	v17 =	vmul.f32 v7, v8;
	[tilespmem:s11+$0x10] =	vst v14  }
0x529: {  	v4 =	vor.u32 $0x100, v3;
	v8 =	vmul.f32 v10, v8;
	[tilespmem:s11+$0x50] =	vst v0;
	v0 =	vmov s18  }
0x52a: {  	v3 =	vor.u32 $0x180, v3;
	[tilespmem:s11+$0xFFFFFF10] =	vst v17;
	v14 =	vld [tilespmem:s0+$0x20];
	v17 =	vand.u32 $0x7F, v0;
	v18 =	vmul.f32 v13, v5  }
0x52b: {  	s18 =	simm.s32 $0x6;
	[tilespmem:s11+$0xFFFFFF50] =	vst v8;
	v0 =	vld.idx.msk [tilespmem:v6+s20+$0x0], $0xffff;
	v5 =	vmul.f32 v2, v5;
	v6 =	vbroadcast v17, $0x0  }
0x52c: {  	v8 =	vmov s18;
	s18 =	simm.s32 $0x2980;
	v17 =	vld [tilespmem:s0+$0xFFFFFFA0];
	v19 =	vmul.f32 v12, v16;
	[tilespmem:s11+$0xA0] =	vst v18  }
0x52d: {  	v8 =	vand.u32 $0x7E, v8;
	v22 =	vld [tilespmem:s18+$0x40];
	v16 =	vmul.f32 v1, v16;
	[tilespmem:s11+$0xE0] =	vst v5;
	v18 =	vor.u32 $0x100, v6  }
0x52e: {  	v8 =	vbroadcast v8, $0x0;
	v6 =	vor.u32 $0x180, v6;
	[tilespmem:s11+$0xFFFFFFA0] =	vst v19;
	v19 =	vld [tilespmem:s0+$0x70]  }
0x52f: {  	v5 =	vld.idx.msk [tilespmem:v3+s20+$0x0], $0xffff;
	[tilespmem:s11+$0xFFFFFFE0] =	vst v16;
	v3 =	vmul.f32 v11, v14  }
0x530: {  	v16 =	vor.u32 $0x100, v8;
	v14 =	vmul.f32 v9, v14;
	v20 =	vld [tilespmem:s0+$0xFFFFFFF0]  }
0x531: {  	v4 =	vld.idx.msk [tilespmem:v4+s20+$0x0], $0xffff;
	v21 =	vmul.f32 v7, v17;
	[tilespmem:s11+$0x20] =	vst v3  }
0x532: {  	v23 =	vor.u32 $0x180, v8;
	v3 =	vmul.f32 v10, v17;
	[tilespmem:s11+$0x60] =	vst v14;
	v8 =	vld.idx.msk [tilespmem:v18+s20+$0x0], $0xffff  }
0x533: {  	[tilespmem:s11+$0xFFFFFF20] =	vst v21;
	v6 =	vld.idx.msk [tilespmem:v6+s20+$0x0], $0xffff;
	v2 =	vmul.f32 v2, v19  }
0x534: {  	v14 =	vor.u32 $0x180, v15;
	v15 =	vld [tilespmem:s18+$0xFFFFFFC0];
	[tilespmem:s11+$0xFFFFFF60] =	vst v3;
	v13 =	vmul.f32 v13, v19  }
0x535: {  	v3 =	vld.idx.msk [tilespmem:v16+s20+$0x0], $0xffff;
	v12 =	vmul.f32 v12, v20;
	[tilespmem:s11+$0xF0] =	vst v2  }
0x536: {  	v16 =	vld [tilespmem:s18+$0x0];
	v1 =	vmul.f32 v1, v20;
	[tilespmem:s11+$0xB0] =	vst v13  }
0x537: {  	v2 =	vld.idx.msk [tilespmem:v23+s20+$0x0], $0xffff;
	[tilespmem:s11+$0xFFFFFFB0] =	vst v12;
	v12 =	vmul.f32 v8, v22  }
0x538: {  	s30 =	simm.s32 $0x4B00;
	v13 =	vld [tilespmem:s18+$0xFFFFFF80];
	[tilespmem:s11+$0xFFFFFFF0] =	vst v1;
	v17 =	vmul.f32 v6, v22  }
0x539: {  	v1 =	vld.idx.msk [tilespmem:v14+s20+$0x0], $0xffff;
	v14 =	vmul.f32 v4, v15;
	[tilespmem:s30+$0x80] =	vst v12  }
0x53a: {  	v18 =	vld [tilespmem:s0+$0x30];
	v12 =	vmul.f32 v5, v15;
	[tilespmem:s30+$0xC0] =	vst v17  }
0x53b: {  	s1 =	simm.s32 $0x8;
	[tilespmem:s30+$0xFFFFFF80] =	vst v14;
	v15 =	vmul.f32 v3, v16;
	v14 =	vld [tilespmem:s18+$0x50]  }
0x53c: {  	v17 =	vmov s1;
	v16 =	vmul.f32 v2, v16;
	[tilespmem:s30+$0xFFFFFFC0] =	vst v12  }
0x53d: {  	v17 =	vand.u32 $0x7C, v17;
	v12 =	vmul.f32 v0, v13;
	[tilespmem:s30+$0x0] =	vst v15;
	v19 =	vld [tilespmem:s18+$0xFFFFFFD0]  }
0x53e: {  	s1 =	simm.s32 $0x9;
	v13 =	vmul.f32 v1, v13;
	v15 =	vbroadcast v17, $0x0;
	[tilespmem:s30+$0x40] =	vst v16  }
0x53f: {  	v11 =	vmul.f32 v11, v18;
	[tilespmem:s30+$0xFFFFFF00] =	vst v12;
	v16 =	vld [tilespmem:s18+$0x10];
	v12 =	vmov s1  }
0x540: {  	v20 =	vor.u32 $0x100, v15;
	[tilespmem:s30+$0xFFFFFF40] =	vst v13;
	v15 =	vor.u32 $0x180, v15;
	v13 =	vmul.f32 v8, v14  }
0x541: {  	[tilespmem:s11+$0x30] =	vst v11;
	v12 =	vand.u32 $0x7D, v12;
	v21 =	vld [tilespmem:s18+$0xFFFFFF90];
	v14 =	vmul.f32 v6, v14  }
0x542: {  	v17 =	vld [tilespmem:s0+$0xFFFFFFB0];
	s1 =	simm.s32 $0xA;
	v11 =	vbroadcast v12, $0x0;
	v12 =	vmul.f32 v4, v19;
	[tilespmem:s30+$0x90] =	vst v13  }
0x543: {  	v25 =	vmul.f32 v9, v18;
	v23 =	vmov s1;
	v13 =	vmul.f32 v5, v19;
	[tilespmem:s30+$0xD0] =	vst v14  }
0x544: {  	v9 =	vand.u32 $0x7E, v23;
	v19 =	vor.u32 $0x100, v11;
	v14 =	vmul.f32 v3, v16;
	v22 =	vld [tilespmem:s18+$0x60];
	[tilespmem:s30+$0xFFFFFF90] =	vst v12  }
0x545: {  	v18 =	vbroadcast v9, $0x0;
	v24 =	vmul.f32 v2, v16;
	v9 =	vld.idx.msk [tilespmem:v15+s20+$0x0], $0xffff;
	[tilespmem:s30+$0xFFFFFFD0] =	vst v13  }
0x546: {  	v15 =	vor.u32 $0x180, v11;
	v13 =	vmul.f32 v0, v21;
	v16 =	vld [tilespmem:s18+$0xFFFFFFE0];
	[tilespmem:s30+$0x10] =	vst v14  }
0x547: {  	s1 =	simm.s32 $0xB;
	v12 =	vmul.f32 v7, v17;
	v7 =	vld.idx.msk [tilespmem:v20+s20+$0x0], $0xffff;
	v20 =	vmul.f32 v1, v21;
	[tilespmem:s30+$0x50] =	vst v24;
	v14 =	vor.u32 $0x100, v18  }
0x548: {  	v10 =	vmul.f32 v10, v17;
	v21 =	vmov s1;
	[tilespmem:s30+$0xFFFFFF10] =	vst v13;
	v17 =	vld [tilespmem:s18+$0x20]  }
0x549: {  	[tilespmem:s30+$0xFFFFFF50] =	vst v20;
	v13 =	vor.u32 $0x180, v18;
	v11 =	vld.idx.msk [tilespmem:v19+s20+$0x0], $0xffff;
	v19 =	vand.u32 $0x7F, v21;
	v20 =	vmul.f32 v8, v22  }
0x54a: {  	s31 =	simm.s32 $0xC;
	[tilespmem:s11+$0x70] =	vst v25;
	s0 =	simm.s32 $0x2980;
	v18 =	vld [tilespmem:s18+$0xFFFFFFA0];
	v19 =	vbroadcast v19, $0x0;
	v21 =	vmul.f32 v6, v22  }
.LBB2_26:
0x54b: {  	p2 =	slt.u32 s31, $0x7C;
	v15 =	vld.idx.msk [tilespmem:v15+s20+$0x0], $0xffff;
	v22 =	vmul.f32 v4, v16;
	v16 =	vmul.f32 v5, v16;
	[tilespmem:s30+$0xA0] =	vst v20  }
0x54c: {  	v14 =	vld.idx.msk [tilespmem:v14+s20+$0x0], $0xffff;
	v20 =	vor.u32 $0x100, v19;
	[tilespmem:s30+$0xE0] =	vst v21  }
0x54d: {  	v19 =	vor.u32 $0x180, v19;
	[tilespmem:s30+$0xFFFFFFA0] =	vst v22;
	v21 =	vmul.f32 v3, v17;
	v17 =	vmul.f32 v2, v17;
	v22 =	vld [tilespmem:s18+$0x70]  }
0x54e: {  	v13 =	vld.idx.msk [tilespmem:v13+s20+$0x0], $0xffff;
	[tilespmem:s30+$0xFFFFFFE0] =	vst v16  }
0x54f: {  	s18 =	sadd.s32 $0x100, s18;
	v16 =	vmul.f32 v0, v18;
	v18 =	vmul.f32 v1, v18;
	v23 =	vld [tilespmem:s0+$0xFFFFFFF0];
	[tilespmem:s30+$0x20] =	vst v21  }
0x550: {  	v21 =	vld [tilespmem:s18+$0x40];
	[tilespmem:s30+$0x60] =	vst v17  }
0x551: {  	v17 =	vld.idx.msk [tilespmem:v20+s20+$0x0], $0xffff;
	[tilespmem:s30+$0xFFFFFF20] =	vst v16  }
0x552: {  	[tilespmem:s30+$0xFFFFFF60] =	vst v18;
	v8 =	vmul.f32 v8, v22;
	v16 =	vmul.f32 v6, v22;
	v6 =	vld.idx.msk [tilespmem:v19+s20+$0x0], $0xffff  }
0x553: {  	v18 =	vld [tilespmem:s18+$0xFFFFFF80];
	[tilespmem:s11+$0xFFFFFF30] =	vst v12  }
0x554: {  	v12 =	vld [tilespmem:s18+$0xFFFFFFC0];
	v19 =	vmul.f32 v4, v23;
	v20 =	vmul.f32 v5, v23;
	[tilespmem:s30+$0xF0] =	vst v16;
	v5 =	vmovc v15;
	v4 =	vmov v11  }
0x555: {  	v11 =	vld [tilespmem:s18+$0x0];
	[tilespmem:s30+$0xB0] =	vst v8  }
0x556: {  	[tilespmem:s30+$0xFFFFFFB0] =	vst v19;
	v15 =	vld [tilespmem:s0+$0x30]  }
0x557: {  	v16 =	vmul.f32 v17, v21;
	v8 =	vmov v17;
	v19 =	vld [tilespmem:s0+$0xFFFFFFB0];
	[tilespmem:s30+$0xFFFFFFF0] =	vst v20;
	s0 =	smov.u32 s18  }
0x558: {  	v20 =	vmul.f32 v6, v21;
	v17 =	vmul.f32 v7, v18;
	[tilespmem:s11+$0xFFFFFF70] =	vst v10;
	s11 =	smov.u32 s30;
	s30 =	sadd.s32 $0x200, s30  }
0x559: {  	v10 =	vmul.f32 v4, v12;
	v12 =	vmul.f32 v5, v12;
	[tilespmem:s30+$0x80] =	vst v16  }
0x55a: {  	v16 =	vmul.f32 v14, v11;
	v11 =	vmul.f32 v13, v11;
	[tilespmem:s30+$0xC0] =	vst v20  }
0x55b: {  	v18 =	vmul.f32 v9, v18;
	[tilespmem:s30+$0xFFFFFF80] =	vst v10;
	v20 =	vld [tilespmem:s18+$0x50];
	v21 =	vmul.f32 v3, v15;
	v3 =	vmov v14  }
0x55c: {  	v10 =	vmov s31;
	v22 =	vmul.f32 v2, v15;
	v2 =	vmovc v13;
	[tilespmem:s30+$0xFFFFFFC0] =	vst v12;
	v12 =	vmul.f32 v0, v19;
	v0 =	vmovc v7  }
0x55d: {  	v7 =	vand.u32 $0x7C, v10;
	v10 =	vmul.f32 v1, v19;
	v1 =	vmov v9;
	v13 =	vld [tilespmem:s18+$0xFFFFFFD0];
	[tilespmem:s30+$0x0] =	vst v16  }
0x55e: {  	s1 =	sadd.s32 $0x1, s31;
	v7 =	vbroadcast v7, $0x0;
	[tilespmem:s30+$0x40] =	vst v11  }
0x55f: {  	v9 =	vmov s1;
	[tilespmem:s30+$0xFFFFFF00] =	vst v17;
	v11 =	vld [tilespmem:s18+$0x10]  }
0x560: {  	s1 =	sadd.s32 $0x2, s31;
	v9 =	vand.u32 $0x7D, v9;
	v14 =	vor.u32 $0x100, v7;
	[tilespmem:s30+$0xFFFFFF40] =	vst v18;
	v15 =	vmul.f32 v8, v20  }
0x561: {  	v16 =	vmov s1;
	v9 =	vbroadcast v9, $0x0;
	v18 =	vmul.f32 v6, v20;
	v17 =	vld [tilespmem:s18+$0xFFFFFF90];
	[tilespmem:s11+$0x30] =	vst v21  }
0x562: {  	v19 =	vor.u32 $0x180, v7;
	v7 =	vmul.f32 v4, v13;
	v13 =	vmul.f32 v5, v13;
	[tilespmem:s30+$0x90] =	vst v15  }
0x563: {  	v15 =	vand.u32 $0x7E, v16;
	[tilespmem:s30+$0xD0] =	vst v18  }
0x564: {  	v18 =	vor.u32 $0x100, v9;
	[tilespmem:s30+$0xFFFFFF90] =	vst v7;
	v20 =	vmul.f32 v3, v11;
	v11 =	vmul.f32 v2, v11;
	v21 =	vld [tilespmem:s18+$0x60]  }
0x565: {  	v23 =	vbroadcast v15, $0x0;
	v7 =	vld.idx.msk [tilespmem:v14+s20+$0x0], $0xffff;
	[tilespmem:s30+$0xFFFFFFD0] =	vst v13  }
.Ltmp15:
0x566: {  	v15 =	vor.u32 $0x180, v9;
	v13 =	vmul.f32 v0, v17;
	v24 =	vmul.f32 v1, v17;
	v16 =	vld [tilespmem:s18+$0xFFFFFFE0];
	[tilespmem:s30+$0x10] =	vst v20;
	(pc) =	sbr.rel @p2 .LBB2_26-.Ltmp15, $4  }
0x567: {  	s1 =	sadd.s32 $0x3, s31;
	v14 =	vor.u32 $0x100, v23;
	v9 =	vld.idx.msk [tilespmem:v19+s20+$0x0], $0xffff;
	[tilespmem:s30+$0x50] =	vst v11  }
0x568: {  	v19 =	vmov s1;
	[tilespmem:s30+$0xFFFFFF10] =	vst v13;
	v17 =	vld [tilespmem:s18+$0x20]  }
0x569: {  	v13 =	vor.u32 $0x180, v23;
	v11 =	vld.idx.msk [tilespmem:v18+s20+$0x0], $0xffff;
	v18 =	vand.u32 $0x7F, v19;
	[tilespmem:s30+$0xFFFFFF50] =	vst v24;
	v20 =	vmul.f32 v8, v21  }
0x56a: {  	s31 =	sadd.s32 $0x4, s31;
	v21 =	vmul.f32 v6, v21;
	v19 =	vbroadcast v18, $0x0;
	v18 =	vld [tilespmem:s18+$0xFFFFFFA0];
	[tilespmem:s11+$0x70] =	vst v22  }
0x56b: {  	[tilespmem:s30+$0xA0] =	vst v20  }
0x56c: {  	[tilespmem:s11+$0xFFFFFF30] =	vst v12  }
0x56d: {  	v22 =	vmul.f32 v4, v16;
	s1 =	sadd.s32 $0x100, s18;
	[tilespmem:s11+$0xFFFFFF70] =	vst v10  }
0x56e: {  	v53 =	vmul.f32 v5, v16;
	[tilespmem:s30+$0xE0] =	vst v21;
	v54 =	vor.u32 $0x100, v19;
	v57 =	vor.u32 $0x180, v19;
	v19 =	vld [tilespmem:s1+$0xFFFFFFC0]  }
0x56f: {  	v15 =	vld.idx.msk [tilespmem:v15+s20+$0x0], $0xffff;
	[tilespmem:s30+$0xFFFFFFA0] =	vst v22;
	v55 =	vmul.f32 v3, v17  }
0x570: {  	v26 =	vld [tilespmem:s1+$0xFFFFFF80];
	v58 =	vmul.f32 v2, v17;
	[tilespmem:s30+$0xFFFFFFE0] =	vst v53  }
0x571: {  	v56 =	vld [tilespmem:s18+$0x70];
	v59 =	vmul.f32 v0, v18;
	[tilespmem:s30+$0x20] =	vst v55  }
0x572: {  	v60 =	vmul.f32 v1, v18;
	[tilespmem:s30+$0x60] =	vst v58  }
0x573: {  	v23 =	vld [tilespmem:s0+$0xFFFFFFF0];
	[tilespmem:s30+$0xFFFFFF20] =	vst v59;
	v28 =	vmul.f32 v11, v19  }
0x574: {  	s31 =	sadd.s32 $0x200, s30;
	v61 =	vld [tilespmem:s1+$0x40];
	[tilespmem:s30+$0xFFFFFF60] =	vst v60;
	v12 =	vmul.f32 v15, v19  }
0x575: {  	v62 =	vld.idx.msk [tilespmem:v54+s20+$0x0], $0xffff;
	v32 =	vmul.f32 v7, v26;
	[tilespmem:s31+$0xFFFFFF80] =	vst v28  }
0x576: {  	v63 =	vld.idx.msk [tilespmem:v57+s20+$0x0], $0xffff;
	v6 =	vmul.f32 v6, v56;
	[tilespmem:s31+$0xFFFFFFC0] =	vst v12  }
0x577: {  	v21 =	vld.idx.msk [tilespmem:v14+s20+$0x0], $0xffff;
	v8 =	vmul.f32 v8, v56;
	[tilespmem:s31+$0xFFFFFF00] =	vst v32  }
0x578: {  	v29 =	vld [tilespmem:s0+$0x30];
	v20 =	vmul.f32 v4, v23;
	[tilespmem:s30+$0xF0] =	vst v6  }
0x579: {  	v22 =	vmul.f32 v5, v23;
	v23 =	vld [tilespmem:s1+$0x0];
	[tilespmem:s30+$0xB0] =	vst v8  }
0x57a: {  	v24 =	vld.idx.msk [tilespmem:v13+s20+$0x0], $0xffff;
	[tilespmem:s30+$0xFFFFFFB0] =	vst v20;
	v25 =	vmul.f32 v62, v61  }
0x57b: {  	[tilespmem:s30+$0xFFFFFFF0] =	vst v22;
	v27 =	vmul.f32 v63, v61  }
0x57c: {  	v5 =	vmul.f32 v9, v26;
	v33 =	vld [tilespmem:s1+$0xFFFFFFD0];
	[tilespmem:s31+$0x80] =	vst v25  }
0x57d: {  	v34 =	vmul.f32 v3, v29;
	[tilespmem:s31+$0xC0] =	vst v27  }
0x57e: {  	[tilespmem:s31+$0xFFFFFF40] =	vst v5;
	v30 =	vmul.f32 v21, v23;
	v31 =	vld [tilespmem:s1+$0x50]  }
0x57f: {  	[tilespmem:s30+$0x30] =	vst v34;
	v8 =	vmul.f32 v24, v23  }
0x580: {  	v42 =	vmul.f32 v2, v29;
	v12 =	vld [tilespmem:s1+$0xFFFFFF90];
	[tilespmem:s31+$0x0] =	vst v30  }
0x581: {  	v36 =	vmul.f32 v11, v33;
	[tilespmem:s31+$0x40] =	vst v8  }
0x582: {  	[tilespmem:s30+$0x70] =	vst v42;
	v37 =	vmul.f32 v15, v33;
	v8 =	vld [tilespmem:s1+$0x10]  }
0x583: {  	[tilespmem:s31+$0xFFFFFF90] =	vst v36;
	v35 =	vmul.f32 v62, v31  }
0x584: {  	v47 =	vld [tilespmem:s0+$0xFFFFFFB0];
	[tilespmem:s31+$0xFFFFFFD0] =	vst v37;
	v10 =	vmul.f32 v63, v31  }
0x585: {  	v39 =	vmul.f32 v7, v12;
	v40 =	vld [tilespmem:s1+$0xFFFFFFE0];
	[tilespmem:s31+$0x90] =	vst v35  }
0x586: {  	v41 =	vmul.f32 v9, v12;
	[tilespmem:s31+$0xD0] =	vst v10  }
0x587: {  	[tilespmem:s31+$0xFFFFFF10] =	vst v39;
	v38 =	vmul.f32 v21, v8;
	v10 =	vld [tilespmem:s1+$0x60]  }
0x588: {  	[tilespmem:s31+$0xFFFFFF50] =	vst v41;
	v8 =	vmul.f32 v24, v8  }
0x589: {  	v53 =	vmul.f32 v0, v47;
	v45 =	vld [tilespmem:s1+$0xFFFFFFA0];
	[tilespmem:s31+$0x10] =	vst v38  }
0x58a: {  	v46 =	vmul.f32 v11, v40;
	[tilespmem:s31+$0x50] =	vst v8  }
0x58b: {  	[tilespmem:s30+$0xFFFFFF30] =	vst v53;
	v48 =	vmul.f32 v15, v40;
	v43 =	vld [tilespmem:s1+$0x20]  }
0x58c: {  	[tilespmem:s31+$0xFFFFFFA0] =	vst v46;
	v44 =	vmul.f32 v62, v10  }
0x58d: {  	[tilespmem:s31+$0xFFFFFFE0] =	vst v48;
	v10 =	vmul.f32 v63, v10  }
0x58e: {  	v50 =	vmul.f32 v7, v45;
	v51 =	vld [tilespmem:s1+$0xFFFFFFF0];
	[tilespmem:s31+$0xA0] =	vst v44  }
0x58f: {  	v52 =	vmul.f32 v9, v45;
	[tilespmem:s31+$0xE0] =	vst v10  }
0x590: {  	[tilespmem:s31+$0xFFFFFF20] =	vst v50;
	v49 =	vmul.f32 v21, v43;
	v10 =	vld [tilespmem:s1+$0x70]  }
0x591: {  	[tilespmem:s31+$0xFFFFFF60] =	vst v52;
	v5 =	vmul.f32 v24, v43  }
0x592: {  	v59 =	vmul.f32 v1, v47;
	v57 =	vld [tilespmem:s1+$0xFFFFFFB0];
	[tilespmem:s31+$0x20] =	vst v49  }
0x593: {  	v56 =	vmul.f32 v11, v51;
	[tilespmem:s31+$0x60] =	vst v5  }
0x594: {  	[tilespmem:s30+$0xFFFFFF70] =	vst v59;
	v58 =	vmul.f32 v15, v51;
	v5 =	vld [tilespmem:s1+$0x30]  }
0x595: {  	[tilespmem:s31+$0xFFFFFFB0] =	vst v56;
	v54 =	vmul.f32 v63, v10  }
0x596: {  	[tilespmem:s31+$0xFFFFFFF0] =	vst v58;
	v55 =	vmul.f32 v62, v10  }
0x597: {  	v62 =	vmul.f32 v7, v57;
	[tilespmem:s31+$0xF0] =	vst v54  }
0x598: {  	v63 =	vmul.f32 v9, v57;
	[tilespmem:s31+$0xB0] =	vst v55  }
0x599: {  	v60 =	vmul.f32 v21, v5;
	[tilespmem:s31+$0xFFFFFF30] =	vst v62  }
0x59a: {  	v61 =	vmul.f32 v24, v5;
	[tilespmem:s31+$0xFFFFFF70] =	vst v63  }
0x59b: {  	[tilespmem:s31+$0x30] =	vst v60  }
.Ltmp16:
0x59c: {  	[tilespmem:s31+$0x70] =	vst v61;
	(pc) =	sbr.rel @p1 .LBB2_29-.Ltmp16, $4  }
0x59d: {  	[spmem:s2] =	stream.indirect.scatter.add.f32 [tilespmem:s25], [sflag:$0x6], $0x80, s28, s14, $0xb8;
	[tilespmem:$0x1C2F8] =	vst v63  }
0x59e: {  	_ =	swait.ge [sflag:s10], $0x4000  }
0x59f: {  	[sflag:s10] =	ssyncset.done $0x0  }
0x5a0: {  	[sflag:s10] =	ssyncadd.s32 $0xFFFFC000  }
0x5a1: {  	_ =	swait.ge [sflag:s13], $0x200  }
.Ltmp17:
0x5a2: {  	s0 =	sadd.s32 s29, s17;
	[sflag:s13] =	ssyncset.done $0x0;
	(pc) =	sbr.rel .LBB2_23-.Ltmp17, $4  }
0x5a3: {  	s0 =	sshrl.u32 s0, $0x3;
	[sflag:s13] =	ssyncadd.s32 $0xFFFFFE00  }
0x5a4: {  	[tilespmem:s19], [sflag:$0x3] =	stream.indirect.gather [hbm4b:s7+s14], $0x40, s4, s14, $0xb8;
	[tilespmem:$0x1C2F8] =	vst v63  }
0x5a5: {  	s15 =	sadd.s32 $0x1, s15;
	s0 =	sadd.s32 s9, s0  }
0x5a6: {  	[tilespmem:s20], [sflag:$0x2] =	stream.linear.gather [hbm4b:s0+s4], $0x200, $0x38;
	[tilespmem:$0x1C2F8] =	vst v63  }
.LBB2_30:
0x5a7: {  	_ =	sfence.sel $0x180000  }
0x5a8: {  	[bflag:$0x0] =	sbarrier.arrive $0xFFFF  }
0x5a9: {  	_ =	strace $0x90000047  }
0x5aa: {  	s0 =	stileid.u32;
	[bflag:$0x2] =	sbarrier.arrive $0xFFFF  }
0x5ab: {  	p0 =	sne.s32 s0, $0x0;
	s0 =	rddreg [dreg:$0x4]  }
0x5ac: {  	s0 =	sadd.s32 @!p0 $0x100000, s0  }
0x5ad: {  	[sflag:s0] =	ssyncadd.tile.s32 @!p0 $0x1;
	_ =	shalt  }
.Lfunc_end2:
_tile_overlayer_lowered:
.L_overlay_start_2:
0x5ae: {  	(tag) =	ssettag $0x2  }
0x5af: {  	s0 =	rddreg [dreg:$0x0];
	s2 =	stileid.u32  }
0x5b0: {  	s1 =	rddreg [dreg:$0x1];
	p0 =	sne.s32 s2, $0x0  }
0x5b1: {  	s3 =	rddreg [dreg:$0x2];
	[bflag:$0x3] =	sbarrier.arrive $0xFFFF;
	s2 =	simm.s32 @!p0 $0x1C06  }
0x5b2: {  	[timem:s3], [sflag:s2] =	dma.local @!p0 [hbm:s0], s1  }
0x5b3: {  	s0 =	simm.s32 @!p0 $0x6  }
0x5b4: {  	_ =	swait.ge @!p0 [sflag:s0], s1  }
0x5b5: {  	s1 =	ssub.s32 @!p0 $0x0, s1;
	[sflag:s0] =	ssyncset.done @!p0 $0x0  }
0x5b6: {  	[sflag:s0] =	ssyncadd.s32 @!p0 s1  }
0x5b7: {  	[bflag:$0x3] =	sbarrier.arrive $0xFFFF  }
0x5b8: {  	_ =	shalt  }

</sc_bundles>
